<compile_context>
chip_gen: v7x
topology: tpu7x:2x2x1
jax: 0.10.2.dev20260603
libtpu: 0.0.44.dev20260713+nightly
codegen_flags: <defaults>
</compile_context>

<pallas_src>
import jax
import jax.numpy as jnp
from jax import lax
from jax.experimental import pallas as pl
from jax.experimental.pallas import tpu as pltpu
from jax.experimental.pallas import tpu_sc as plsc

VOCAB = 1000000
EMBED = 32
BATCH = 4096
SEQ = 200

_NC, _NS = 2, 16
_NW = _NC * _NS
_TB = BATCH // 128
_JU = 4
_QU = _TB // _JU
_NUNIT = SEQ * _QU
_UPW = _NUNIT // _NW
_ROWS = _JU * 128
_NBUF = 3
_NOUTER = (_UPW + 2 + _NBUF - 1) // _NBUF
_PB = 129


def _sc_body(xt_hbm, tok_hbm, pos_hbm, out_hbm,
             idx_v, buf0, buf1, buf2, ob0, ob1, ob2, sem_g, sem_w, sem_i):
    bufs = (buf0, buf1, buf2)
    obufs = (ob0, ob1, ob2)
    wid = lax.axis_index("s") * _NC + lax.axis_index("c")
    g0 = wid * _UPW

    def idx_copy(g, b):
        u = g0 + g
        s = lax.div(u, _QU)
        q = lax.rem(u, _QU)
        return pltpu.make_async_copy(
            xt_hbm.at[s, pl.ds(q * _JU, _JU)], idx_v.at[b], sem_i.at[b])

    def tok_copy(b, j):
        return pltpu.make_async_copy(
            tok_hbm.at[idx_v.at[b, j]],
            bufs[b].at[pl.ds(j * 128, 128)], sem_g.at[b])

    def pos_copy(b, j):
        return pltpu.make_async_copy(
            pos_hbm.at[idx_v.at[b, j]],
            bufs[b].at[pl.ds(j * 128, 128)], sem_g.at[b])

    def out_copies(g, b):
        u = g0 + g
        s = lax.div(u, _QU)
        q = lax.rem(u, _QU)
        return [pltpu.make_async_copy(
                    obufs[b].at[pl.ds(te * (_JU * 8), _JU * 8), pl.ds(0, 128)],
                    out_hbm.at[s, te, pl.ds(q * (_JU * 8), _JU * 8)],
                    sem_w.at[b])
                for te in range(4)]

    def step(ci, _):
        lanes = lax.iota(jnp.int32, 16)
        rv0 = (lanes // 8) * (_JU * 8) + (lanes % 8)
        rv1 = rv0 + 2 * (_JU * 8)
        for k in range(_NBUF):
            g = ci * _NBUF + k
            b0 = k
            b1 = (k - 1) % _NBUF
            b2 = (k - 2) % _NBUF

            @pl.when(g == 0)
            def _prime():
                idx_copy(0, 0).start()

            @pl.when(g < _UPW)
            def _stage_a(g=g, b0=b0, b1=b1):
                @pl.when(g >= _NBUF)
                def _reclaim():
                    for cp in out_copies(g - _NBUF, b0):
                        cp.wait()
                idx_copy(g, b0).wait()
                for j in range(_JU):
                    tok_copy(b0, j).start()

            @pl.when(jnp.logical_and(g >= 1, g - 1 < _UPW))
            def _stage_b(b1=b1):
                for j in range(_JU):
                    tok_copy(b1, j).wait()
                    pltpu.async_copy(pos_hbm.at[idx_v.at[b1, j]],
                                     bufs[b1].at[pl.ds(j * 128, 128)],
                                     sem_g.at[b1], add=True)

            @pl.when(jnp.logical_and(g >= 2, g - 2 < _UPW))
            def _stage_c(g=g, b2=b2):
                for j in range(_JU):
                    pos_copy(b2, j).wait()

                @plsc.parallel_loop(0, _ROWS // 8, unroll=2)
                def xpose(it):
                    row0 = it * 8
                    j = lax.div(it, 16)
                    rj0 = rv0 + j * 8
                    rj1 = rv1 + j * 8
                    cvec0 = jnp.full((16,), row0 - j * 128, jnp.int32)
                    for r in range(8):
                        v0 = bufs[b2][row0 + r, pl.ds(0, 16)]
                        v1 = bufs[b2][row0 + r, pl.ds(16, 16)]
                        cvec = cvec0 + r
                        plsc.store_scatter(obufs[b2], [rj0, cvec], v0)
                        plsc.store_scatter(obufs[b2], [rj1, cvec], v1)
                for cp in out_copies(g - 2, b2):
                    cp.start()

            @pl.when(jnp.logical_and(g + 1 >= 1, g + 1 < _UPW))
            def _prefetch(g=g, b2=b2):
                idx_copy(g + 1, b2).start()

        return 0

    lax.fori_loop(0, _NOUTER, step, 0)
    for k in range(_NBUF):
        gg = _UPW - _NBUF + k
        for cp in out_copies(gg, gg % _NBUF):
            cp.wait()


@jax.jit
def kernel(x, token_table, pos_table):
    xt = x.T.reshape(SEQ, _TB, 128)
    mesh = plsc.VectorSubcoreMesh(core_axis_name="c", subcore_axis_name="s")
    P = pl.kernel(
        _sc_body,
        out_type=jax.ShapeDtypeStruct((SEQ, EMBED // 8, _TB * 8, 128),
                                      jnp.float32),
        mesh=mesh,
        scratch_types=[
            pltpu.VMEM((_NBUF, _JU, 128), jnp.int32),
            pltpu.VMEM((_ROWS, EMBED), jnp.float32),
            pltpu.VMEM((_ROWS, EMBED), jnp.float32),
            pltpu.VMEM((_ROWS, EMBED), jnp.float32),
            pltpu.VMEM((4 * _JU * 8, _PB), jnp.float32),
            pltpu.VMEM((4 * _JU * 8, _PB), jnp.float32),
            pltpu.VMEM((4 * _JU * 8, _PB), jnp.float32),
            pltpu.SemaphoreType.DMA((_NBUF,)),
            pltpu.SemaphoreType.DMA((_NBUF,)),
            pltpu.SemaphoreType.DMA((_NBUF,)),
        ],
        compiler_params=pltpu.CompilerParams(use_tc_tiling_on_sc=False,
                                             needs_layout_passes=False),
    )(xt, token_table, pos_table)
    return (P.reshape(SEQ, EMBED // 8, _TB, 8, 128)
             .transpose(2, 4, 0, 1, 3).reshape(BATCH, SEQ, EMBED))

# --- scband reference (transcript-rebuilt; emitter-appended) ---
"""Pipeline reference for scband-tbertembedding-11854109737496 (READ-ONLY COPY).

The authoritative reference and input builder live on the scoring server;
editing this copy changes nothing except your own understanding.
"""

import jax, jax.numpy as jnp
import numpy as np

VOCAB = 1000000
EMBED = 32
BATCH = 4096
SEQ = 200

def setup_inputs(seed: int = 0) -> dict:
    key = jax.random.key(seed)
    k1, k2, k3 = jax.random.split(key, 3)
    x = jax.random.randint(k1, (BATCH, SEQ), 0, VOCAB, dtype=jnp.int32)
    token_table = jax.random.normal(k2, (VOCAB, EMBED), dtype=jnp.float32) * 0.02
    token_table = token_table.at[0].set(0.0)  # padding_idx=0
    pos_table = jax.random.normal(k3, (VOCAB, EMBED), dtype=jnp.float32) * 0.02
    return {"x": x, "token_table": token_table, "pos_table": pos_table}

def reference(x, token_table, pos_table):
    # token_embed = self.token_embed(x)
    token_embed = jnp.take(token_table, x, axis=0)
    # pos_embed = self.encoding_layer(x)  (encoding_layer is an nn.Embedding)
    pos_embed = jnp.take(pos_table, x, axis=0)
    return token_embed + pos_embed

if __name__ == "__main__":
    import jax
    _d = setup_inputs()
    print(jax.jit(kernel)(*tuple(_d.values())))

</pallas_src>

<mosaic_0001>
#map = affine_map<(d0, d1) -> (0, 0, 0)>
#map1 = affine_map<(d0, d1) -> (0, 0)>
#map2 = affine_map<(d0, d1) -> (0, 0, 0, 0)>
module attributes {stable_mosaic.version = 14 : i64} {
  func.func @_sc_body(%arg0: i32, %arg1: i32, %arg2: memref<200x32x128xi32, #tpu.memory_space<hbm>>, %arg3: memref<1000000x32xf32, #tpu.memory_space<hbm>>, %arg4: memref<1000000x32xf32, #tpu.memory_space<hbm>>, %arg5: memref<200x4x256x128xf32, #tpu.memory_space<hbm>>, %arg6: memref<3x4x128xi32, #tpu.memory_space<vmem>>, %arg7: memref<512x32xf32, #tpu.memory_space<vmem>>, %arg8: memref<512x32xf32, #tpu.memory_space<vmem>>, %arg9: memref<512x32xf32, #tpu.memory_space<vmem>>, %arg10: memref<128x129xf32, #tpu.memory_space<vmem>>, %arg11: memref<128x129xf32, #tpu.memory_space<vmem>>, %arg12: memref<128x129xf32, #tpu.memory_space<vmem>>, %arg13: memref<3x!tpu.dma_semaphore, #tpu.memory_space<semaphore_mem>>, %arg14: memref<3x!tpu.dma_semaphore, #tpu.memory_space<semaphore_mem>>, %arg15: memref<3x!tpu.dma_semaphore, #tpu.memory_space<semaphore_mem>>) attributes {dimension_semantics = [#tpu.dimension_semantics<core_parallel>, #tpu.dimension_semantics<subcore_parallel>], iteration_bounds = array<i64: 2, 16>, scalar_prefetch = 0 : i64, scratch_operands = 10 : i64, tpu.core_type = #tpu.core_type<sc_vector_subcore>, window_params = [{transform_indices = #map}, {transform_indices = #map1}, {transform_indices = #map1}, {transform_indices = #map2}]} {
    %mul3A = arith.constant 2 : i32
    %mul3A_0 = arith.muli %arg1, %mul3A : i32
    %add3A = arith.addi %mul3A_0, %arg0 : i32
    %mul3A_1 = arith.constant 50 : i32
    %mul3A_2 = arith.muli %add3A, %mul3A_1 : i32
    %scan3A = arith.constant 0 : i32
    %scan3A_3 = arith.constant 0 : i32
    %scan3A_4 = arith.constant 18 : i32
    %scan3A_5 = arith.addi %scan3A_3, %scan3A_4 : i32
    %scan3A_6 = arith.constant 1 : i32
    %scan3A_7 = scf.for %scan3A_240 = %scan3A_3 to %scan3A_5 step %scan3A_6 iter_args(%scan3A_241 = %scan3A) -> (i32)  : i32 {
      %iota3A = tpu.iota {dimensions = array<i32: 0>} : vector<16xi32>
      %jit3A = arith.constant 8 : i32
      %div3A_242 = vector.broadcast %jit3A : i32 to vector<16xi32>
      %div3A_243 = arith.divsi %iota3A, %div3A_242 : vector<16xi32>
      %sign3A = arith.constant 0 : i32
      %sign3A_244 = vector.broadcast %sign3A : i32 to vector<16xi32>
      %sign3A_245 = arith.cmpi sgt, %iota3A, %sign3A_244 : vector<16xi32>
      %sign3A_246 = arith.extui %sign3A_245 : vector<16xi1> to vector<16xi32>
      %sign3A_247 = arith.constant 0 : i32
      %sign3A_248 = vector.broadcast %sign3A_247 : i32 to vector<16xi32>
      %sign3A_249 = arith.cmpi slt, %iota3A, %sign3A_248 : vector<16xi32>
      %sign3A_250 = arith.extui %sign3A_249 : vector<16xi1> to vector<16xi32>
      %sign3A_251 = arith.subi %sign3A_246, %sign3A_250 : vector<16xi32>
      %sign3A_252 = arith.constant 0 : i32
      %sign3A_253 = arith.cmpi sgt, %jit3A, %sign3A_252 : i32
      %sign3A_254 = arith.extui %sign3A_253 : i1 to i32
      %sign3A_255 = arith.constant 0 : i32
      %sign3A_256 = arith.cmpi slt, %jit3A, %sign3A_255 : i32
      %sign3A_257 = arith.extui %sign3A_256 : i1 to i32
      %sign3A_258 = arith.subi %sign3A_254, %sign3A_257 : i32
      %ne3A = vector.broadcast %sign3A_258 : i32 to vector<16xi32>
      %ne3A_259 = arith.cmpi ne, %sign3A_251, %ne3A : vector<16xi32>
      %rem3A_260 = vector.broadcast %jit3A : i32 to vector<16xi32>
      %rem3A_261 = arith.remsi %iota3A, %rem3A_260 : vector<16xi32>
      %ne3A_262 = arith.constant 0 : i32
      %ne3A_263 = vector.broadcast %ne3A_262 : i32 to vector<16xi32>
      %ne3A_264 = arith.cmpi ne, %rem3A_261, %ne3A_263 : vector<16xi32>
      %and3A = arith.andi %ne3A_259, %ne3A_264 : vector<16xi1>
      %sub3A = arith.constant 1 : i32
      %sub3A_265 = vector.broadcast %sub3A : i32 to vector<16xi32>
      %sub3A_266 = arith.subi %div3A_243, %sub3A_265 : vector<16xi32>
      %select_n3A = arith.select %and3A, %sub3A_266, %div3A_243 : vector<16xi1>, vector<16xi32>
      %mul3A_267 = arith.constant 32 : i32
      %mul3A_268 = vector.broadcast %mul3A_267 : i32 to vector<16xi32>
      %mul3A_269 = arith.muli %select_n3A, %mul3A_268 : vector<16xi32>
      %jit3A_270 = arith.constant 8 : i32
      %eq3A = arith.constant 0 : i32
      %eq3A_271 = arith.cmpi eq, %jit3A_270, %eq3A : i32
      %jit3A_272 = arith.constant 1 : i32
      %select_n3A_273 = arith.select %eq3A_271, %jit3A_272, %jit3A_270 : i32
      %rem3A_274 = vector.broadcast %select_n3A_273 : i32 to vector<16xi32>
      %rem3A_275 = arith.remsi %iota3A, %rem3A_274 : vector<16xi32>
      %ne3A_276 = arith.constant 0 : i32
      %ne3A_277 = vector.broadcast %ne3A_276 : i32 to vector<16xi32>
      %ne3A_278 = arith.cmpi ne, %rem3A_275, %ne3A_277 : vector<16xi32>
      %lt3A = arith.constant 0 : i32
      %lt3A_279 = vector.broadcast %lt3A : i32 to vector<16xi32>
      %lt3A_280 = arith.cmpi slt, %rem3A_275, %lt3A_279 : vector<16xi32>
      %lt3A_281 = arith.constant 0 : i32
      %lt3A_282 = arith.cmpi slt, %select_n3A_273, %lt3A_281 : i32
      %ne3A_283 = vector.broadcast %lt3A_282 : i1 to vector<16xi1>
      %ne3A_284 = vector.broadcast %ne3A_283 : vector<16xi1> to vector<16xi1>
      %ne3A_285 = arith.xori %lt3A_280, %ne3A_284 : vector<16xi1>
      %and3A_286 = arith.andi %ne3A_285, %ne3A_278 : vector<16xi1>
      %add3A_287 = vector.broadcast %select_n3A_273 : i32 to vector<16xi32>
      %add3A_288 = arith.addi %rem3A_275, %add3A_287 : vector<16xi32>
      %select_n3A_289 = arith.select %and3A_286, %add3A_288, %rem3A_275 : vector<16xi1>, vector<16xi32>
      %add3A_290 = arith.addi %mul3A_269, %select_n3A_289 : vector<16xi32>
      %add3A_291 = arith.constant 64 : i32
      %add3A_292 = vector.broadcast %add3A_291 : i32 to vector<16xi32>
      %add3A_293 = arith.addi %add3A_290, %add3A_292 : vector<16xi32>
      %mul3A_294 = arith.constant 3 : i32
      %mul3A_295 = arith.muli %scan3A_240, %mul3A_294 : i32
      %add3A_296 = arith.constant 0 : i32
      %add3A_297 = arith.addi %mul3A_295, %add3A_296 : i32
      %eq3A_298 = arith.constant 0 : i32
      %eq3A_299 = arith.cmpi eq, %add3A_297, %eq3A_298 : i32
      %convert_element_type3A = arith.extui %eq3A_299 : i1 to i32
      %cond3A = arith.constant 0 : i32
      %cond3A_300 = arith.cmpi ne, %convert_element_type3A, %cond3A : i32
      scf.if %cond3A_300 {
        %add3A_430 = arith.constant 0 : i32
        %add3A_431 = arith.addi %mul3A_2, %add3A_430 : i32
        %div3A_432 = arith.constant 8 : i32
        %div3A_433 = arith.divsi %add3A_431, %div3A_432 : i32
        %rem3A_434 = arith.constant 8 : i32
        %rem3A_435 = arith.remsi %add3A_431, %rem3A_434 : i32
        %mul3A_436 = arith.constant 4 : i32
        %mul3A_437 = arith.muli %rem3A_435, %mul3A_436 : i32
        %dma_start3A = arith.constant 0 : i32
        %dma_start3A_438 = arith.constant 0 : i32
        %dma_start3A_439 = arith.constant 0 : i32
        %dma_start3A_440 = arith.constant 0 : i32
        %dma_start3A_441 = tpu.memref_slice %arg6[%dma_start3A, %dma_start3A_439, %dma_start3A_440] : memref<3x4x128xi32, #tpu.memory_space<vmem>> -> memref<1x4x128xi32, #tpu.memory_space<vmem>>
        %dma_start3A_442 = tpu.memref_squeeze %dma_start3A_441 : memref<1x4x128xi32, #tpu.memory_space<vmem>> -> memref<4x128xi32, #tpu.memory_space<vmem>>
        %dma_start3A_443 = arith.constant 0 : i32
        %dma_start3A_444 = tpu.memref_slice %arg2[%div3A_433, %mul3A_437, %dma_start3A_443] : memref<200x32x128xi32, #tpu.memory_space<hbm>> -> memref<1x4x128xi32, #tpu.memory_space<hbm>>
        %dma_start3A_445 = tpu.memref_squeeze %dma_start3A_444 : memref<1x4x128xi32, #tpu.memory_space<hbm>> -> memref<4x128xi32, #tpu.memory_space<hbm>>
        %dma_start3A_446 = tpu.memref_slice %arg15[%dma_start3A_438] : memref<3x!tpu.dma_semaphore, #tpu.memory_space<semaphore_mem>> -> memref<1x!tpu.dma_semaphore, #tpu.memory_space<semaphore_mem>>
        %dma_start3A_447 = tpu.memref_squeeze %dma_start3A_446 : memref<1x!tpu.dma_semaphore, #tpu.memory_space<semaphore_mem>> -> memref<!tpu.dma_semaphore, #tpu.memory_space<semaphore_mem>>
        %dma_start3A_448 = arith.constant 0 : i32
        %dma_start3A_449 = arith.constant 0 : i32
        %dma_start3A_450 = tpu.memref_slice %arg6[%dma_start3A, %dma_start3A_448, %dma_start3A_449] : memref<3x4x128xi32, #tpu.memory_space<vmem>> -> memref<1x4x128xi32, #tpu.memory_space<vmem>>
        %dma_start3A_451 = tpu.memref_squeeze %dma_start3A_450 : memref<1x4x128xi32, #tpu.memory_space<vmem>> -> memref<4x128xi32, #tpu.memory_space<vmem>>
        %dma_start3A_452 = arith.constant 0 : i32
        %dma_start3A_453 = tpu.memref_slice %arg2[%div3A_433, %mul3A_437, %dma_start3A_452] : memref<200x32x128xi32, #tpu.memory_space<hbm>> -> memref<1x4x128xi32, #tpu.memory_space<hbm>>
        %dma_start3A_454 = tpu.memref_squeeze %dma_start3A_453 : memref<1x4x128xi32, #tpu.memory_space<hbm>> -> memref<4x128xi32, #tpu.memory_space<hbm>>
        tpu.enqueue_dma source(%dma_start3A_454 : memref<4x128xi32, #tpu.memory_space<hbm>>) target(%dma_start3A_451 : memref<4x128xi32, #tpu.memory_space<vmem>>) target_semaphore(%dma_start3A_447 : memref<!tpu.dma_semaphore, #tpu.memory_space<semaphore_mem>>)
      } else {
      }
      %lt3A_301 = arith.constant 50 : i32
      %lt3A_302 = arith.cmpi slt, %add3A_297, %lt3A_301 : i32
      %convert_element_type3A_303 = arith.extui %lt3A_302 : i1 to i32
      %cond3A_304 = arith.constant 0 : i32
      %cond3A_305 = arith.cmpi ne, %convert_element_type3A_303, %cond3A_304 : i32
      scf.if %cond3A_305 {
        %ge3A_430 = arith.constant 3 : i32
        %ge3A_431 = arith.cmpi sge, %add3A_297, %ge3A_430 : i32
        %convert_element_type3A_432 = arith.extui %ge3A_431 : i1 to i32
        %cond3A_433 = arith.constant 0 : i32
        %cond3A_434 = arith.cmpi ne, %convert_element_type3A_432, %cond3A_433 : i32
        scf.if %cond3A_434 {
          %sub3A_515 = arith.constant 3 : i32
          %sub3A_516 = arith.subi %add3A_297, %sub3A_515 : i32
          %add3A_517 = arith.addi %mul3A_2, %sub3A_516 : i32
          %div3A_518 = arith.constant 8 : i32
          %div3A_519 = arith.divsi %add3A_517, %div3A_518 : i32
          %rem3A_520 = arith.constant 8 : i32
          %rem3A_521 = arith.remsi %add3A_517, %rem3A_520 : i32
          %mul3A_522 = arith.constant 32 : i32
          %mul3A_523 = arith.muli %rem3A_521, %mul3A_522 : i32
          %mul3A_524 = arith.constant 32 : i32
          %mul3A_525 = arith.muli %rem3A_521, %mul3A_524 : i32
          %mul3A_526 = arith.constant 32 : i32
          %mul3A_527 = arith.muli %rem3A_521, %mul3A_526 : i32
          %mul3A_528 = arith.constant 32 : i32
          %mul3A_529 = arith.muli %rem3A_521, %mul3A_528 : i32
          %dma_wait3A_530 = arith.constant 0 : i32
          %dma_wait3A_531 = arith.constant 0 : i32
          %dma_wait3A_532 = arith.constant 0 : i32
          %dma_wait3A_533 = arith.constant 0 : i32
          %dma_wait3A_534 = tpu.memref_slice %arg10[%dma_wait3A_532, %dma_wait3A_533] : memref<128x129xf32, #tpu.memory_space<vmem>> -> memref<32x128xf32, #tpu.memory_space<vmem>>
          %dma_wait3A_535 = arith.constant 0 : i32
          %dma_wait3A_536 = tpu.memref_slice %arg5[%div3A_519, %dma_wait3A_530, %mul3A_523, %dma_wait3A_535] : memref<200x4x256x128xf32, #tpu.memory_space<hbm>> -> memref<1x1x32x128xf32, #tpu.memory_space<hbm>>
          %dma_wait3A_537 = tpu.memref_squeeze %dma_wait3A_536 : memref<1x1x32x128xf32, #tpu.memory_space<hbm>> -> memref<32x128xf32, #tpu.memory_space<hbm>>
          %dma_wait3A_538 = tpu.memref_slice %arg14[%dma_wait3A_531] : memref<3x!tpu.dma_semaphore, #tpu.memory_space<semaphore_mem>> -> memref<1x!tpu.dma_semaphore, #tpu.memory_space<semaphore_mem>>
          %dma_wait3A_539 = tpu.memref_squeeze %dma_wait3A_538 : memref<1x!tpu.dma_semaphore, #tpu.memory_space<semaphore_mem>> -> memref<!tpu.dma_semaphore, #tpu.memory_space<semaphore_mem>>
          %dma_wait3A_540 = arith.constant 0 : i32
          %dma_wait3A_541 = tpu.memref_slice %arg5[%div3A_519, %dma_wait3A_530, %mul3A_523, %dma_wait3A_540] : memref<200x4x256x128xf32, #tpu.memory_space<hbm>> -> memref<1x1x32x128xf32, #tpu.memory_space<hbm>>
          %dma_wait3A_542 = tpu.memref_squeeze %dma_wait3A_541 : memref<1x1x32x128xf32, #tpu.memory_space<hbm>> -> memref<32x128xf32, #tpu.memory_space<hbm>>
          %dma_wait3A_543 = arith.constant 0 : i32
          %dma_wait3A_544 = arith.constant 0 : i32
          %dma_wait3A_545 = tpu.memref_slice %arg10[%dma_wait3A_543, %dma_wait3A_544] : memref<128x129xf32, #tpu.memory_space<vmem>> -> memref<32x128xf32, #tpu.memory_space<vmem>>
          tpu.wait_dma2 semaphore(%dma_wait3A_539 : memref<!tpu.dma_semaphore, #tpu.memory_space<semaphore_mem>>) src(%dma_wait3A_545 : memref<32x128xf32, #tpu.memory_space<vmem>>) dst(%dma_wait3A_542 : memref<32x128xf32, #tpu.memory_space<hbm>>)
          %dma_wait3A_546 = arith.constant 1 : i32
          %dma_wait3A_547 = arith.constant 0 : i32
          %dma_wait3A_548 = arith.constant 32 : i32
          %dma_wait3A_549 = arith.constant 0 : i32
          %dma_wait3A_550 = tpu.memref_slice %arg10[%dma_wait3A_548, %dma_wait3A_549] : memref<128x129xf32, #tpu.memory_space<vmem>> -> memref<32x128xf32, #tpu.memory_space<vmem>>
          %dma_wait3A_551 = arith.constant 0 : i32
          %dma_wait3A_552 = tpu.memref_slice %arg5[%div3A_519, %dma_wait3A_546, %mul3A_525, %dma_wait3A_551] : memref<200x4x256x128xf32, #tpu.memory_space<hbm>> -> memref<1x1x32x128xf32, #tpu.memory_space<hbm>>
          %dma_wait3A_553 = tpu.memref_squeeze %dma_wait3A_552 : memref<1x1x32x128xf32, #tpu.memory_space<hbm>> -> memref<32x128xf32, #tpu.memory_space<hbm>>
          %dma_wait3A_554 = tpu.memref_slice %arg14[%dma_wait3A_547] : memref<3x!tpu.dma_semaphore, #tpu.memory_space<semaphore_mem>> -> memref<1x!tpu.dma_semaphore, #tpu.memory_space<semaphore_mem>>
          %dma_wait3A_555 = tpu.memref_squeeze %dma_wait3A_554 : memref<1x!tpu.dma_semaphore, #tpu.memory_space<semaphore_mem>> -> memref<!tpu.dma_semaphore, #tpu.memory_space<semaphore_mem>>
          %dma_wait3A_556 = arith.constant 0 : i32
          %dma_wait3A_557 = tpu.memref_slice %arg5[%div3A_519, %dma_wait3A_546, %mul3A_525, %dma_wait3A_556] : memref<200x4x256x128xf32, #tpu.memory_space<hbm>> -> memref<1x1x32x128xf32, #tpu.memory_space<hbm>>
          %dma_wait3A_558 = tpu.memref_squeeze %dma_wait3A_557 : memref<1x1x32x128xf32, #tpu.memory_space<hbm>> -> memref<32x128xf32, #tpu.memory_space<hbm>>
          %dma_wait3A_559 = arith.constant 32 : i32
          %dma_wait3A_560 = arith.constant 0 : i32
          %dma_wait3A_561 = tpu.memref_slice %arg10[%dma_wait3A_559, %dma_wait3A_560] : memref<128x129xf32, #tpu.memory_space<vmem>> -> memref<32x128xf32, #tpu.memory_space<vmem>>
          tpu.wait_dma2 semaphore(%dma_wait3A_555 : memref<!tpu.dma_semaphore, #tpu.memory_space<semaphore_mem>>) src(%dma_wait3A_561 : memref<32x128xf32, #tpu.memory_space<vmem>>) dst(%dma_wait3A_558 : memref<32x128xf32, #tpu.memory_space<hbm>>)
          %dma_wait3A_562 = arith.constant 2 : i32
          %dma_wait3A_563 = arith.constant 0 : i32
          %dma_wait3A_564 = arith.constant 64 : i32
          %dma_wait3A_565 = arith.constant 0 : i32
          %dma_wait3A_566 = tpu.memref_slice %arg10[%dma_wait3A_564, %dma_wait3A_565] : memref<128x129xf32, #tpu.memory_space<vmem>> -> memref<32x128xf32, #tpu.memory_space<vmem>>
          %dma_wait3A_567 = arith.constant 0 : i32
          %dma_wait3A_568 = tpu.memref_slice %arg5[%div3A_519, %dma_wait3A_562, %mul3A_527, %dma_wait3A_567] : memref<200x4x256x128xf32, #tpu.memory_space<hbm>> -> memref<1x1x32x128xf32, #tpu.memory_space<hbm>>
          %dma_wait3A_569 = tpu.memref_squeeze %dma_wait3A_568 : memref<1x1x32x128xf32, #tpu.memory_space<hbm>> -> memref<32x128xf32, #tpu.memory_space<hbm>>
          %dma_wait3A_570 = tpu.memref_slice %arg14[%dma_wait3A_563] : memref<3x!tpu.dma_semaphore, #tpu.memory_space<semaphore_mem>> -> memref<1x!tpu.dma_semaphore, #tpu.memory_space<semaphore_mem>>
          %dma_wait3A_571 = tpu.memref_squeeze %dma_wait3A_570 : memref<1x!tpu.dma_semaphore, #tpu.memory_space<semaphore_mem>> -> memref<!tpu.dma_semaphore, #tpu.memory_space<semaphore_mem>>
          %dma_wait3A_572 = arith.constant 0 : i32
          %dma_wait3A_573 = tpu.memref_slice %arg5[%div3A_519, %dma_wait3A_562, %mul3A_527, %dma_wait3A_572] : memref<200x4x256x128xf32, #tpu.memory_space<hbm>> -> memref<1x1x32x128xf32, #tpu.memory_space<hbm>>
          %dma_wait3A_574 = tpu.memref_squeeze %dma_wait3A_573 : memref<1x1x32x128xf32, #tpu.memory_space<hbm>> -> memref<32x128xf32, #tpu.memory_space<hbm>>
          %dma_wait3A_575 = arith.constant 64 : i32
          %dma_wait3A_576 = arith.constant 0 : i32
          %dma_wait3A_577 = tpu.memref_slice %arg10[%dma_wait3A_575, %dma_wait3A_576] : memref<128x129xf32, #tpu.memory_space<vmem>> -> memref<32x128xf32, #tpu.memory_space<vmem>>
          tpu.wait_dma2 semaphore(%dma_wait3A_571 : memref<!tpu.dma_semaphore, #tpu.memory_space<semaphore_mem>>) src(%dma_wait3A_577 : memref<32x128xf32, #tpu.memory_space<vmem>>) dst(%dma_wait3A_574 : memref<32x128xf32, #tpu.memory_space<hbm>>)
          %dma_wait3A_578 = arith.constant 3 : i32
          %dma_wait3A_579 = arith.constant 0 : i32
          %dma_wait3A_580 = arith.constant 96 : i32
          %dma_wait3A_581 = arith.constant 0 : i32
          %dma_wait3A_582 = tpu.memref_slice %arg10[%dma_wait3A_580, %dma_wait3A_581] : memref<128x129xf32, #tpu.memory_space<vmem>> -> memref<32x128xf32, #tpu.memory_space<vmem>>
          %dma_wait3A_583 = arith.constant 0 : i32
          %dma_wait3A_584 = tpu.memref_slice %arg5[%div3A_519, %dma_wait3A_578, %mul3A_529, %dma_wait3A_583] : memref<200x4x256x128xf32, #tpu.memory_space<hbm>> -> memref<1x1x32x128xf32, #tpu.memory_space<hbm>>
          %dma_wait3A_585 = tpu.memref_squeeze %dma_wait3A_584 : memref<1x1x32x128xf32, #tpu.memory_space<hbm>> -> memref<32x128xf32, #tpu.memory_space<hbm>>
          %dma_wait3A_586 = tpu.memref_slice %arg14[%dma_wait3A_579] : memref<3x!tpu.dma_semaphore, #tpu.memory_space<semaphore_mem>> -> memref<1x!tpu.dma_semaphore, #tpu.memory_space<semaphore_mem>>
          %dma_wait3A_587 = tpu.memref_squeeze %dma_wait3A_586 : memref<1x!tpu.dma_semaphore, #tpu.memory_space<semaphore_mem>> -> memref<!tpu.dma_semaphore, #tpu.memory_space<semaphore_mem>>
          %dma_wait3A_588 = arith.constant 0 : i32
          %dma_wait3A_589 = tpu.memref_slice %arg5[%div3A_519, %dma_wait3A_578, %mul3A_529, %dma_wait3A_588] : memref<200x4x256x128xf32, #tpu.memory_space<hbm>> -> memref<1x1x32x128xf32, #tpu.memory_space<hbm>>
          %dma_wait3A_590 = tpu.memref_squeeze %dma_wait3A_589 : memref<1x1x32x128xf32, #tpu.memory_space<hbm>> -> memref<32x128xf32, #tpu.memory_space<hbm>>
          %dma_wait3A_591 = arith.constant 96 : i32
          %dma_wait3A_592 = arith.constant 0 : i32
          %dma_wait3A_593 = tpu.memref_slice %arg10[%dma_wait3A_591, %dma_wait3A_592] : memref<128x129xf32, #tpu.memory_space<vmem>> -> memref<32x128xf32, #tpu.memory_space<vmem>>
          tpu.wait_dma2 semaphore(%dma_wait3A_587 : memref<!tpu.dma_semaphore, #tpu.memory_space<semaphore_mem>>) src(%dma_wait3A_593 : memref<32x128xf32, #tpu.memory_space<vmem>>) dst(%dma_wait3A_590 : memref<32x128xf32, #tpu.memory_space<hbm>>)
        } else {
        }
        %add3A_435 = arith.addi %mul3A_2, %add3A_297 : i32
        %div3A_436 = arith.constant 8 : i32
        %div3A_437 = arith.divsi %add3A_435, %div3A_436 : i32
        %rem3A_438 = arith.constant 8 : i32
        %rem3A_439 = arith.remsi %add3A_435, %rem3A_438 : i32
        %mul3A_440 = arith.constant 4 : i32
        %mul3A_441 = arith.muli %rem3A_439, %mul3A_440 : i32
        %dma_wait3A_442 = arith.constant 0 : i32
        %dma_wait3A_443 = arith.constant 0 : i32
        %dma_wait3A_444 = arith.constant 0 : i32
        %dma_wait3A_445 = arith.constant 0 : i32
        %dma_wait3A_446 = tpu.memref_slice %arg6[%dma_wait3A_442, %dma_wait3A_444, %dma_wait3A_445] : memref<3x4x128xi32, #tpu.memory_space<vmem>> -> memref<1x4x128xi32, #tpu.memory_space<vmem>>
        %dma_wait3A_447 = tpu.memref_squeeze %dma_wait3A_446 : memref<1x4x128xi32, #tpu.memory_space<vmem>> -> memref<4x128xi32, #tpu.memory_space<vmem>>
        %dma_wait3A_448 = arith.constant 0 : i32
        %dma_wait3A_449 = tpu.memref_slice %arg2[%div3A_437, %mul3A_441, %dma_wait3A_448] : memref<200x32x128xi32, #tpu.memory_space<hbm>> -> memref<1x4x128xi32, #tpu.memory_space<hbm>>
        %dma_wait3A_450 = tpu.memref_squeeze %dma_wait3A_449 : memref<1x4x128xi32, #tpu.memory_space<hbm>> -> memref<4x128xi32, #tpu.memory_space<hbm>>
        %dma_wait3A_451 = tpu.memref_slice %arg15[%dma_wait3A_443] : memref<3x!tpu.dma_semaphore, #tpu.memory_space<semaphore_mem>> -> memref<1x!tpu.dma_semaphore, #tpu.memory_space<semaphore_mem>>
        %dma_wait3A_452 = tpu.memref_squeeze %dma_wait3A_451 : memref<1x!tpu.dma_semaphore, #tpu.memory_space<semaphore_mem>> -> memref<!tpu.dma_semaphore, #tpu.memory_space<semaphore_mem>>
        %dma_wait3A_453 = arith.constant 0 : i32
        %dma_wait3A_454 = arith.constant 0 : i32
        %dma_wait3A_455 = tpu.memref_slice %arg6[%dma_wait3A_442, %dma_wait3A_453, %dma_wait3A_454] : memref<3x4x128xi32, #tpu.memory_space<vmem>> -> memref<1x4x128xi32, #tpu.memory_space<vmem>>
        %dma_wait3A_456 = tpu.memref_squeeze %dma_wait3A_455 : memref<1x4x128xi32, #tpu.memory_space<vmem>> -> memref<4x128xi32, #tpu.memory_space<vmem>>
        %dma_wait3A_457 = arith.constant 0 : i32
        %dma_wait3A_458 = tpu.memref_slice %arg2[%div3A_437, %mul3A_441, %dma_wait3A_457] : memref<200x32x128xi32, #tpu.memory_space<hbm>> -> memref<1x4x128xi32, #tpu.memory_space<hbm>>
        %dma_wait3A_459 = tpu.memref_squeeze %dma_wait3A_458 : memref<1x4x128xi32, #tpu.memory_space<hbm>> -> memref<4x128xi32, #tpu.memory_space<hbm>>
        tpu.wait_dma2 semaphore(%dma_wait3A_452 : memref<!tpu.dma_semaphore, #tpu.memory_space<semaphore_mem>>) src(%dma_wait3A_459 : memref<4x128xi32, #tpu.memory_space<hbm>>) dst(%dma_wait3A_456 : memref<4x128xi32, #tpu.memory_space<vmem>>)
        %dma_start3A = arith.constant 0 : i32
        %dma_start3A_460 = arith.constant 0 : i32
        %dma_start3A_461 = arith.constant 0 : i32
        %dma_start3A_462 = arith.constant 0 : i32
        %dma_start3A_463 = arith.constant 0 : i32
        %dma_start3A_464 = tpu.memref_slice %arg7[%dma_start3A_462, %dma_start3A_463] : memref<512x32xf32, #tpu.memory_space<vmem>> -> memref<128x32xf32, #tpu.memory_space<vmem>>
        %dma_start3A_465 = arith.constant 0 : i32
        %dma_start3A_466 = tpu.memref_slice %arg6[%dma_start3A, %dma_start3A_460, %dma_start3A_465] : memref<3x4x128xi32, #tpu.memory_space<vmem>> -> memref<1x1x128xi32, #tpu.memory_space<vmem>>
        %dma_start3A_467 = tpu.memref_squeeze %dma_start3A_466 : memref<1x1x128xi32, #tpu.memory_space<vmem>> -> memref<128xi32, #tpu.memory_space<vmem>>
        %dma_start3A_468 = arith.constant 0 : i32
        %dma_start3A_469 = arith.constant 0 : i32
        %dma_start3A_470 = tpu.memref_slice %arg3[%dma_start3A_468, %dma_start3A_469] : memref<1000000x32xf32, #tpu.memory_space<hbm>> -> memref<1000000x32xf32, #tpu.memory_space<hbm>>
        %dma_start3A_471 = tpu.memref_slice %arg13[%dma_start3A_461] : memref<3x!tpu.dma_semaphore, #tpu.memory_space<semaphore_mem>> -> memref<1x!tpu.dma_semaphore, #tpu.memory_space<semaphore_mem>>
        %dma_start3A_472 = tpu.memref_squeeze %dma_start3A_471 : memref<1x!tpu.dma_semaphore, #tpu.memory_space<semaphore_mem>> -> memref<!tpu.dma_semaphore, #tpu.memory_space<semaphore_mem>>
        tpu.enqueue_indirect_dma source(%dma_start3A_470 : memref<1000000x32xf32, #tpu.memory_space<hbm>>) target(%dma_start3A_464 : memref<128x32xf32, #tpu.memory_space<vmem>>) offsets(%dma_start3A_467 : memref<128xi32, #tpu.memory_space<vmem>>) semaphore(%dma_start3A_472 : memref<!tpu.dma_semaphore, #tpu.memory_space<semaphore_mem>>)
        %dma_start3A_473 = arith.constant 0 : i32
        %dma_start3A_474 = arith.constant 1 : i32
        %dma_start3A_475 = arith.constant 0 : i32
        %dma_start3A_476 = arith.constant 128 : i32
        %dma_start3A_477 = arith.constant 0 : i32
        %dma_start3A_478 = tpu.memref_slice %arg7[%dma_start3A_476, %dma_start3A_477] : memref<512x32xf32, #tpu.memory_space<vmem>> -> memref<128x32xf32, #tpu.memory_space<vmem>>
        %dma_start3A_479 = arith.constant 0 : i32
        %dma_start3A_480 = tpu.memref_slice %arg6[%dma_start3A_473, %dma_start3A_474, %dma_start3A_479] : memref<3x4x128xi32, #tpu.memory_space<vmem>> -> memref<1x1x128xi32, #tpu.memory_space<vmem>>
        %dma_start3A_481 = tpu.memref_squeeze %dma_start3A_480 : memref<1x1x128xi32, #tpu.memory_space<vmem>> -> memref<128xi32, #tpu.memory_space<vmem>>
        %dma_start3A_482 = arith.constant 0 : i32
        %dma_start3A_483 = arith.constant 0 : i32
        %dma_start3A_484 = tpu.memref_slice %arg3[%dma_start3A_482, %dma_start3A_483] : memref<1000000x32xf32, #tpu.memory_space<hbm>> -> memref<1000000x32xf32, #tpu.memory_space<hbm>>
        %dma_start3A_485 = tpu.memref_slice %arg13[%dma_start3A_475] : memref<3x!tpu.dma_semaphore, #tpu.memory_space<semaphore_mem>> -> memref<1x!tpu.dma_semaphore, #tpu.memory_space<semaphore_mem>>
        %dma_start3A_486 = tpu.memref_squeeze %dma_start3A_485 : memref<1x!tpu.dma_semaphore, #tpu.memory_space<semaphore_mem>> -> memref<!tpu.dma_semaphore, #tpu.memory_space<semaphore_mem>>
        tpu.enqueue_indirect_dma source(%dma_start3A_484 : memref<1000000x32xf32, #tpu.memory_space<hbm>>) target(%dma_start3A_478 : memref<128x32xf32, #tpu.memory_space<vmem>>) offsets(%dma_start3A_481 : memref<128xi32, #tpu.memory_space<vmem>>) semaphore(%dma_start3A_486 : memref<!tpu.dma_semaphore, #tpu.memory_space<semaphore_mem>>)
        %dma_start3A_487 = arith.constant 0 : i32
        %dma_start3A_488 = arith.constant 2 : i32
        %dma_start3A_489 = arith.constant 0 : i32
        %dma_start3A_490 = arith.constant 256 : i32
        %dma_start3A_491 = arith.constant 0 : i32
        %dma_start3A_492 = tpu.memref_slice %arg7[%dma_start3A_490, %dma_start3A_491] : memref<512x32xf32, #tpu.memory_space<vmem>> -> memref<128x32xf32, #tpu.memory_space<vmem>>
        %dma_start3A_493 = arith.constant 0 : i32
        %dma_start3A_494 = tpu.memref_slice %arg6[%dma_start3A_487, %dma_start3A_488, %dma_start3A_493] : memref<3x4x128xi32, #tpu.memory_space<vmem>> -> memref<1x1x128xi32, #tpu.memory_space<vmem>>
        %dma_start3A_495 = tpu.memref_squeeze %dma_start3A_494 : memref<1x1x128xi32, #tpu.memory_space<vmem>> -> memref<128xi32, #tpu.memory_space<vmem>>
        %dma_start3A_496 = arith.constant 0 : i32
        %dma_start3A_497 = arith.constant 0 : i32
        %dma_start3A_498 = tpu.memref_slice %arg3[%dma_start3A_496, %dma_start3A_497] : memref<1000000x32xf32, #tpu.memory_space<hbm>> -> memref<1000000x32xf32, #tpu.memory_space<hbm>>
        %dma_start3A_499 = tpu.memref_slice %arg13[%dma_start3A_489] : memref<3x!tpu.dma_semaphore, #tpu.memory_space<semaphore_mem>> -> memref<1x!tpu.dma_semaphore, #tpu.memory_space<semaphore_mem>>
        %dma_start3A_500 = tpu.memref_squeeze %dma_start3A_499 : memref<1x!tpu.dma_semaphore, #tpu.memory_space<semaphore_mem>> -> memref<!tpu.dma_semaphore, #tpu.memory_space<semaphore_mem>>
        tpu.enqueue_indirect_dma source(%dma_start3A_498 : memref<1000000x32xf32, #tpu.memory_space<hbm>>) target(%dma_start3A_492 : memref<128x32xf32, #tpu.memory_space<vmem>>) offsets(%dma_start3A_495 : memref<128xi32, #tpu.memory_space<vmem>>) semaphore(%dma_start3A_500 : memref<!tpu.dma_semaphore, #tpu.memory_space<semaphore_mem>>)
        %dma_start3A_501 = arith.constant 0 : i32
        %dma_start3A_502 = arith.constant 3 : i32
        %dma_start3A_503 = arith.constant 0 : i32
        %dma_start3A_504 = arith.constant 384 : i32
        %dma_start3A_505 = arith.constant 0 : i32
        %dma_start3A_506 = tpu.memref_slice %arg7[%dma_start3A_504, %dma_start3A_505] : memref<512x32xf32, #tpu.memory_space<vmem>> -> memref<128x32xf32, #tpu.memory_space<vmem>>
        %dma_start3A_507 = arith.constant 0 : i32
        %dma_start3A_508 = tpu.memref_slice %arg6[%dma_start3A_501, %dma_start3A_502, %dma_start3A_507] : memref<3x4x128xi32, #tpu.memory_space<vmem>> -> memref<1x1x128xi32, #tpu.memory_space<vmem>>
        %dma_start3A_509 = tpu.memref_squeeze %dma_start3A_508 : memref<1x1x128xi32, #tpu.memory_space<vmem>> -> memref<128xi32, #tpu.memory_space<vmem>>
        %dma_start3A_510 = arith.constant 0 : i32
        %dma_start3A_511 = arith.constant 0 : i32
        %dma_start3A_512 = tpu.memref_slice %arg3[%dma_start3A_510, %dma_start3A_511] : memref<1000000x32xf32, #tpu.memory_space<hbm>> -> memref<1000000x32xf32, #tpu.memory_space<hbm>>
        %dma_start3A_513 = tpu.memref_slice %arg13[%dma_start3A_503] : memref<3x!tpu.dma_semaphore, #tpu.memory_space<semaphore_mem>> -> memref<1x!tpu.dma_semaphore, #tpu.memory_space<semaphore_mem>>
        %dma_start3A_514 = tpu.memref_squeeze %dma_start3A_513 : memref<1x!tpu.dma_semaphore, #tpu.memory_space<semaphore_mem>> -> memref<!tpu.dma_semaphore, #tpu.memory_space<semaphore_mem>>
        tpu.enqueue_indirect_dma source(%dma_start3A_512 : memref<1000000x32xf32, #tpu.memory_space<hbm>>) target(%dma_start3A_506 : memref<128x32xf32, #tpu.memory_space<vmem>>) offsets(%dma_start3A_509 : memref<128xi32, #tpu.memory_space<vmem>>) semaphore(%dma_start3A_514 : memref<!tpu.dma_semaphore, #tpu.memory_space<semaphore_mem>>)
      } else {
      }
      %ge3A = arith.constant 1 : i32
      %ge3A_306 = arith.cmpi sge, %add3A_297, %ge3A : i32
      %sub3A_307 = arith.constant 1 : i32
      %sub3A_308 = arith.subi %add3A_297, %sub3A_307 : i32
      %lt3A_309 = arith.constant 50 : i32
      %lt3A_310 = arith.cmpi slt, %sub3A_308, %lt3A_309 : i32
      %and3A_311 = arith.andi %ge3A_306, %lt3A_310 : i1
      %convert_element_type3A_312 = arith.extui %and3A_311 : i1 to i32
      %cond3A_313 = arith.constant 0 : i32
      %cond3A_314 = arith.cmpi ne, %convert_element_type3A_312, %cond3A_313 : i32
      scf.if %cond3A_314 {
        %dma_wait3A_430 = arith.constant 2 : i32
        %dma_wait3A_431 = arith.constant 0 : i32
        %dma_wait3A_432 = arith.constant 2 : i32
        %dma_wait3A_433 = arith.constant 0 : i32
        %dma_wait3A_434 = arith.constant 0 : i32
        %dma_wait3A_435 = tpu.memref_slice %arg9[%dma_wait3A_433, %dma_wait3A_434] : memref<512x32xf32, #tpu.memory_space<vmem>> -> memref<128x32xf32, #tpu.memory_space<vmem>>
        %dma_wait3A_436 = arith.constant 0 : i32
        %dma_wait3A_437 = tpu.memref_slice %arg6[%dma_wait3A_430, %dma_wait3A_431, %dma_wait3A_436] : memref<3x4x128xi32, #tpu.memory_space<vmem>> -> memref<1x1x128xi32, #tpu.memory_space<vmem>>
        %dma_wait3A_438 = tpu.memref_squeeze %dma_wait3A_437 : memref<1x1x128xi32, #tpu.memory_space<vmem>> -> memref<128xi32, #tpu.memory_space<vmem>>
        %dma_wait3A_439 = arith.constant 0 : i32
        %dma_wait3A_440 = arith.constant 0 : i32
        %dma_wait3A_441 = tpu.memref_slice %arg3[%dma_wait3A_439, %dma_wait3A_440] : memref<1000000x32xf32, #tpu.memory_space<hbm>> -> memref<1000000x32xf32, #tpu.memory_space<hbm>>
        %dma_wait3A_442 = tpu.memref_slice %arg13[%dma_wait3A_432] : memref<3x!tpu.dma_semaphore, #tpu.memory_space<semaphore_mem>> -> memref<1x!tpu.dma_semaphore, #tpu.memory_space<semaphore_mem>>
        %dma_wait3A_443 = tpu.memref_squeeze %dma_wait3A_442 : memref<1x!tpu.dma_semaphore, #tpu.memory_space<semaphore_mem>> -> memref<!tpu.dma_semaphore, #tpu.memory_space<semaphore_mem>>
        tpu.wait_indirect_dma semaphore(%dma_wait3A_443 : memref<!tpu.dma_semaphore, #tpu.memory_space<semaphore_mem>>) src(%dma_wait3A_441 : memref<1000000x32xf32, #tpu.memory_space<hbm>>) dst(%dma_wait3A_435 : memref<128x32xf32, #tpu.memory_space<vmem>>)
        %dma_start3A = arith.constant 2 : i32
        %dma_start3A_444 = arith.constant 0 : i32
        %dma_start3A_445 = arith.constant 2 : i32
        %dma_start3A_446 = arith.constant 0 : i32
        %dma_start3A_447 = arith.constant 0 : i32
        %dma_start3A_448 = tpu.memref_slice %arg9[%dma_start3A_446, %dma_start3A_447] : memref<512x32xf32, #tpu.memory_space<vmem>> -> memref<128x32xf32, #tpu.memory_space<vmem>>
        %dma_start3A_449 = arith.constant 0 : i32
        %dma_start3A_450 = tpu.memref_slice %arg6[%dma_start3A, %dma_start3A_444, %dma_start3A_449] : memref<3x4x128xi32, #tpu.memory_space<vmem>> -> memref<1x1x128xi32, #tpu.memory_space<vmem>>
        %dma_start3A_451 = tpu.memref_squeeze %dma_start3A_450 : memref<1x1x128xi32, #tpu.memory_space<vmem>> -> memref<128xi32, #tpu.memory_space<vmem>>
        %dma_start3A_452 = arith.constant 0 : i32
        %dma_start3A_453 = arith.constant 0 : i32
        %dma_start3A_454 = tpu.memref_slice %arg4[%dma_start3A_452, %dma_start3A_453] : memref<1000000x32xf32, #tpu.memory_space<hbm>> -> memref<1000000x32xf32, #tpu.memory_space<hbm>>
        %dma_start3A_455 = tpu.memref_slice %arg13[%dma_start3A_445] : memref<3x!tpu.dma_semaphore, #tpu.memory_space<semaphore_mem>> -> memref<1x!tpu.dma_semaphore, #tpu.memory_space<semaphore_mem>>
        %dma_start3A_456 = tpu.memref_squeeze %dma_start3A_455 : memref<1x!tpu.dma_semaphore, #tpu.memory_space<semaphore_mem>> -> memref<!tpu.dma_semaphore, #tpu.memory_space<semaphore_mem>>
        tpu.enqueue_indirect_dma source(%dma_start3A_454 : memref<1000000x32xf32, #tpu.memory_space<hbm>>) target(%dma_start3A_448 : memref<128x32xf32, #tpu.memory_space<vmem>>) offsets(%dma_start3A_451 : memref<128xi32, #tpu.memory_space<vmem>>) semaphore(%dma_start3A_456 : memref<!tpu.dma_semaphore, #tpu.memory_space<semaphore_mem>>) {add = true}
        %dma_wait3A_457 = arith.constant 2 : i32
        %dma_wait3A_458 = arith.constant 1 : i32
        %dma_wait3A_459 = arith.constant 2 : i32
        %dma_wait3A_460 = arith.constant 128 : i32
        %dma_wait3A_461 = arith.constant 0 : i32
        %dma_wait3A_462 = tpu.memref_slice %arg9[%dma_wait3A_460, %dma_wait3A_461] : memref<512x32xf32, #tpu.memory_space<vmem>> -> memref<128x32xf32, #tpu.memory_space<vmem>>
        %dma_wait3A_463 = arith.constant 0 : i32
        %dma_wait3A_464 = tpu.memref_slice %arg6[%dma_wait3A_457, %dma_wait3A_458, %dma_wait3A_463] : memref<3x4x128xi32, #tpu.memory_space<vmem>> -> memref<1x1x128xi32, #tpu.memory_space<vmem>>
        %dma_wait3A_465 = tpu.memref_squeeze %dma_wait3A_464 : memref<1x1x128xi32, #tpu.memory_space<vmem>> -> memref<128xi32, #tpu.memory_space<vmem>>
        %dma_wait3A_466 = arith.constant 0 : i32
        %dma_wait3A_467 = arith.constant 0 : i32
        %dma_wait3A_468 = tpu.memref_slice %arg3[%dma_wait3A_466, %dma_wait3A_467] : memref<1000000x32xf32, #tpu.memory_space<hbm>> -> memref<1000000x32xf32, #tpu.memory_space<hbm>>
        %dma_wait3A_469 = tpu.memref_slice %arg13[%dma_wait3A_459] : memref<3x!tpu.dma_semaphore, #tpu.memory_space<semaphore_mem>> -> memref<1x!tpu.dma_semaphore, #tpu.memory_space<semaphore_mem>>
        %dma_wait3A_470 = tpu.memref_squeeze %dma_wait3A_469 : memref<1x!tpu.dma_semaphore, #tpu.memory_space<semaphore_mem>> -> memref<!tpu.dma_semaphore, #tpu.memory_space<semaphore_mem>>
        tpu.wait_indirect_dma semaphore(%dma_wait3A_470 : memref<!tpu.dma_semaphore, #tpu.memory_space<semaphore_mem>>) src(%dma_wait3A_468 : memref<1000000x32xf32, #tpu.memory_space<hbm>>) dst(%dma_wait3A_462 : memref<128x32xf32, #tpu.memory_space<vmem>>)
        %dma_start3A_471 = arith.constant 2 : i32
        %dma_start3A_472 = arith.constant 1 : i32
        %dma_start3A_473 = arith.constant 2 : i32
        %dma_start3A_474 = arith.constant 128 : i32
        %dma_start3A_475 = arith.constant 0 : i32
        %dma_start3A_476 = tpu.memref_slice %arg9[%dma_start3A_474, %dma_start3A_475] : memref<512x32xf32, #tpu.memory_space<vmem>> -> memref<128x32xf32, #tpu.memory_space<vmem>>
        %dma_start3A_477 = arith.constant 0 : i32
        %dma_start3A_478 = tpu.memref_slice %arg6[%dma_start3A_471, %dma_start3A_472, %dma_start3A_477] : memref<3x4x128xi32, #tpu.memory_space<vmem>> -> memref<1x1x128xi32, #tpu.memory_space<vmem>>
        %dma_start3A_479 = tpu.memref_squeeze %dma_start3A_478 : memref<1x1x128xi32, #tpu.memory_space<vmem>> -> memref<128xi32, #tpu.memory_space<vmem>>
        %dma_start3A_480 = arith.constant 0 : i32
        %dma_start3A_481 = arith.constant 0 : i32
        %dma_start3A_482 = tpu.memref_slice %arg4[%dma_start3A_480, %dma_start3A_481] : memref<1000000x32xf32, #tpu.memory_space<hbm>> -> memref<1000000x32xf32, #tpu.memory_space<hbm>>
        %dma_start3A_483 = tpu.memref_slice %arg13[%dma_start3A_473] : memref<3x!tpu.dma_semaphore, #tpu.memory_space<semaphore_mem>> -> memref<1x!tpu.dma_semaphore, #tpu.memory_space<semaphore_mem>>
        %dma_start3A_484 = tpu.memref_squeeze %dma_start3A_483 : memref<1x!tpu.dma_semaphore, #tpu.memory_space<semaphore_mem>> -> memref<!tpu.dma_semaphore, #tpu.memory_space<semaphore_mem>>
        tpu.enqueue_indirect_dma source(%dma_start3A_482 : memref<1000000x32xf32, #tpu.memory_space<hbm>>) target(%dma_start3A_476 : memref<128x32xf32, #tpu.memory_space<vmem>>) offsets(%dma_start3A_479 : memref<128xi32, #tpu.memory_space<vmem>>) semaphore(%dma_start3A_484 : memref<!tpu.dma_semaphore, #tpu.memory_space<semaphore_mem>>) {add = true}
        %dma_wait3A_485 = arith.constant 2 : i32
        %dma_wait3A_486 = arith.constant 2 : i32
        %dma_wait3A_487 = arith.constant 2 : i32
        %dma_wait3A_488 = arith.constant 256 : i32
        %dma_wait3A_489 = arith.constant 0 : i32
        %dma_wait3A_490 = tpu.memref_slice %arg9[%dma_wait3A_488, %dma_wait3A_489] : memref<512x32xf32, #tpu.memory_space<vmem>> -> memref<128x32xf32, #tpu.memory_space<vmem>>
        %dma_wait3A_491 = arith.constant 0 : i32
        %dma_wait3A_492 = tpu.memref_slice %arg6[%dma_wait3A_485, %dma_wait3A_486, %dma_wait3A_491] : memref<3x4x128xi32, #tpu.memory_space<vmem>> -> memref<1x1x128xi32, #tpu.memory_space<vmem>>
        %dma_wait3A_493 = tpu.memref_squeeze %dma_wait3A_492 : memref<1x1x128xi32, #tpu.memory_space<vmem>> -> memref<128xi32, #tpu.memory_space<vmem>>
        %dma_wait3A_494 = arith.constant 0 : i32
        %dma_wait3A_495 = arith.constant 0 : i32
        %dma_wait3A_496 = tpu.memref_slice %arg3[%dma_wait3A_494, %dma_wait3A_495] : memref<1000000x32xf32, #tpu.memory_space<hbm>> -> memref<1000000x32xf32, #tpu.memory_space<hbm>>
        %dma_wait3A_497 = tpu.memref_slice %arg13[%dma_wait3A_487] : memref<3x!tpu.dma_semaphore, #tpu.memory_space<semaphore_mem>> -> memref<1x!tpu.dma_semaphore, #tpu.memory_space<semaphore_mem>>
        %dma_wait3A_498 = tpu.memref_squeeze %dma_wait3A_497 : memref<1x!tpu.dma_semaphore, #tpu.memory_space<semaphore_mem>> -> memref<!tpu.dma_semaphore, #tpu.memory_space<semaphore_mem>>
        tpu.wait_indirect_dma semaphore(%dma_wait3A_498 : memref<!tpu.dma_semaphore, #tpu.memory_space<semaphore_mem>>) src(%dma_wait3A_496 : memref<1000000x32xf32, #tpu.memory_space<hbm>>) dst(%dma_wait3A_490 : memref<128x32xf32, #tpu.memory_space<vmem>>)
        %dma_start3A_499 = arith.constant 2 : i32
        %dma_start3A_500 = arith.constant 2 : i32
        %dma_start3A_501 = arith.constant 2 : i32
        %dma_start3A_502 = arith.constant 256 : i32
        %dma_start3A_503 = arith.constant 0 : i32
        %dma_start3A_504 = tpu.memref_slice %arg9[%dma_start3A_502, %dma_start3A_503] : memref<512x32xf32, #tpu.memory_space<vmem>> -> memref<128x32xf32, #tpu.memory_space<vmem>>
        %dma_start3A_505 = arith.constant 0 : i32
        %dma_start3A_506 = tpu.memref_slice %arg6[%dma_start3A_499, %dma_start3A_500, %dma_start3A_505] : memref<3x4x128xi32, #tpu.memory_space<vmem>> -> memref<1x1x128xi32, #tpu.memory_space<vmem>>
        %dma_start3A_507 = tpu.memref_squeeze %dma_start3A_506 : memref<1x1x128xi32, #tpu.memory_space<vmem>> -> memref<128xi32, #tpu.memory_space<vmem>>
        %dma_start3A_508 = arith.constant 0 : i32
        %dma_start3A_509 = arith.constant 0 : i32
        %dma_start3A_510 = tpu.memref_slice %arg4[%dma_start3A_508, %dma_start3A_509] : memref<1000000x32xf32, #tpu.memory_space<hbm>> -> memref<1000000x32xf32, #tpu.memory_space<hbm>>
        %dma_start3A_511 = tpu.memref_slice %arg13[%dma_start3A_501] : memref<3x!tpu.dma_semaphore, #tpu.memory_space<semaphore_mem>> -> memref<1x!tpu.dma_semaphore, #tpu.memory_space<semaphore_mem>>
        %dma_start3A_512 = tpu.memref_squeeze %dma_start3A_511 : memref<1x!tpu.dma_semaphore, #tpu.memory_space<semaphore_mem>> -> memref<!tpu.dma_semaphore, #tpu.memory_space<semaphore_mem>>
        tpu.enqueue_indirect_dma source(%dma_start3A_510 : memref<1000000x32xf32, #tpu.memory_space<hbm>>) target(%dma_start3A_504 : memref<128x32xf32, #tpu.memory_space<vmem>>) offsets(%dma_start3A_507 : memref<128xi32, #tpu.memory_space<vmem>>) semaphore(%dma_start3A_512 : memref<!tpu.dma_semaphore, #tpu.memory_space<semaphore_mem>>) {add = true}
        %dma_wait3A_513 = arith.constant 2 : i32
        %dma_wait3A_514 = arith.constant 3 : i32
        %dma_wait3A_515 = arith.constant 2 : i32
        %dma_wait3A_516 = arith.constant 384 : i32
        %dma_wait3A_517 = arith.constant 0 : i32
        %dma_wait3A_518 = tpu.memref_slice %arg9[%dma_wait3A_516, %dma_wait3A_517] : memref<512x32xf32, #tpu.memory_space<vmem>> -> memref<128x32xf32, #tpu.memory_space<vmem>>
        %dma_wait3A_519 = arith.constant 0 : i32
        %dma_wait3A_520 = tpu.memref_slice %arg6[%dma_wait3A_513, %dma_wait3A_514, %dma_wait3A_519] : memref<3x4x128xi32, #tpu.memory_space<vmem>> -> memref<1x1x128xi32, #tpu.memory_space<vmem>>
        %dma_wait3A_521 = tpu.memref_squeeze %dma_wait3A_520 : memref<1x1x128xi32, #tpu.memory_space<vmem>> -> memref<128xi32, #tpu.memory_space<vmem>>
        %dma_wait3A_522 = arith.constant 0 : i32
        %dma_wait3A_523 = arith.constant 0 : i32
        %dma_wait3A_524 = tpu.memref_slice %arg3[%dma_wait3A_522, %dma_wait3A_523] : memref<1000000x32xf32, #tpu.memory_space<hbm>> -> memref<1000000x32xf32, #tpu.memory_space<hbm>>
        %dma_wait3A_525 = tpu.memref_slice %arg13[%dma_wait3A_515] : memref<3x!tpu.dma_semaphore, #tpu.memory_space<semaphore_mem>> -> memref<1x!tpu.dma_semaphore, #tpu.memory_space<semaphore_mem>>
        %dma_wait3A_526 = tpu.memref_squeeze %dma_wait3A_525 : memref<1x!tpu.dma_semaphore, #tpu.memory_space<semaphore_mem>> -> memref<!tpu.dma_semaphore, #tpu.memory_space<semaphore_mem>>
        tpu.wait_indirect_dma semaphore(%dma_wait3A_526 : memref<!tpu.dma_semaphore, #tpu.memory_space<semaphore_mem>>) src(%dma_wait3A_524 : memref<1000000x32xf32, #tpu.memory_space<hbm>>) dst(%dma_wait3A_518 : memref<128x32xf32, #tpu.memory_space<vmem>>)
        %dma_start3A_527 = arith.constant 2 : i32
        %dma_start3A_528 = arith.constant 3 : i32
        %dma_start3A_529 = arith.constant 2 : i32
        %dma_start3A_530 = arith.constant 384 : i32
        %dma_start3A_531 = arith.constant 0 : i32
        %dma_start3A_532 = tpu.memref_slice %arg9[%dma_start3A_530, %dma_start3A_531] : memref<512x32xf32, #tpu.memory_space<vmem>> -> memref<128x32xf32, #tpu.memory_space<vmem>>
        %dma_start3A_533 = arith.constant 0 : i32
        %dma_start3A_534 = tpu.memref_slice %arg6[%dma_start3A_527, %dma_start3A_528, %dma_start3A_533] : memref<3x4x128xi32, #tpu.memory_space<vmem>> -> memref<1x1x128xi32, #tpu.memory_space<vmem>>
        %dma_start3A_535 = tpu.memref_squeeze %dma_start3A_534 : memref<1x1x128xi32, #tpu.memory_space<vmem>> -> memref<128xi32, #tpu.memory_space<vmem>>
        %dma_start3A_536 = arith.constant 0 : i32
        %dma_start3A_537 = arith.constant 0 : i32
        %dma_start3A_538 = tpu.memref_slice %arg4[%dma_start3A_536, %dma_start3A_537] : memref<1000000x32xf32, #tpu.memory_space<hbm>> -> memref<1000000x32xf32, #tpu.memory_space<hbm>>
        %dma_start3A_539 = tpu.memref_slice %arg13[%dma_start3A_529] : memref<3x!tpu.dma_semaphore, #tpu.memory_space<semaphore_mem>> -> memref<1x!tpu.dma_semaphore, #tpu.memory_space<semaphore_mem>>
        %dma_start3A_540 = tpu.memref_squeeze %dma_start3A_539 : memref<1x!tpu.dma_semaphore, #tpu.memory_space<semaphore_mem>> -> memref<!tpu.dma_semaphore, #tpu.memory_space<semaphore_mem>>
        tpu.enqueue_indirect_dma source(%dma_start3A_538 : memref<1000000x32xf32, #tpu.memory_space<hbm>>) target(%dma_start3A_532 : memref<128x32xf32, #tpu.memory_space<vmem>>) offsets(%dma_start3A_535 : memref<128xi32, #tpu.memory_space<vmem>>) semaphore(%dma_start3A_540 : memref<!tpu.dma_semaphore, #tpu.memory_space<semaphore_mem>>) {add = true}
      } else {
      }
      %ge3A_315 = arith.constant 2 : i32
      %ge3A_316 = arith.cmpi sge, %add3A_297, %ge3A_315 : i32
      %sub3A_317 = arith.constant 2 : i32
      %sub3A_318 = arith.subi %add3A_297, %sub3A_317 : i32
      %lt3A_319 = arith.constant 50 : i32
      %lt3A_320 = arith.cmpi slt, %sub3A_318, %lt3A_319 : i32
      %and3A_321 = arith.andi %ge3A_316, %lt3A_320 : i1
      %convert_element_type3A_322 = arith.extui %and3A_321 : i1 to i32
      %cond3A_323 = arith.constant 0 : i32
      %cond3A_324 = arith.cmpi ne, %convert_element_type3A_322, %cond3A_323 : i32
      scf.if %cond3A_324 {
        %dma_wait3A_430 = arith.constant 1 : i32
        %dma_wait3A_431 = arith.constant 0 : i32
        %dma_wait3A_432 = arith.constant 1 : i32
        %dma_wait3A_433 = arith.constant 0 : i32
        %dma_wait3A_434 = arith.constant 0 : i32
        %dma_wait3A_435 = tpu.memref_slice %arg8[%dma_wait3A_433, %dma_wait3A_434] : memref<512x32xf32, #tpu.memory_space<vmem>> -> memref<128x32xf32, #tpu.memory_space<vmem>>
        %dma_wait3A_436 = arith.constant 0 : i32
        %dma_wait3A_437 = tpu.memref_slice %arg6[%dma_wait3A_430, %dma_wait3A_431, %dma_wait3A_436] : memref<3x4x128xi32, #tpu.memory_space<vmem>> -> memref<1x1x128xi32, #tpu.memory_space<vmem>>
        %dma_wait3A_438 = tpu.memref_squeeze %dma_wait3A_437 : memref<1x1x128xi32, #tpu.memory_space<vmem>> -> memref<128xi32, #tpu.memory_space<vmem>>
        %dma_wait3A_439 = arith.constant 0 : i32
        %dma_wait3A_440 = arith.constant 0 : i32
        %dma_wait3A_441 = tpu.memref_slice %arg4[%dma_wait3A_439, %dma_wait3A_440] : memref<1000000x32xf32, #tpu.memory_space<hbm>> -> memref<1000000x32xf32, #tpu.memory_space<hbm>>
        %dma_wait3A_442 = tpu.memref_slice %arg13[%dma_wait3A_432] : memref<3x!tpu.dma_semaphore, #tpu.memory_space<semaphore_mem>> -> memref<1x!tpu.dma_semaphore, #tpu.memory_space<semaphore_mem>>
        %dma_wait3A_443 = tpu.memref_squeeze %dma_wait3A_442 : memref<1x!tpu.dma_semaphore, #tpu.memory_space<semaphore_mem>> -> memref<!tpu.dma_semaphore, #tpu.memory_space<semaphore_mem>>
        tpu.wait_indirect_dma semaphore(%dma_wait3A_443 : memref<!tpu.dma_semaphore, #tpu.memory_space<semaphore_mem>>) src(%dma_wait3A_441 : memref<1000000x32xf32, #tpu.memory_space<hbm>>) dst(%dma_wait3A_435 : memref<128x32xf32, #tpu.memory_space<vmem>>)
        %dma_wait3A_444 = arith.constant 1 : i32
        %dma_wait3A_445 = arith.constant 1 : i32
        %dma_wait3A_446 = arith.constant 1 : i32
        %dma_wait3A_447 = arith.constant 128 : i32
        %dma_wait3A_448 = arith.constant 0 : i32
        %dma_wait3A_449 = tpu.memref_slice %arg8[%dma_wait3A_447, %dma_wait3A_448] : memref<512x32xf32, #tpu.memory_space<vmem>> -> memref<128x32xf32, #tpu.memory_space<vmem>>
        %dma_wait3A_450 = arith.constant 0 : i32
        %dma_wait3A_451 = tpu.memref_slice %arg6[%dma_wait3A_444, %dma_wait3A_445, %dma_wait3A_450] : memref<3x4x128xi32, #tpu.memory_space<vmem>> -> memref<1x1x128xi32, #tpu.memory_space<vmem>>
        %dma_wait3A_452 = tpu.memref_squeeze %dma_wait3A_451 : memref<1x1x128xi32, #tpu.memory_space<vmem>> -> memref<128xi32, #tpu.memory_space<vmem>>
        %dma_wait3A_453 = arith.constant 0 : i32
        %dma_wait3A_454 = arith.constant 0 : i32
        %dma_wait3A_455 = tpu.memref_slice %arg4[%dma_wait3A_453, %dma_wait3A_454] : memref<1000000x32xf32, #tpu.memory_space<hbm>> -> memref<1000000x32xf32, #tpu.memory_space<hbm>>
        %dma_wait3A_456 = tpu.memref_slice %arg13[%dma_wait3A_446] : memref<3x!tpu.dma_semaphore, #tpu.memory_space<semaphore_mem>> -> memref<1x!tpu.dma_semaphore, #tpu.memory_space<semaphore_mem>>
        %dma_wait3A_457 = tpu.memref_squeeze %dma_wait3A_456 : memref<1x!tpu.dma_semaphore, #tpu.memory_space<semaphore_mem>> -> memref<!tpu.dma_semaphore, #tpu.memory_space<semaphore_mem>>
        tpu.wait_indirect_dma semaphore(%dma_wait3A_457 : memref<!tpu.dma_semaphore, #tpu.memory_space<semaphore_mem>>) src(%dma_wait3A_455 : memref<1000000x32xf32, #tpu.memory_space<hbm>>) dst(%dma_wait3A_449 : memref<128x32xf32, #tpu.memory_space<vmem>>)
        %dma_wait3A_458 = arith.constant 1 : i32
        %dma_wait3A_459 = arith.constant 2 : i32
        %dma_wait3A_460 = arith.constant 1 : i32
        %dma_wait3A_461 = arith.constant 256 : i32
        %dma_wait3A_462 = arith.constant 0 : i32
        %dma_wait3A_463 = tpu.memref_slice %arg8[%dma_wait3A_461, %dma_wait3A_462] : memref<512x32xf32, #tpu.memory_space<vmem>> -> memref<128x32xf32, #tpu.memory_space<vmem>>
        %dma_wait3A_464 = arith.constant 0 : i32
        %dma_wait3A_465 = tpu.memref_slice %arg6[%dma_wait3A_458, %dma_wait3A_459, %dma_wait3A_464] : memref<3x4x128xi32, #tpu.memory_space<vmem>> -> memref<1x1x128xi32, #tpu.memory_space<vmem>>
        %dma_wait3A_466 = tpu.memref_squeeze %dma_wait3A_465 : memref<1x1x128xi32, #tpu.memory_space<vmem>> -> memref<128xi32, #tpu.memory_space<vmem>>
        %dma_wait3A_467 = arith.constant 0 : i32
        %dma_wait3A_468 = arith.constant 0 : i32
        %dma_wait3A_469 = tpu.memref_slice %arg4[%dma_wait3A_467, %dma_wait3A_468] : memref<1000000x32xf32, #tpu.memory_space<hbm>> -> memref<1000000x32xf32, #tpu.memory_space<hbm>>
        %dma_wait3A_470 = tpu.memref_slice %arg13[%dma_wait3A_460] : memref<3x!tpu.dma_semaphore, #tpu.memory_space<semaphore_mem>> -> memref<1x!tpu.dma_semaphore, #tpu.memory_space<semaphore_mem>>
        %dma_wait3A_471 = tpu.memref_squeeze %dma_wait3A_470 : memref<1x!tpu.dma_semaphore, #tpu.memory_space<semaphore_mem>> -> memref<!tpu.dma_semaphore, #tpu.memory_space<semaphore_mem>>
        tpu.wait_indirect_dma semaphore(%dma_wait3A_471 : memref<!tpu.dma_semaphore, #tpu.memory_space<semaphore_mem>>) src(%dma_wait3A_469 : memref<1000000x32xf32, #tpu.memory_space<hbm>>) dst(%dma_wait3A_463 : memref<128x32xf32, #tpu.memory_space<vmem>>)
        %dma_wait3A_472 = arith.constant 1 : i32
        %dma_wait3A_473 = arith.constant 3 : i32
        %dma_wait3A_474 = arith.constant 1 : i32
        %dma_wait3A_475 = arith.constant 384 : i32
        %dma_wait3A_476 = arith.constant 0 : i32
        %dma_wait3A_477 = tpu.memref_slice %arg8[%dma_wait3A_475, %dma_wait3A_476] : memref<512x32xf32, #tpu.memory_space<vmem>> -> memref<128x32xf32, #tpu.memory_space<vmem>>
        %dma_wait3A_478 = arith.constant 0 : i32
        %dma_wait3A_479 = tpu.memref_slice %arg6[%dma_wait3A_472, %dma_wait3A_473, %dma_wait3A_478] : memref<3x4x128xi32, #tpu.memory_space<vmem>> -> memref<1x1x128xi32, #tpu.memory_space<vmem>>
        %dma_wait3A_480 = tpu.memref_squeeze %dma_wait3A_479 : memref<1x1x128xi32, #tpu.memory_space<vmem>> -> memref<128xi32, #tpu.memory_space<vmem>>
        %dma_wait3A_481 = arith.constant 0 : i32
        %dma_wait3A_482 = arith.constant 0 : i32
        %dma_wait3A_483 = tpu.memref_slice %arg4[%dma_wait3A_481, %dma_wait3A_482] : memref<1000000x32xf32, #tpu.memory_space<hbm>> -> memref<1000000x32xf32, #tpu.memory_space<hbm>>
        %dma_wait3A_484 = tpu.memref_slice %arg13[%dma_wait3A_474] : memref<3x!tpu.dma_semaphore, #tpu.memory_space<semaphore_mem>> -> memref<1x!tpu.dma_semaphore, #tpu.memory_space<semaphore_mem>>
        %dma_wait3A_485 = tpu.memref_squeeze %dma_wait3A_484 : memref<1x!tpu.dma_semaphore, #tpu.memory_space<semaphore_mem>> -> memref<!tpu.dma_semaphore, #tpu.memory_space<semaphore_mem>>
        tpu.wait_indirect_dma semaphore(%dma_wait3A_485 : memref<!tpu.dma_semaphore, #tpu.memory_space<semaphore_mem>>) src(%dma_wait3A_483 : memref<1000000x32xf32, #tpu.memory_space<hbm>>) dst(%dma_wait3A_477 : memref<128x32xf32, #tpu.memory_space<vmem>>)
        %parallel_loop3A = arith.constant 0 : i32
        %parallel_loop3A_486 = arith.constant 64 : i32
        %parallel_loop3A_487 = arith.constant 1 : i32
        scf.for %parallel_loop3A_566 = %parallel_loop3A to %parallel_loop3A_486 step %parallel_loop3A_487  : i32 {
          %parallel_loop3A_567 = arith.constant 8 : i32
          %parallel_loop3A_568 = arith.muli %parallel_loop3A_566, %parallel_loop3A_567 : i32
          %parallel_loop3A_569 = arith.constant 16 : i32
          %parallel_loop3A_570 = arith.divsi %parallel_loop3A_566, %parallel_loop3A_569 : i32
          %parallel_loop3A_571 = arith.constant 8 : i32
          %parallel_loop3A_572 = arith.muli %parallel_loop3A_570, %parallel_loop3A_571 : i32
          %parallel_loop3A_573 = vector.broadcast %parallel_loop3A_572 : i32 to vector<16xi32>
          %parallel_loop3A_574 = arith.addi %add3A_290, %parallel_loop3A_573 : vector<16xi32>
          %parallel_loop3A_575 = arith.constant 8 : i32
          %parallel_loop3A_576 = arith.muli %parallel_loop3A_570, %parallel_loop3A_575 : i32
          %parallel_loop3A_577 = vector.broadcast %parallel_loop3A_576 : i32 to vector<16xi32>
          %parallel_loop3A_578 = arith.addi %add3A_293, %parallel_loop3A_577 : vector<16xi32>
          %parallel_loop3A_579 = arith.constant 128 : i32
          %parallel_loop3A_580 = arith.muli %parallel_loop3A_570, %parallel_loop3A_579 : i32
          %parallel_loop3A_581 = arith.subi %parallel_loop3A_568, %parallel_loop3A_580 : i32
          %parallel_loop3A_582 = vector.broadcast %parallel_loop3A_581 : i32 to vector<16xi32>
          %parallel_loop3A_583 = arith.constant 0 : i32
          %parallel_loop3A_584 = arith.addi %parallel_loop3A_568, %parallel_loop3A_583 : i32
          %parallel_loop3A_585 = arith.index_cast %parallel_loop3A_584 : i32 to index
          %parallel_loop3A_586 = arith.constant 0 : index
          %parallel_loop3A_587 = tpu.vector_load %arg8[%parallel_loop3A_585, %parallel_loop3A_586] {strides = array<i32>} : memref<512x32xf32, #tpu.memory_space<vmem>>, vector<16xf32>,
          %parallel_loop3A_588 = arith.constant 0 : i32
          %parallel_loop3A_589 = arith.addi %parallel_loop3A_568, %parallel_loop3A_588 : i32
          %parallel_loop3A_590 = arith.index_cast %parallel_loop3A_589 : i32 to index
          %parallel_loop3A_591 = arith.constant 16 : index
          %parallel_loop3A_592 = tpu.vector_load %arg8[%parallel_loop3A_590, %parallel_loop3A_591] {strides = array<i32>} : memref<512x32xf32, #tpu.memory_space<vmem>>, vector<16xf32>,
          %parallel_loop3A_593 = arith.constant 0 : i32
          %parallel_loop3A_594 = vector.broadcast %parallel_loop3A_593 : i32 to vector<16xi32>
          %parallel_loop3A_595 = arith.addi %parallel_loop3A_582, %parallel_loop3A_594 : vector<16xi32>
          tpu.vector_store_idx %arg11[%parallel_loop3A_574, %parallel_loop3A_595], %parallel_loop3A_587 : memref<128x129xf32, #tpu.memory_space<vmem>>[vector<16xi32>, vector<16xi32>], vector<16xf32>,
          tpu.vector_store_idx %arg11[%parallel_loop3A_578, %parallel_loop3A_595], %parallel_loop3A_592 : memref<128x129xf32, #tpu.memory_space<vmem>>[vector<16xi32>, vector<16xi32>], vector<16xf32>,
          %parallel_loop3A_596 = arith.constant 1 : i32
          %parallel_loop3A_597 = arith.addi %parallel_loop3A_568, %parallel_loop3A_596 : i32
          %parallel_loop3A_598 = arith.index_cast %parallel_loop3A_597 : i32 to index
          %parallel_loop3A_599 = arith.constant 0 : index
          %parallel_loop3A_600 = tpu.vector_load %arg8[%parallel_loop3A_598, %parallel_loop3A_599] {strides = array<i32>} : memref<512x32xf32, #tpu.memory_space<vmem>>, vector<16xf32>,
          %parallel_loop3A_601 = arith.constant 1 : i32
          %parallel_loop3A_602 = arith.addi %parallel_loop3A_568, %parallel_loop3A_601 : i32
          %parallel_loop3A_603 = arith.index_cast %parallel_loop3A_602 : i32 to index
          %parallel_loop3A_604 = arith.constant 16 : index
          %parallel_loop3A_605 = tpu.vector_load %arg8[%parallel_loop3A_603, %parallel_loop3A_604] {strides = array<i32>} : memref<512x32xf32, #tpu.memory_space<vmem>>, vector<16xf32>,
          %parallel_loop3A_606 = arith.constant 1 : i32
          %parallel_loop3A_607 = vector.broadcast %parallel_loop3A_606 : i32 to vector<16xi32>
          %parallel_loop3A_608 = arith.addi %parallel_loop3A_582, %parallel_loop3A_607 : vector<16xi32>
          tpu.vector_store_idx %arg11[%parallel_loop3A_574, %parallel_loop3A_608], %parallel_loop3A_600 : memref<128x129xf32, #tpu.memory_space<vmem>>[vector<16xi32>, vector<16xi32>], vector<16xf32>,
          tpu.vector_store_idx %arg11[%parallel_loop3A_578, %parallel_loop3A_608], %parallel_loop3A_605 : memref<128x129xf32, #tpu.memory_space<vmem>>[vector<16xi32>, vector<16xi32>], vector<16xf32>,
          %parallel_loop3A_609 = arith.constant 2 : i32
          %parallel_loop3A_610 = arith.addi %parallel_loop3A_568, %parallel_loop3A_609 : i32
          %parallel_loop3A_611 = arith.index_cast %parallel_loop3A_610 : i32 to index
          %parallel_loop3A_612 = arith.constant 0 : index
          %parallel_loop3A_613 = tpu.vector_load %arg8[%parallel_loop3A_611, %parallel_loop3A_612] {strides = array<i32>} : memref<512x32xf32, #tpu.memory_space<vmem>>, vector<16xf32>,
          %parallel_loop3A_614 = arith.constant 2 : i32
          %parallel_loop3A_615 = arith.addi %parallel_loop3A_568, %parallel_loop3A_614 : i32
          %parallel_loop3A_616 = arith.index_cast %parallel_loop3A_615 : i32 to index
          %parallel_loop3A_617 = arith.constant 16 : index
          %parallel_loop3A_618 = tpu.vector_load %arg8[%parallel_loop3A_616, %parallel_loop3A_617] {strides = array<i32>} : memref<512x32xf32, #tpu.memory_space<vmem>>, vector<16xf32>,
          %parallel_loop3A_619 = arith.constant 2 : i32
          %parallel_loop3A_620 = vector.broadcast %parallel_loop3A_619 : i32 to vector<16xi32>
          %parallel_loop3A_621 = arith.addi %parallel_loop3A_582, %parallel_loop3A_620 : vector<16xi32>
          tpu.vector_store_idx %arg11[%parallel_loop3A_574, %parallel_loop3A_621], %parallel_loop3A_613 : memref<128x129xf32, #tpu.memory_space<vmem>>[vector<16xi32>, vector<16xi32>], vector<16xf32>,
          tpu.vector_store_idx %arg11[%parallel_loop3A_578, %parallel_loop3A_621], %parallel_loop3A_618 : memref<128x129xf32, #tpu.memory_space<vmem>>[vector<16xi32>, vector<16xi32>], vector<16xf32>,
          %parallel_loop3A_622 = arith.constant 3 : i32
          %parallel_loop3A_623 = arith.addi %parallel_loop3A_568, %parallel_loop3A_622 : i32
          %parallel_loop3A_624 = arith.index_cast %parallel_loop3A_623 : i32 to index
          %parallel_loop3A_625 = arith.constant 0 : index
          %parallel_loop3A_626 = tpu.vector_load %arg8[%parallel_loop3A_624, %parallel_loop3A_625] {strides = array<i32>} : memref<512x32xf32, #tpu.memory_space<vmem>>, vector<16xf32>,
          %parallel_loop3A_627 = arith.constant 3 : i32
          %parallel_loop3A_628 = arith.addi %parallel_loop3A_568, %parallel_loop3A_627 : i32
          %parallel_loop3A_629 = arith.index_cast %parallel_loop3A_628 : i32 to index
          %parallel_loop3A_630 = arith.constant 16 : index
          %parallel_loop3A_631 = tpu.vector_load %arg8[%parallel_loop3A_629, %parallel_loop3A_630] {strides = array<i32>} : memref<512x32xf32, #tpu.memory_space<vmem>>, vector<16xf32>,
          %parallel_loop3A_632 = arith.constant 3 : i32
          %parallel_loop3A_633 = vector.broadcast %parallel_loop3A_632 : i32 to vector<16xi32>
          %parallel_loop3A_634 = arith.addi %parallel_loop3A_582, %parallel_loop3A_633 : vector<16xi32>
          tpu.vector_store_idx %arg11[%parallel_loop3A_574, %parallel_loop3A_634], %parallel_loop3A_626 : memref<128x129xf32, #tpu.memory_space<vmem>>[vector<16xi32>, vector<16xi32>], vector<16xf32>,
          tpu.vector_store_idx %arg11[%parallel_loop3A_578, %parallel_loop3A_634], %parallel_loop3A_631 : memref<128x129xf32, #tpu.memory_space<vmem>>[vector<16xi32>, vector<16xi32>], vector<16xf32>,
          %parallel_loop3A_635 = arith.constant 4 : i32
          %parallel_loop3A_636 = arith.addi %parallel_loop3A_568, %parallel_loop3A_635 : i32
          %parallel_loop3A_637 = arith.index_cast %parallel_loop3A_636 : i32 to index
          %parallel_loop3A_638 = arith.constant 0 : index
          %parallel_loop3A_639 = tpu.vector_load %arg8[%parallel_loop3A_637, %parallel_loop3A_638] {strides = array<i32>} : memref<512x32xf32, #tpu.memory_space<vmem>>, vector<16xf32>,
          %parallel_loop3A_640 = arith.constant 4 : i32
          %parallel_loop3A_641 = arith.addi %parallel_loop3A_568, %parallel_loop3A_640 : i32
          %parallel_loop3A_642 = arith.index_cast %parallel_loop3A_641 : i32 to index
          %parallel_loop3A_643 = arith.constant 16 : index
          %parallel_loop3A_644 = tpu.vector_load %arg8[%parallel_loop3A_642, %parallel_loop3A_643] {strides = array<i32>} : memref<512x32xf32, #tpu.memory_space<vmem>>, vector<16xf32>,
          %parallel_loop3A_645 = arith.constant 4 : i32
          %parallel_loop3A_646 = vector.broadcast %parallel_loop3A_645 : i32 to vector<16xi32>
          %parallel_loop3A_647 = arith.addi %parallel_loop3A_582, %parallel_loop3A_646 : vector<16xi32>
          tpu.vector_store_idx %arg11[%parallel_loop3A_574, %parallel_loop3A_647], %parallel_loop3A_639 : memref<128x129xf32, #tpu.memory_space<vmem>>[vector<16xi32>, vector<16xi32>], vector<16xf32>,
          tpu.vector_store_idx %arg11[%parallel_loop3A_578, %parallel_loop3A_647], %parallel_loop3A_644 : memref<128x129xf32, #tpu.memory_space<vmem>>[vector<16xi32>, vector<16xi32>], vector<16xf32>,
          %parallel_loop3A_648 = arith.constant 5 : i32
          %parallel_loop3A_649 = arith.addi %parallel_loop3A_568, %parallel_loop3A_648 : i32
          %parallel_loop3A_650 = arith.index_cast %parallel_loop3A_649 : i32 to index
          %parallel_loop3A_651 = arith.constant 0 : index
          %parallel_loop3A_652 = tpu.vector_load %arg8[%parallel_loop3A_650, %parallel_loop3A_651] {strides = array<i32>} : memref<512x32xf32, #tpu.memory_space<vmem>>, vector<16xf32>,
          %parallel_loop3A_653 = arith.constant 5 : i32
          %parallel_loop3A_654 = arith.addi %parallel_loop3A_568, %parallel_loop3A_653 : i32
          %parallel_loop3A_655 = arith.index_cast %parallel_loop3A_654 : i32 to index
          %parallel_loop3A_656 = arith.constant 16 : index
          %parallel_loop3A_657 = tpu.vector_load %arg8[%parallel_loop3A_655, %parallel_loop3A_656] {strides = array<i32>} : memref<512x32xf32, #tpu.memory_space<vmem>>, vector<16xf32>,
          %parallel_loop3A_658 = arith.constant 5 : i32
          %parallel_loop3A_659 = vector.broadcast %parallel_loop3A_658 : i32 to vector<16xi32>
          %parallel_loop3A_660 = arith.addi %parallel_loop3A_582, %parallel_loop3A_659 : vector<16xi32>
          tpu.vector_store_idx %arg11[%parallel_loop3A_574, %parallel_loop3A_660], %parallel_loop3A_652 : memref<128x129xf32, #tpu.memory_space<vmem>>[vector<16xi32>, vector<16xi32>], vector<16xf32>,
          tpu.vector_store_idx %arg11[%parallel_loop3A_578, %parallel_loop3A_660], %parallel_loop3A_657 : memref<128x129xf32, #tpu.memory_space<vmem>>[vector<16xi32>, vector<16xi32>], vector<16xf32>,
          %parallel_loop3A_661 = arith.constant 6 : i32
          %parallel_loop3A_662 = arith.addi %parallel_loop3A_568, %parallel_loop3A_661 : i32
          %parallel_loop3A_663 = arith.index_cast %parallel_loop3A_662 : i32 to index
          %parallel_loop3A_664 = arith.constant 0 : index
          %parallel_loop3A_665 = tpu.vector_load %arg8[%parallel_loop3A_663, %parallel_loop3A_664] {strides = array<i32>} : memref<512x32xf32, #tpu.memory_space<vmem>>, vector<16xf32>,
          %parallel_loop3A_666 = arith.constant 6 : i32
          %parallel_loop3A_667 = arith.addi %parallel_loop3A_568, %parallel_loop3A_666 : i32
          %parallel_loop3A_668 = arith.index_cast %parallel_loop3A_667 : i32 to index
          %parallel_loop3A_669 = arith.constant 16 : index
          %parallel_loop3A_670 = tpu.vector_load %arg8[%parallel_loop3A_668, %parallel_loop3A_669] {strides = array<i32>} : memref<512x32xf32, #tpu.memory_space<vmem>>, vector<16xf32>,
          %parallel_loop3A_671 = arith.constant 6 : i32
          %parallel_loop3A_672 = vector.broadcast %parallel_loop3A_671 : i32 to vector<16xi32>
          %parallel_loop3A_673 = arith.addi %parallel_loop3A_582, %parallel_loop3A_672 : vector<16xi32>
          tpu.vector_store_idx %arg11[%parallel_loop3A_574, %parallel_loop3A_673], %parallel_loop3A_665 : memref<128x129xf32, #tpu.memory_space<vmem>>[vector<16xi32>, vector<16xi32>], vector<16xf32>,
          tpu.vector_store_idx %arg11[%parallel_loop3A_578, %parallel_loop3A_673], %parallel_loop3A_670 : memref<128x129xf32, #tpu.memory_space<vmem>>[vector<16xi32>, vector<16xi32>], vector<16xf32>,
          %parallel_loop3A_674 = arith.constant 7 : i32
          %parallel_loop3A_675 = arith.addi %parallel_loop3A_568, %parallel_loop3A_674 : i32
          %parallel_loop3A_676 = arith.index_cast %parallel_loop3A_675 : i32 to index
          %parallel_loop3A_677 = arith.constant 0 : index
          %parallel_loop3A_678 = tpu.vector_load %arg8[%parallel_loop3A_676, %parallel_loop3A_677] {strides = array<i32>} : memref<512x32xf32, #tpu.memory_space<vmem>>, vector<16xf32>,
          %parallel_loop3A_679 = arith.constant 7 : i32
          %parallel_loop3A_680 = arith.addi %parallel_loop3A_568, %parallel_loop3A_679 : i32
          %parallel_loop3A_681 = arith.index_cast %parallel_loop3A_680 : i32 to index
          %parallel_loop3A_682 = arith.constant 16 : index
          %parallel_loop3A_683 = tpu.vector_load %arg8[%parallel_loop3A_681, %parallel_loop3A_682] {strides = array<i32>} : memref<512x32xf32, #tpu.memory_space<vmem>>, vector<16xf32>,
          %parallel_loop3A_684 = arith.constant 7 : i32
          %parallel_loop3A_685 = vector.broadcast %parallel_loop3A_684 : i32 to vector<16xi32>
          %parallel_loop3A_686 = arith.addi %parallel_loop3A_582, %parallel_loop3A_685 : vector<16xi32>
          tpu.vector_store_idx %arg11[%parallel_loop3A_574, %parallel_loop3A_686], %parallel_loop3A_678 : memref<128x129xf32, #tpu.memory_space<vmem>>[vector<16xi32>, vector<16xi32>], vector<16xf32>,
          tpu.vector_store_idx %arg11[%parallel_loop3A_578, %parallel_loop3A_686], %parallel_loop3A_683 : memref<128x129xf32, #tpu.memory_space<vmem>>[vector<16xi32>, vector<16xi32>], vector<16xf32>,
        } {sc.loop_unroll_factor = 2 : i64, sc.parallel_access}
        %sub3A_488 = arith.constant 2 : i32
        %sub3A_489 = arith.subi %add3A_297, %sub3A_488 : i32
        %add3A_490 = arith.addi %mul3A_2, %sub3A_489 : i32
        %div3A_491 = arith.constant 8 : i32
        %div3A_492 = arith.divsi %add3A_490, %div3A_491 : i32
        %rem3A_493 = arith.constant 8 : i32
        %rem3A_494 = arith.remsi %add3A_490, %rem3A_493 : i32
        %mul3A_495 = arith.constant 32 : i32
        %mul3A_496 = arith.muli %rem3A_494, %mul3A_495 : i32
        %mul3A_497 = arith.constant 32 : i32
        %mul3A_498 = arith.muli %rem3A_494, %mul3A_497 : i32
        %mul3A_499 = arith.constant 32 : i32
        %mul3A_500 = arith.muli %rem3A_494, %mul3A_499 : i32
        %mul3A_501 = arith.constant 32 : i32
        %mul3A_502 = arith.muli %rem3A_494, %mul3A_501 : i32
        %dma_start3A = arith.constant 0 : i32
        %dma_start3A_503 = arith.constant 1 : i32
        %dma_start3A_504 = arith.constant 0 : i32
        %dma_start3A_505 = arith.constant 0 : i32
        %dma_start3A_506 = tpu.memref_slice %arg11[%dma_start3A_504, %dma_start3A_505] : memref<128x129xf32, #tpu.memory_space<vmem>> -> memref<32x128xf32, #tpu.memory_space<vmem>>
        %dma_start3A_507 = arith.constant 0 : i32
        %dma_start3A_508 = tpu.memref_slice %arg5[%div3A_492, %dma_start3A, %mul3A_496, %dma_start3A_507] : memref<200x4x256x128xf32, #tpu.memory_space<hbm>> -> memref<1x1x32x128xf32, #tpu.memory_space<hbm>>
        %dma_start3A_509 = tpu.memref_squeeze %dma_start3A_508 : memref<1x1x32x128xf32, #tpu.memory_space<hbm>> -> memref<32x128xf32, #tpu.memory_space<hbm>>
        %dma_start3A_510 = tpu.memref_slice %arg14[%dma_start3A_503] : memref<3x!tpu.dma_semaphore, #tpu.memory_space<semaphore_mem>> -> memref<1x!tpu.dma_semaphore, #tpu.memory_space<semaphore_mem>>
        %dma_start3A_511 = tpu.memref_squeeze %dma_start3A_510 : memref<1x!tpu.dma_semaphore, #tpu.memory_space<semaphore_mem>> -> memref<!tpu.dma_semaphore, #tpu.memory_space<semaphore_mem>>
        %dma_start3A_512 = arith.constant 0 : i32
        %dma_start3A_513 = tpu.memref_slice %arg5[%div3A_492, %dma_start3A, %mul3A_496, %dma_start3A_512] : memref<200x4x256x128xf32, #tpu.memory_space<hbm>> -> memref<1x1x32x128xf32, #tpu.memory_space<hbm>>
        %dma_start3A_514 = tpu.memref_squeeze %dma_start3A_513 : memref<1x1x32x128xf32, #tpu.memory_space<hbm>> -> memref<32x128xf32, #tpu.memory_space<hbm>>
        %dma_start3A_515 = arith.constant 0 : i32
        %dma_start3A_516 = arith.constant 0 : i32
        %dma_start3A_517 = tpu.memref_slice %arg11[%dma_start3A_515, %dma_start3A_516] : memref<128x129xf32, #tpu.memory_space<vmem>> -> memref<32x128xf32, #tpu.memory_space<vmem>>
        tpu.enqueue_dma source(%dma_start3A_517 : memref<32x128xf32, #tpu.memory_space<vmem>>) target(%dma_start3A_514 : memref<32x128xf32, #tpu.memory_space<hbm>>) target_semaphore(%dma_start3A_511 : memref<!tpu.dma_semaphore, #tpu.memory_space<semaphore_mem>>)
        %dma_start3A_518 = arith.constant 1 : i32
        %dma_start3A_519 = arith.constant 1 : i32
        %dma_start3A_520 = arith.constant 32 : i32
        %dma_start3A_521 = arith.constant 0 : i32
        %dma_start3A_522 = tpu.memref_slice %arg11[%dma_start3A_520, %dma_start3A_521] : memref<128x129xf32, #tpu.memory_space<vmem>> -> memref<32x128xf32, #tpu.memory_space<vmem>>
        %dma_start3A_523 = arith.constant 0 : i32
        %dma_start3A_524 = tpu.memref_slice %arg5[%div3A_492, %dma_start3A_518, %mul3A_498, %dma_start3A_523] : memref<200x4x256x128xf32, #tpu.memory_space<hbm>> -> memref<1x1x32x128xf32, #tpu.memory_space<hbm>>
        %dma_start3A_525 = tpu.memref_squeeze %dma_start3A_524 : memref<1x1x32x128xf32, #tpu.memory_space<hbm>> -> memref<32x128xf32, #tpu.memory_space<hbm>>
        %dma_start3A_526 = tpu.memref_slice %arg14[%dma_start3A_519] : memref<3x!tpu.dma_semaphore, #tpu.memory_space<semaphore_mem>> -> memref<1x!tpu.dma_semaphore, #tpu.memory_space<semaphore_mem>>
        %dma_start3A_527 = tpu.memref_squeeze %dma_start3A_526 : memref<1x!tpu.dma_semaphore, #tpu.memory_space<semaphore_mem>> -> memref<!tpu.dma_semaphore, #tpu.memory_space<semaphore_mem>>
        %dma_start3A_528 = arith.constant 0 : i32
        %dma_start3A_529 = tpu.memref_slice %arg5[%div3A_492, %dma_start3A_518, %mul3A_498, %dma_start3A_528] : memref<200x4x256x128xf32, #tpu.memory_space<hbm>> -> memref<1x1x32x128xf32, #tpu.memory_space<hbm>>
        %dma_start3A_530 = tpu.memref_squeeze %dma_start3A_529 : memref<1x1x32x128xf32, #tpu.memory_space<hbm>> -> memref<32x128xf32, #tpu.memory_space<hbm>>
        %dma_start3A_531 = arith.constant 32 : i32
        %dma_start3A_532 = arith.constant 0 : i32
        %dma_start3A_533 = tpu.memref_slice %arg11[%dma_start3A_531, %dma_start3A_532] : memref<128x129xf32, #tpu.memory_space<vmem>> -> memref<32x128xf32, #tpu.memory_space<vmem>>
        tpu.enqueue_dma source(%dma_start3A_533 : memref<32x128xf32, #tpu.memory_space<vmem>>) target(%dma_start3A_530 : memref<32x128xf32, #tpu.memory_space<hbm>>) target_semaphore(%dma_start3A_527 : memref<!tpu.dma_semaphore, #tpu.memory_space<semaphore_mem>>)
        %dma_start3A_534 = arith.constant 2 : i32
        %dma_start3A_535 = arith.constant 1 : i32
        %dma_start3A_536 = arith.constant 64 : i32
        %dma_start3A_537 = arith.constant 0 : i32
        %dma_start3A_538 = tpu.memref_slice %arg11[%dma_start3A_536, %dma_start3A_537] : memref<128x129xf32, #tpu.memory_space<vmem>> -> memref<32x128xf32, #tpu.memory_space<vmem>>
        %dma_start3A_539 = arith.constant 0 : i32
        %dma_start3A_540 = tpu.memref_slice %arg5[%div3A_492, %dma_start3A_534, %mul3A_500, %dma_start3A_539] : memref<200x4x256x128xf32, #tpu.memory_space<hbm>> -> memref<1x1x32x128xf32, #tpu.memory_space<hbm>>
        %dma_start3A_541 = tpu.memref_squeeze %dma_start3A_540 : memref<1x1x32x128xf32, #tpu.memory_space<hbm>> -> memref<32x128xf32, #tpu.memory_space<hbm>>
        %dma_start3A_542 = tpu.memref_slice %arg14[%dma_start3A_535] : memref<3x!tpu.dma_semaphore, #tpu.memory_space<semaphore_mem>> -> memref<1x!tpu.dma_semaphore, #tpu.memory_space<semaphore_mem>>
        %dma_start3A_543 = tpu.memref_squeeze %dma_start3A_542 : memref<1x!tpu.dma_semaphore, #tpu.memory_space<semaphore_mem>> -> memref<!tpu.dma_semaphore, #tpu.memory_space<semaphore_mem>>
        %dma_start3A_544 = arith.constant 0 : i32
        %dma_start3A_545 = tpu.memref_slice %arg5[%div3A_492, %dma_start3A_534, %mul3A_500, %dma_start3A_544] : memref<200x4x256x128xf32, #tpu.memory_space<hbm>> -> memref<1x1x32x128xf32, #tpu.memory_space<hbm>>
        %dma_start3A_546 = tpu.memref_squeeze %dma_start3A_545 : memref<1x1x32x128xf32, #tpu.memory_space<hbm>> -> memref<32x128xf32, #tpu.memory_space<hbm>>
        %dma_start3A_547 = arith.constant 64 : i32
        %dma_start3A_548 = arith.constant 0 : i32
        %dma_start3A_549 = tpu.memref_slice %arg11[%dma_start3A_547, %dma_start3A_548] : memref<128x129xf32, #tpu.memory_space<vmem>> -> memref<32x128xf32, #tpu.memory_space<vmem>>
        tpu.enqueue_dma source(%dma_start3A_549 : memref<32x128xf32, #tpu.memory_space<vmem>>) target(%dma_start3A_546 : memref<32x128xf32, #tpu.memory_space<hbm>>) target_semaphore(%dma_start3A_543 : memref<!tpu.dma_semaphore, #tpu.memory_space<semaphore_mem>>)
        %dma_start3A_550 = arith.constant 3 : i32
        %dma_start3A_551 = arith.constant 1 : i32
        %dma_start3A_552 = arith.constant 96 : i32
        %dma_start3A_553 = arith.constant 0 : i32
        %dma_start3A_554 = tpu.memref_slice %arg11[%dma_start3A_552, %dma_start3A_553] : memref<128x129xf32, #tpu.memory_space<vmem>> -> memref<32x128xf32, #tpu.memory_space<vmem>>
        %dma_start3A_555 = arith.constant 0 : i32
        %dma_start3A_556 = tpu.memref_slice %arg5[%div3A_492, %dma_start3A_550, %mul3A_502, %dma_start3A_555] : memref<200x4x256x128xf32, #tpu.memory_space<hbm>> -> memref<1x1x32x128xf32, #tpu.memory_space<hbm>>
        %dma_start3A_557 = tpu.memref_squeeze %dma_start3A_556 : memref<1x1x32x128xf32, #tpu.memory_space<hbm>> -> memref<32x128xf32, #tpu.memory_space<hbm>>
        %dma_start3A_558 = tpu.memref_slice %arg14[%dma_start3A_551] : memref<3x!tpu.dma_semaphore, #tpu.memory_space<semaphore_mem>> -> memref<1x!tpu.dma_semaphore, #tpu.memory_space<semaphore_mem>>
        %dma_start3A_559 = tpu.memref_squeeze %dma_start3A_558 : memref<1x!tpu.dma_semaphore, #tpu.memory_space<semaphore_mem>> -> memref<!tpu.dma_semaphore, #tpu.memory_space<semaphore_mem>>
        %dma_start3A_560 = arith.constant 0 : i32
        %dma_start3A_561 = tpu.memref_slice %arg5[%div3A_492, %dma_start3A_550, %mul3A_502, %dma_start3A_560] : memref<200x4x256x128xf32, #tpu.memory_space<hbm>> -> memref<1x1x32x128xf32, #tpu.memory_space<hbm>>
        %dma_start3A_562 = tpu.memref_squeeze %dma_start3A_561 : memref<1x1x32x128xf32, #tpu.memory_space<hbm>> -> memref<32x128xf32, #tpu.memory_space<hbm>>
        %dma_start3A_563 = arith.constant 96 : i32
        %dma_start3A_564 = arith.constant 0 : i32
        %dma_start3A_565 = tpu.memref_slice %arg11[%dma_start3A_563, %dma_start3A_564] : memref<128x129xf32, #tpu.memory_space<vmem>> -> memref<32x128xf32, #tpu.memory_space<vmem>>
        tpu.enqueue_dma source(%dma_start3A_565 : memref<32x128xf32, #tpu.memory_space<vmem>>) target(%dma_start3A_562 : memref<32x128xf32, #tpu.memory_space<hbm>>) target_semaphore(%dma_start3A_559 : memref<!tpu.dma_semaphore, #tpu.memory_space<semaphore_mem>>)
      } else {
      }
      %add3A_325 = arith.constant 1 : i32
      %add3A_326 = arith.addi %add3A_297, %add3A_325 : i32
      %ge3A_327 = arith.constant 1 : i32
      %ge3A_328 = arith.cmpi sge, %add3A_326, %ge3A_327 : i32
      %add3A_329 = arith.constant 1 : i32
      %add3A_330 = arith.addi %add3A_297, %add3A_329 : i32
      %lt3A_331 = arith.constant 50 : i32
      %lt3A_332 = arith.cmpi slt, %add3A_330, %lt3A_331 : i32
      %and3A_333 = arith.andi %ge3A_328, %lt3A_332 : i1
      %convert_element_type3A_334 = arith.extui %and3A_333 : i1 to i32
      %cond3A_335 = arith.constant 0 : i32
      %cond3A_336 = arith.cmpi ne, %convert_element_type3A_334, %cond3A_335 : i32
      scf.if %cond3A_336 {
        %add3A_430 = arith.constant 1 : i32
        %add3A_431 = arith.addi %add3A_297, %add3A_430 : i32
        %add3A_432 = arith.addi %mul3A_2, %add3A_431 : i32
        %div3A_433 = arith.constant 8 : i32
        %div3A_434 = arith.divsi %add3A_432, %div3A_433 : i32
        %rem3A_435 = arith.constant 8 : i32
        %rem3A_436 = arith.remsi %add3A_432, %rem3A_435 : i32
        %mul3A_437 = arith.constant 4 : i32
        %mul3A_438 = arith.muli %rem3A_436, %mul3A_437 : i32
        %dma_start3A = arith.constant 1 : i32
        %dma_start3A_439 = arith.constant 1 : i32
        %dma_start3A_440 = arith.constant 0 : i32
        %dma_start3A_441 = arith.constant 0 : i32
        %dma_start3A_442 = tpu.memref_slice %arg6[%dma_start3A, %dma_start3A_440, %dma_start3A_441] : memref<3x4x128xi32, #tpu.memory_space<vmem>> -> memref<1x4x128xi32, #tpu.memory_space<vmem>>
        %dma_start3A_443 = tpu.memref_squeeze %dma_start3A_442 : memref<1x4x128xi32, #tpu.memory_space<vmem>> -> memref<4x128xi32, #tpu.memory_space<vmem>>
        %dma_start3A_444 = arith.constant 0 : i32
        %dma_start3A_445 = tpu.memref_slice %arg2[%div3A_434, %mul3A_438, %dma_start3A_444] : memref<200x32x128xi32, #tpu.memory_space<hbm>> -> memref<1x4x128xi32, #tpu.memory_space<hbm>>
        %dma_start3A_446 = tpu.memref_squeeze %dma_start3A_445 : memref<1x4x128xi32, #tpu.memory_space<hbm>> -> memref<4x128xi32, #tpu.memory_space<hbm>>
        %dma_start3A_447 = tpu.memref_slice %arg15[%dma_start3A_439] : memref<3x!tpu.dma_semaphore, #tpu.memory_space<semaphore_mem>> -> memref<1x!tpu.dma_semaphore, #tpu.memory_space<semaphore_mem>>
        %dma_start3A_448 = tpu.memref_squeeze %dma_start3A_447 : memref<1x!tpu.dma_semaphore, #tpu.memory_space<semaphore_mem>> -> memref<!tpu.dma_semaphore, #tpu.memory_space<semaphore_mem>>
        %dma_start3A_449 = arith.constant 0 : i32
        %dma_start3A_450 = arith.constant 0 : i32
        %dma_start3A_451 = tpu.memref_slice %arg6[%dma_start3A, %dma_start3A_449, %dma_start3A_450] : memref<3x4x128xi32, #tpu.memory_space<vmem>> -> memref<1x4x128xi32, #tpu.memory_space<vmem>>
        %dma_start3A_452 = tpu.memref_squeeze %dma_start3A_451 : memref<1x4x128xi32, #tpu.memory_space<vmem>> -> memref<4x128xi32, #tpu.memory_space<vmem>>
        %dma_start3A_453 = arith.constant 0 : i32
        %dma_start3A_454 = tpu.memref_slice %arg2[%div3A_434, %mul3A_438, %dma_start3A_453] : memref<200x32x128xi32, #tpu.memory_space<hbm>> -> memref<1x4x128xi32, #tpu.memory_space<hbm>>
        %dma_start3A_455 = tpu.memref_squeeze %dma_start3A_454 : memref<1x4x128xi32, #tpu.memory_space<hbm>> -> memref<4x128xi32, #tpu.memory_space<hbm>>
        tpu.enqueue_dma source(%dma_start3A_455 : memref<4x128xi32, #tpu.memory_space<hbm>>) target(%dma_start3A_452 : memref<4x128xi32, #tpu.memory_space<vmem>>) target_semaphore(%dma_start3A_448 : memref<!tpu.dma_semaphore, #tpu.memory_space<semaphore_mem>>)
      } else {
      }
      %mul3A_337 = arith.constant 3 : i32
      %mul3A_338 = arith.muli %scan3A_240, %mul3A_337 : i32
      %add3A_339 = arith.constant 1 : i32
      %add3A_340 = arith.addi %mul3A_338, %add3A_339 : i32
      %eq3A_341 = arith.constant 0 : i32
      %eq3A_342 = arith.cmpi eq, %add3A_340, %eq3A_341 : i32
      %convert_element_type3A_343 = arith.extui %eq3A_342 : i1 to i32
      %cond3A_344 = arith.constant 0 : i32
      %cond3A_345 = arith.cmpi ne, %convert_element_type3A_343, %cond3A_344 : i32
      scf.if %cond3A_345 {
        %add3A_430 = arith.constant 0 : i32
        %add3A_431 = arith.addi %mul3A_2, %add3A_430 : i32
        %div3A_432 = arith.constant 8 : i32
        %div3A_433 = arith.divsi %add3A_431, %div3A_432 : i32
        %rem3A_434 = arith.constant 8 : i32
        %rem3A_435 = arith.remsi %add3A_431, %rem3A_434 : i32
        %mul3A_436 = arith.constant 4 : i32
        %mul3A_437 = arith.muli %rem3A_435, %mul3A_436 : i32
        %dma_start3A = arith.constant 0 : i32
        %dma_start3A_438 = arith.constant 0 : i32
        %dma_start3A_439 = arith.constant 0 : i32
        %dma_start3A_440 = arith.constant 0 : i32
        %dma_start3A_441 = tpu.memref_slice %arg6[%dma_start3A, %dma_start3A_439, %dma_start3A_440] : memref<3x4x128xi32, #tpu.memory_space<vmem>> -> memref<1x4x128xi32, #tpu.memory_space<vmem>>
        %dma_start3A_442 = tpu.memref_squeeze %dma_start3A_441 : memref<1x4x128xi32, #tpu.memory_space<vmem>> -> memref<4x128xi32, #tpu.memory_space<vmem>>
        %dma_start3A_443 = arith.constant 0 : i32
        %dma_start3A_444 = tpu.memref_slice %arg2[%div3A_433, %mul3A_437, %dma_start3A_443] : memref<200x32x128xi32, #tpu.memory_space<hbm>> -> memref<1x4x128xi32, #tpu.memory_space<hbm>>
        %dma_start3A_445 = tpu.memref_squeeze %dma_start3A_444 : memref<1x4x128xi32, #tpu.memory_space<hbm>> -> memref<4x128xi32, #tpu.memory_space<hbm>>
        %dma_start3A_446 = tpu.memref_slice %arg15[%dma_start3A_438] : memref<3x!tpu.dma_semaphore, #tpu.memory_space<semaphore_mem>> -> memref<1x!tpu.dma_semaphore, #tpu.memory_space<semaphore_mem>>
        %dma_start3A_447 = tpu.memref_squeeze %dma_start3A_446 : memref<1x!tpu.dma_semaphore, #tpu.memory_space<semaphore_mem>> -> memref<!tpu.dma_semaphore, #tpu.memory_space<semaphore_mem>>
        %dma_start3A_448 = arith.constant 0 : i32
        %dma_start3A_449 = arith.constant 0 : i32
        %dma_start3A_450 = tpu.memref_slice %arg6[%dma_start3A, %dma_start3A_448, %dma_start3A_449] : memref<3x4x128xi32, #tpu.memory_space<vmem>> -> memref<1x4x128xi32, #tpu.memory_space<vmem>>
        %dma_start3A_451 = tpu.memref_squeeze %dma_start3A_450 : memref<1x4x128xi32, #tpu.memory_space<vmem>> -> memref<4x128xi32, #tpu.memory_space<vmem>>
        %dma_start3A_452 = arith.constant 0 : i32
        %dma_start3A_453 = tpu.memref_slice %arg2[%div3A_433, %mul3A_437, %dma_start3A_452] : memref<200x32x128xi32, #tpu.memory_space<hbm>> -> memref<1x4x128xi32, #tpu.memory_space<hbm>>
        %dma_start3A_454 = tpu.memref_squeeze %dma_start3A_453 : memref<1x4x128xi32, #tpu.memory_space<hbm>> -> memref<4x128xi32, #tpu.memory_space<hbm>>
        tpu.enqueue_dma source(%dma_start3A_454 : memref<4x128xi32, #tpu.memory_space<hbm>>) target(%dma_start3A_451 : memref<4x128xi32, #tpu.memory_space<vmem>>) target_semaphore(%dma_start3A_447 : memref<!tpu.dma_semaphore, #tpu.memory_space<semaphore_mem>>)
      } else {
      }
      %lt3A_346 = arith.constant 50 : i32
      %lt3A_347 = arith.cmpi slt, %add3A_340, %lt3A_346 : i32
      %convert_element_type3A_348 = arith.extui %lt3A_347 : i1 to i32
      %cond3A_349 = arith.constant 0 : i32
      %cond3A_350 = arith.cmpi ne, %convert_element_type3A_348, %cond3A_349 : i32
      scf.if %cond3A_350 {
        %ge3A_430 = arith.constant 3 : i32
        %ge3A_431 = arith.cmpi sge, %add3A_340, %ge3A_430 : i32
        %convert_element_type3A_432 = arith.extui %ge3A_431 : i1 to i32
        %cond3A_433 = arith.constant 0 : i32
        %cond3A_434 = arith.cmpi ne, %convert_element_type3A_432, %cond3A_433 : i32
        scf.if %cond3A_434 {
          %sub3A_515 = arith.constant 3 : i32
          %sub3A_516 = arith.subi %add3A_340, %sub3A_515 : i32
          %add3A_517 = arith.addi %mul3A_2, %sub3A_516 : i32
          %div3A_518 = arith.constant 8 : i32
          %div3A_519 = arith.divsi %add3A_517, %div3A_518 : i32
          %rem3A_520 = arith.constant 8 : i32
          %rem3A_521 = arith.remsi %add3A_517, %rem3A_520 : i32
          %mul3A_522 = arith.constant 32 : i32
          %mul3A_523 = arith.muli %rem3A_521, %mul3A_522 : i32
          %mul3A_524 = arith.constant 32 : i32
          %mul3A_525 = arith.muli %rem3A_521, %mul3A_524 : i32
          %mul3A_526 = arith.constant 32 : i32
          %mul3A_527 = arith.muli %rem3A_521, %mul3A_526 : i32
          %mul3A_528 = arith.constant 32 : i32
          %mul3A_529 = arith.muli %rem3A_521, %mul3A_528 : i32
          %dma_wait3A_530 = arith.constant 0 : i32
          %dma_wait3A_531 = arith.constant 1 : i32
          %dma_wait3A_532 = arith.constant 0 : i32
          %dma_wait3A_533 = arith.constant 0 : i32
          %dma_wait3A_534 = tpu.memref_slice %arg11[%dma_wait3A_532, %dma_wait3A_533] : memref<128x129xf32, #tpu.memory_space<vmem>> -> memref<32x128xf32, #tpu.memory_space<vmem>>
          %dma_wait3A_535 = arith.constant 0 : i32
          %dma_wait3A_536 = tpu.memref_slice %arg5[%div3A_519, %dma_wait3A_530, %mul3A_523, %dma_wait3A_535] : memref<200x4x256x128xf32, #tpu.memory_space<hbm>> -> memref<1x1x32x128xf32, #tpu.memory_space<hbm>>
          %dma_wait3A_537 = tpu.memref_squeeze %dma_wait3A_536 : memref<1x1x32x128xf32, #tpu.memory_space<hbm>> -> memref<32x128xf32, #tpu.memory_space<hbm>>
          %dma_wait3A_538 = tpu.memref_slice %arg14[%dma_wait3A_531] : memref<3x!tpu.dma_semaphore, #tpu.memory_space<semaphore_mem>> -> memref<1x!tpu.dma_semaphore, #tpu.memory_space<semaphore_mem>>
          %dma_wait3A_539 = tpu.memref_squeeze %dma_wait3A_538 : memref<1x!tpu.dma_semaphore, #tpu.memory_space<semaphore_mem>> -> memref<!tpu.dma_semaphore, #tpu.memory_space<semaphore_mem>>
          %dma_wait3A_540 = arith.constant 0 : i32
          %dma_wait3A_541 = tpu.memref_slice %arg5[%div3A_519, %dma_wait3A_530, %mul3A_523, %dma_wait3A_540] : memref<200x4x256x128xf32, #tpu.memory_space<hbm>> -> memref<1x1x32x128xf32, #tpu.memory_space<hbm>>
          %dma_wait3A_542 = tpu.memref_squeeze %dma_wait3A_541 : memref<1x1x32x128xf32, #tpu.memory_space<hbm>> -> memref<32x128xf32, #tpu.memory_space<hbm>>
          %dma_wait3A_543 = arith.constant 0 : i32
          %dma_wait3A_544 = arith.constant 0 : i32
          %dma_wait3A_545 = tpu.memref_slice %arg11[%dma_wait3A_543, %dma_wait3A_544] : memref<128x129xf32, #tpu.memory_space<vmem>> -> memref<32x128xf32, #tpu.memory_space<vmem>>
          tpu.wait_dma2 semaphore(%dma_wait3A_539 : memref<!tpu.dma_semaphore, #tpu.memory_space<semaphore_mem>>) src(%dma_wait3A_545 : memref<32x128xf32, #tpu.memory_space<vmem>>) dst(%dma_wait3A_542 : memref<32x128xf32, #tpu.memory_space<hbm>>)
          %dma_wait3A_546 = arith.constant 1 : i32
          %dma_wait3A_547 = arith.constant 1 : i32
          %dma_wait3A_548 = arith.constant 32 : i32
          %dma_wait3A_549 = arith.constant 0 : i32
          %dma_wait3A_550 = tpu.memref_slice %arg11[%dma_wait3A_548, %dma_wait3A_549] : memref<128x129xf32, #tpu.memory_space<vmem>> -> memref<32x128xf32, #tpu.memory_space<vmem>>
          %dma_wait3A_551 = arith.constant 0 : i32
          %dma_wait3A_552 = tpu.memref_slice %arg5[%div3A_519, %dma_wait3A_546, %mul3A_525, %dma_wait3A_551] : memref<200x4x256x128xf32, #tpu.memory_space<hbm>> -> memref<1x1x32x128xf32, #tpu.memory_space<hbm>>
          %dma_wait3A_553 = tpu.memref_squeeze %dma_wait3A_552 : memref<1x1x32x128xf32, #tpu.memory_space<hbm>> -> memref<32x128xf32, #tpu.memory_space<hbm>>
          %dma_wait3A_554 = tpu.memref_slice %arg14[%dma_wait3A_547] : memref<3x!tpu.dma_semaphore, #tpu.memory_space<semaphore_mem>> -> memref<1x!tpu.dma_semaphore, #tpu.memory_space<semaphore_mem>>
          %dma_wait3A_555 = tpu.memref_squeeze %dma_wait3A_554 : memref<1x!tpu.dma_semaphore, #tpu.memory_space<semaphore_mem>> -> memref<!tpu.dma_semaphore, #tpu.memory_space<semaphore_mem>>
          %dma_wait3A_556 = arith.constant 0 : i32
          %dma_wait3A_557 = tpu.memref_slice %arg5[%div3A_519, %dma_wait3A_546, %mul3A_525, %dma_wait3A_556] : memref<200x4x256x128xf32, #tpu.memory_space<hbm>> -> memref<1x1x32x128xf32, #tpu.memory_space<hbm>>
          %dma_wait3A_558 = tpu.memref_squeeze %dma_wait3A_557 : memref<1x1x32x128xf32, #tpu.memory_space<hbm>> -> memref<32x128xf32, #tpu.memory_space<hbm>>
          %dma_wait3A_559 = arith.constant 32 : i32
          %dma_wait3A_560 = arith.constant 0 : i32
          %dma_wait3A_561 = tpu.memref_slice %arg11[%dma_wait3A_559, %dma_wait3A_560] : memref<128x129xf32, #tpu.memory_space<vmem>> -> memref<32x128xf32, #tpu.memory_space<vmem>>
          tpu.wait_dma2 semaphore(%dma_wait3A_555 : memref<!tpu.dma_semaphore, #tpu.memory_space<semaphore_mem>>) src(%dma_wait3A_561 : memref<32x128xf32, #tpu.memory_space<vmem>>) dst(%dma_wait3A_558 : memref<32x128xf32, #tpu.memory_space<hbm>>)
          %dma_wait3A_562 = arith.constant 2 : i32
          %dma_wait3A_563 = arith.constant 1 : i32
          %dma_wait3A_564 = arith.constant 64 : i32
          %dma_wait3A_565 = arith.constant 0 : i32
          %dma_wait3A_566 = tpu.memref_slice %arg11[%dma_wait3A_564, %dma_wait3A_565] : memref<128x129xf32, #tpu.memory_space<vmem>> -> memref<32x128xf32, #tpu.memory_space<vmem>>
          %dma_wait3A_567 = arith.constant 0 : i32
          %dma_wait3A_568 = tpu.memref_slice %arg5[%div3A_519, %dma_wait3A_562, %mul3A_527, %dma_wait3A_567] : memref<200x4x256x128xf32, #tpu.memory_space<hbm>> -> memref<1x1x32x128xf32, #tpu.memory_space<hbm>>
          %dma_wait3A_569 = tpu.memref_squeeze %dma_wait3A_568 : memref<1x1x32x128xf32, #tpu.memory_space<hbm>> -> memref<32x128xf32, #tpu.memory_space<hbm>>
          %dma_wait3A_570 = tpu.memref_slice %arg14[%dma_wait3A_563] : memref<3x!tpu.dma_semaphore, #tpu.memory_space<semaphore_mem>> -> memref<1x!tpu.dma_semaphore, #tpu.memory_space<semaphore_mem>>
          %dma_wait3A_571 = tpu.memref_squeeze %dma_wait3A_570 : memref<1x!tpu.dma_semaphore, #tpu.memory_space<semaphore_mem>> -> memref<!tpu.dma_semaphore, #tpu.memory_space<semaphore_mem>>
          %dma_wait3A_572 = arith.constant 0 : i32
          %dma_wait3A_573 = tpu.memref_slice %arg5[%div3A_519, %dma_wait3A_562, %mul3A_527, %dma_wait3A_572] : memref<200x4x256x128xf32, #tpu.memory_space<hbm>> -> memref<1x1x32x128xf32, #tpu.memory_space<hbm>>
          %dma_wait3A_574 = tpu.memref_squeeze %dma_wait3A_573 : memref<1x1x32x128xf32, #tpu.memory_space<hbm>> -> memref<32x128xf32, #tpu.memory_space<hbm>>
          %dma_wait3A_575 = arith.constant 64 : i32
          %dma_wait3A_576 = arith.constant 0 : i32
          %dma_wait3A_577 = tpu.memref_slice %arg11[%dma_wait3A_575, %dma_wait3A_576] : memref<128x129xf32, #tpu.memory_space<vmem>> -> memref<32x128xf32, #tpu.memory_space<vmem>>
          tpu.wait_dma2 semaphore(%dma_wait3A_571 : memref<!tpu.dma_semaphore, #tpu.memory_space<semaphore_mem>>) src(%dma_wait3A_577 : memref<32x128xf32, #tpu.memory_space<vmem>>) dst(%dma_wait3A_574 : memref<32x128xf32, #tpu.memory_space<hbm>>)
          %dma_wait3A_578 = arith.constant 3 : i32
          %dma_wait3A_579 = arith.constant 1 : i32
          %dma_wait3A_580 = arith.constant 96 : i32
          %dma_wait3A_581 = arith.constant 0 : i32
          %dma_wait3A_582 = tpu.memref_slice %arg11[%dma_wait3A_580, %dma_wait3A_581] : memref<128x129xf32, #tpu.memory_space<vmem>> -> memref<32x128xf32, #tpu.memory_space<vmem>>
          %dma_wait3A_583 = arith.constant 0 : i32
          %dma_wait3A_584 = tpu.memref_slice %arg5[%div3A_519, %dma_wait3A_578, %mul3A_529, %dma_wait3A_583] : memref<200x4x256x128xf32, #tpu.memory_space<hbm>> -> memref<1x1x32x128xf32, #tpu.memory_space<hbm>>
          %dma_wait3A_585 = tpu.memref_squeeze %dma_wait3A_584 : memref<1x1x32x128xf32, #tpu.memory_space<hbm>> -> memref<32x128xf32, #tpu.memory_space<hbm>>
          %dma_wait3A_586 = tpu.memref_slice %arg14[%dma_wait3A_579] : memref<3x!tpu.dma_semaphore, #tpu.memory_space<semaphore_mem>> -> memref<1x!tpu.dma_semaphore, #tpu.memory_space<semaphore_mem>>
          %dma_wait3A_587 = tpu.memref_squeeze %dma_wait3A_586 : memref<1x!tpu.dma_semaphore, #tpu.memory_space<semaphore_mem>> -> memref<!tpu.dma_semaphore, #tpu.memory_space<semaphore_mem>>
          %dma_wait3A_588 = arith.constant 0 : i32
          %dma_wait3A_589 = tpu.memref_slice %arg5[%div3A_519, %dma_wait3A_578, %mul3A_529, %dma_wait3A_588] : memref<200x4x256x128xf32, #tpu.memory_space<hbm>> -> memref<1x1x32x128xf32, #tpu.memory_space<hbm>>
          %dma_wait3A_590 = tpu.memref_squeeze %dma_wait3A_589 : memref<1x1x32x128xf32, #tpu.memory_space<hbm>> -> memref<32x128xf32, #tpu.memory_space<hbm>>
          %dma_wait3A_591 = arith.constant 96 : i32
          %dma_wait3A_592 = arith.constant 0 : i32
          %dma_wait3A_593 = tpu.memref_slice %arg11[%dma_wait3A_591, %dma_wait3A_592] : memref<128x129xf32, #tpu.memory_space<vmem>> -> memref<32x128xf32, #tpu.memory_space<vmem>>
          tpu.wait_dma2 semaphore(%dma_wait3A_587 : memref<!tpu.dma_semaphore, #tpu.memory_space<semaphore_mem>>) src(%dma_wait3A_593 : memref<32x128xf32, #tpu.memory_space<vmem>>) dst(%dma_wait3A_590 : memref<32x128xf32, #tpu.memory_space<hbm>>)
        } else {
        }
        %add3A_435 = arith.addi %mul3A_2, %add3A_340 : i32
        %div3A_436 = arith.constant 8 : i32
        %div3A_437 = arith.divsi %add3A_435, %div3A_436 : i32
        %rem3A_438 = arith.constant 8 : i32
        %rem3A_439 = arith.remsi %add3A_435, %rem3A_438 : i32
        %mul3A_440 = arith.constant 4 : i32
        %mul3A_441 = arith.muli %rem3A_439, %mul3A_440 : i32
        %dma_wait3A_442 = arith.constant 1 : i32
        %dma_wait3A_443 = arith.constant 1 : i32
        %dma_wait3A_444 = arith.constant 0 : i32
        %dma_wait3A_445 = arith.constant 0 : i32
        %dma_wait3A_446 = tpu.memref_slice %arg6[%dma_wait3A_442, %dma_wait3A_444, %dma_wait3A_445] : memref<3x4x128xi32, #tpu.memory_space<vmem>> -> memref<1x4x128xi32, #tpu.memory_space<vmem>>
        %dma_wait3A_447 = tpu.memref_squeeze %dma_wait3A_446 : memref<1x4x128xi32, #tpu.memory_space<vmem>> -> memref<4x128xi32, #tpu.memory_space<vmem>>
        %dma_wait3A_448 = arith.constant 0 : i32
        %dma_wait3A_449 = tpu.memref_slice %arg2[%div3A_437, %mul3A_441, %dma_wait3A_448] : memref<200x32x128xi32, #tpu.memory_space<hbm>> -> memref<1x4x128xi32, #tpu.memory_space<hbm>>
        %dma_wait3A_450 = tpu.memref_squeeze %dma_wait3A_449 : memref<1x4x128xi32, #tpu.memory_space<hbm>> -> memref<4x128xi32, #tpu.memory_space<hbm>>
        %dma_wait3A_451 = tpu.memref_slice %arg15[%dma_wait3A_443] : memref<3x!tpu.dma_semaphore, #tpu.memory_space<semaphore_mem>> -> memref<1x!tpu.dma_semaphore, #tpu.memory_space<semaphore_mem>>
        %dma_wait3A_452 = tpu.memref_squeeze %dma_wait3A_451 : memref<1x!tpu.dma_semaphore, #tpu.memory_space<semaphore_mem>> -> memref<!tpu.dma_semaphore, #tpu.memory_space<semaphore_mem>>
        %dma_wait3A_453 = arith.constant 0 : i32
        %dma_wait3A_454 = arith.constant 0 : i32
        %dma_wait3A_455 = tpu.memref_slice %arg6[%dma_wait3A_442, %dma_wait3A_453, %dma_wait3A_454] : memref<3x4x128xi32, #tpu.memory_space<vmem>> -> memref<1x4x128xi32, #tpu.memory_space<vmem>>
        %dma_wait3A_456 = tpu.memref_squeeze %dma_wait3A_455 : memref<1x4x128xi32, #tpu.memory_space<vmem>> -> memref<4x128xi32, #tpu.memory_space<vmem>>
        %dma_wait3A_457 = arith.constant 0 : i32
        %dma_wait3A_458 = tpu.memref_slice %arg2[%div3A_437, %mul3A_441, %dma_wait3A_457] : memref<200x32x128xi32, #tpu.memory_space<hbm>> -> memref<1x4x128xi32, #tpu.memory_space<hbm>>
        %dma_wait3A_459 = tpu.memref_squeeze %dma_wait3A_458 : memref<1x4x128xi32, #tpu.memory_space<hbm>> -> memref<4x128xi32, #tpu.memory_space<hbm>>
        tpu.wait_dma2 semaphore(%dma_wait3A_452 : memref<!tpu.dma_semaphore, #tpu.memory_space<semaphore_mem>>) src(%dma_wait3A_459 : memref<4x128xi32, #tpu.memory_space<hbm>>) dst(%dma_wait3A_456 : memref<4x128xi32, #tpu.memory_space<vmem>>)
        %dma_start3A = arith.constant 1 : i32
        %dma_start3A_460 = arith.constant 0 : i32
        %dma_start3A_461 = arith.constant 1 : i32
        %dma_start3A_462 = arith.constant 0 : i32
        %dma_start3A_463 = arith.constant 0 : i32
        %dma_start3A_464 = tpu.memref_slice %arg8[%dma_start3A_462, %dma_start3A_463] : memref<512x32xf32, #tpu.memory_space<vmem>> -> memref<128x32xf32, #tpu.memory_space<vmem>>
        %dma_start3A_465 = arith.constant 0 : i32
        %dma_start3A_466 = tpu.memref_slice %arg6[%dma_start3A, %dma_start3A_460, %dma_start3A_465] : memref<3x4x128xi32, #tpu.memory_space<vmem>> -> memref<1x1x128xi32, #tpu.memory_space<vmem>>
        %dma_start3A_467 = tpu.memref_squeeze %dma_start3A_466 : memref<1x1x128xi32, #tpu.memory_space<vmem>> -> memref<128xi32, #tpu.memory_space<vmem>>
        %dma_start3A_468 = arith.constant 0 : i32
        %dma_start3A_469 = arith.constant 0 : i32
        %dma_start3A_470 = tpu.memref_slice %arg3[%dma_start3A_468, %dma_start3A_469] : memref<1000000x32xf32, #tpu.memory_space<hbm>> -> memref<1000000x32xf32, #tpu.memory_space<hbm>>
        %dma_start3A_471 = tpu.memref_slice %arg13[%dma_start3A_461] : memref<3x!tpu.dma_semaphore, #tpu.memory_space<semaphore_mem>> -> memref<1x!tpu.dma_semaphore, #tpu.memory_space<semaphore_mem>>
        %dma_start3A_472 = tpu.memref_squeeze %dma_start3A_471 : memref<1x!tpu.dma_semaphore, #tpu.memory_space<semaphore_mem>> -> memref<!tpu.dma_semaphore, #tpu.memory_space<semaphore_mem>>
        tpu.enqueue_indirect_dma source(%dma_start3A_470 : memref<1000000x32xf32, #tpu.memory_space<hbm>>) target(%dma_start3A_464 : memref<128x32xf32, #tpu.memory_space<vmem>>) offsets(%dma_start3A_467 : memref<128xi32, #tpu.memory_space<vmem>>) semaphore(%dma_start3A_472 : memref<!tpu.dma_semaphore, #tpu.memory_space<semaphore_mem>>)
        %dma_start3A_473 = arith.constant 1 : i32
        %dma_start3A_474 = arith.constant 1 : i32
        %dma_start3A_475 = arith.constant 1 : i32
        %dma_start3A_476 = arith.constant 128 : i32
        %dma_start3A_477 = arith.constant 0 : i32
        %dma_start3A_478 = tpu.memref_slice %arg8[%dma_start3A_476, %dma_start3A_477] : memref<512x32xf32, #tpu.memory_space<vmem>> -> memref<128x32xf32, #tpu.memory_space<vmem>>
        %dma_start3A_479 = arith.constant 0 : i32
        %dma_start3A_480 = tpu.memref_slice %arg6[%dma_start3A_473, %dma_start3A_474, %dma_start3A_479] : memref<3x4x128xi32, #tpu.memory_space<vmem>> -> memref<1x1x128xi32, #tpu.memory_space<vmem>>
        %dma_start3A_481 = tpu.memref_squeeze %dma_start3A_480 : memref<1x1x128xi32, #tpu.memory_space<vmem>> -> memref<128xi32, #tpu.memory_space<vmem>>
        %dma_start3A_482 = arith.constant 0 : i32
        %dma_start3A_483 = arith.constant 0 : i32
        %dma_start3A_484 = tpu.memref_slice %arg3[%dma_start3A_482, %dma_start3A_483] : memref<1000000x32xf32, #tpu.memory_space<hbm>> -> memref<1000000x32xf32, #tpu.memory_space<hbm>>
        %dma_start3A_485 = tpu.memref_slice %arg13[%dma_start3A_475] : memref<3x!tpu.dma_semaphore, #tpu.memory_space<semaphore_mem>> -> memref<1x!tpu.dma_semaphore, #tpu.memory_space<semaphore_mem>>
        %dma_start3A_486 = tpu.memref_squeeze %dma_start3A_485 : memref<1x!tpu.dma_semaphore, #tpu.memory_space<semaphore_mem>> -> memref<!tpu.dma_semaphore, #tpu.memory_space<semaphore_mem>>
        tpu.enqueue_indirect_dma source(%dma_start3A_484 : memref<1000000x32xf32, #tpu.memory_space<hbm>>) target(%dma_start3A_478 : memref<128x32xf32, #tpu.memory_space<vmem>>) offsets(%dma_start3A_481 : memref<128xi32, #tpu.memory_space<vmem>>) semaphore(%dma_start3A_486 : memref<!tpu.dma_semaphore, #tpu.memory_space<semaphore_mem>>)
        %dma_start3A_487 = arith.constant 1 : i32
        %dma_start3A_488 = arith.constant 2 : i32
        %dma_start3A_489 = arith.constant 1 : i32
        %dma_start3A_490 = arith.constant 256 : i32
        %dma_start3A_491 = arith.constant 0 : i32
        %dma_start3A_492 = tpu.memref_slice %arg8[%dma_start3A_490, %dma_start3A_491] : memref<512x32xf32, #tpu.memory_space<vmem>> -> memref<128x32xf32, #tpu.memory_space<vmem>>
        %dma_start3A_493 = arith.constant 0 : i32
        %dma_start3A_494 = tpu.memref_slice %arg6[%dma_start3A_487, %dma_start3A_488, %dma_start3A_493] : memref<3x4x128xi32, #tpu.memory_space<vmem>> -> memref<1x1x128xi32, #tpu.memory_space<vmem>>
        %dma_start3A_495 = tpu.memref_squeeze %dma_start3A_494 : memref<1x1x128xi32, #tpu.memory_space<vmem>> -> memref<128xi32, #tpu.memory_space<vmem>>
        %dma_start3A_496 = arith.constant 0 : i32
        %dma_start3A_497 = arith.constant 0 : i32
        %dma_start3A_498 = tpu.memref_slice %arg3[%dma_start3A_496, %dma_start3A_497] : memref<1000000x32xf32, #tpu.memory_space<hbm>> -> memref<1000000x32xf32, #tpu.memory_space<hbm>>
        %dma_start3A_499 = tpu.memref_slice %arg13[%dma_start3A_489] : memref<3x!tpu.dma_semaphore, #tpu.memory_space<semaphore_mem>> -> memref<1x!tpu.dma_semaphore, #tpu.memory_space<semaphore_mem>>
        %dma_start3A_500 = tpu.memref_squeeze %dma_start3A_499 : memref<1x!tpu.dma_semaphore, #tpu.memory_space<semaphore_mem>> -> memref<!tpu.dma_semaphore, #tpu.memory_space<semaphore_mem>>
        tpu.enqueue_indirect_dma source(%dma_start3A_498 : memref<1000000x32xf32, #tpu.memory_space<hbm>>) target(%dma_start3A_492 : memref<128x32xf32, #tpu.memory_space<vmem>>) offsets(%dma_start3A_495 : memref<128xi32, #tpu.memory_space<vmem>>) semaphore(%dma_start3A_500 : memref<!tpu.dma_semaphore, #tpu.memory_space<semaphore_mem>>)
        %dma_start3A_501 = arith.constant 1 : i32
        %dma_start3A_502 = arith.constant 3 : i32
        %dma_start3A_503 = arith.constant 1 : i32
        %dma_start3A_504 = arith.constant 384 : i32
        %dma_start3A_505 = arith.constant 0 : i32
        %dma_start3A_506 = tpu.memref_slice %arg8[%dma_start3A_504, %dma_start3A_505] : memref<512x32xf32, #tpu.memory_space<vmem>> -> memref<128x32xf32, #tpu.memory_space<vmem>>
        %dma_start3A_507 = arith.constant 0 : i32
        %dma_start3A_508 = tpu.memref_slice %arg6[%dma_start3A_501, %dma_start3A_502, %dma_start3A_507] : memref<3x4x128xi32, #tpu.memory_space<vmem>> -> memref<1x1x128xi32, #tpu.memory_space<vmem>>
        %dma_start3A_509 = tpu.memref_squeeze %dma_start3A_508 : memref<1x1x128xi32, #tpu.memory_space<vmem>> -> memref<128xi32, #tpu.memory_space<vmem>>
        %dma_start3A_510 = arith.constant 0 : i32
        %dma_start3A_511 = arith.constant 0 : i32
        %dma_start3A_512 = tpu.memref_slice %arg3[%dma_start3A_510, %dma_start3A_511] : memref<1000000x32xf32, #tpu.memory_space<hbm>> -> memref<1000000x32xf32, #tpu.memory_space<hbm>>
        %dma_start3A_513 = tpu.memref_slice %arg13[%dma_start3A_503] : memref<3x!tpu.dma_semaphore, #tpu.memory_space<semaphore_mem>> -> memref<1x!tpu.dma_semaphore, #tpu.memory_space<semaphore_mem>>
        %dma_start3A_514 = tpu.memref_squeeze %dma_start3A_513 : memref<1x!tpu.dma_semaphore, #tpu.memory_space<semaphore_mem>> -> memref<!tpu.dma_semaphore, #tpu.memory_space<semaphore_mem>>
        tpu.enqueue_indirect_dma source(%dma_start3A_512 : memref<1000000x32xf32, #tpu.memory_space<hbm>>) target(%dma_start3A_506 : memref<128x32xf32, #tpu.memory_space<vmem>>) offsets(%dma_start3A_509 : memref<128xi32, #tpu.memory_space<vmem>>) semaphore(%dma_start3A_514 : memref<!tpu.dma_semaphore, #tpu.memory_space<semaphore_mem>>)
      } else {
      }
      %ge3A_351 = arith.constant 1 : i32
      %ge3A_352 = arith.cmpi sge, %add3A_340, %ge3A_351 : i32
      %sub3A_353 = arith.constant 1 : i32
      %sub3A_354 = arith.subi %add3A_340, %sub3A_353 : i32
      %lt3A_355 = arith.constant 50 : i32
      %lt3A_356 = arith.cmpi slt, %sub3A_354, %lt3A_355 : i32
      %and3A_357 = arith.andi %ge3A_352, %lt3A_356 : i1
      %convert_element_type3A_358 = arith.extui %and3A_357 : i1 to i32
      %cond3A_359 = arith.constant 0 : i32
      %cond3A_360 = arith.cmpi ne, %convert_element_type3A_358, %cond3A_359 : i32
      scf.if %cond3A_360 {
        %dma_wait3A_430 = arith.constant 0 : i32
        %dma_wait3A_431 = arith.constant 0 : i32
        %dma_wait3A_432 = arith.constant 0 : i32
        %dma_wait3A_433 = arith.constant 0 : i32
        %dma_wait3A_434 = arith.constant 0 : i32
        %dma_wait3A_435 = tpu.memref_slice %arg7[%dma_wait3A_433, %dma_wait3A_434] : memref<512x32xf32, #tpu.memory_space<vmem>> -> memref<128x32xf32, #tpu.memory_space<vmem>>
        %dma_wait3A_436 = arith.constant 0 : i32
        %dma_wait3A_437 = tpu.memref_slice %arg6[%dma_wait3A_430, %dma_wait3A_431, %dma_wait3A_436] : memref<3x4x128xi32, #tpu.memory_space<vmem>> -> memref<1x1x128xi32, #tpu.memory_space<vmem>>
        %dma_wait3A_438 = tpu.memref_squeeze %dma_wait3A_437 : memref<1x1x128xi32, #tpu.memory_space<vmem>> -> memref<128xi32, #tpu.memory_space<vmem>>
        %dma_wait3A_439 = arith.constant 0 : i32
        %dma_wait3A_440 = arith.constant 0 : i32
        %dma_wait3A_441 = tpu.memref_slice %arg3[%dma_wait3A_439, %dma_wait3A_440] : memref<1000000x32xf32, #tpu.memory_space<hbm>> -> memref<1000000x32xf32, #tpu.memory_space<hbm>>
        %dma_wait3A_442 = tpu.memref_slice %arg13[%dma_wait3A_432] : memref<3x!tpu.dma_semaphore, #tpu.memory_space<semaphore_mem>> -> memref<1x!tpu.dma_semaphore, #tpu.memory_space<semaphore_mem>>
        %dma_wait3A_443 = tpu.memref_squeeze %dma_wait3A_442 : memref<1x!tpu.dma_semaphore, #tpu.memory_space<semaphore_mem>> -> memref<!tpu.dma_semaphore, #tpu.memory_space<semaphore_mem>>
        tpu.wait_indirect_dma semaphore(%dma_wait3A_443 : memref<!tpu.dma_semaphore, #tpu.memory_space<semaphore_mem>>) src(%dma_wait3A_441 : memref<1000000x32xf32, #tpu.memory_space<hbm>>) dst(%dma_wait3A_435 : memref<128x32xf32, #tpu.memory_space<vmem>>)
        %dma_start3A = arith.constant 0 : i32
        %dma_start3A_444 = arith.constant 0 : i32
        %dma_start3A_445 = arith.constant 0 : i32
        %dma_start3A_446 = arith.constant 0 : i32
        %dma_start3A_447 = arith.constant 0 : i32
        %dma_start3A_448 = tpu.memref_slice %arg7[%dma_start3A_446, %dma_start3A_447] : memref<512x32xf32, #tpu.memory_space<vmem>> -> memref<128x32xf32, #tpu.memory_space<vmem>>
        %dma_start3A_449 = arith.constant 0 : i32
        %dma_start3A_450 = tpu.memref_slice %arg6[%dma_start3A, %dma_start3A_444, %dma_start3A_449] : memref<3x4x128xi32, #tpu.memory_space<vmem>> -> memref<1x1x128xi32, #tpu.memory_space<vmem>>
        %dma_start3A_451 = tpu.memref_squeeze %dma_start3A_450 : memref<1x1x128xi32, #tpu.memory_space<vmem>> -> memref<128xi32, #tpu.memory_space<vmem>>
        %dma_start3A_452 = arith.constant 0 : i32
        %dma_start3A_453 = arith.constant 0 : i32
        %dma_start3A_454 = tpu.memref_slice %arg4[%dma_start3A_452, %dma_start3A_453] : memref<1000000x32xf32, #tpu.memory_space<hbm>> -> memref<1000000x32xf32, #tpu.memory_space<hbm>>
        %dma_start3A_455 = tpu.memref_slice %arg13[%dma_start3A_445] : memref<3x!tpu.dma_semaphore, #tpu.memory_space<semaphore_mem>> -> memref<1x!tpu.dma_semaphore, #tpu.memory_space<semaphore_mem>>
        %dma_start3A_456 = tpu.memref_squeeze %dma_start3A_455 : memref<1x!tpu.dma_semaphore, #tpu.memory_space<semaphore_mem>> -> memref<!tpu.dma_semaphore, #tpu.memory_space<semaphore_mem>>
        tpu.enqueue_indirect_dma source(%dma_start3A_454 : memref<1000000x32xf32, #tpu.memory_space<hbm>>) target(%dma_start3A_448 : memref<128x32xf32, #tpu.memory_space<vmem>>) offsets(%dma_start3A_451 : memref<128xi32, #tpu.memory_space<vmem>>) semaphore(%dma_start3A_456 : memref<!tpu.dma_semaphore, #tpu.memory_space<semaphore_mem>>) {add = true}
        %dma_wait3A_457 = arith.constant 0 : i32
        %dma_wait3A_458 = arith.constant 1 : i32
        %dma_wait3A_459 = arith.constant 0 : i32
        %dma_wait3A_460 = arith.constant 128 : i32
        %dma_wait3A_461 = arith.constant 0 : i32
        %dma_wait3A_462 = tpu.memref_slice %arg7[%dma_wait3A_460, %dma_wait3A_461] : memref<512x32xf32, #tpu.memory_space<vmem>> -> memref<128x32xf32, #tpu.memory_space<vmem>>
        %dma_wait3A_463 = arith.constant 0 : i32
        %dma_wait3A_464 = tpu.memref_slice %arg6[%dma_wait3A_457, %dma_wait3A_458, %dma_wait3A_463] : memref<3x4x128xi32, #tpu.memory_space<vmem>> -> memref<1x1x128xi32, #tpu.memory_space<vmem>>
        %dma_wait3A_465 = tpu.memref_squeeze %dma_wait3A_464 : memref<1x1x128xi32, #tpu.memory_space<vmem>> -> memref<128xi32, #tpu.memory_space<vmem>>
        %dma_wait3A_466 = arith.constant 0 : i32
        %dma_wait3A_467 = arith.constant 0 : i32
        %dma_wait3A_468 = tpu.memref_slice %arg3[%dma_wait3A_466, %dma_wait3A_467] : memref<1000000x32xf32, #tpu.memory_space<hbm>> -> memref<1000000x32xf32, #tpu.memory_space<hbm>>
        %dma_wait3A_469 = tpu.memref_slice %arg13[%dma_wait3A_459] : memref<3x!tpu.dma_semaphore, #tpu.memory_space<semaphore_mem>> -> memref<1x!tpu.dma_semaphore, #tpu.memory_space<semaphore_mem>>
        %dma_wait3A_470 = tpu.memref_squeeze %dma_wait3A_469 : memref<1x!tpu.dma_semaphore, #tpu.memory_space<semaphore_mem>> -> memref<!tpu.dma_semaphore, #tpu.memory_space<semaphore_mem>>
        tpu.wait_indirect_dma semaphore(%dma_wait3A_470 : memref<!tpu.dma_semaphore, #tpu.memory_space<semaphore_mem>>) src(%dma_wait3A_468 : memref<1000000x32xf32, #tpu.memory_space<hbm>>) dst(%dma_wait3A_462 : memref<128x32xf32, #tpu.memory_space<vmem>>)
        %dma_start3A_471 = arith.constant 0 : i32
        %dma_start3A_472 = arith.constant 1 : i32
        %dma_start3A_473 = arith.constant 0 : i32
        %dma_start3A_474 = arith.constant 128 : i32
        %dma_start3A_475 = arith.constant 0 : i32
        %dma_start3A_476 = tpu.memref_slice %arg7[%dma_start3A_474, %dma_start3A_475] : memref<512x32xf32, #tpu.memory_space<vmem>> -> memref<128x32xf32, #tpu.memory_space<vmem>>
        %dma_start3A_477 = arith.constant 0 : i32
        %dma_start3A_478 = tpu.memref_slice %arg6[%dma_start3A_471, %dma_start3A_472, %dma_start3A_477] : memref<3x4x128xi32, #tpu.memory_space<vmem>> -> memref<1x1x128xi32, #tpu.memory_space<vmem>>
        %dma_start3A_479 = tpu.memref_squeeze %dma_start3A_478 : memref<1x1x128xi32, #tpu.memory_space<vmem>> -> memref<128xi32, #tpu.memory_space<vmem>>
        %dma_start3A_480 = arith.constant 0 : i32
        %dma_start3A_481 = arith.constant 0 : i32
        %dma_start3A_482 = tpu.memref_slice %arg4[%dma_start3A_480, %dma_start3A_481] : memref<1000000x32xf32, #tpu.memory_space<hbm>> -> memref<1000000x32xf32, #tpu.memory_space<hbm>>
        %dma_start3A_483 = tpu.memref_slice %arg13[%dma_start3A_473] : memref<3x!tpu.dma_semaphore, #tpu.memory_space<semaphore_mem>> -> memref<1x!tpu.dma_semaphore, #tpu.memory_space<semaphore_mem>>
        %dma_start3A_484 = tpu.memref_squeeze %dma_start3A_483 : memref<1x!tpu.dma_semaphore, #tpu.memory_space<semaphore_mem>> -> memref<!tpu.dma_semaphore, #tpu.memory_space<semaphore_mem>>
        tpu.enqueue_indirect_dma source(%dma_start3A_482 : memref<1000000x32xf32, #tpu.memory_space<hbm>>) target(%dma_start3A_476 : memref<128x32xf32, #tpu.memory_space<vmem>>) offsets(%dma_start3A_479 : memref<128xi32, #tpu.memory_space<vmem>>) semaphore(%dma_start3A_484 : memref<!tpu.dma_semaphore, #tpu.memory_space<semaphore_mem>>) {add = true}
        %dma_wait3A_485 = arith.constant 0 : i32
        %dma_wait3A_486 = arith.constant 2 : i32
        %dma_wait3A_487 = arith.constant 0 : i32
        %dma_wait3A_488 = arith.constant 256 : i32
        %dma_wait3A_489 = arith.constant 0 : i32
        %dma_wait3A_490 = tpu.memref_slice %arg7[%dma_wait3A_488, %dma_wait3A_489] : memref<512x32xf32, #tpu.memory_space<vmem>> -> memref<128x32xf32, #tpu.memory_space<vmem>>
        %dma_wait3A_491 = arith.constant 0 : i32
        %dma_wait3A_492 = tpu.memref_slice %arg6[%dma_wait3A_485, %dma_wait3A_486, %dma_wait3A_491] : memref<3x4x128xi32, #tpu.memory_space<vmem>> -> memref<1x1x128xi32, #tpu.memory_space<vmem>>
        %dma_wait3A_493 = tpu.memref_squeeze %dma_wait3A_492 : memref<1x1x128xi32, #tpu.memory_space<vmem>> -> memref<128xi32, #tpu.memory_space<vmem>>
        %dma_wait3A_494 = arith.constant 0 : i32
        %dma_wait3A_495 = arith.constant 0 : i32
        %dma_wait3A_496 = tpu.memref_slice %arg3[%dma_wait3A_494, %dma_wait3A_495] : memref<1000000x32xf32, #tpu.memory_space<hbm>> -> memref<1000000x32xf32, #tpu.memory_space<hbm>>
        %dma_wait3A_497 = tpu.memref_slice %arg13[%dma_wait3A_487] : memref<3x!tpu.dma_semaphore, #tpu.memory_space<semaphore_mem>> -> memref<1x!tpu.dma_semaphore, #tpu.memory_space<semaphore_mem>>
        %dma_wait3A_498 = tpu.memref_squeeze %dma_wait3A_497 : memref<1x!tpu.dma_semaphore, #tpu.memory_space<semaphore_mem>> -> memref<!tpu.dma_semaphore, #tpu.memory_space<semaphore_mem>>
        tpu.wait_indirect_dma semaphore(%dma_wait3A_498 : memref<!tpu.dma_semaphore, #tpu.memory_space<semaphore_mem>>) src(%dma_wait3A_496 : memref<1000000x32xf32, #tpu.memory_space<hbm>>) dst(%dma_wait3A_490 : memref<128x32xf32, #tpu.memory_space<vmem>>)
        %dma_start3A_499 = arith.constant 0 : i32
        %dma_start3A_500 = arith.constant 2 : i32
        %dma_start3A_501 = arith.constant 0 : i32
        %dma_start3A_502 = arith.constant 256 : i32
        %dma_start3A_503 = arith.constant 0 : i32
        %dma_start3A_504 = tpu.memref_slice %arg7[%dma_start3A_502, %dma_start3A_503] : memref<512x32xf32, #tpu.memory_space<vmem>> -> memref<128x32xf32, #tpu.memory_space<vmem>>
        %dma_start3A_505 = arith.constant 0 : i32
        %dma_start3A_506 = tpu.memref_slice %arg6[%dma_start3A_499, %dma_start3A_500, %dma_start3A_505] : memref<3x4x128xi32, #tpu.memory_space<vmem>> -> memref<1x1x128xi32, #tpu.memory_space<vmem>>
        %dma_start3A_507 = tpu.memref_squeeze %dma_start3A_506 : memref<1x1x128xi32, #tpu.memory_space<vmem>> -> memref<128xi32, #tpu.memory_space<vmem>>
        %dma_start3A_508 = arith.constant 0 : i32
        %dma_start3A_509 = arith.constant 0 : i32
        %dma_start3A_510 = tpu.memref_slice %arg4[%dma_start3A_508, %dma_start3A_509] : memref<1000000x32xf32, #tpu.memory_space<hbm>> -> memref<1000000x32xf32, #tpu.memory_space<hbm>>
        %dma_start3A_511 = tpu.memref_slice %arg13[%dma_start3A_501] : memref<3x!tpu.dma_semaphore, #tpu.memory_space<semaphore_mem>> -> memref<1x!tpu.dma_semaphore, #tpu.memory_space<semaphore_mem>>
        %dma_start3A_512 = tpu.memref_squeeze %dma_start3A_511 : memref<1x!tpu.dma_semaphore, #tpu.memory_space<semaphore_mem>> -> memref<!tpu.dma_semaphore, #tpu.memory_space<semaphore_mem>>
        tpu.enqueue_indirect_dma source(%dma_start3A_510 : memref<1000000x32xf32, #tpu.memory_space<hbm>>) target(%dma_start3A_504 : memref<128x32xf32, #tpu.memory_space<vmem>>) offsets(%dma_start3A_507 : memref<128xi32, #tpu.memory_space<vmem>>) semaphore(%dma_start3A_512 : memref<!tpu.dma_semaphore, #tpu.memory_space<semaphore_mem>>) {add = true}
        %dma_wait3A_513 = arith.constant 0 : i32
        %dma_wait3A_514 = arith.constant 3 : i32
        %dma_wait3A_515 = arith.constant 0 : i32
        %dma_wait3A_516 = arith.constant 384 : i32
        %dma_wait3A_517 = arith.constant 0 : i32
        %dma_wait3A_518 = tpu.memref_slice %arg7[%dma_wait3A_516, %dma_wait3A_517] : memref<512x32xf32, #tpu.memory_space<vmem>> -> memref<128x32xf32, #tpu.memory_space<vmem>>
        %dma_wait3A_519 = arith.constant 0 : i32
        %dma_wait3A_520 = tpu.memref_slice %arg6[%dma_wait3A_513, %dma_wait3A_514, %dma_wait3A_519] : memref<3x4x128xi32, #tpu.memory_space<vmem>> -> memref<1x1x128xi32, #tpu.memory_space<vmem>>
        %dma_wait3A_521 = tpu.memref_squeeze %dma_wait3A_520 : memref<1x1x128xi32, #tpu.memory_space<vmem>> -> memref<128xi32, #tpu.memory_space<vmem>>
        %dma_wait3A_522 = arith.constant 0 : i32
        %dma_wait3A_523 = arith.constant 0 : i32
        %dma_wait3A_524 = tpu.memref_slice %arg3[%dma_wait3A_522, %dma_wait3A_523] : memref<1000000x32xf32, #tpu.memory_space<hbm>> -> memref<1000000x32xf32, #tpu.memory_space<hbm>>
        %dma_wait3A_525 = tpu.memref_slice %arg13[%dma_wait3A_515] : memref<3x!tpu.dma_semaphore, #tpu.memory_space<semaphore_mem>> -> memref<1x!tpu.dma_semaphore, #tpu.memory_space<semaphore_mem>>
        %dma_wait3A_526 = tpu.memref_squeeze %dma_wait3A_525 : memref<1x!tpu.dma_semaphore, #tpu.memory_space<semaphore_mem>> -> memref<!tpu.dma_semaphore, #tpu.memory_space<semaphore_mem>>
        tpu.wait_indirect_dma semaphore(%dma_wait3A_526 : memref<!tpu.dma_semaphore, #tpu.memory_space<semaphore_mem>>) src(%dma_wait3A_524 : memref<1000000x32xf32, #tpu.memory_space<hbm>>) dst(%dma_wait3A_518 : memref<128x32xf32, #tpu.memory_space<vmem>>)
        %dma_start3A_527 = arith.constant 0 : i32
        %dma_start3A_528 = arith.constant 3 : i32
        %dma_start3A_529 = arith.constant 0 : i32
        %dma_start3A_530 = arith.constant 384 : i32
        %dma_start3A_531 = arith.constant 0 : i32
        %dma_start3A_532 = tpu.memref_slice %arg7[%dma_start3A_530, %dma_start3A_531] : memref<512x32xf32, #tpu.memory_space<vmem>> -> memref<128x32xf32, #tpu.memory_space<vmem>>
        %dma_start3A_533 = arith.constant 0 : i32
        %dma_start3A_534 = tpu.memref_slice %arg6[%dma_start3A_527, %dma_start3A_528, %dma_start3A_533] : memref<3x4x128xi32, #tpu.memory_space<vmem>> -> memref<1x1x128xi32, #tpu.memory_space<vmem>>
        %dma_start3A_535 = tpu.memref_squeeze %dma_start3A_534 : memref<1x1x128xi32, #tpu.memory_space<vmem>> -> memref<128xi32, #tpu.memory_space<vmem>>
        %dma_start3A_536 = arith.constant 0 : i32
        %dma_start3A_537 = arith.constant 0 : i32
        %dma_start3A_538 = tpu.memref_slice %arg4[%dma_start3A_536, %dma_start3A_537] : memref<1000000x32xf32, #tpu.memory_space<hbm>> -> memref<1000000x32xf32, #tpu.memory_space<hbm>>
        %dma_start3A_539 = tpu.memref_slice %arg13[%dma_start3A_529] : memref<3x!tpu.dma_semaphore, #tpu.memory_space<semaphore_mem>> -> memref<1x!tpu.dma_semaphore, #tpu.memory_space<semaphore_mem>>
        %dma_start3A_540 = tpu.memref_squeeze %dma_start3A_539 : memref<1x!tpu.dma_semaphore, #tpu.memory_space<semaphore_mem>> -> memref<!tpu.dma_semaphore, #tpu.memory_space<semaphore_mem>>
        tpu.enqueue_indirect_dma source(%dma_start3A_538 : memref<1000000x32xf32, #tpu.memory_space<hbm>>) target(%dma_start3A_532 : memref<128x32xf32, #tpu.memory_space<vmem>>) offsets(%dma_start3A_535 : memref<128xi32, #tpu.memory_space<vmem>>) semaphore(%dma_start3A_540 : memref<!tpu.dma_semaphore, #tpu.memory_space<semaphore_mem>>) {add = true}
      } else {
      }
      %ge3A_361 = arith.constant 2 : i32
      %ge3A_362 = arith.cmpi sge, %add3A_340, %ge3A_361 : i32
      %sub3A_363 = arith.constant 2 : i32
      %sub3A_364 = arith.subi %add3A_340, %sub3A_363 : i32
      %lt3A_365 = arith.constant 50 : i32
      %lt3A_366 = arith.cmpi slt, %sub3A_364, %lt3A_365 : i32
      %and3A_367 = arith.andi %ge3A_362, %lt3A_366 : i1
      %convert_element_type3A_368 = arith.extui %and3A_367 : i1 to i32
      %cond3A_369 = arith.constant 0 : i32
      %cond3A_370 = arith.cmpi ne, %convert_element_type3A_368, %cond3A_369 : i32
      scf.if %cond3A_370 {
        %dma_wait3A_430 = arith.constant 2 : i32
        %dma_wait3A_431 = arith.constant 0 : i32
        %dma_wait3A_432 = arith.constant 2 : i32
        %dma_wait3A_433 = arith.constant 0 : i32
        %dma_wait3A_434 = arith.constant 0 : i32
        %dma_wait3A_435 = tpu.memref_slice %arg9[%dma_wait3A_433, %dma_wait3A_434] : memref<512x32xf32, #tpu.memory_space<vmem>> -> memref<128x32xf32, #tpu.memory_space<vmem>>
        %dma_wait3A_436 = arith.constant 0 : i32
        %dma_wait3A_437 = tpu.memref_slice %arg6[%dma_wait3A_430, %dma_wait3A_431, %dma_wait3A_436] : memref<3x4x128xi32, #tpu.memory_space<vmem>> -> memref<1x1x128xi32, #tpu.memory_space<vmem>>
        %dma_wait3A_438 = tpu.memref_squeeze %dma_wait3A_437 : memref<1x1x128xi32, #tpu.memory_space<vmem>> -> memref<128xi32, #tpu.memory_space<vmem>>
        %dma_wait3A_439 = arith.constant 0 : i32
        %dma_wait3A_440 = arith.constant 0 : i32
        %dma_wait3A_441 = tpu.memref_slice %arg4[%dma_wait3A_439, %dma_wait3A_440] : memref<1000000x32xf32, #tpu.memory_space<hbm>> -> memref<1000000x32xf32, #tpu.memory_space<hbm>>
        %dma_wait3A_442 = tpu.memref_slice %arg13[%dma_wait3A_432] : memref<3x!tpu.dma_semaphore, #tpu.memory_space<semaphore_mem>> -> memref<1x!tpu.dma_semaphore, #tpu.memory_space<semaphore_mem>>
        %dma_wait3A_443 = tpu.memref_squeeze %dma_wait3A_442 : memref<1x!tpu.dma_semaphore, #tpu.memory_space<semaphore_mem>> -> memref<!tpu.dma_semaphore, #tpu.memory_space<semaphore_mem>>
        tpu.wait_indirect_dma semaphore(%dma_wait3A_443 : memref<!tpu.dma_semaphore, #tpu.memory_space<semaphore_mem>>) src(%dma_wait3A_441 : memref<1000000x32xf32, #tpu.memory_space<hbm>>) dst(%dma_wait3A_435 : memref<128x32xf32, #tpu.memory_space<vmem>>)
        %dma_wait3A_444 = arith.constant 2 : i32
        %dma_wait3A_445 = arith.constant 1 : i32
        %dma_wait3A_446 = arith.constant 2 : i32
        %dma_wait3A_447 = arith.constant 128 : i32
        %dma_wait3A_448 = arith.constant 0 : i32
        %dma_wait3A_449 = tpu.memref_slice %arg9[%dma_wait3A_447, %dma_wait3A_448] : memref<512x32xf32, #tpu.memory_space<vmem>> -> memref<128x32xf32, #tpu.memory_space<vmem>>
        %dma_wait3A_450 = arith.constant 0 : i32
        %dma_wait3A_451 = tpu.memref_slice %arg6[%dma_wait3A_444, %dma_wait3A_445, %dma_wait3A_450] : memref<3x4x128xi32, #tpu.memory_space<vmem>> -> memref<1x1x128xi32, #tpu.memory_space<vmem>>
        %dma_wait3A_452 = tpu.memref_squeeze %dma_wait3A_451 : memref<1x1x128xi32, #tpu.memory_space<vmem>> -> memref<128xi32, #tpu.memory_space<vmem>>
        %dma_wait3A_453 = arith.constant 0 : i32
        %dma_wait3A_454 = arith.constant 0 : i32
        %dma_wait3A_455 = tpu.memref_slice %arg4[%dma_wait3A_453, %dma_wait3A_454] : memref<1000000x32xf32, #tpu.memory_space<hbm>> -> memref<1000000x32xf32, #tpu.memory_space<hbm>>
        %dma_wait3A_456 = tpu.memref_slice %arg13[%dma_wait3A_446] : memref<3x!tpu.dma_semaphore, #tpu.memory_space<semaphore_mem>> -> memref<1x!tpu.dma_semaphore, #tpu.memory_space<semaphore_mem>>
        %dma_wait3A_457 = tpu.memref_squeeze %dma_wait3A_456 : memref<1x!tpu.dma_semaphore, #tpu.memory_space<semaphore_mem>> -> memref<!tpu.dma_semaphore, #tpu.memory_space<semaphore_mem>>
        tpu.wait_indirect_dma semaphore(%dma_wait3A_457 : memref<!tpu.dma_semaphore, #tpu.memory_space<semaphore_mem>>) src(%dma_wait3A_455 : memref<1000000x32xf32, #tpu.memory_space<hbm>>) dst(%dma_wait3A_449 : memref<128x32xf32, #tpu.memory_space<vmem>>)
        %dma_wait3A_458 = arith.constant 2 : i32
        %dma_wait3A_459 = arith.constant 2 : i32
        %dma_wait3A_460 = arith.constant 2 : i32
        %dma_wait3A_461 = arith.constant 256 : i32
        %dma_wait3A_462 = arith.constant 0 : i32
        %dma_wait3A_463 = tpu.memref_slice %arg9[%dma_wait3A_461, %dma_wait3A_462] : memref<512x32xf32, #tpu.memory_space<vmem>> -> memref<128x32xf32, #tpu.memory_space<vmem>>
        %dma_wait3A_464 = arith.constant 0 : i32
        %dma_wait3A_465 = tpu.memref_slice %arg6[%dma_wait3A_458, %dma_wait3A_459, %dma_wait3A_464] : memref<3x4x128xi32, #tpu.memory_space<vmem>> -> memref<1x1x128xi32, #tpu.memory_space<vmem>>
        %dma_wait3A_466 = tpu.memref_squeeze %dma_wait3A_465 : memref<1x1x128xi32, #tpu.memory_space<vmem>> -> memref<128xi32, #tpu.memory_space<vmem>>
        %dma_wait3A_467 = arith.constant 0 : i32
        %dma_wait3A_468 = arith.constant 0 : i32
        %dma_wait3A_469 = tpu.memref_slice %arg4[%dma_wait3A_467, %dma_wait3A_468] : memref<1000000x32xf32, #tpu.memory_space<hbm>> -> memref<1000000x32xf32, #tpu.memory_space<hbm>>
        %dma_wait3A_470 = tpu.memref_slice %arg13[%dma_wait3A_460] : memref<3x!tpu.dma_semaphore, #tpu.memory_space<semaphore_mem>> -> memref<1x!tpu.dma_semaphore, #tpu.memory_space<semaphore_mem>>
        %dma_wait3A_471 = tpu.memref_squeeze %dma_wait3A_470 : memref<1x!tpu.dma_semaphore, #tpu.memory_space<semaphore_mem>> -> memref<!tpu.dma_semaphore, #tpu.memory_space<semaphore_mem>>
        tpu.wait_indirect_dma semaphore(%dma_wait3A_471 : memref<!tpu.dma_semaphore, #tpu.memory_space<semaphore_mem>>) src(%dma_wait3A_469 : memref<1000000x32xf32, #tpu.memory_space<hbm>>) dst(%dma_wait3A_463 : memref<128x32xf32, #tpu.memory_space<vmem>>)
        %dma_wait3A_472 = arith.constant 2 : i32
        %dma_wait3A_473 = arith.constant 3 : i32
        %dma_wait3A_474 = arith.constant 2 : i32
        %dma_wait3A_475 = arith.constant 384 : i32
        %dma_wait3A_476 = arith.constant 0 : i32
        %dma_wait3A_477 = tpu.memref_slice %arg9[%dma_wait3A_475, %dma_wait3A_476] : memref<512x32xf32, #tpu.memory_space<vmem>> -> memref<128x32xf32, #tpu.memory_space<vmem>>
        %dma_wait3A_478 = arith.constant 0 : i32
        %dma_wait3A_479 = tpu.memref_slice %arg6[%dma_wait3A_472, %dma_wait3A_473, %dma_wait3A_478] : memref<3x4x128xi32, #tpu.memory_space<vmem>> -> memref<1x1x128xi32, #tpu.memory_space<vmem>>
        %dma_wait3A_480 = tpu.memref_squeeze %dma_wait3A_479 : memref<1x1x128xi32, #tpu.memory_space<vmem>> -> memref<128xi32, #tpu.memory_space<vmem>>
        %dma_wait3A_481 = arith.constant 0 : i32
        %dma_wait3A_482 = arith.constant 0 : i32
        %dma_wait3A_483 = tpu.memref_slice %arg4[%dma_wait3A_481, %dma_wait3A_482] : memref<1000000x32xf32, #tpu.memory_space<hbm>> -> memref<1000000x32xf32, #tpu.memory_space<hbm>>
        %dma_wait3A_484 = tpu.memref_slice %arg13[%dma_wait3A_474] : memref<3x!tpu.dma_semaphore, #tpu.memory_space<semaphore_mem>> -> memref<1x!tpu.dma_semaphore, #tpu.memory_space<semaphore_mem>>
        %dma_wait3A_485 = tpu.memref_squeeze %dma_wait3A_484 : memref<1x!tpu.dma_semaphore, #tpu.memory_space<semaphore_mem>> -> memref<!tpu.dma_semaphore, #tpu.memory_space<semaphore_mem>>
        tpu.wait_indirect_dma semaphore(%dma_wait3A_485 : memref<!tpu.dma_semaphore, #tpu.memory_space<semaphore_mem>>) src(%dma_wait3A_483 : memref<1000000x32xf32, #tpu.memory_space<hbm>>) dst(%dma_wait3A_477 : memref<128x32xf32, #tpu.memory_space<vmem>>)
        %parallel_loop3A = arith.constant 0 : i32
        %parallel_loop3A_486 = arith.constant 64 : i32
        %parallel_loop3A_487 = arith.constant 1 : i32
        scf.for %parallel_loop3A_566 = %parallel_loop3A to %parallel_loop3A_486 step %parallel_loop3A_487  : i32 {
          %parallel_loop3A_567 = arith.constant 8 : i32
          %parallel_loop3A_568 = arith.muli %parallel_loop3A_566, %parallel_loop3A_567 : i32
          %parallel_loop3A_569 = arith.constant 16 : i32
          %parallel_loop3A_570 = arith.divsi %parallel_loop3A_566, %parallel_loop3A_569 : i32
          %parallel_loop3A_571 = arith.constant 8 : i32
          %parallel_loop3A_572 = arith.muli %parallel_loop3A_570, %parallel_loop3A_571 : i32
          %parallel_loop3A_573 = vector.broadcast %parallel_loop3A_572 : i32 to vector<16xi32>
          %parallel_loop3A_574 = arith.addi %add3A_290, %parallel_loop3A_573 : vector<16xi32>
          %parallel_loop3A_575 = arith.constant 8 : i32
          %parallel_loop3A_576 = arith.muli %parallel_loop3A_570, %parallel_loop3A_575 : i32
          %parallel_loop3A_577 = vector.broadcast %parallel_loop3A_576 : i32 to vector<16xi32>
          %parallel_loop3A_578 = arith.addi %add3A_293, %parallel_loop3A_577 : vector<16xi32>
          %parallel_loop3A_579 = arith.constant 128 : i32
          %parallel_loop3A_580 = arith.muli %parallel_loop3A_570, %parallel_loop3A_579 : i32
          %parallel_loop3A_581 = arith.subi %parallel_loop3A_568, %parallel_loop3A_580 : i32
          %parallel_loop3A_582 = vector.broadcast %parallel_loop3A_581 : i32 to vector<16xi32>
          %parallel_loop3A_583 = arith.constant 0 : i32
          %parallel_loop3A_584 = arith.addi %parallel_loop3A_568, %parallel_loop3A_583 : i32
          %parallel_loop3A_585 = arith.index_cast %parallel_loop3A_584 : i32 to index
          %parallel_loop3A_586 = arith.constant 0 : index
          %parallel_loop3A_587 = tpu.vector_load %arg9[%parallel_loop3A_585, %parallel_loop3A_586] {strides = array<i32>} : memref<512x32xf32, #tpu.memory_space<vmem>>, vector<16xf32>,
          %parallel_loop3A_588 = arith.constant 0 : i32
          %parallel_loop3A_589 = arith.addi %parallel_loop3A_568, %parallel_loop3A_588 : i32
          %parallel_loop3A_590 = arith.index_cast %parallel_loop3A_589 : i32 to index
          %parallel_loop3A_591 = arith.constant 16 : index
          %parallel_loop3A_592 = tpu.vector_load %arg9[%parallel_loop3A_590, %parallel_loop3A_591] {strides = array<i32>} : memref<512x32xf32, #tpu.memory_space<vmem>>, vector<16xf32>,
          %parallel_loop3A_593 = arith.constant 0 : i32
          %parallel_loop3A_594 = vector.broadcast %parallel_loop3A_593 : i32 to vector<16xi32>
          %parallel_loop3A_595 = arith.addi %parallel_loop3A_582, %parallel_loop3A_594 : vector<16xi32>
          tpu.vector_store_idx %arg12[%parallel_loop3A_574, %parallel_loop3A_595], %parallel_loop3A_587 : memref<128x129xf32, #tpu.memory_space<vmem>>[vector<16xi32>, vector<16xi32>], vector<16xf32>,
          tpu.vector_store_idx %arg12[%parallel_loop3A_578, %parallel_loop3A_595], %parallel_loop3A_592 : memref<128x129xf32, #tpu.memory_space<vmem>>[vector<16xi32>, vector<16xi32>], vector<16xf32>,
          %parallel_loop3A_596 = arith.constant 1 : i32
          %parallel_loop3A_597 = arith.addi %parallel_loop3A_568, %parallel_loop3A_596 : i32
          %parallel_loop3A_598 = arith.index_cast %parallel_loop3A_597 : i32 to index
          %parallel_loop3A_599 = arith.constant 0 : index
          %parallel_loop3A_600 = tpu.vector_load %arg9[%parallel_loop3A_598, %parallel_loop3A_599] {strides = array<i32>} : memref<512x32xf32, #tpu.memory_space<vmem>>, vector<16xf32>,
          %parallel_loop3A_601 = arith.constant 1 : i32
          %parallel_loop3A_602 = arith.addi %parallel_loop3A_568, %parallel_loop3A_601 : i32
          %parallel_loop3A_603 = arith.index_cast %parallel_loop3A_602 : i32 to index
          %parallel_loop3A_604 = arith.constant 16 : index
          %parallel_loop3A_605 = tpu.vector_load %arg9[%parallel_loop3A_603, %parallel_loop3A_604] {strides = array<i32>} : memref<512x32xf32, #tpu.memory_space<vmem>>, vector<16xf32>,
          %parallel_loop3A_606 = arith.constant 1 : i32
          %parallel_loop3A_607 = vector.broadcast %parallel_loop3A_606 : i32 to vector<16xi32>
          %parallel_loop3A_608 = arith.addi %parallel_loop3A_582, %parallel_loop3A_607 : vector<16xi32>
          tpu.vector_store_idx %arg12[%parallel_loop3A_574, %parallel_loop3A_608], %parallel_loop3A_600 : memref<128x129xf32, #tpu.memory_space<vmem>>[vector<16xi32>, vector<16xi32>], vector<16xf32>,
          tpu.vector_store_idx %arg12[%parallel_loop3A_578, %parallel_loop3A_608], %parallel_loop3A_605 : memref<128x129xf32, #tpu.memory_space<vmem>>[vector<16xi32>, vector<16xi32>], vector<16xf32>,
          %parallel_loop3A_609 = arith.constant 2 : i32
          %parallel_loop3A_610 = arith.addi %parallel_loop3A_568, %parallel_loop3A_609 : i32
          %parallel_loop3A_611 = arith.index_cast %parallel_loop3A_610 : i32 to index
          %parallel_loop3A_612 = arith.constant 0 : index
          %parallel_loop3A_613 = tpu.vector_load %arg9[%parallel_loop3A_611, %parallel_loop3A_612] {strides = array<i32>} : memref<512x32xf32, #tpu.memory_space<vmem>>, vector<16xf32>,
          %parallel_loop3A_614 = arith.constant 2 : i32
          %parallel_loop3A_615 = arith.addi %parallel_loop3A_568, %parallel_loop3A_614 : i32
          %parallel_loop3A_616 = arith.index_cast %parallel_loop3A_615 : i32 to index
          %parallel_loop3A_617 = arith.constant 16 : index
          %parallel_loop3A_618 = tpu.vector_load %arg9[%parallel_loop3A_616, %parallel_loop3A_617] {strides = array<i32>} : memref<512x32xf32, #tpu.memory_space<vmem>>, vector<16xf32>,
          %parallel_loop3A_619 = arith.constant 2 : i32
          %parallel_loop3A_620 = vector.broadcast %parallel_loop3A_619 : i32 to vector<16xi32>
          %parallel_loop3A_621 = arith.addi %parallel_loop3A_582, %parallel_loop3A_620 : vector<16xi32>
          tpu.vector_store_idx %arg12[%parallel_loop3A_574, %parallel_loop3A_621], %parallel_loop3A_613 : memref<128x129xf32, #tpu.memory_space<vmem>>[vector<16xi32>, vector<16xi32>], vector<16xf32>,
          tpu.vector_store_idx %arg12[%parallel_loop3A_578, %parallel_loop3A_621], %parallel_loop3A_618 : memref<128x129xf32, #tpu.memory_space<vmem>>[vector<16xi32>, vector<16xi32>], vector<16xf32>,
          %parallel_loop3A_622 = arith.constant 3 : i32
          %parallel_loop3A_623 = arith.addi %parallel_loop3A_568, %parallel_loop3A_622 : i32
          %parallel_loop3A_624 = arith.index_cast %parallel_loop3A_623 : i32 to index
          %parallel_loop3A_625 = arith.constant 0 : index
          %parallel_loop3A_626 = tpu.vector_load %arg9[%parallel_loop3A_624, %parallel_loop3A_625] {strides = array<i32>} : memref<512x32xf32, #tpu.memory_space<vmem>>, vector<16xf32>,
          %parallel_loop3A_627 = arith.constant 3 : i32
          %parallel_loop3A_628 = arith.addi %parallel_loop3A_568, %parallel_loop3A_627 : i32
          %parallel_loop3A_629 = arith.index_cast %parallel_loop3A_628 : i32 to index
          %parallel_loop3A_630 = arith.constant 16 : index
          %parallel_loop3A_631 = tpu.vector_load %arg9[%parallel_loop3A_629, %parallel_loop3A_630] {strides = array<i32>} : memref<512x32xf32, #tpu.memory_space<vmem>>, vector<16xf32>,
          %parallel_loop3A_632 = arith.constant 3 : i32
          %parallel_loop3A_633 = vector.broadcast %parallel_loop3A_632 : i32 to vector<16xi32>
          %parallel_loop3A_634 = arith.addi %parallel_loop3A_582, %parallel_loop3A_633 : vector<16xi32>
          tpu.vector_store_idx %arg12[%parallel_loop3A_574, %parallel_loop3A_634], %parallel_loop3A_626 : memref<128x129xf32, #tpu.memory_space<vmem>>[vector<16xi32>, vector<16xi32>], vector<16xf32>,
          tpu.vector_store_idx %arg12[%parallel_loop3A_578, %parallel_loop3A_634], %parallel_loop3A_631 : memref<128x129xf32, #tpu.memory_space<vmem>>[vector<16xi32>, vector<16xi32>], vector<16xf32>,
          %parallel_loop3A_635 = arith.constant 4 : i32
          %parallel_loop3A_636 = arith.addi %parallel_loop3A_568, %parallel_loop3A_635 : i32
          %parallel_loop3A_637 = arith.index_cast %parallel_loop3A_636 : i32 to index
          %parallel_loop3A_638 = arith.constant 0 : index
          %parallel_loop3A_639 = tpu.vector_load %arg9[%parallel_loop3A_637, %parallel_loop3A_638] {strides = array<i32>} : memref<512x32xf32, #tpu.memory_space<vmem>>, vector<16xf32>,
          %parallel_loop3A_640 = arith.constant 4 : i32
          %parallel_loop3A_641 = arith.addi %parallel_loop3A_568, %parallel_loop3A_640 : i32
          %parallel_loop3A_642 = arith.index_cast %parallel_loop3A_641 : i32 to index
          %parallel_loop3A_643 = arith.constant 16 : index
          %parallel_loop3A_644 = tpu.vector_load %arg9[%parallel_loop3A_642, %parallel_loop3A_643] {strides = array<i32>} : memref<512x32xf32, #tpu.memory_space<vmem>>, vector<16xf32>,
          %parallel_loop3A_645 = arith.constant 4 : i32
          %parallel_loop3A_646 = vector.broadcast %parallel_loop3A_645 : i32 to vector<16xi32>
          %parallel_loop3A_647 = arith.addi %parallel_loop3A_582, %parallel_loop3A_646 : vector<16xi32>
          tpu.vector_store_idx %arg12[%parallel_loop3A_574, %parallel_loop3A_647], %parallel_loop3A_639 : memref<128x129xf32, #tpu.memory_space<vmem>>[vector<16xi32>, vector<16xi32>], vector<16xf32>,
          tpu.vector_store_idx %arg12[%parallel_loop3A_578, %parallel_loop3A_647], %parallel_loop3A_644 : memref<128x129xf32, #tpu.memory_space<vmem>>[vector<16xi32>, vector<16xi32>], vector<16xf32>,
          %parallel_loop3A_648 = arith.constant 5 : i32
          %parallel_loop3A_649 = arith.addi %parallel_loop3A_568, %parallel_loop3A_648 : i32
          %parallel_loop3A_650 = arith.index_cast %parallel_loop3A_649 : i32 to index
          %parallel_loop3A_651 = arith.constant 0 : index
          %parallel_loop3A_652 = tpu.vector_load %arg9[%parallel_loop3A_650, %parallel_loop3A_651] {strides = array<i32>} : memref<512x32xf32, #tpu.memory_space<vmem>>, vector<16xf32>,
          %parallel_loop3A_653 = arith.constant 5 : i32
          %parallel_loop3A_654 = arith.addi %parallel_loop3A_568, %parallel_loop3A_653 : i32
          %parallel_loop3A_655 = arith.index_cast %parallel_loop3A_654 : i32 to index
          %parallel_loop3A_656 = arith.constant 16 : index
          %parallel_loop3A_657 = tpu.vector_load %arg9[%parallel_loop3A_655, %parallel_loop3A_656] {strides = array<i32>} : memref<512x32xf32, #tpu.memory_space<vmem>>, vector<16xf32>,
          %parallel_loop3A_658 = arith.constant 5 : i32
          %parallel_loop3A_659 = vector.broadcast %parallel_loop3A_658 : i32 to vector<16xi32>
          %parallel_loop3A_660 = arith.addi %parallel_loop3A_582, %parallel_loop3A_659 : vector<16xi32>
          tpu.vector_store_idx %arg12[%parallel_loop3A_574, %parallel_loop3A_660], %parallel_loop3A_652 : memref<128x129xf32, #tpu.memory_space<vmem>>[vector<16xi32>, vector<16xi32>], vector<16xf32>,
          tpu.vector_store_idx %arg12[%parallel_loop3A_578, %parallel_loop3A_660], %parallel_loop3A_657 : memref<128x129xf32, #tpu.memory_space<vmem>>[vector<16xi32>, vector<16xi32>], vector<16xf32>,
          %parallel_loop3A_661 = arith.constant 6 : i32
          %parallel_loop3A_662 = arith.addi %parallel_loop3A_568, %parallel_loop3A_661 : i32
          %parallel_loop3A_663 = arith.index_cast %parallel_loop3A_662 : i32 to index
          %parallel_loop3A_664 = arith.constant 0 : index
          %parallel_loop3A_665 = tpu.vector_load %arg9[%parallel_loop3A_663, %parallel_loop3A_664] {strides = array<i32>} : memref<512x32xf32, #tpu.memory_space<vmem>>, vector<16xf32>,
          %parallel_loop3A_666 = arith.constant 6 : i32
          %parallel_loop3A_667 = arith.addi %parallel_loop3A_568, %parallel_loop3A_666 : i32
          %parallel_loop3A_668 = arith.index_cast %parallel_loop3A_667 : i32 to index
          %parallel_loop3A_669 = arith.constant 16 : index
          %parallel_loop3A_670 = tpu.vector_load %arg9[%parallel_loop3A_668, %parallel_loop3A_669] {strides = array<i32>} : memref<512x32xf32, #tpu.memory_space<vmem>>, vector<16xf32>,
          %parallel_loop3A_671 = arith.constant 6 : i32
          %parallel_loop3A_672 = vector.broadcast %parallel_loop3A_671 : i32 to vector<16xi32>
          %parallel_loop3A_673 = arith.addi %parallel_loop3A_582, %parallel_loop3A_672 : vector<16xi32>
          tpu.vector_store_idx %arg12[%parallel_loop3A_574, %parallel_loop3A_673], %parallel_loop3A_665 : memref<128x129xf32, #tpu.memory_space<vmem>>[vector<16xi32>, vector<16xi32>], vector<16xf32>,
          tpu.vector_store_idx %arg12[%parallel_loop3A_578, %parallel_loop3A_673], %parallel_loop3A_670 : memref<128x129xf32, #tpu.memory_space<vmem>>[vector<16xi32>, vector<16xi32>], vector<16xf32>,
          %parallel_loop3A_674 = arith.constant 7 : i32
          %parallel_loop3A_675 = arith.addi %parallel_loop3A_568, %parallel_loop3A_674 : i32
          %parallel_loop3A_676 = arith.index_cast %parallel_loop3A_675 : i32 to index
          %parallel_loop3A_677 = arith.constant 0 : index
          %parallel_loop3A_678 = tpu.vector_load %arg9[%parallel_loop3A_676, %parallel_loop3A_677] {strides = array<i32>} : memref<512x32xf32, #tpu.memory_space<vmem>>, vector<16xf32>,
          %parallel_loop3A_679 = arith.constant 7 : i32
          %parallel_loop3A_680 = arith.addi %parallel_loop3A_568, %parallel_loop3A_679 : i32
          %parallel_loop3A_681 = arith.index_cast %parallel_loop3A_680 : i32 to index
          %parallel_loop3A_682 = arith.constant 16 : index
          %parallel_loop3A_683 = tpu.vector_load %arg9[%parallel_loop3A_681, %parallel_loop3A_682] {strides = array<i32>} : memref<512x32xf32, #tpu.memory_space<vmem>>, vector<16xf32>,
          %parallel_loop3A_684 = arith.constant 7 : i32
          %parallel_loop3A_685 = vector.broadcast %parallel_loop3A_684 : i32 to vector<16xi32>
          %parallel_loop3A_686 = arith.addi %parallel_loop3A_582, %parallel_loop3A_685 : vector<16xi32>
          tpu.vector_store_idx %arg12[%parallel_loop3A_574, %parallel_loop3A_686], %parallel_loop3A_678 : memref<128x129xf32, #tpu.memory_space<vmem>>[vector<16xi32>, vector<16xi32>], vector<16xf32>,
          tpu.vector_store_idx %arg12[%parallel_loop3A_578, %parallel_loop3A_686], %parallel_loop3A_683 : memref<128x129xf32, #tpu.memory_space<vmem>>[vector<16xi32>, vector<16xi32>], vector<16xf32>,
        } {sc.loop_unroll_factor = 2 : i64, sc.parallel_access}
        %sub3A_488 = arith.constant 2 : i32
        %sub3A_489 = arith.subi %add3A_340, %sub3A_488 : i32
        %add3A_490 = arith.addi %mul3A_2, %sub3A_489 : i32
        %div3A_491 = arith.constant 8 : i32
        %div3A_492 = arith.divsi %add3A_490, %div3A_491 : i32
        %rem3A_493 = arith.constant 8 : i32
        %rem3A_494 = arith.remsi %add3A_490, %rem3A_493 : i32
        %mul3A_495 = arith.constant 32 : i32
        %mul3A_496 = arith.muli %rem3A_494, %mul3A_495 : i32
        %mul3A_497 = arith.constant 32 : i32
        %mul3A_498 = arith.muli %rem3A_494, %mul3A_497 : i32
        %mul3A_499 = arith.constant 32 : i32
        %mul3A_500 = arith.muli %rem3A_494, %mul3A_499 : i32
        %mul3A_501 = arith.constant 32 : i32
        %mul3A_502 = arith.muli %rem3A_494, %mul3A_501 : i32
        %dma_start3A = arith.constant 0 : i32
        %dma_start3A_503 = arith.constant 2 : i32
        %dma_start3A_504 = arith.constant 0 : i32
        %dma_start3A_505 = arith.constant 0 : i32
        %dma_start3A_506 = tpu.memref_slice %arg12[%dma_start3A_504, %dma_start3A_505] : memref<128x129xf32, #tpu.memory_space<vmem>> -> memref<32x128xf32, #tpu.memory_space<vmem>>
        %dma_start3A_507 = arith.constant 0 : i32
        %dma_start3A_508 = tpu.memref_slice %arg5[%div3A_492, %dma_start3A, %mul3A_496, %dma_start3A_507] : memref<200x4x256x128xf32, #tpu.memory_space<hbm>> -> memref<1x1x32x128xf32, #tpu.memory_space<hbm>>
        %dma_start3A_509 = tpu.memref_squeeze %dma_start3A_508 : memref<1x1x32x128xf32, #tpu.memory_space<hbm>> -> memref<32x128xf32, #tpu.memory_space<hbm>>
        %dma_start3A_510 = tpu.memref_slice %arg14[%dma_start3A_503] : memref<3x!tpu.dma_semaphore, #tpu.memory_space<semaphore_mem>> -> memref<1x!tpu.dma_semaphore, #tpu.memory_space<semaphore_mem>>
        %dma_start3A_511 = tpu.memref_squeeze %dma_start3A_510 : memref<1x!tpu.dma_semaphore, #tpu.memory_space<semaphore_mem>> -> memref<!tpu.dma_semaphore, #tpu.memory_space<semaphore_mem>>
        %dma_start3A_512 = arith.constant 0 : i32
        %dma_start3A_513 = tpu.memref_slice %arg5[%div3A_492, %dma_start3A, %mul3A_496, %dma_start3A_512] : memref<200x4x256x128xf32, #tpu.memory_space<hbm>> -> memref<1x1x32x128xf32, #tpu.memory_space<hbm>>
        %dma_start3A_514 = tpu.memref_squeeze %dma_start3A_513 : memref<1x1x32x128xf32, #tpu.memory_space<hbm>> -> memref<32x128xf32, #tpu.memory_space<hbm>>
        %dma_start3A_515 = arith.constant 0 : i32
        %dma_start3A_516 = arith.constant 0 : i32
        %dma_start3A_517 = tpu.memref_slice %arg12[%dma_start3A_515, %dma_start3A_516] : memref<128x129xf32, #tpu.memory_space<vmem>> -> memref<32x128xf32, #tpu.memory_space<vmem>>
        tpu.enqueue_dma source(%dma_start3A_517 : memref<32x128xf32, #tpu.memory_space<vmem>>) target(%dma_start3A_514 : memref<32x128xf32, #tpu.memory_space<hbm>>) target_semaphore(%dma_start3A_511 : memref<!tpu.dma_semaphore, #tpu.memory_space<semaphore_mem>>)
        %dma_start3A_518 = arith.constant 1 : i32
        %dma_start3A_519 = arith.constant 2 : i32
        %dma_start3A_520 = arith.constant 32 : i32
        %dma_start3A_521 = arith.constant 0 : i32
        %dma_start3A_522 = tpu.memref_slice %arg12[%dma_start3A_520, %dma_start3A_521] : memref<128x129xf32, #tpu.memory_space<vmem>> -> memref<32x128xf32, #tpu.memory_space<vmem>>
        %dma_start3A_523 = arith.constant 0 : i32
        %dma_start3A_524 = tpu.memref_slice %arg5[%div3A_492, %dma_start3A_518, %mul3A_498, %dma_start3A_523] : memref<200x4x256x128xf32, #tpu.memory_space<hbm>> -> memref<1x1x32x128xf32, #tpu.memory_space<hbm>>
        %dma_start3A_525 = tpu.memref_squeeze %dma_start3A_524 : memref<1x1x32x128xf32, #tpu.memory_space<hbm>> -> memref<32x128xf32, #tpu.memory_space<hbm>>
        %dma_start3A_526 = tpu.memref_slice %arg14[%dma_start3A_519] : memref<3x!tpu.dma_semaphore, #tpu.memory_space<semaphore_mem>> -> memref<1x!tpu.dma_semaphore, #tpu.memory_space<semaphore_mem>>
        %dma_start3A_527 = tpu.memref_squeeze %dma_start3A_526 : memref<1x!tpu.dma_semaphore, #tpu.memory_space<semaphore_mem>> -> memref<!tpu.dma_semaphore, #tpu.memory_space<semaphore_mem>>
        %dma_start3A_528 = arith.constant 0 : i32
        %dma_start3A_529 = tpu.memref_slice %arg5[%div3A_492, %dma_start3A_518, %mul3A_498, %dma_start3A_528] : memref<200x4x256x128xf32, #tpu.memory_space<hbm>> -> memref<1x1x32x128xf32, #tpu.memory_space<hbm>>
        %dma_start3A_530 = tpu.memref_squeeze %dma_start3A_529 : memref<1x1x32x128xf32, #tpu.memory_space<hbm>> -> memref<32x128xf32, #tpu.memory_space<hbm>>
        %dma_start3A_531 = arith.constant 32 : i32
        %dma_start3A_532 = arith.constant 0 : i32
        %dma_start3A_533 = tpu.memref_slice %arg12[%dma_start3A_531, %dma_start3A_532] : memref<128x129xf32, #tpu.memory_space<vmem>> -> memref<32x128xf32, #tpu.memory_space<vmem>>
        tpu.enqueue_dma source(%dma_start3A_533 : memref<32x128xf32, #tpu.memory_space<vmem>>) target(%dma_start3A_530 : memref<32x128xf32, #tpu.memory_space<hbm>>) target_semaphore(%dma_start3A_527 : memref<!tpu.dma_semaphore, #tpu.memory_space<semaphore_mem>>)
        %dma_start3A_534 = arith.constant 2 : i32
        %dma_start3A_535 = arith.constant 2 : i32
        %dma_start3A_536 = arith.constant 64 : i32
        %dma_start3A_537 = arith.constant 0 : i32
        %dma_start3A_538 = tpu.memref_slice %arg12[%dma_start3A_536, %dma_start3A_537] : memref<128x129xf32, #tpu.memory_space<vmem>> -> memref<32x128xf32, #tpu.memory_space<vmem>>
        %dma_start3A_539 = arith.constant 0 : i32
        %dma_start3A_540 = tpu.memref_slice %arg5[%div3A_492, %dma_start3A_534, %mul3A_500, %dma_start3A_539] : memref<200x4x256x128xf32, #tpu.memory_space<hbm>> -> memref<1x1x32x128xf32, #tpu.memory_space<hbm>>
        %dma_start3A_541 = tpu.memref_squeeze %dma_start3A_540 : memref<1x1x32x128xf32, #tpu.memory_space<hbm>> -> memref<32x128xf32, #tpu.memory_space<hbm>>
        %dma_start3A_542 = tpu.memref_slice %arg14[%dma_start3A_535] : memref<3x!tpu.dma_semaphore, #tpu.memory_space<semaphore_mem>> -> memref<1x!tpu.dma_semaphore, #tpu.memory_space<semaphore_mem>>
        %dma_start3A_543 = tpu.memref_squeeze %dma_start3A_542 : memref<1x!tpu.dma_semaphore, #tpu.memory_space<semaphore_mem>> -> memref<!tpu.dma_semaphore, #tpu.memory_space<semaphore_mem>>
        %dma_start3A_544 = arith.constant 0 : i32
        %dma_start3A_545 = tpu.memref_slice %arg5[%div3A_492, %dma_start3A_534, %mul3A_500, %dma_start3A_544] : memref<200x4x256x128xf32, #tpu.memory_space<hbm>> -> memref<1x1x32x128xf32, #tpu.memory_space<hbm>>
        %dma_start3A_546 = tpu.memref_squeeze %dma_start3A_545 : memref<1x1x32x128xf32, #tpu.memory_space<hbm>> -> memref<32x128xf32, #tpu.memory_space<hbm>>
        %dma_start3A_547 = arith.constant 64 : i32
        %dma_start3A_548 = arith.constant 0 : i32
        %dma_start3A_549 = tpu.memref_slice %arg12[%dma_start3A_547, %dma_start3A_548] : memref<128x129xf32, #tpu.memory_space<vmem>> -> memref<32x128xf32, #tpu.memory_space<vmem>>
        tpu.enqueue_dma source(%dma_start3A_549 : memref<32x128xf32, #tpu.memory_space<vmem>>) target(%dma_start3A_546 : memref<32x128xf32, #tpu.memory_space<hbm>>) target_semaphore(%dma_start3A_543 : memref<!tpu.dma_semaphore, #tpu.memory_space<semaphore_mem>>)
        %dma_start3A_550 = arith.constant 3 : i32
        %dma_start3A_551 = arith.constant 2 : i32
        %dma_start3A_552 = arith.constant 96 : i32
        %dma_start3A_553 = arith.constant 0 : i32
        %dma_start3A_554 = tpu.memref_slice %arg12[%dma_start3A_552, %dma_start3A_553] : memref<128x129xf32, #tpu.memory_space<vmem>> -> memref<32x128xf32, #tpu.memory_space<vmem>>
        %dma_start3A_555 = arith.constant 0 : i32
        %dma_start3A_556 = tpu.memref_slice %arg5[%div3A_492, %dma_start3A_550, %mul3A_502, %dma_start3A_555] : memref<200x4x256x128xf32, #tpu.memory_space<hbm>> -> memref<1x1x32x128xf32, #tpu.memory_space<hbm>>
        %dma_start3A_557 = tpu.memref_squeeze %dma_start3A_556 : memref<1x1x32x128xf32, #tpu.memory_space<hbm>> -> memref<32x128xf32, #tpu.memory_space<hbm>>
        %dma_start3A_558 = tpu.memref_slice %arg14[%dma_start3A_551] : memref<3x!tpu.dma_semaphore, #tpu.memory_space<semaphore_mem>> -> memref<1x!tpu.dma_semaphore, #tpu.memory_space<semaphore_mem>>
        %dma_start3A_559 = tpu.memref_squeeze %dma_start3A_558 : memref<1x!tpu.dma_semaphore, #tpu.memory_space<semaphore_mem>> -> memref<!tpu.dma_semaphore, #tpu.memory_space<semaphore_mem>>
        %dma_start3A_560 = arith.constant 0 : i32
        %dma_start3A_561 = tpu.memref_slice %arg5[%div3A_492, %dma_start3A_550, %mul3A_502, %dma_start3A_560] : memref<200x4x256x128xf32, #tpu.memory_space<hbm>> -> memref<1x1x32x128xf32, #tpu.memory_space<hbm>>
        %dma_start3A_562 = tpu.memref_squeeze %dma_start3A_561 : memref<1x1x32x128xf32, #tpu.memory_space<hbm>> -> memref<32x128xf32, #tpu.memory_space<hbm>>
        %dma_start3A_563 = arith.constant 96 : i32
        %dma_start3A_564 = arith.constant 0 : i32
        %dma_start3A_565 = tpu.memref_slice %arg12[%dma_start3A_563, %dma_start3A_564] : memref<128x129xf32, #tpu.memory_space<vmem>> -> memref<32x128xf32, #tpu.memory_space<vmem>>
        tpu.enqueue_dma source(%dma_start3A_565 : memref<32x128xf32, #tpu.memory_space<vmem>>) target(%dma_start3A_562 : memref<32x128xf32, #tpu.memory_space<hbm>>) target_semaphore(%dma_start3A_559 : memref<!tpu.dma_semaphore, #tpu.memory_space<semaphore_mem>>)
      } else {
      }
      %add3A_371 = arith.constant 1 : i32
      %add3A_372 = arith.addi %add3A_340, %add3A_371 : i32
      %ge3A_373 = arith.constant 1 : i32
      %ge3A_374 = arith.cmpi sge, %add3A_372, %ge3A_373 : i32
      %add3A_375 = arith.constant 1 : i32
      %add3A_376 = arith.addi %add3A_340, %add3A_375 : i32
      %lt3A_377 = arith.constant 50 : i32
      %lt3A_378 = arith.cmpi slt, %add3A_376, %lt3A_377 : i32
      %and3A_379 = arith.andi %ge3A_374, %lt3A_378 : i1
      %convert_element_type3A_380 = arith.extui %and3A_379 : i1 to i32
      %cond3A_381 = arith.constant 0 : i32
      %cond3A_382 = arith.cmpi ne, %convert_element_type3A_380, %cond3A_381 : i32
      scf.if %cond3A_382 {
        %add3A_430 = arith.constant 1 : i32
        %add3A_431 = arith.addi %add3A_340, %add3A_430 : i32
        %add3A_432 = arith.addi %mul3A_2, %add3A_431 : i32
        %div3A_433 = arith.constant 8 : i32
        %div3A_434 = arith.divsi %add3A_432, %div3A_433 : i32
        %rem3A_435 = arith.constant 8 : i32
        %rem3A_436 = arith.remsi %add3A_432, %rem3A_435 : i32
        %mul3A_437 = arith.constant 4 : i32
        %mul3A_438 = arith.muli %rem3A_436, %mul3A_437 : i32
        %dma_start3A = arith.constant 2 : i32
        %dma_start3A_439 = arith.constant 2 : i32
        %dma_start3A_440 = arith.constant 0 : i32
        %dma_start3A_441 = arith.constant 0 : i32
        %dma_start3A_442 = tpu.memref_slice %arg6[%dma_start3A, %dma_start3A_440, %dma_start3A_441] : memref<3x4x128xi32, #tpu.memory_space<vmem>> -> memref<1x4x128xi32, #tpu.memory_space<vmem>>
        %dma_start3A_443 = tpu.memref_squeeze %dma_start3A_442 : memref<1x4x128xi32, #tpu.memory_space<vmem>> -> memref<4x128xi32, #tpu.memory_space<vmem>>
        %dma_start3A_444 = arith.constant 0 : i32
        %dma_start3A_445 = tpu.memref_slice %arg2[%div3A_434, %mul3A_438, %dma_start3A_444] : memref<200x32x128xi32, #tpu.memory_space<hbm>> -> memref<1x4x128xi32, #tpu.memory_space<hbm>>
        %dma_start3A_446 = tpu.memref_squeeze %dma_start3A_445 : memref<1x4x128xi32, #tpu.memory_space<hbm>> -> memref<4x128xi32, #tpu.memory_space<hbm>>
        %dma_start3A_447 = tpu.memref_slice %arg15[%dma_start3A_439] : memref<3x!tpu.dma_semaphore, #tpu.memory_space<semaphore_mem>> -> memref<1x!tpu.dma_semaphore, #tpu.memory_space<semaphore_mem>>
        %dma_start3A_448 = tpu.memref_squeeze %dma_start3A_447 : memref<1x!tpu.dma_semaphore, #tpu.memory_space<semaphore_mem>> -> memref<!tpu.dma_semaphore, #tpu.memory_space<semaphore_mem>>
        %dma_start3A_449 = arith.constant 0 : i32
        %dma_start3A_450 = arith.constant 0 : i32
        %dma_start3A_451 = tpu.memref_slice %arg6[%dma_start3A, %dma_start3A_449, %dma_start3A_450] : memref<3x4x128xi32, #tpu.memory_space<vmem>> -> memref<1x4x128xi32, #tpu.memory_space<vmem>>
        %dma_start3A_452 = tpu.memref_squeeze %dma_start3A_451 : memref<1x4x128xi32, #tpu.memory_space<vmem>> -> memref<4x128xi32, #tpu.memory_space<vmem>>
        %dma_start3A_453 = arith.constant 0 : i32
        %dma_start3A_454 = tpu.memref_slice %arg2[%div3A_434, %mul3A_438, %dma_start3A_453] : memref<200x32x128xi32, #tpu.memory_space<hbm>> -> memref<1x4x128xi32, #tpu.memory_space<hbm>>
        %dma_start3A_455 = tpu.memref_squeeze %dma_start3A_454 : memref<1x4x128xi32, #tpu.memory_space<hbm>> -> memref<4x128xi32, #tpu.memory_space<hbm>>
        tpu.enqueue_dma source(%dma_start3A_455 : memref<4x128xi32, #tpu.memory_space<hbm>>) target(%dma_start3A_452 : memref<4x128xi32, #tpu.memory_space<vmem>>) target_semaphore(%dma_start3A_448 : memref<!tpu.dma_semaphore, #tpu.memory_space<semaphore_mem>>)
      } else {
      }
      %mul3A_383 = arith.constant 3 : i32
      %mul3A_384 = arith.muli %scan3A_240, %mul3A_383 : i32
      %add3A_385 = arith.constant 2 : i32
      %add3A_386 = arith.addi %mul3A_384, %add3A_385 : i32
      %eq3A_387 = arith.constant 0 : i32
      %eq3A_388 = arith.cmpi eq, %add3A_386, %eq3A_387 : i32
      %convert_element_type3A_389 = arith.extui %eq3A_388 : i1 to i32
      %cond3A_390 = arith.constant 0 : i32
      %cond3A_391 = arith.cmpi ne, %convert_element_type3A_389, %cond3A_390 : i32
      scf.if %cond3A_391 {
        %add3A_430 = arith.constant 0 : i32
        %add3A_431 = arith.addi %mul3A_2, %add3A_430 : i32
        %div3A_432 = arith.constant 8 : i32
        %div3A_433 = arith.divsi %add3A_431, %div3A_432 : i32
        %rem3A_434 = arith.constant 8 : i32
        %rem3A_435 = arith.remsi %add3A_431, %rem3A_434 : i32
        %mul3A_436 = arith.constant 4 : i32
        %mul3A_437 = arith.muli %rem3A_435, %mul3A_436 : i32
        %dma_start3A = arith.constant 0 : i32
        %dma_start3A_438 = arith.constant 0 : i32
        %dma_start3A_439 = arith.constant 0 : i32
        %dma_start3A_440 = arith.constant 0 : i32
        %dma_start3A_441 = tpu.memref_slice %arg6[%dma_start3A, %dma_start3A_439, %dma_start3A_440] : memref<3x4x128xi32, #tpu.memory_space<vmem>> -> memref<1x4x128xi32, #tpu.memory_space<vmem>>
        %dma_start3A_442 = tpu.memref_squeeze %dma_start3A_441 : memref<1x4x128xi32, #tpu.memory_space<vmem>> -> memref<4x128xi32, #tpu.memory_space<vmem>>
        %dma_start3A_443 = arith.constant 0 : i32
        %dma_start3A_444 = tpu.memref_slice %arg2[%div3A_433, %mul3A_437, %dma_start3A_443] : memref<200x32x128xi32, #tpu.memory_space<hbm>> -> memref<1x4x128xi32, #tpu.memory_space<hbm>>
        %dma_start3A_445 = tpu.memref_squeeze %dma_start3A_444 : memref<1x4x128xi32, #tpu.memory_space<hbm>> -> memref<4x128xi32, #tpu.memory_space<hbm>>
        %dma_start3A_446 = tpu.memref_slice %arg15[%dma_start3A_438] : memref<3x!tpu.dma_semaphore, #tpu.memory_space<semaphore_mem>> -> memref<1x!tpu.dma_semaphore, #tpu.memory_space<semaphore_mem>>
        %dma_start3A_447 = tpu.memref_squeeze %dma_start3A_446 : memref<1x!tpu.dma_semaphore, #tpu.memory_space<semaphore_mem>> -> memref<!tpu.dma_semaphore, #tpu.memory_space<semaphore_mem>>
        %dma_start3A_448 = arith.constant 0 : i32
        %dma_start3A_449 = arith.constant 0 : i32
        %dma_start3A_450 = tpu.memref_slice %arg6[%dma_start3A, %dma_start3A_448, %dma_start3A_449] : memref<3x4x128xi32, #tpu.memory_space<vmem>> -> memref<1x4x128xi32, #tpu.memory_space<vmem>>
        %dma_start3A_451 = tpu.memref_squeeze %dma_start3A_450 : memref<1x4x128xi32, #tpu.memory_space<vmem>> -> memref<4x128xi32, #tpu.memory_space<vmem>>
        %dma_start3A_452 = arith.constant 0 : i32
        %dma_start3A_453 = tpu.memref_slice %arg2[%div3A_433, %mul3A_437, %dma_start3A_452] : memref<200x32x128xi32, #tpu.memory_space<hbm>> -> memref<1x4x128xi32, #tpu.memory_space<hbm>>
        %dma_start3A_454 = tpu.memref_squeeze %dma_start3A_453 : memref<1x4x128xi32, #tpu.memory_space<hbm>> -> memref<4x128xi32, #tpu.memory_space<hbm>>
        tpu.enqueue_dma source(%dma_start3A_454 : memref<4x128xi32, #tpu.memory_space<hbm>>) target(%dma_start3A_451 : memref<4x128xi32, #tpu.memory_space<vmem>>) target_semaphore(%dma_start3A_447 : memref<!tpu.dma_semaphore, #tpu.memory_space<semaphore_mem>>)
      } else {
      }
      %lt3A_392 = arith.constant 50 : i32
      %lt3A_393 = arith.cmpi slt, %add3A_386, %lt3A_392 : i32
      %convert_element_type3A_394 = arith.extui %lt3A_393 : i1 to i32
      %cond3A_395 = arith.constant 0 : i32
      %cond3A_396 = arith.cmpi ne, %convert_element_type3A_394, %cond3A_395 : i32
      scf.if %cond3A_396 {
        %ge3A_430 = arith.constant 3 : i32
        %ge3A_431 = arith.cmpi sge, %add3A_386, %ge3A_430 : i32
        %convert_element_type3A_432 = arith.extui %ge3A_431 : i1 to i32
        %cond3A_433 = arith.constant 0 : i32
        %cond3A_434 = arith.cmpi ne, %convert_element_type3A_432, %cond3A_433 : i32
        scf.if %cond3A_434 {
          %sub3A_515 = arith.constant 3 : i32
          %sub3A_516 = arith.subi %add3A_386, %sub3A_515 : i32
          %add3A_517 = arith.addi %mul3A_2, %sub3A_516 : i32
          %div3A_518 = arith.constant 8 : i32
          %div3A_519 = arith.divsi %add3A_517, %div3A_518 : i32
          %rem3A_520 = arith.constant 8 : i32
          %rem3A_521 = arith.remsi %add3A_517, %rem3A_520 : i32
          %mul3A_522 = arith.constant 32 : i32
          %mul3A_523 = arith.muli %rem3A_521, %mul3A_522 : i32
          %mul3A_524 = arith.constant 32 : i32
          %mul3A_525 = arith.muli %rem3A_521, %mul3A_524 : i32
          %mul3A_526 = arith.constant 32 : i32
          %mul3A_527 = arith.muli %rem3A_521, %mul3A_526 : i32
          %mul3A_528 = arith.constant 32 : i32
          %mul3A_529 = arith.muli %rem3A_521, %mul3A_528 : i32
          %dma_wait3A_530 = arith.constant 0 : i32
          %dma_wait3A_531 = arith.constant 2 : i32
          %dma_wait3A_532 = arith.constant 0 : i32
          %dma_wait3A_533 = arith.constant 0 : i32
          %dma_wait3A_534 = tpu.memref_slice %arg12[%dma_wait3A_532, %dma_wait3A_533] : memref<128x129xf32, #tpu.memory_space<vmem>> -> memref<32x128xf32, #tpu.memory_space<vmem>>
          %dma_wait3A_535 = arith.constant 0 : i32
          %dma_wait3A_536 = tpu.memref_slice %arg5[%div3A_519, %dma_wait3A_530, %mul3A_523, %dma_wait3A_535] : memref<200x4x256x128xf32, #tpu.memory_space<hbm>> -> memref<1x1x32x128xf32, #tpu.memory_space<hbm>>
          %dma_wait3A_537 = tpu.memref_squeeze %dma_wait3A_536 : memref<1x1x32x128xf32, #tpu.memory_space<hbm>> -> memref<32x128xf32, #tpu.memory_space<hbm>>
          %dma_wait3A_538 = tpu.memref_slice %arg14[%dma_wait3A_531] : memref<3x!tpu.dma_semaphore, #tpu.memory_space<semaphore_mem>> -> memref<1x!tpu.dma_semaphore, #tpu.memory_space<semaphore_mem>>
          %dma_wait3A_539 = tpu.memref_squeeze %dma_wait3A_538 : memref<1x!tpu.dma_semaphore, #tpu.memory_space<semaphore_mem>> -> memref<!tpu.dma_semaphore, #tpu.memory_space<semaphore_mem>>
          %dma_wait3A_540 = arith.constant 0 : i32
          %dma_wait3A_541 = tpu.memref_slice %arg5[%div3A_519, %dma_wait3A_530, %mul3A_523, %dma_wait3A_540] : memref<200x4x256x128xf32, #tpu.memory_space<hbm>> -> memref<1x1x32x128xf32, #tpu.memory_space<hbm>>
          %dma_wait3A_542 = tpu.memref_squeeze %dma_wait3A_541 : memref<1x1x32x128xf32, #tpu.memory_space<hbm>> -> memref<32x128xf32, #tpu.memory_space<hbm>>
          %dma_wait3A_543 = arith.constant 0 : i32
          %dma_wait3A_544 = arith.constant 0 : i32
          %dma_wait3A_545 = tpu.memref_slice %arg12[%dma_wait3A_543, %dma_wait3A_544] : memref<128x129xf32, #tpu.memory_space<vmem>> -> memref<32x128xf32, #tpu.memory_space<vmem>>
          tpu.wait_dma2 semaphore(%dma_wait3A_539 : memref<!tpu.dma_semaphore, #tpu.memory_space<semaphore_mem>>) src(%dma_wait3A_545 : memref<32x128xf32, #tpu.memory_space<vmem>>) dst(%dma_wait3A_542 : memref<32x128xf32, #tpu.memory_space<hbm>>)
          %dma_wait3A_546 = arith.constant 1 : i32
          %dma_wait3A_547 = arith.constant 2 : i32
          %dma_wait3A_548 = arith.constant 32 : i32
          %dma_wait3A_549 = arith.constant 0 : i32
          %dma_wait3A_550 = tpu.memref_slice %arg12[%dma_wait3A_548, %dma_wait3A_549] : memref<128x129xf32, #tpu.memory_space<vmem>> -> memref<32x128xf32, #tpu.memory_space<vmem>>
          %dma_wait3A_551 = arith.constant 0 : i32
          %dma_wait3A_552 = tpu.memref_slice %arg5[%div3A_519, %dma_wait3A_546, %mul3A_525, %dma_wait3A_551] : memref<200x4x256x128xf32, #tpu.memory_space<hbm>> -> memref<1x1x32x128xf32, #tpu.memory_space<hbm>>
          %dma_wait3A_553 = tpu.memref_squeeze %dma_wait3A_552 : memref<1x1x32x128xf32, #tpu.memory_space<hbm>> -> memref<32x128xf32, #tpu.memory_space<hbm>>
          %dma_wait3A_554 = tpu.memref_slice %arg14[%dma_wait3A_547] : memref<3x!tpu.dma_semaphore, #tpu.memory_space<semaphore_mem>> -> memref<1x!tpu.dma_semaphore, #tpu.memory_space<semaphore_mem>>
          %dma_wait3A_555 = tpu.memref_squeeze %dma_wait3A_554 : memref<1x!tpu.dma_semaphore, #tpu.memory_space<semaphore_mem>> -> memref<!tpu.dma_semaphore, #tpu.memory_space<semaphore_mem>>
          %dma_wait3A_556 = arith.constant 0 : i32
          %dma_wait3A_557 = tpu.memref_slice %arg5[%div3A_519, %dma_wait3A_546, %mul3A_525, %dma_wait3A_556] : memref<200x4x256x128xf32, #tpu.memory_space<hbm>> -> memref<1x1x32x128xf32, #tpu.memory_space<hbm>>
          %dma_wait3A_558 = tpu.memref_squeeze %dma_wait3A_557 : memref<1x1x32x128xf32, #tpu.memory_space<hbm>> -> memref<32x128xf32, #tpu.memory_space<hbm>>
          %dma_wait3A_559 = arith.constant 32 : i32
          %dma_wait3A_560 = arith.constant 0 : i32
          %dma_wait3A_561 = tpu.memref_slice %arg12[%dma_wait3A_559, %dma_wait3A_560] : memref<128x129xf32, #tpu.memory_space<vmem>> -> memref<32x128xf32, #tpu.memory_space<vmem>>
          tpu.wait_dma2 semaphore(%dma_wait3A_555 : memref<!tpu.dma_semaphore, #tpu.memory_space<semaphore_mem>>) src(%dma_wait3A_561 : memref<32x128xf32, #tpu.memory_space<vmem>>) dst(%dma_wait3A_558 : memref<32x128xf32, #tpu.memory_space<hbm>>)
          %dma_wait3A_562 = arith.constant 2 : i32
          %dma_wait3A_563 = arith.constant 2 : i32
          %dma_wait3A_564 = arith.constant 64 : i32
          %dma_wait3A_565 = arith.constant 0 : i32
          %dma_wait3A_566 = tpu.memref_slice %arg12[%dma_wait3A_564, %dma_wait3A_565] : memref<128x129xf32, #tpu.memory_space<vmem>> -> memref<32x128xf32, #tpu.memory_space<vmem>>
          %dma_wait3A_567 = arith.constant 0 : i32
          %dma_wait3A_568 = tpu.memref_slice %arg5[%div3A_519, %dma_wait3A_562, %mul3A_527, %dma_wait3A_567] : memref<200x4x256x128xf32, #tpu.memory_space<hbm>> -> memref<1x1x32x128xf32, #tpu.memory_space<hbm>>
          %dma_wait3A_569 = tpu.memref_squeeze %dma_wait3A_568 : memref<1x1x32x128xf32, #tpu.memory_space<hbm>> -> memref<32x128xf32, #tpu.memory_space<hbm>>
          %dma_wait3A_570 = tpu.memref_slice %arg14[%dma_wait3A_563] : memref<3x!tpu.dma_semaphore, #tpu.memory_space<semaphore_mem>> -> memref<1x!tpu.dma_semaphore, #tpu.memory_space<semaphore_mem>>
          %dma_wait3A_571 = tpu.memref_squeeze %dma_wait3A_570 : memref<1x!tpu.dma_semaphore, #tpu.memory_space<semaphore_mem>> -> memref<!tpu.dma_semaphore, #tpu.memory_space<semaphore_mem>>
          %dma_wait3A_572 = arith.constant 0 : i32
          %dma_wait3A_573 = tpu.memref_slice %arg5[%div3A_519, %dma_wait3A_562, %mul3A_527, %dma_wait3A_572] : memref<200x4x256x128xf32, #tpu.memory_space<hbm>> -> memref<1x1x32x128xf32, #tpu.memory_space<hbm>>
          %dma_wait3A_574 = tpu.memref_squeeze %dma_wait3A_573 : memref<1x1x32x128xf32, #tpu.memory_space<hbm>> -> memref<32x128xf32, #tpu.memory_space<hbm>>
          %dma_wait3A_575 = arith.constant 64 : i32
          %dma_wait3A_576 = arith.constant 0 : i32
          %dma_wait3A_577 = tpu.memref_slice %arg12[%dma_wait3A_575, %dma_wait3A_576] : memref<128x129xf32, #tpu.memory_space<vmem>> -> memref<32x128xf32, #tpu.memory_space<vmem>>
          tpu.wait_dma2 semaphore(%dma_wait3A_571 : memref<!tpu.dma_semaphore, #tpu.memory_space<semaphore_mem>>) src(%dma_wait3A_577 : memref<32x128xf32, #tpu.memory_space<vmem>>) dst(%dma_wait3A_574 : memref<32x128xf32, #tpu.memory_space<hbm>>)
          %dma_wait3A_578 = arith.constant 3 : i32
          %dma_wait3A_579 = arith.constant 2 : i32
          %dma_wait3A_580 = arith.constant 96 : i32
          %dma_wait3A_581 = arith.constant 0 : i32
          %dma_wait3A_582 = tpu.memref_slice %arg12[%dma_wait3A_580, %dma_wait3A_581] : memref<128x129xf32, #tpu.memory_space<vmem>> -> memref<32x128xf32, #tpu.memory_space<vmem>>
          %dma_wait3A_583 = arith.constant 0 : i32
          %dma_wait3A_584 = tpu.memref_slice %arg5[%div3A_519, %dma_wait3A_578, %mul3A_529, %dma_wait3A_583] : memref<200x4x256x128xf32, #tpu.memory_space<hbm>> -> memref<1x1x32x128xf32, #tpu.memory_space<hbm>>
          %dma_wait3A_585 = tpu.memref_squeeze %dma_wait3A_584 : memref<1x1x32x128xf32, #tpu.memory_space<hbm>> -> memref<32x128xf32, #tpu.memory_space<hbm>>
          %dma_wait3A_586 = tpu.memref_slice %arg14[%dma_wait3A_579] : memref<3x!tpu.dma_semaphore, #tpu.memory_space<semaphore_mem>> -> memref<1x!tpu.dma_semaphore, #tpu.memory_space<semaphore_mem>>
          %dma_wait3A_587 = tpu.memref_squeeze %dma_wait3A_586 : memref<1x!tpu.dma_semaphore, #tpu.memory_space<semaphore_mem>> -> memref<!tpu.dma_semaphore, #tpu.memory_space<semaphore_mem>>
          %dma_wait3A_588 = arith.constant 0 : i32
          %dma_wait3A_589 = tpu.memref_slice %arg5[%div3A_519, %dma_wait3A_578, %mul3A_529, %dma_wait3A_588] : memref<200x4x256x128xf32, #tpu.memory_space<hbm>> -> memref<1x1x32x128xf32, #tpu.memory_space<hbm>>
          %dma_wait3A_590 = tpu.memref_squeeze %dma_wait3A_589 : memref<1x1x32x128xf32, #tpu.memory_space<hbm>> -> memref<32x128xf32, #tpu.memory_space<hbm>>
          %dma_wait3A_591 = arith.constant 96 : i32
          %dma_wait3A_592 = arith.constant 0 : i32
          %dma_wait3A_593 = tpu.memref_slice %arg12[%dma_wait3A_591, %dma_wait3A_592] : memref<128x129xf32, #tpu.memory_space<vmem>> -> memref<32x128xf32, #tpu.memory_space<vmem>>
          tpu.wait_dma2 semaphore(%dma_wait3A_587 : memref<!tpu.dma_semaphore, #tpu.memory_space<semaphore_mem>>) src(%dma_wait3A_593 : memref<32x128xf32, #tpu.memory_space<vmem>>) dst(%dma_wait3A_590 : memref<32x128xf32, #tpu.memory_space<hbm>>)
        } else {
        }
        %add3A_435 = arith.addi %mul3A_2, %add3A_386 : i32
        %div3A_436 = arith.constant 8 : i32
        %div3A_437 = arith.divsi %add3A_435, %div3A_436 : i32
        %rem3A_438 = arith.constant 8 : i32
        %rem3A_439 = arith.remsi %add3A_435, %rem3A_438 : i32
        %mul3A_440 = arith.constant 4 : i32
        %mul3A_441 = arith.muli %rem3A_439, %mul3A_440 : i32
        %dma_wait3A_442 = arith.constant 2 : i32
        %dma_wait3A_443 = arith.constant 2 : i32
        %dma_wait3A_444 = arith.constant 0 : i32
        %dma_wait3A_445 = arith.constant 0 : i32
        %dma_wait3A_446 = tpu.memref_slice %arg6[%dma_wait3A_442, %dma_wait3A_444, %dma_wait3A_445] : memref<3x4x128xi32, #tpu.memory_space<vmem>> -> memref<1x4x128xi32, #tpu.memory_space<vmem>>
        %dma_wait3A_447 = tpu.memref_squeeze %dma_wait3A_446 : memref<1x4x128xi32, #tpu.memory_space<vmem>> -> memref<4x128xi32, #tpu.memory_space<vmem>>
        %dma_wait3A_448 = arith.constant 0 : i32
        %dma_wait3A_449 = tpu.memref_slice %arg2[%div3A_437, %mul3A_441, %dma_wait3A_448] : memref<200x32x128xi32, #tpu.memory_space<hbm>> -> memref<1x4x128xi32, #tpu.memory_space<hbm>>
        %dma_wait3A_450 = tpu.memref_squeeze %dma_wait3A_449 : memref<1x4x128xi32, #tpu.memory_space<hbm>> -> memref<4x128xi32, #tpu.memory_space<hbm>>
        %dma_wait3A_451 = tpu.memref_slice %arg15[%dma_wait3A_443] : memref<3x!tpu.dma_semaphore, #tpu.memory_space<semaphore_mem>> -> memref<1x!tpu.dma_semaphore, #tpu.memory_space<semaphore_mem>>
        %dma_wait3A_452 = tpu.memref_squeeze %dma_wait3A_451 : memref<1x!tpu.dma_semaphore, #tpu.memory_space<semaphore_mem>> -> memref<!tpu.dma_semaphore, #tpu.memory_space<semaphore_mem>>
        %dma_wait3A_453 = arith.constant 0 : i32
        %dma_wait3A_454 = arith.constant 0 : i32
        %dma_wait3A_455 = tpu.memref_slice %arg6[%dma_wait3A_442, %dma_wait3A_453, %dma_wait3A_454] : memref<3x4x128xi32, #tpu.memory_space<vmem>> -> memref<1x4x128xi32, #tpu.memory_space<vmem>>
        %dma_wait3A_456 = tpu.memref_squeeze %dma_wait3A_455 : memref<1x4x128xi32, #tpu.memory_space<vmem>> -> memref<4x128xi32, #tpu.memory_space<vmem>>
        %dma_wait3A_457 = arith.constant 0 : i32
        %dma_wait3A_458 = tpu.memref_slice %arg2[%div3A_437, %mul3A_441, %dma_wait3A_457] : memref<200x32x128xi32, #tpu.memory_space<hbm>> -> memref<1x4x128xi32, #tpu.memory_space<hbm>>
        %dma_wait3A_459 = tpu.memref_squeeze %dma_wait3A_458 : memref<1x4x128xi32, #tpu.memory_space<hbm>> -> memref<4x128xi32, #tpu.memory_space<hbm>>
        tpu.wait_dma2 semaphore(%dma_wait3A_452 : memref<!tpu.dma_semaphore, #tpu.memory_space<semaphore_mem>>) src(%dma_wait3A_459 : memref<4x128xi32, #tpu.memory_space<hbm>>) dst(%dma_wait3A_456 : memref<4x128xi32, #tpu.memory_space<vmem>>)
        %dma_start3A = arith.constant 2 : i32
        %dma_start3A_460 = arith.constant 0 : i32
        %dma_start3A_461 = arith.constant 2 : i32
        %dma_start3A_462 = arith.constant 0 : i32
        %dma_start3A_463 = arith.constant 0 : i32
        %dma_start3A_464 = tpu.memref_slice %arg9[%dma_start3A_462, %dma_start3A_463] : memref<512x32xf32, #tpu.memory_space<vmem>> -> memref<128x32xf32, #tpu.memory_space<vmem>>
        %dma_start3A_465 = arith.constant 0 : i32
        %dma_start3A_466 = tpu.memref_slice %arg6[%dma_start3A, %dma_start3A_460, %dma_start3A_465] : memref<3x4x128xi32, #tpu.memory_space<vmem>> -> memref<1x1x128xi32, #tpu.memory_space<vmem>>
        %dma_start3A_467 = tpu.memref_squeeze %dma_start3A_466 : memref<1x1x128xi32, #tpu.memory_space<vmem>> -> memref<128xi32, #tpu.memory_space<vmem>>
        %dma_start3A_468 = arith.constant 0 : i32
        %dma_start3A_469 = arith.constant 0 : i32
        %dma_start3A_470 = tpu.memref_slice %arg3[%dma_start3A_468, %dma_start3A_469] : memref<1000000x32xf32, #tpu.memory_space<hbm>> -> memref<1000000x32xf32, #tpu.memory_space<hbm>>
        %dma_start3A_471 = tpu.memref_slice %arg13[%dma_start3A_461] : memref<3x!tpu.dma_semaphore, #tpu.memory_space<semaphore_mem>> -> memref<1x!tpu.dma_semaphore, #tpu.memory_space<semaphore_mem>>
        %dma_start3A_472 = tpu.memref_squeeze %dma_start3A_471 : memref<1x!tpu.dma_semaphore, #tpu.memory_space<semaphore_mem>> -> memref<!tpu.dma_semaphore, #tpu.memory_space<semaphore_mem>>
        tpu.enqueue_indirect_dma source(%dma_start3A_470 : memref<1000000x32xf32, #tpu.memory_space<hbm>>) target(%dma_start3A_464 : memref<128x32xf32, #tpu.memory_space<vmem>>) offsets(%dma_start3A_467 : memref<128xi32, #tpu.memory_space<vmem>>) semaphore(%dma_start3A_472 : memref<!tpu.dma_semaphore, #tpu.memory_space<semaphore_mem>>)
        %dma_start3A_473 = arith.constant 2 : i32
        %dma_start3A_474 = arith.constant 1 : i32
        %dma_start3A_475 = arith.constant 2 : i32
        %dma_start3A_476 = arith.constant 128 : i32
        %dma_start3A_477 = arith.constant 0 : i32
        %dma_start3A_478 = tpu.memref_slice %arg9[%dma_start3A_476, %dma_start3A_477] : memref<512x32xf32, #tpu.memory_space<vmem>> -> memref<128x32xf32, #tpu.memory_space<vmem>>
        %dma_start3A_479 = arith.constant 0 : i32
        %dma_start3A_480 = tpu.memref_slice %arg6[%dma_start3A_473, %dma_start3A_474, %dma_start3A_479] : memref<3x4x128xi32, #tpu.memory_space<vmem>> -> memref<1x1x128xi32, #tpu.memory_space<vmem>>
        %dma_start3A_481 = tpu.memref_squeeze %dma_start3A_480 : memref<1x1x128xi32, #tpu.memory_space<vmem>> -> memref<128xi32, #tpu.memory_space<vmem>>
        %dma_start3A_482 = arith.constant 0 : i32
        %dma_start3A_483 = arith.constant 0 : i32
        %dma_start3A_484 = tpu.memref_slice %arg3[%dma_start3A_482, %dma_start3A_483] : memref<1000000x32xf32, #tpu.memory_space<hbm>> -> memref<1000000x32xf32, #tpu.memory_space<hbm>>
        %dma_start3A_485 = tpu.memref_slice %arg13[%dma_start3A_475] : memref<3x!tpu.dma_semaphore, #tpu.memory_space<semaphore_mem>> -> memref<1x!tpu.dma_semaphore, #tpu.memory_space<semaphore_mem>>
        %dma_start3A_486 = tpu.memref_squeeze %dma_start3A_485 : memref<1x!tpu.dma_semaphore, #tpu.memory_space<semaphore_mem>> -> memref<!tpu.dma_semaphore, #tpu.memory_space<semaphore_mem>>
        tpu.enqueue_indirect_dma source(%dma_start3A_484 : memref<1000000x32xf32, #tpu.memory_space<hbm>>) target(%dma_start3A_478 : memref<128x32xf32, #tpu.memory_space<vmem>>) offsets(%dma_start3A_481 : memref<128xi32, #tpu.memory_space<vmem>>) semaphore(%dma_start3A_486 : memref<!tpu.dma_semaphore, #tpu.memory_space<semaphore_mem>>)
        %dma_start3A_487 = arith.constant 2 : i32
        %dma_start3A_488 = arith.constant 2 : i32
        %dma_start3A_489 = arith.constant 2 : i32
        %dma_start3A_490 = arith.constant 256 : i32
        %dma_start3A_491 = arith.constant 0 : i32
        %dma_start3A_492 = tpu.memref_slice %arg9[%dma_start3A_490, %dma_start3A_491] : memref<512x32xf32, #tpu.memory_space<vmem>> -> memref<128x32xf32, #tpu.memory_space<vmem>>
        %dma_start3A_493 = arith.constant 0 : i32
        %dma_start3A_494 = tpu.memref_slice %arg6[%dma_start3A_487, %dma_start3A_488, %dma_start3A_493] : memref<3x4x128xi32, #tpu.memory_space<vmem>> -> memref<1x1x128xi32, #tpu.memory_space<vmem>>
        %dma_start3A_495 = tpu.memref_squeeze %dma_start3A_494 : memref<1x1x128xi32, #tpu.memory_space<vmem>> -> memref<128xi32, #tpu.memory_space<vmem>>
        %dma_start3A_496 = arith.constant 0 : i32
        %dma_start3A_497 = arith.constant 0 : i32
        %dma_start3A_498 = tpu.memref_slice %arg3[%dma_start3A_496, %dma_start3A_497] : memref<1000000x32xf32, #tpu.memory_space<hbm>> -> memref<1000000x32xf32, #tpu.memory_space<hbm>>
        %dma_start3A_499 = tpu.memref_slice %arg13[%dma_start3A_489] : memref<3x!tpu.dma_semaphore, #tpu.memory_space<semaphore_mem>> -> memref<1x!tpu.dma_semaphore, #tpu.memory_space<semaphore_mem>>
        %dma_start3A_500 = tpu.memref_squeeze %dma_start3A_499 : memref<1x!tpu.dma_semaphore, #tpu.memory_space<semaphore_mem>> -> memref<!tpu.dma_semaphore, #tpu.memory_space<semaphore_mem>>
        tpu.enqueue_indirect_dma source(%dma_start3A_498 : memref<1000000x32xf32, #tpu.memory_space<hbm>>) target(%dma_start3A_492 : memref<128x32xf32, #tpu.memory_space<vmem>>) offsets(%dma_start3A_495 : memref<128xi32, #tpu.memory_space<vmem>>) semaphore(%dma_start3A_500 : memref<!tpu.dma_semaphore, #tpu.memory_space<semaphore_mem>>)
        %dma_start3A_501 = arith.constant 2 : i32
        %dma_start3A_502 = arith.constant 3 : i32
        %dma_start3A_503 = arith.constant 2 : i32
        %dma_start3A_504 = arith.constant 384 : i32
        %dma_start3A_505 = arith.constant 0 : i32
        %dma_start3A_506 = tpu.memref_slice %arg9[%dma_start3A_504, %dma_start3A_505] : memref<512x32xf32, #tpu.memory_space<vmem>> -> memref<128x32xf32, #tpu.memory_space<vmem>>
        %dma_start3A_507 = arith.constant 0 : i32
        %dma_start3A_508 = tpu.memref_slice %arg6[%dma_start3A_501, %dma_start3A_502, %dma_start3A_507] : memref<3x4x128xi32, #tpu.memory_space<vmem>> -> memref<1x1x128xi32, #tpu.memory_space<vmem>>
        %dma_start3A_509 = tpu.memref_squeeze %dma_start3A_508 : memref<1x1x128xi32, #tpu.memory_space<vmem>> -> memref<128xi32, #tpu.memory_space<vmem>>
        %dma_start3A_510 = arith.constant 0 : i32
        %dma_start3A_511 = arith.constant 0 : i32
        %dma_start3A_512 = tpu.memref_slice %arg3[%dma_start3A_510, %dma_start3A_511] : memref<1000000x32xf32, #tpu.memory_space<hbm>> -> memref<1000000x32xf32, #tpu.memory_space<hbm>>
        %dma_start3A_513 = tpu.memref_slice %arg13[%dma_start3A_503] : memref<3x!tpu.dma_semaphore, #tpu.memory_space<semaphore_mem>> -> memref<1x!tpu.dma_semaphore, #tpu.memory_space<semaphore_mem>>
        %dma_start3A_514 = tpu.memref_squeeze %dma_start3A_513 : memref<1x!tpu.dma_semaphore, #tpu.memory_space<semaphore_mem>> -> memref<!tpu.dma_semaphore, #tpu.memory_space<semaphore_mem>>
        tpu.enqueue_indirect_dma source(%dma_start3A_512 : memref<1000000x32xf32, #tpu.memory_space<hbm>>) target(%dma_start3A_506 : memref<128x32xf32, #tpu.memory_space<vmem>>) offsets(%dma_start3A_509 : memref<128xi32, #tpu.memory_space<vmem>>) semaphore(%dma_start3A_514 : memref<!tpu.dma_semaphore, #tpu.memory_space<semaphore_mem>>)
      } else {
      }
      %ge3A_397 = arith.constant 1 : i32
      %ge3A_398 = arith.cmpi sge, %add3A_386, %ge3A_397 : i32
      %sub3A_399 = arith.constant 1 : i32
      %sub3A_400 = arith.subi %add3A_386, %sub3A_399 : i32
      %lt3A_401 = arith.constant 50 : i32
      %lt3A_402 = arith.cmpi slt, %sub3A_400, %lt3A_401 : i32
      %and3A_403 = arith.andi %ge3A_398, %lt3A_402 : i1
      %convert_element_type3A_404 = arith.extui %and3A_403 : i1 to i32
      %cond3A_405 = arith.constant 0 : i32
      %cond3A_406 = arith.cmpi ne, %convert_element_type3A_404, %cond3A_405 : i32
      scf.if %cond3A_406 {
        %dma_wait3A_430 = arith.constant 1 : i32
        %dma_wait3A_431 = arith.constant 0 : i32
        %dma_wait3A_432 = arith.constant 1 : i32
        %dma_wait3A_433 = arith.constant 0 : i32
        %dma_wait3A_434 = arith.constant 0 : i32
        %dma_wait3A_435 = tpu.memref_slice %arg8[%dma_wait3A_433, %dma_wait3A_434] : memref<512x32xf32, #tpu.memory_space<vmem>> -> memref<128x32xf32, #tpu.memory_space<vmem>>
        %dma_wait3A_436 = arith.constant 0 : i32
        %dma_wait3A_437 = tpu.memref_slice %arg6[%dma_wait3A_430, %dma_wait3A_431, %dma_wait3A_436] : memref<3x4x128xi32, #tpu.memory_space<vmem>> -> memref<1x1x128xi32, #tpu.memory_space<vmem>>
        %dma_wait3A_438 = tpu.memref_squeeze %dma_wait3A_437 : memref<1x1x128xi32, #tpu.memory_space<vmem>> -> memref<128xi32, #tpu.memory_space<vmem>>
        %dma_wait3A_439 = arith.constant 0 : i32
        %dma_wait3A_440 = arith.constant 0 : i32
        %dma_wait3A_441 = tpu.memref_slice %arg3[%dma_wait3A_439, %dma_wait3A_440] : memref<1000000x32xf32, #tpu.memory_space<hbm>> -> memref<1000000x32xf32, #tpu.memory_space<hbm>>
        %dma_wait3A_442 = tpu.memref_slice %arg13[%dma_wait3A_432] : memref<3x!tpu.dma_semaphore, #tpu.memory_space<semaphore_mem>> -> memref<1x!tpu.dma_semaphore, #tpu.memory_space<semaphore_mem>>
        %dma_wait3A_443 = tpu.memref_squeeze %dma_wait3A_442 : memref<1x!tpu.dma_semaphore, #tpu.memory_space<semaphore_mem>> -> memref<!tpu.dma_semaphore, #tpu.memory_space<semaphore_mem>>
        tpu.wait_indirect_dma semaphore(%dma_wait3A_443 : memref<!tpu.dma_semaphore, #tpu.memory_space<semaphore_mem>>) src(%dma_wait3A_441 : memref<1000000x32xf32, #tpu.memory_space<hbm>>) dst(%dma_wait3A_435 : memref<128x32xf32, #tpu.memory_space<vmem>>)
        %dma_start3A = arith.constant 1 : i32
        %dma_start3A_444 = arith.constant 0 : i32
        %dma_start3A_445 = arith.constant 1 : i32
        %dma_start3A_446 = arith.constant 0 : i32
        %dma_start3A_447 = arith.constant 0 : i32
        %dma_start3A_448 = tpu.memref_slice %arg8[%dma_start3A_446, %dma_start3A_447] : memref<512x32xf32, #tpu.memory_space<vmem>> -> memref<128x32xf32, #tpu.memory_space<vmem>>
        %dma_start3A_449 = arith.constant 0 : i32
        %dma_start3A_450 = tpu.memref_slice %arg6[%dma_start3A, %dma_start3A_444, %dma_start3A_449] : memref<3x4x128xi32, #tpu.memory_space<vmem>> -> memref<1x1x128xi32, #tpu.memory_space<vmem>>
        %dma_start3A_451 = tpu.memref_squeeze %dma_start3A_450 : memref<1x1x128xi32, #tpu.memory_space<vmem>> -> memref<128xi32, #tpu.memory_space<vmem>>
        %dma_start3A_452 = arith.constant 0 : i32
        %dma_start3A_453 = arith.constant 0 : i32
        %dma_start3A_454 = tpu.memref_slice %arg4[%dma_start3A_452, %dma_start3A_453] : memref<1000000x32xf32, #tpu.memory_space<hbm>> -> memref<1000000x32xf32, #tpu.memory_space<hbm>>
        %dma_start3A_455 = tpu.memref_slice %arg13[%dma_start3A_445] : memref<3x!tpu.dma_semaphore, #tpu.memory_space<semaphore_mem>> -> memref<1x!tpu.dma_semaphore, #tpu.memory_space<semaphore_mem>>
        %dma_start3A_456 = tpu.memref_squeeze %dma_start3A_455 : memref<1x!tpu.dma_semaphore, #tpu.memory_space<semaphore_mem>> -> memref<!tpu.dma_semaphore, #tpu.memory_space<semaphore_mem>>
        tpu.enqueue_indirect_dma source(%dma_start3A_454 : memref<1000000x32xf32, #tpu.memory_space<hbm>>) target(%dma_start3A_448 : memref<128x32xf32, #tpu.memory_space<vmem>>) offsets(%dma_start3A_451 : memref<128xi32, #tpu.memory_space<vmem>>) semaphore(%dma_start3A_456 : memref<!tpu.dma_semaphore, #tpu.memory_space<semaphore_mem>>) {add = true}
        %dma_wait3A_457 = arith.constant 1 : i32
        %dma_wait3A_458 = arith.constant 1 : i32
        %dma_wait3A_459 = arith.constant 1 : i32
        %dma_wait3A_460 = arith.constant 128 : i32
        %dma_wait3A_461 = arith.constant 0 : i32
        %dma_wait3A_462 = tpu.memref_slice %arg8[%dma_wait3A_460, %dma_wait3A_461] : memref<512x32xf32, #tpu.memory_space<vmem>> -> memref<128x32xf32, #tpu.memory_space<vmem>>
        %dma_wait3A_463 = arith.constant 0 : i32
        %dma_wait3A_464 = tpu.memref_slice %arg6[%dma_wait3A_457, %dma_wait3A_458, %dma_wait3A_463] : memref<3x4x128xi32, #tpu.memory_space<vmem>> -> memref<1x1x128xi32, #tpu.memory_space<vmem>>
        %dma_wait3A_465 = tpu.memref_squeeze %dma_wait3A_464 : memref<1x1x128xi32, #tpu.memory_space<vmem>> -> memref<128xi32, #tpu.memory_space<vmem>>
        %dma_wait3A_466 = arith.constant 0 : i32
        %dma_wait3A_467 = arith.constant 0 : i32
        %dma_wait3A_468 = tpu.memref_slice %arg3[%dma_wait3A_466, %dma_wait3A_467] : memref<1000000x32xf32, #tpu.memory_space<hbm>> -> memref<1000000x32xf32, #tpu.memory_space<hbm>>
        %dma_wait3A_469 = tpu.memref_slice %arg13[%dma_wait3A_459] : memref<3x!tpu.dma_semaphore, #tpu.memory_space<semaphore_mem>> -> memref<1x!tpu.dma_semaphore, #tpu.memory_space<semaphore_mem>>
        %dma_wait3A_470 = tpu.memref_squeeze %dma_wait3A_469 : memref<1x!tpu.dma_semaphore, #tpu.memory_space<semaphore_mem>> -> memref<!tpu.dma_semaphore, #tpu.memory_space<semaphore_mem>>
        tpu.wait_indirect_dma semaphore(%dma_wait3A_470 : memref<!tpu.dma_semaphore, #tpu.memory_space<semaphore_mem>>) src(%dma_wait3A_468 : memref<1000000x32xf32, #tpu.memory_space<hbm>>) dst(%dma_wait3A_462 : memref<128x32xf32, #tpu.memory_space<vmem>>)
        %dma_start3A_471 = arith.constant 1 : i32
        %dma_start3A_472 = arith.constant 1 : i32
        %dma_start3A_473 = arith.constant 1 : i32
        %dma_start3A_474 = arith.constant 128 : i32
        %dma_start3A_475 = arith.constant 0 : i32
        %dma_start3A_476 = tpu.memref_slice %arg8[%dma_start3A_474, %dma_start3A_475] : memref<512x32xf32, #tpu.memory_space<vmem>> -> memref<128x32xf32, #tpu.memory_space<vmem>>
        %dma_start3A_477 = arith.constant 0 : i32
        %dma_start3A_478 = tpu.memref_slice %arg6[%dma_start3A_471, %dma_start3A_472, %dma_start3A_477] : memref<3x4x128xi32, #tpu.memory_space<vmem>> -> memref<1x1x128xi32, #tpu.memory_space<vmem>>
        %dma_start3A_479 = tpu.memref_squeeze %dma_start3A_478 : memref<1x1x128xi32, #tpu.memory_space<vmem>> -> memref<128xi32, #tpu.memory_space<vmem>>
        %dma_start3A_480 = arith.constant 0 : i32
        %dma_start3A_481 = arith.constant 0 : i32
        %dma_start3A_482 = tpu.memref_slice %arg4[%dma_start3A_480, %dma_start3A_481] : memref<1000000x32xf32, #tpu.memory_space<hbm>> -> memref<1000000x32xf32, #tpu.memory_space<hbm>>
        %dma_start3A_483 = tpu.memref_slice %arg13[%dma_start3A_473] : memref<3x!tpu.dma_semaphore, #tpu.memory_space<semaphore_mem>> -> memref<1x!tpu.dma_semaphore, #tpu.memory_space<semaphore_mem>>
        %dma_start3A_484 = tpu.memref_squeeze %dma_start3A_483 : memref<1x!tpu.dma_semaphore, #tpu.memory_space<semaphore_mem>> -> memref<!tpu.dma_semaphore, #tpu.memory_space<semaphore_mem>>
        tpu.enqueue_indirect_dma source(%dma_start3A_482 : memref<1000000x32xf32, #tpu.memory_space<hbm>>) target(%dma_start3A_476 : memref<128x32xf32, #tpu.memory_space<vmem>>) offsets(%dma_start3A_479 : memref<128xi32, #tpu.memory_space<vmem>>) semaphore(%dma_start3A_484 : memref<!tpu.dma_semaphore, #tpu.memory_space<semaphore_mem>>) {add = true}
        %dma_wait3A_485 = arith.constant 1 : i32
        %dma_wait3A_486 = arith.constant 2 : i32
        %dma_wait3A_487 = arith.constant 1 : i32
        %dma_wait3A_488 = arith.constant 256 : i32
        %dma_wait3A_489 = arith.constant 0 : i32
        %dma_wait3A_490 = tpu.memref_slice %arg8[%dma_wait3A_488, %dma_wait3A_489] : memref<512x32xf32, #tpu.memory_space<vmem>> -> memref<128x32xf32, #tpu.memory_space<vmem>>
        %dma_wait3A_491 = arith.constant 0 : i32
        %dma_wait3A_492 = tpu.memref_slice %arg6[%dma_wait3A_485, %dma_wait3A_486, %dma_wait3A_491] : memref<3x4x128xi32, #tpu.memory_space<vmem>> -> memref<1x1x128xi32, #tpu.memory_space<vmem>>
        %dma_wait3A_493 = tpu.memref_squeeze %dma_wait3A_492 : memref<1x1x128xi32, #tpu.memory_space<vmem>> -> memref<128xi32, #tpu.memory_space<vmem>>
        %dma_wait3A_494 = arith.constant 0 : i32
        %dma_wait3A_495 = arith.constant 0 : i32
        %dma_wait3A_496 = tpu.memref_slice %arg3[%dma_wait3A_494, %dma_wait3A_495] : memref<1000000x32xf32, #tpu.memory_space<hbm>> -> memref<1000000x32xf32, #tpu.memory_space<hbm>>
        %dma_wait3A_497 = tpu.memref_slice %arg13[%dma_wait3A_487] : memref<3x!tpu.dma_semaphore, #tpu.memory_space<semaphore_mem>> -> memref<1x!tpu.dma_semaphore, #tpu.memory_space<semaphore_mem>>
        %dma_wait3A_498 = tpu.memref_squeeze %dma_wait3A_497 : memref<1x!tpu.dma_semaphore, #tpu.memory_space<semaphore_mem>> -> memref<!tpu.dma_semaphore, #tpu.memory_space<semaphore_mem>>
        tpu.wait_indirect_dma semaphore(%dma_wait3A_498 : memref<!tpu.dma_semaphore, #tpu.memory_space<semaphore_mem>>) src(%dma_wait3A_496 : memref<1000000x32xf32, #tpu.memory_space<hbm>>) dst(%dma_wait3A_490 : memref<128x32xf32, #tpu.memory_space<vmem>>)
        %dma_start3A_499 = arith.constant 1 : i32
        %dma_start3A_500 = arith.constant 2 : i32
        %dma_start3A_501 = arith.constant 1 : i32
        %dma_start3A_502 = arith.constant 256 : i32
        %dma_start3A_503 = arith.constant 0 : i32
        %dma_start3A_504 = tpu.memref_slice %arg8[%dma_start3A_502, %dma_start3A_503] : memref<512x32xf32, #tpu.memory_space<vmem>> -> memref<128x32xf32, #tpu.memory_space<vmem>>
        %dma_start3A_505 = arith.constant 0 : i32
        %dma_start3A_506 = tpu.memref_slice %arg6[%dma_start3A_499, %dma_start3A_500, %dma_start3A_505] : memref<3x4x128xi32, #tpu.memory_space<vmem>> -> memref<1x1x128xi32, #tpu.memory_space<vmem>>
        %dma_start3A_507 = tpu.memref_squeeze %dma_start3A_506 : memref<1x1x128xi32, #tpu.memory_space<vmem>> -> memref<128xi32, #tpu.memory_space<vmem>>
        %dma_start3A_508 = arith.constant 0 : i32
        %dma_start3A_509 = arith.constant 0 : i32
        %dma_start3A_510 = tpu.memref_slice %arg4[%dma_start3A_508, %dma_start3A_509] : memref<1000000x32xf32, #tpu.memory_space<hbm>> -> memref<1000000x32xf32, #tpu.memory_space<hbm>>
        %dma_start3A_511 = tpu.memref_slice %arg13[%dma_start3A_501] : memref<3x!tpu.dma_semaphore, #tpu.memory_space<semaphore_mem>> -> memref<1x!tpu.dma_semaphore, #tpu.memory_space<semaphore_mem>>
        %dma_start3A_512 = tpu.memref_squeeze %dma_start3A_511 : memref<1x!tpu.dma_semaphore, #tpu.memory_space<semaphore_mem>> -> memref<!tpu.dma_semaphore, #tpu.memory_space<semaphore_mem>>
        tpu.enqueue_indirect_dma source(%dma_start3A_510 : memref<1000000x32xf32, #tpu.memory_space<hbm>>) target(%dma_start3A_504 : memref<128x32xf32, #tpu.memory_space<vmem>>) offsets(%dma_start3A_507 : memref<128xi32, #tpu.memory_space<vmem>>) semaphore(%dma_start3A_512 : memref<!tpu.dma_semaphore, #tpu.memory_space<semaphore_mem>>) {add = true}
        %dma_wait3A_513 = arith.constant 1 : i32
        %dma_wait3A_514 = arith.constant 3 : i32
        %dma_wait3A_515 = arith.constant 1 : i32
        %dma_wait3A_516 = arith.constant 384 : i32
        %dma_wait3A_517 = arith.constant 0 : i32
        %dma_wait3A_518 = tpu.memref_slice %arg8[%dma_wait3A_516, %dma_wait3A_517] : memref<512x32xf32, #tpu.memory_space<vmem>> -> memref<128x32xf32, #tpu.memory_space<vmem>>
        %dma_wait3A_519 = arith.constant 0 : i32
        %dma_wait3A_520 = tpu.memref_slice %arg6[%dma_wait3A_513, %dma_wait3A_514, %dma_wait3A_519] : memref<3x4x128xi32, #tpu.memory_space<vmem>> -> memref<1x1x128xi32, #tpu.memory_space<vmem>>
        %dma_wait3A_521 = tpu.memref_squeeze %dma_wait3A_520 : memref<1x1x128xi32, #tpu.memory_space<vmem>> -> memref<128xi32, #tpu.memory_space<vmem>>
        %dma_wait3A_522 = arith.constant 0 : i32
        %dma_wait3A_523 = arith.constant 0 : i32
        %dma_wait3A_524 = tpu.memref_slice %arg3[%dma_wait3A_522, %dma_wait3A_523] : memref<1000000x32xf32, #tpu.memory_space<hbm>> -> memref<1000000x32xf32, #tpu.memory_space<hbm>>
        %dma_wait3A_525 = tpu.memref_slice %arg13[%dma_wait3A_515] : memref<3x!tpu.dma_semaphore, #tpu.memory_space<semaphore_mem>> -> memref<1x!tpu.dma_semaphore, #tpu.memory_space<semaphore_mem>>
        %dma_wait3A_526 = tpu.memref_squeeze %dma_wait3A_525 : memref<1x!tpu.dma_semaphore, #tpu.memory_space<semaphore_mem>> -> memref<!tpu.dma_semaphore, #tpu.memory_space<semaphore_mem>>
        tpu.wait_indirect_dma semaphore(%dma_wait3A_526 : memref<!tpu.dma_semaphore, #tpu.memory_space<semaphore_mem>>) src(%dma_wait3A_524 : memref<1000000x32xf32, #tpu.memory_space<hbm>>) dst(%dma_wait3A_518 : memref<128x32xf32, #tpu.memory_space<vmem>>)
        %dma_start3A_527 = arith.constant 1 : i32
        %dma_start3A_528 = arith.constant 3 : i32
        %dma_start3A_529 = arith.constant 1 : i32
        %dma_start3A_530 = arith.constant 384 : i32
        %dma_start3A_531 = arith.constant 0 : i32
        %dma_start3A_532 = tpu.memref_slice %arg8[%dma_start3A_530, %dma_start3A_531] : memref<512x32xf32, #tpu.memory_space<vmem>> -> memref<128x32xf32, #tpu.memory_space<vmem>>
        %dma_start3A_533 = arith.constant 0 : i32
        %dma_start3A_534 = tpu.memref_slice %arg6[%dma_start3A_527, %dma_start3A_528, %dma_start3A_533] : memref<3x4x128xi32, #tpu.memory_space<vmem>> -> memref<1x1x128xi32, #tpu.memory_space<vmem>>
        %dma_start3A_535 = tpu.memref_squeeze %dma_start3A_534 : memref<1x1x128xi32, #tpu.memory_space<vmem>> -> memref<128xi32, #tpu.memory_space<vmem>>
        %dma_start3A_536 = arith.constant 0 : i32
        %dma_start3A_537 = arith.constant 0 : i32
        %dma_start3A_538 = tpu.memref_slice %arg4[%dma_start3A_536, %dma_start3A_537] : memref<1000000x32xf32, #tpu.memory_space<hbm>> -> memref<1000000x32xf32, #tpu.memory_space<hbm>>
        %dma_start3A_539 = tpu.memref_slice %arg13[%dma_start3A_529] : memref<3x!tpu.dma_semaphore, #tpu.memory_space<semaphore_mem>> -> memref<1x!tpu.dma_semaphore, #tpu.memory_space<semaphore_mem>>
        %dma_start3A_540 = tpu.memref_squeeze %dma_start3A_539 : memref<1x!tpu.dma_semaphore, #tpu.memory_space<semaphore_mem>> -> memref<!tpu.dma_semaphore, #tpu.memory_space<semaphore_mem>>
        tpu.enqueue_indirect_dma source(%dma_start3A_538 : memref<1000000x32xf32, #tpu.memory_space<hbm>>) target(%dma_start3A_532 : memref<128x32xf32, #tpu.memory_space<vmem>>) offsets(%dma_start3A_535 : memref<128xi32, #tpu.memory_space<vmem>>) semaphore(%dma_start3A_540 : memref<!tpu.dma_semaphore, #tpu.memory_space<semaphore_mem>>) {add = true}
      } else {
      }
      %ge3A_407 = arith.constant 2 : i32
      %ge3A_408 = arith.cmpi sge, %add3A_386, %ge3A_407 : i32
      %sub3A_409 = arith.constant 2 : i32
      %sub3A_410 = arith.subi %add3A_386, %sub3A_409 : i32
      %lt3A_411 = arith.constant 50 : i32
      %lt3A_412 = arith.cmpi slt, %sub3A_410, %lt3A_411 : i32
      %and3A_413 = arith.andi %ge3A_408, %lt3A_412 : i1
      %convert_element_type3A_414 = arith.extui %and3A_413 : i1 to i32
      %cond3A_415 = arith.constant 0 : i32
      %cond3A_416 = arith.cmpi ne, %convert_element_type3A_414, %cond3A_415 : i32
      scf.if %cond3A_416 {
        %dma_wait3A_430 = arith.constant 0 : i32
        %dma_wait3A_431 = arith.constant 0 : i32
        %dma_wait3A_432 = arith.constant 0 : i32
        %dma_wait3A_433 = arith.constant 0 : i32
        %dma_wait3A_434 = arith.constant 0 : i32
        %dma_wait3A_435 = tpu.memref_slice %arg7[%dma_wait3A_433, %dma_wait3A_434] : memref<512x32xf32, #tpu.memory_space<vmem>> -> memref<128x32xf32, #tpu.memory_space<vmem>>
        %dma_wait3A_436 = arith.constant 0 : i32
        %dma_wait3A_437 = tpu.memref_slice %arg6[%dma_wait3A_430, %dma_wait3A_431, %dma_wait3A_436] : memref<3x4x128xi32, #tpu.memory_space<vmem>> -> memref<1x1x128xi32, #tpu.memory_space<vmem>>
        %dma_wait3A_438 = tpu.memref_squeeze %dma_wait3A_437 : memref<1x1x128xi32, #tpu.memory_space<vmem>> -> memref<128xi32, #tpu.memory_space<vmem>>
        %dma_wait3A_439 = arith.constant 0 : i32
        %dma_wait3A_440 = arith.constant 0 : i32
        %dma_wait3A_441 = tpu.memref_slice %arg4[%dma_wait3A_439, %dma_wait3A_440] : memref<1000000x32xf32, #tpu.memory_space<hbm>> -> memref<1000000x32xf32, #tpu.memory_space<hbm>>
        %dma_wait3A_442 = tpu.memref_slice %arg13[%dma_wait3A_432] : memref<3x!tpu.dma_semaphore, #tpu.memory_space<semaphore_mem>> -> memref<1x!tpu.dma_semaphore, #tpu.memory_space<semaphore_mem>>
        %dma_wait3A_443 = tpu.memref_squeeze %dma_wait3A_442 : memref<1x!tpu.dma_semaphore, #tpu.memory_space<semaphore_mem>> -> memref<!tpu.dma_semaphore, #tpu.memory_space<semaphore_mem>>
        tpu.wait_indirect_dma semaphore(%dma_wait3A_443 : memref<!tpu.dma_semaphore, #tpu.memory_space<semaphore_mem>>) src(%dma_wait3A_441 : memref<1000000x32xf32, #tpu.memory_space<hbm>>) dst(%dma_wait3A_435 : memref<128x32xf32, #tpu.memory_space<vmem>>)
        %dma_wait3A_444 = arith.constant 0 : i32
        %dma_wait3A_445 = arith.constant 1 : i32
        %dma_wait3A_446 = arith.constant 0 : i32
        %dma_wait3A_447 = arith.constant 128 : i32
        %dma_wait3A_448 = arith.constant 0 : i32
        %dma_wait3A_449 = tpu.memref_slice %arg7[%dma_wait3A_447, %dma_wait3A_448] : memref<512x32xf32, #tpu.memory_space<vmem>> -> memref<128x32xf32, #tpu.memory_space<vmem>>
        %dma_wait3A_450 = arith.constant 0 : i32
        %dma_wait3A_451 = tpu.memref_slice %arg6[%dma_wait3A_444, %dma_wait3A_445, %dma_wait3A_450] : memref<3x4x128xi32, #tpu.memory_space<vmem>> -> memref<1x1x128xi32, #tpu.memory_space<vmem>>
        %dma_wait3A_452 = tpu.memref_squeeze %dma_wait3A_451 : memref<1x1x128xi32, #tpu.memory_space<vmem>> -> memref<128xi32, #tpu.memory_space<vmem>>
        %dma_wait3A_453 = arith.constant 0 : i32
        %dma_wait3A_454 = arith.constant 0 : i32
        %dma_wait3A_455 = tpu.memref_slice %arg4[%dma_wait3A_453, %dma_wait3A_454] : memref<1000000x32xf32, #tpu.memory_space<hbm>> -> memref<1000000x32xf32, #tpu.memory_space<hbm>>
        %dma_wait3A_456 = tpu.memref_slice %arg13[%dma_wait3A_446] : memref<3x!tpu.dma_semaphore, #tpu.memory_space<semaphore_mem>> -> memref<1x!tpu.dma_semaphore, #tpu.memory_space<semaphore_mem>>
        %dma_wait3A_457 = tpu.memref_squeeze %dma_wait3A_456 : memref<1x!tpu.dma_semaphore, #tpu.memory_space<semaphore_mem>> -> memref<!tpu.dma_semaphore, #tpu.memory_space<semaphore_mem>>
        tpu.wait_indirect_dma semaphore(%dma_wait3A_457 : memref<!tpu.dma_semaphore, #tpu.memory_space<semaphore_mem>>) src(%dma_wait3A_455 : memref<1000000x32xf32, #tpu.memory_space<hbm>>) dst(%dma_wait3A_449 : memref<128x32xf32, #tpu.memory_space<vmem>>)
        %dma_wait3A_458 = arith.constant 0 : i32
        %dma_wait3A_459 = arith.constant 2 : i32
        %dma_wait3A_460 = arith.constant 0 : i32
        %dma_wait3A_461 = arith.constant 256 : i32
        %dma_wait3A_462 = arith.constant 0 : i32
        %dma_wait3A_463 = tpu.memref_slice %arg7[%dma_wait3A_461, %dma_wait3A_462] : memref<512x32xf32, #tpu.memory_space<vmem>> -> memref<128x32xf32, #tpu.memory_space<vmem>>
        %dma_wait3A_464 = arith.constant 0 : i32
        %dma_wait3A_465 = tpu.memref_slice %arg6[%dma_wait3A_458, %dma_wait3A_459, %dma_wait3A_464] : memref<3x4x128xi32, #tpu.memory_space<vmem>> -> memref<1x1x128xi32, #tpu.memory_space<vmem>>
        %dma_wait3A_466 = tpu.memref_squeeze %dma_wait3A_465 : memref<1x1x128xi32, #tpu.memory_space<vmem>> -> memref<128xi32, #tpu.memory_space<vmem>>
        %dma_wait3A_467 = arith.constant 0 : i32
        %dma_wait3A_468 = arith.constant 0 : i32
        %dma_wait3A_469 = tpu.memref_slice %arg4[%dma_wait3A_467, %dma_wait3A_468] : memref<1000000x32xf32, #tpu.memory_space<hbm>> -> memref<1000000x32xf32, #tpu.memory_space<hbm>>
        %dma_wait3A_470 = tpu.memref_slice %arg13[%dma_wait3A_460] : memref<3x!tpu.dma_semaphore, #tpu.memory_space<semaphore_mem>> -> memref<1x!tpu.dma_semaphore, #tpu.memory_space<semaphore_mem>>
        %dma_wait3A_471 = tpu.memref_squeeze %dma_wait3A_470 : memref<1x!tpu.dma_semaphore, #tpu.memory_space<semaphore_mem>> -> memref<!tpu.dma_semaphore, #tpu.memory_space<semaphore_mem>>
        tpu.wait_indirect_dma semaphore(%dma_wait3A_471 : memref<!tpu.dma_semaphore, #tpu.memory_space<semaphore_mem>>) src(%dma_wait3A_469 : memref<1000000x32xf32, #tpu.memory_space<hbm>>) dst(%dma_wait3A_463 : memref<128x32xf32, #tpu.memory_space<vmem>>)
        %dma_wait3A_472 = arith.constant 0 : i32
        %dma_wait3A_473 = arith.constant 3 : i32
        %dma_wait3A_474 = arith.constant 0 : i32
        %dma_wait3A_475 = arith.constant 384 : i32
        %dma_wait3A_476 = arith.constant 0 : i32
        %dma_wait3A_477 = tpu.memref_slice %arg7[%dma_wait3A_475, %dma_wait3A_476] : memref<512x32xf32, #tpu.memory_space<vmem>> -> memref<128x32xf32, #tpu.memory_space<vmem>>
        %dma_wait3A_478 = arith.constant 0 : i32
        %dma_wait3A_479 = tpu.memref_slice %arg6[%dma_wait3A_472, %dma_wait3A_473, %dma_wait3A_478] : memref<3x4x128xi32, #tpu.memory_space<vmem>> -> memref<1x1x128xi32, #tpu.memory_space<vmem>>
        %dma_wait3A_480 = tpu.memref_squeeze %dma_wait3A_479 : memref<1x1x128xi32, #tpu.memory_space<vmem>> -> memref<128xi32, #tpu.memory_space<vmem>>
        %dma_wait3A_481 = arith.constant 0 : i32
        %dma_wait3A_482 = arith.constant 0 : i32
        %dma_wait3A_483 = tpu.memref_slice %arg4[%dma_wait3A_481, %dma_wait3A_482] : memref<1000000x32xf32, #tpu.memory_space<hbm>> -> memref<1000000x32xf32, #tpu.memory_space<hbm>>
        %dma_wait3A_484 = tpu.memref_slice %arg13[%dma_wait3A_474] : memref<3x!tpu.dma_semaphore, #tpu.memory_space<semaphore_mem>> -> memref<1x!tpu.dma_semaphore, #tpu.memory_space<semaphore_mem>>
        %dma_wait3A_485 = tpu.memref_squeeze %dma_wait3A_484 : memref<1x!tpu.dma_semaphore, #tpu.memory_space<semaphore_mem>> -> memref<!tpu.dma_semaphore, #tpu.memory_space<semaphore_mem>>
        tpu.wait_indirect_dma semaphore(%dma_wait3A_485 : memref<!tpu.dma_semaphore, #tpu.memory_space<semaphore_mem>>) src(%dma_wait3A_483 : memref<1000000x32xf32, #tpu.memory_space<hbm>>) dst(%dma_wait3A_477 : memref<128x32xf32, #tpu.memory_space<vmem>>)
        %parallel_loop3A = arith.constant 0 : i32
        %parallel_loop3A_486 = arith.constant 64 : i32
        %parallel_loop3A_487 = arith.constant 1 : i32
        scf.for %parallel_loop3A_566 = %parallel_loop3A to %parallel_loop3A_486 step %parallel_loop3A_487  : i32 {
          %parallel_loop3A_567 = arith.constant 8 : i32
          %parallel_loop3A_568 = arith.muli %parallel_loop3A_566, %parallel_loop3A_567 : i32
          %parallel_loop3A_569 = arith.constant 16 : i32
          %parallel_loop3A_570 = arith.divsi %parallel_loop3A_566, %parallel_loop3A_569 : i32
          %parallel_loop3A_571 = arith.constant 8 : i32
          %parallel_loop3A_572 = arith.muli %parallel_loop3A_570, %parallel_loop3A_571 : i32
          %parallel_loop3A_573 = vector.broadcast %parallel_loop3A_572 : i32 to vector<16xi32>
          %parallel_loop3A_574 = arith.addi %add3A_290, %parallel_loop3A_573 : vector<16xi32>
          %parallel_loop3A_575 = arith.constant 8 : i32
          %parallel_loop3A_576 = arith.muli %parallel_loop3A_570, %parallel_loop3A_575 : i32
          %parallel_loop3A_577 = vector.broadcast %parallel_loop3A_576 : i32 to vector<16xi32>
          %parallel_loop3A_578 = arith.addi %add3A_293, %parallel_loop3A_577 : vector<16xi32>
          %parallel_loop3A_579 = arith.constant 128 : i32
          %parallel_loop3A_580 = arith.muli %parallel_loop3A_570, %parallel_loop3A_579 : i32
          %parallel_loop3A_581 = arith.subi %parallel_loop3A_568, %parallel_loop3A_580 : i32
          %parallel_loop3A_582 = vector.broadcast %parallel_loop3A_581 : i32 to vector<16xi32>
          %parallel_loop3A_583 = arith.constant 0 : i32
          %parallel_loop3A_584 = arith.addi %parallel_loop3A_568, %parallel_loop3A_583 : i32
          %parallel_loop3A_585 = arith.index_cast %parallel_loop3A_584 : i32 to index
          %parallel_loop3A_586 = arith.constant 0 : index
          %parallel_loop3A_587 = tpu.vector_load %arg7[%parallel_loop3A_585, %parallel_loop3A_586] {strides = array<i32>} : memref<512x32xf32, #tpu.memory_space<vmem>>, vector<16xf32>,
          %parallel_loop3A_588 = arith.constant 0 : i32
          %parallel_loop3A_589 = arith.addi %parallel_loop3A_568, %parallel_loop3A_588 : i32
          %parallel_loop3A_590 = arith.index_cast %parallel_loop3A_589 : i32 to index
          %parallel_loop3A_591 = arith.constant 16 : index
          %parallel_loop3A_592 = tpu.vector_load %arg7[%parallel_loop3A_590, %parallel_loop3A_591] {strides = array<i32>} : memref<512x32xf32, #tpu.memory_space<vmem>>, vector<16xf32>,
          %parallel_loop3A_593 = arith.constant 0 : i32
          %parallel_loop3A_594 = vector.broadcast %parallel_loop3A_593 : i32 to vector<16xi32>
          %parallel_loop3A_595 = arith.addi %parallel_loop3A_582, %parallel_loop3A_594 : vector<16xi32>
          tpu.vector_store_idx %arg10[%parallel_loop3A_574, %parallel_loop3A_595], %parallel_loop3A_587 : memref<128x129xf32, #tpu.memory_space<vmem>>[vector<16xi32>, vector<16xi32>], vector<16xf32>,
          tpu.vector_store_idx %arg10[%parallel_loop3A_578, %parallel_loop3A_595], %parallel_loop3A_592 : memref<128x129xf32, #tpu.memory_space<vmem>>[vector<16xi32>, vector<16xi32>], vector<16xf32>,
          %parallel_loop3A_596 = arith.constant 1 : i32
          %parallel_loop3A_597 = arith.addi %parallel_loop3A_568, %parallel_loop3A_596 : i32
          %parallel_loop3A_598 = arith.index_cast %parallel_loop3A_597 : i32 to index
          %parallel_loop3A_599 = arith.constant 0 : index
          %parallel_loop3A_600 = tpu.vector_load %arg7[%parallel_loop3A_598, %parallel_loop3A_599] {strides = array<i32>} : memref<512x32xf32, #tpu.memory_space<vmem>>, vector<16xf32>,
          %parallel_loop3A_601 = arith.constant 1 : i32
          %parallel_loop3A_602 = arith.addi %parallel_loop3A_568, %parallel_loop3A_601 : i32
          %parallel_loop3A_603 = arith.index_cast %parallel_loop3A_602 : i32 to index
          %parallel_loop3A_604 = arith.constant 16 : index
          %parallel_loop3A_605 = tpu.vector_load %arg7[%parallel_loop3A_603, %parallel_loop3A_604] {strides = array<i32>} : memref<512x32xf32, #tpu.memory_space<vmem>>, vector<16xf32>,
          %parallel_loop3A_606 = arith.constant 1 : i32
          %parallel_loop3A_607 = vector.broadcast %parallel_loop3A_606 : i32 to vector<16xi32>
          %parallel_loop3A_608 = arith.addi %parallel_loop3A_582, %parallel_loop3A_607 : vector<16xi32>
          tpu.vector_store_idx %arg10[%parallel_loop3A_574, %parallel_loop3A_608], %parallel_loop3A_600 : memref<128x129xf32, #tpu.memory_space<vmem>>[vector<16xi32>, vector<16xi32>], vector<16xf32>,
          tpu.vector_store_idx %arg10[%parallel_loop3A_578, %parallel_loop3A_608], %parallel_loop3A_605 : memref<128x129xf32, #tpu.memory_space<vmem>>[vector<16xi32>, vector<16xi32>], vector<16xf32>,
          %parallel_loop3A_609 = arith.constant 2 : i32
          %parallel_loop3A_610 = arith.addi %parallel_loop3A_568, %parallel_loop3A_609 : i32
          %parallel_loop3A_611 = arith.index_cast %parallel_loop3A_610 : i32 to index
          %parallel_loop3A_612 = arith.constant 0 : index
          %parallel_loop3A_613 = tpu.vector_load %arg7[%parallel_loop3A_611, %parallel_loop3A_612] {strides = array<i32>} : memref<512x32xf32, #tpu.memory_space<vmem>>, vector<16xf32>,
          %parallel_loop3A_614 = arith.constant 2 : i32
          %parallel_loop3A_615 = arith.addi %parallel_loop3A_568, %parallel_loop3A_614 : i32
          %parallel_loop3A_616 = arith.index_cast %parallel_loop3A_615 : i32 to index
          %parallel_loop3A_617 = arith.constant 16 : index
          %parallel_loop3A_618 = tpu.vector_load %arg7[%parallel_loop3A_616, %parallel_loop3A_617] {strides = array<i32>} : memref<512x32xf32, #tpu.memory_space<vmem>>, vector<16xf32>,
          %parallel_loop3A_619 = arith.constant 2 : i32
          %parallel_loop3A_620 = vector.broadcast %parallel_loop3A_619 : i32 to vector<16xi32>
          %parallel_loop3A_621 = arith.addi %parallel_loop3A_582, %parallel_loop3A_620 : vector<16xi32>
          tpu.vector_store_idx %arg10[%parallel_loop3A_574, %parallel_loop3A_621], %parallel_loop3A_613 : memref<128x129xf32, #tpu.memory_space<vmem>>[vector<16xi32>, vector<16xi32>], vector<16xf32>,
          tpu.vector_store_idx %arg10[%parallel_loop3A_578, %parallel_loop3A_621], %parallel_loop3A_618 : memref<128x129xf32, #tpu.memory_space<vmem>>[vector<16xi32>, vector<16xi32>], vector<16xf32>,
          %parallel_loop3A_622 = arith.constant 3 : i32
          %parallel_loop3A_623 = arith.addi %parallel_loop3A_568, %parallel_loop3A_622 : i32
          %parallel_loop3A_624 = arith.index_cast %parallel_loop3A_623 : i32 to index
          %parallel_loop3A_625 = arith.constant 0 : index
          %parallel_loop3A_626 = tpu.vector_load %arg7[%parallel_loop3A_624, %parallel_loop3A_625] {strides = array<i32>} : memref<512x32xf32, #tpu.memory_space<vmem>>, vector<16xf32>,
          %parallel_loop3A_627 = arith.constant 3 : i32
          %parallel_loop3A_628 = arith.addi %parallel_loop3A_568, %parallel_loop3A_627 : i32
          %parallel_loop3A_629 = arith.index_cast %parallel_loop3A_628 : i32 to index
          %parallel_loop3A_630 = arith.constant 16 : index
          %parallel_loop3A_631 = tpu.vector_load %arg7[%parallel_loop3A_629, %parallel_loop3A_630] {strides = array<i32>} : memref<512x32xf32, #tpu.memory_space<vmem>>, vector<16xf32>,
          %parallel_loop3A_632 = arith.constant 3 : i32
          %parallel_loop3A_633 = vector.broadcast %parallel_loop3A_632 : i32 to vector<16xi32>
          %parallel_loop3A_634 = arith.addi %parallel_loop3A_582, %parallel_loop3A_633 : vector<16xi32>
          tpu.vector_store_idx %arg10[%parallel_loop3A_574, %parallel_loop3A_634], %parallel_loop3A_626 : memref<128x129xf32, #tpu.memory_space<vmem>>[vector<16xi32>, vector<16xi32>], vector<16xf32>,
          tpu.vector_store_idx %arg10[%parallel_loop3A_578, %parallel_loop3A_634], %parallel_loop3A_631 : memref<128x129xf32, #tpu.memory_space<vmem>>[vector<16xi32>, vector<16xi32>], vector<16xf32>,
          %parallel_loop3A_635 = arith.constant 4 : i32
          %parallel_loop3A_636 = arith.addi %parallel_loop3A_568, %parallel_loop3A_635 : i32
          %parallel_loop3A_637 = arith.index_cast %parallel_loop3A_636 : i32 to index
          %parallel_loop3A_638 = arith.constant 0 : index
          %parallel_loop3A_639 = tpu.vector_load %arg7[%parallel_loop3A_637, %parallel_loop3A_638] {strides = array<i32>} : memref<512x32xf32, #tpu.memory_space<vmem>>, vector<16xf32>,
          %parallel_loop3A_640 = arith.constant 4 : i32
          %parallel_loop3A_641 = arith.addi %parallel_loop3A_568, %parallel_loop3A_640 : i32
          %parallel_loop3A_642 = arith.index_cast %parallel_loop3A_641 : i32 to index
          %parallel_loop3A_643 = arith.constant 16 : index
          %parallel_loop3A_644 = tpu.vector_load %arg7[%parallel_loop3A_642, %parallel_loop3A_643] {strides = array<i32>} : memref<512x32xf32, #tpu.memory_space<vmem>>, vector<16xf32>,
          %parallel_loop3A_645 = arith.constant 4 : i32
          %parallel_loop3A_646 = vector.broadcast %parallel_loop3A_645 : i32 to vector<16xi32>
          %parallel_loop3A_647 = arith.addi %parallel_loop3A_582, %parallel_loop3A_646 : vector<16xi32>
          tpu.vector_store_idx %arg10[%parallel_loop3A_574, %parallel_loop3A_647], %parallel_loop3A_639 : memref<128x129xf32, #tpu.memory_space<vmem>>[vector<16xi32>, vector<16xi32>], vector<16xf32>,
          tpu.vector_store_idx %arg10[%parallel_loop3A_578, %parallel_loop3A_647], %parallel_loop3A_644 : memref<128x129xf32, #tpu.memory_space<vmem>>[vector<16xi32>, vector<16xi32>], vector<16xf32>,
          %parallel_loop3A_648 = arith.constant 5 : i32
          %parallel_loop3A_649 = arith.addi %parallel_loop3A_568, %parallel_loop3A_648 : i32
          %parallel_loop3A_650 = arith.index_cast %parallel_loop3A_649 : i32 to index
          %parallel_loop3A_651 = arith.constant 0 : index
          %parallel_loop3A_652 = tpu.vector_load %arg7[%parallel_loop3A_650, %parallel_loop3A_651] {strides = array<i32>} : memref<512x32xf32, #tpu.memory_space<vmem>>, vector<16xf32>,
          %parallel_loop3A_653 = arith.constant 5 : i32
          %parallel_loop3A_654 = arith.addi %parallel_loop3A_568, %parallel_loop3A_653 : i32
          %parallel_loop3A_655 = arith.index_cast %parallel_loop3A_654 : i32 to index
          %parallel_loop3A_656 = arith.constant 16 : index
          %parallel_loop3A_657 = tpu.vector_load %arg7[%parallel_loop3A_655, %parallel_loop3A_656] {strides = array<i32>} : memref<512x32xf32, #tpu.memory_space<vmem>>, vector<16xf32>,
          %parallel_loop3A_658 = arith.constant 5 : i32
          %parallel_loop3A_659 = vector.broadcast %parallel_loop3A_658 : i32 to vector<16xi32>
          %parallel_loop3A_660 = arith.addi %parallel_loop3A_582, %parallel_loop3A_659 : vector<16xi32>
          tpu.vector_store_idx %arg10[%parallel_loop3A_574, %parallel_loop3A_660], %parallel_loop3A_652 : memref<128x129xf32, #tpu.memory_space<vmem>>[vector<16xi32>, vector<16xi32>], vector<16xf32>,
          tpu.vector_store_idx %arg10[%parallel_loop3A_578, %parallel_loop3A_660], %parallel_loop3A_657 : memref<128x129xf32, #tpu.memory_space<vmem>>[vector<16xi32>, vector<16xi32>], vector<16xf32>,
          %parallel_loop3A_661 = arith.constant 6 : i32
          %parallel_loop3A_662 = arith.addi %parallel_loop3A_568, %parallel_loop3A_661 : i32
          %parallel_loop3A_663 = arith.index_cast %parallel_loop3A_662 : i32 to index
          %parallel_loop3A_664 = arith.constant 0 : index
          %parallel_loop3A_665 = tpu.vector_load %arg7[%parallel_loop3A_663, %parallel_loop3A_664] {strides = array<i32>} : memref<512x32xf32, #tpu.memory_space<vmem>>, vector<16xf32>,
          %parallel_loop3A_666 = arith.constant 6 : i32
          %parallel_loop3A_667 = arith.addi %parallel_loop3A_568, %parallel_loop3A_666 : i32
          %parallel_loop3A_668 = arith.index_cast %parallel_loop3A_667 : i32 to index
          %parallel_loop3A_669 = arith.constant 16 : index
          %parallel_loop3A_670 = tpu.vector_load %arg7[%parallel_loop3A_668, %parallel_loop3A_669] {strides = array<i32>} : memref<512x32xf32, #tpu.memory_space<vmem>>, vector<16xf32>,
          %parallel_loop3A_671 = arith.constant 6 : i32
          %parallel_loop3A_672 = vector.broadcast %parallel_loop3A_671 : i32 to vector<16xi32>
          %parallel_loop3A_673 = arith.addi %parallel_loop3A_582, %parallel_loop3A_672 : vector<16xi32>
          tpu.vector_store_idx %arg10[%parallel_loop3A_574, %parallel_loop3A_673], %parallel_loop3A_665 : memref<128x129xf32, #tpu.memory_space<vmem>>[vector<16xi32>, vector<16xi32>], vector<16xf32>,
          tpu.vector_store_idx %arg10[%parallel_loop3A_578, %parallel_loop3A_673], %parallel_loop3A_670 : memref<128x129xf32, #tpu.memory_space<vmem>>[vector<16xi32>, vector<16xi32>], vector<16xf32>,
          %parallel_loop3A_674 = arith.constant 7 : i32
          %parallel_loop3A_675 = arith.addi %parallel_loop3A_568, %parallel_loop3A_674 : i32
          %parallel_loop3A_676 = arith.index_cast %parallel_loop3A_675 : i32 to index
          %parallel_loop3A_677 = arith.constant 0 : index
          %parallel_loop3A_678 = tpu.vector_load %arg7[%parallel_loop3A_676, %parallel_loop3A_677] {strides = array<i32>} : memref<512x32xf32, #tpu.memory_space<vmem>>, vector<16xf32>,
          %parallel_loop3A_679 = arith.constant 7 : i32
          %parallel_loop3A_680 = arith.addi %parallel_loop3A_568, %parallel_loop3A_679 : i32
          %parallel_loop3A_681 = arith.index_cast %parallel_loop3A_680 : i32 to index
          %parallel_loop3A_682 = arith.constant 16 : index
          %parallel_loop3A_683 = tpu.vector_load %arg7[%parallel_loop3A_681, %parallel_loop3A_682] {strides = array<i32>} : memref<512x32xf32, #tpu.memory_space<vmem>>, vector<16xf32>,
          %parallel_loop3A_684 = arith.constant 7 : i32
          %parallel_loop3A_685 = vector.broadcast %parallel_loop3A_684 : i32 to vector<16xi32>
          %parallel_loop3A_686 = arith.addi %parallel_loop3A_582, %parallel_loop3A_685 : vector<16xi32>
          tpu.vector_store_idx %arg10[%parallel_loop3A_574, %parallel_loop3A_686], %parallel_loop3A_678 : memref<128x129xf32, #tpu.memory_space<vmem>>[vector<16xi32>, vector<16xi32>], vector<16xf32>,
          tpu.vector_store_idx %arg10[%parallel_loop3A_578, %parallel_loop3A_686], %parallel_loop3A_683 : memref<128x129xf32, #tpu.memory_space<vmem>>[vector<16xi32>, vector<16xi32>], vector<16xf32>,
        } {sc.loop_unroll_factor = 2 : i64, sc.parallel_access}
        %sub3A_488 = arith.constant 2 : i32
        %sub3A_489 = arith.subi %add3A_386, %sub3A_488 : i32
        %add3A_490 = arith.addi %mul3A_2, %sub3A_489 : i32
        %div3A_491 = arith.constant 8 : i32
        %div3A_492 = arith.divsi %add3A_490, %div3A_491 : i32
        %rem3A_493 = arith.constant 8 : i32
        %rem3A_494 = arith.remsi %add3A_490, %rem3A_493 : i32
        %mul3A_495 = arith.constant 32 : i32
        %mul3A_496 = arith.muli %rem3A_494, %mul3A_495 : i32
        %mul3A_497 = arith.constant 32 : i32
        %mul3A_498 = arith.muli %rem3A_494, %mul3A_497 : i32
        %mul3A_499 = arith.constant 32 : i32
        %mul3A_500 = arith.muli %rem3A_494, %mul3A_499 : i32
        %mul3A_501 = arith.constant 32 : i32
        %mul3A_502 = arith.muli %rem3A_494, %mul3A_501 : i32
        %dma_start3A = arith.constant 0 : i32
        %dma_start3A_503 = arith.constant 0 : i32
        %dma_start3A_504 = arith.constant 0 : i32
        %dma_start3A_505 = arith.constant 0 : i32
        %dma_start3A_506 = tpu.memref_slice %arg10[%dma_start3A_504, %dma_start3A_505] : memref<128x129xf32, #tpu.memory_space<vmem>> -> memref<32x128xf32, #tpu.memory_space<vmem>>
        %dma_start3A_507 = arith.constant 0 : i32
        %dma_start3A_508 = tpu.memref_slice %arg5[%div3A_492, %dma_start3A, %mul3A_496, %dma_start3A_507] : memref<200x4x256x128xf32, #tpu.memory_space<hbm>> -> memref<1x1x32x128xf32, #tpu.memory_space<hbm>>
        %dma_start3A_509 = tpu.memref_squeeze %dma_start3A_508 : memref<1x1x32x128xf32, #tpu.memory_space<hbm>> -> memref<32x128xf32, #tpu.memory_space<hbm>>
        %dma_start3A_510 = tpu.memref_slice %arg14[%dma_start3A_503] : memref<3x!tpu.dma_semaphore, #tpu.memory_space<semaphore_mem>> -> memref<1x!tpu.dma_semaphore, #tpu.memory_space<semaphore_mem>>
        %dma_start3A_511 = tpu.memref_squeeze %dma_start3A_510 : memref<1x!tpu.dma_semaphore, #tpu.memory_space<semaphore_mem>> -> memref<!tpu.dma_semaphore, #tpu.memory_space<semaphore_mem>>
        %dma_start3A_512 = arith.constant 0 : i32
        %dma_start3A_513 = tpu.memref_slice %arg5[%div3A_492, %dma_start3A, %mul3A_496, %dma_start3A_512] : memref<200x4x256x128xf32, #tpu.memory_space<hbm>> -> memref<1x1x32x128xf32, #tpu.memory_space<hbm>>
        %dma_start3A_514 = tpu.memref_squeeze %dma_start3A_513 : memref<1x1x32x128xf32, #tpu.memory_space<hbm>> -> memref<32x128xf32, #tpu.memory_space<hbm>>
        %dma_start3A_515 = arith.constant 0 : i32
        %dma_start3A_516 = arith.constant 0 : i32
        %dma_start3A_517 = tpu.memref_slice %arg10[%dma_start3A_515, %dma_start3A_516] : memref<128x129xf32, #tpu.memory_space<vmem>> -> memref<32x128xf32, #tpu.memory_space<vmem>>
        tpu.enqueue_dma source(%dma_start3A_517 : memref<32x128xf32, #tpu.memory_space<vmem>>) target(%dma_start3A_514 : memref<32x128xf32, #tpu.memory_space<hbm>>) target_semaphore(%dma_start3A_511 : memref<!tpu.dma_semaphore, #tpu.memory_space<semaphore_mem>>)
        %dma_start3A_518 = arith.constant 1 : i32
        %dma_start3A_519 = arith.constant 0 : i32
        %dma_start3A_520 = arith.constant 32 : i32
        %dma_start3A_521 = arith.constant 0 : i32
        %dma_start3A_522 = tpu.memref_slice %arg10[%dma_start3A_520, %dma_start3A_521] : memref<128x129xf32, #tpu.memory_space<vmem>> -> memref<32x128xf32, #tpu.memory_space<vmem>>
        %dma_start3A_523 = arith.constant 0 : i32
        %dma_start3A_524 = tpu.memref_slice %arg5[%div3A_492, %dma_start3A_518, %mul3A_498, %dma_start3A_523] : memref<200x4x256x128xf32, #tpu.memory_space<hbm>> -> memref<1x1x32x128xf32, #tpu.memory_space<hbm>>
        %dma_start3A_525 = tpu.memref_squeeze %dma_start3A_524 : memref<1x1x32x128xf32, #tpu.memory_space<hbm>> -> memref<32x128xf32, #tpu.memory_space<hbm>>
        %dma_start3A_526 = tpu.memref_slice %arg14[%dma_start3A_519] : memref<3x!tpu.dma_semaphore, #tpu.memory_space<semaphore_mem>> -> memref<1x!tpu.dma_semaphore, #tpu.memory_space<semaphore_mem>>
        %dma_start3A_527 = tpu.memref_squeeze %dma_start3A_526 : memref<1x!tpu.dma_semaphore, #tpu.memory_space<semaphore_mem>> -> memref<!tpu.dma_semaphore, #tpu.memory_space<semaphore_mem>>
        %dma_start3A_528 = arith.constant 0 : i32
        %dma_start3A_529 = tpu.memref_slice %arg5[%div3A_492, %dma_start3A_518, %mul3A_498, %dma_start3A_528] : memref<200x4x256x128xf32, #tpu.memory_space<hbm>> -> memref<1x1x32x128xf32, #tpu.memory_space<hbm>>
        %dma_start3A_530 = tpu.memref_squeeze %dma_start3A_529 : memref<1x1x32x128xf32, #tpu.memory_space<hbm>> -> memref<32x128xf32, #tpu.memory_space<hbm>>
        %dma_start3A_531 = arith.constant 32 : i32
        %dma_start3A_532 = arith.constant 0 : i32
        %dma_start3A_533 = tpu.memref_slice %arg10[%dma_start3A_531, %dma_start3A_532] : memref<128x129xf32, #tpu.memory_space<vmem>> -> memref<32x128xf32, #tpu.memory_space<vmem>>
        tpu.enqueue_dma source(%dma_start3A_533 : memref<32x128xf32, #tpu.memory_space<vmem>>) target(%dma_start3A_530 : memref<32x128xf32, #tpu.memory_space<hbm>>) target_semaphore(%dma_start3A_527 : memref<!tpu.dma_semaphore, #tpu.memory_space<semaphore_mem>>)
        %dma_start3A_534 = arith.constant 2 : i32
        %dma_start3A_535 = arith.constant 0 : i32
        %dma_start3A_536 = arith.constant 64 : i32
        %dma_start3A_537 = arith.constant 0 : i32
        %dma_start3A_538 = tpu.memref_slice %arg10[%dma_start3A_536, %dma_start3A_537] : memref<128x129xf32, #tpu.memory_space<vmem>> -> memref<32x128xf32, #tpu.memory_space<vmem>>
        %dma_start3A_539 = arith.constant 0 : i32
        %dma_start3A_540 = tpu.memref_slice %arg5[%div3A_492, %dma_start3A_534, %mul3A_500, %dma_start3A_539] : memref<200x4x256x128xf32, #tpu.memory_space<hbm>> -> memref<1x1x32x128xf32, #tpu.memory_space<hbm>>
        %dma_start3A_541 = tpu.memref_squeeze %dma_start3A_540 : memref<1x1x32x128xf32, #tpu.memory_space<hbm>> -> memref<32x128xf32, #tpu.memory_space<hbm>>
        %dma_start3A_542 = tpu.memref_slice %arg14[%dma_start3A_535] : memref<3x!tpu.dma_semaphore, #tpu.memory_space<semaphore_mem>> -> memref<1x!tpu.dma_semaphore, #tpu.memory_space<semaphore_mem>>
        %dma_start3A_543 = tpu.memref_squeeze %dma_start3A_542 : memref<1x!tpu.dma_semaphore, #tpu.memory_space<semaphore_mem>> -> memref<!tpu.dma_semaphore, #tpu.memory_space<semaphore_mem>>
        %dma_start3A_544 = arith.constant 0 : i32
        %dma_start3A_545 = tpu.memref_slice %arg5[%div3A_492, %dma_start3A_534, %mul3A_500, %dma_start3A_544] : memref<200x4x256x128xf32, #tpu.memory_space<hbm>> -> memref<1x1x32x128xf32, #tpu.memory_space<hbm>>
        %dma_start3A_546 = tpu.memref_squeeze %dma_start3A_545 : memref<1x1x32x128xf32, #tpu.memory_space<hbm>> -> memref<32x128xf32, #tpu.memory_space<hbm>>
        %dma_start3A_547 = arith.constant 64 : i32
        %dma_start3A_548 = arith.constant 0 : i32
        %dma_start3A_549 = tpu.memref_slice %arg10[%dma_start3A_547, %dma_start3A_548] : memref<128x129xf32, #tpu.memory_space<vmem>> -> memref<32x128xf32, #tpu.memory_space<vmem>>
        tpu.enqueue_dma source(%dma_start3A_549 : memref<32x128xf32, #tpu.memory_space<vmem>>) target(%dma_start3A_546 : memref<32x128xf32, #tpu.memory_space<hbm>>) target_semaphore(%dma_start3A_543 : memref<!tpu.dma_semaphore, #tpu.memory_space<semaphore_mem>>)
        %dma_start3A_550 = arith.constant 3 : i32
        %dma_start3A_551 = arith.constant 0 : i32
        %dma_start3A_552 = arith.constant 96 : i32
        %dma_start3A_553 = arith.constant 0 : i32
        %dma_start3A_554 = tpu.memref_slice %arg10[%dma_start3A_552, %dma_start3A_553] : memref<128x129xf32, #tpu.memory_space<vmem>> -> memref<32x128xf32, #tpu.memory_space<vmem>>
        %dma_start3A_555 = arith.constant 0 : i32
        %dma_start3A_556 = tpu.memref_slice %arg5[%div3A_492, %dma_start3A_550, %mul3A_502, %dma_start3A_555] : memref<200x4x256x128xf32, #tpu.memory_space<hbm>> -> memref<1x1x32x128xf32, #tpu.memory_space<hbm>>
        %dma_start3A_557 = tpu.memref_squeeze %dma_start3A_556 : memref<1x1x32x128xf32, #tpu.memory_space<hbm>> -> memref<32x128xf32, #tpu.memory_space<hbm>>
        %dma_start3A_558 = tpu.memref_slice %arg14[%dma_start3A_551] : memref<3x!tpu.dma_semaphore, #tpu.memory_space<semaphore_mem>> -> memref<1x!tpu.dma_semaphore, #tpu.memory_space<semaphore_mem>>
        %dma_start3A_559 = tpu.memref_squeeze %dma_start3A_558 : memref<1x!tpu.dma_semaphore, #tpu.memory_space<semaphore_mem>> -> memref<!tpu.dma_semaphore, #tpu.memory_space<semaphore_mem>>
        %dma_start3A_560 = arith.constant 0 : i32
        %dma_start3A_561 = tpu.memref_slice %arg5[%div3A_492, %dma_start3A_550, %mul3A_502, %dma_start3A_560] : memref<200x4x256x128xf32, #tpu.memory_space<hbm>> -> memref<1x1x32x128xf32, #tpu.memory_space<hbm>>
        %dma_start3A_562 = tpu.memref_squeeze %dma_start3A_561 : memref<1x1x32x128xf32, #tpu.memory_space<hbm>> -> memref<32x128xf32, #tpu.memory_space<hbm>>
        %dma_start3A_563 = arith.constant 96 : i32
        %dma_start3A_564 = arith.constant 0 : i32
        %dma_start3A_565 = tpu.memref_slice %arg10[%dma_start3A_563, %dma_start3A_564] : memref<128x129xf32, #tpu.memory_space<vmem>> -> memref<32x128xf32, #tpu.memory_space<vmem>>
        tpu.enqueue_dma source(%dma_start3A_565 : memref<32x128xf32, #tpu.memory_space<vmem>>) target(%dma_start3A_562 : memref<32x128xf32, #tpu.memory_space<hbm>>) target_semaphore(%dma_start3A_559 : memref<!tpu.dma_semaphore, #tpu.memory_space<semaphore_mem>>)
      } else {
      }
      %add3A_417 = arith.constant 1 : i32
      %add3A_418 = arith.addi %add3A_386, %add3A_417 : i32
      %ge3A_419 = arith.constant 1 : i32
      %ge3A_420 = arith.cmpi sge, %add3A_418, %ge3A_419 : i32
      %add3A_421 = arith.constant 1 : i32
      %add3A_422 = arith.addi %add3A_386, %add3A_421 : i32
      %lt3A_423 = arith.constant 50 : i32
      %lt3A_424 = arith.cmpi slt, %add3A_422, %lt3A_423 : i32
      %and3A_425 = arith.andi %ge3A_420, %lt3A_424 : i1
      %convert_element_type3A_426 = arith.extui %and3A_425 : i1 to i32
      %cond3A_427 = arith.constant 0 : i32
      %cond3A_428 = arith.cmpi ne, %convert_element_type3A_426, %cond3A_427 : i32
      scf.if %cond3A_428 {
        %add3A_430 = arith.constant 1 : i32
        %add3A_431 = arith.addi %add3A_386, %add3A_430 : i32
        %add3A_432 = arith.addi %mul3A_2, %add3A_431 : i32
        %div3A_433 = arith.constant 8 : i32
        %div3A_434 = arith.divsi %add3A_432, %div3A_433 : i32
        %rem3A_435 = arith.constant 8 : i32
        %rem3A_436 = arith.remsi %add3A_432, %rem3A_435 : i32
        %mul3A_437 = arith.constant 4 : i32
        %mul3A_438 = arith.muli %rem3A_436, %mul3A_437 : i32
        %dma_start3A = arith.constant 0 : i32
        %dma_start3A_439 = arith.constant 0 : i32
        %dma_start3A_440 = arith.constant 0 : i32
        %dma_start3A_441 = arith.constant 0 : i32
        %dma_start3A_442 = tpu.memref_slice %arg6[%dma_start3A, %dma_start3A_440, %dma_start3A_441] : memref<3x4x128xi32, #tpu.memory_space<vmem>> -> memref<1x4x128xi32, #tpu.memory_space<vmem>>
        %dma_start3A_443 = tpu.memref_squeeze %dma_start3A_442 : memref<1x4x128xi32, #tpu.memory_space<vmem>> -> memref<4x128xi32, #tpu.memory_space<vmem>>
        %dma_start3A_444 = arith.constant 0 : i32
        %dma_start3A_445 = tpu.memref_slice %arg2[%div3A_434, %mul3A_438, %dma_start3A_444] : memref<200x32x128xi32, #tpu.memory_space<hbm>> -> memref<1x4x128xi32, #tpu.memory_space<hbm>>
        %dma_start3A_446 = tpu.memref_squeeze %dma_start3A_445 : memref<1x4x128xi32, #tpu.memory_space<hbm>> -> memref<4x128xi32, #tpu.memory_space<hbm>>
        %dma_start3A_447 = tpu.memref_slice %arg15[%dma_start3A_439] : memref<3x!tpu.dma_semaphore, #tpu.memory_space<semaphore_mem>> -> memref<1x!tpu.dma_semaphore, #tpu.memory_space<semaphore_mem>>
        %dma_start3A_448 = tpu.memref_squeeze %dma_start3A_447 : memref<1x!tpu.dma_semaphore, #tpu.memory_space<semaphore_mem>> -> memref<!tpu.dma_semaphore, #tpu.memory_space<semaphore_mem>>
        %dma_start3A_449 = arith.constant 0 : i32
        %dma_start3A_450 = arith.constant 0 : i32
        %dma_start3A_451 = tpu.memref_slice %arg6[%dma_start3A, %dma_start3A_449, %dma_start3A_450] : memref<3x4x128xi32, #tpu.memory_space<vmem>> -> memref<1x4x128xi32, #tpu.memory_space<vmem>>
        %dma_start3A_452 = tpu.memref_squeeze %dma_start3A_451 : memref<1x4x128xi32, #tpu.memory_space<vmem>> -> memref<4x128xi32, #tpu.memory_space<vmem>>
        %dma_start3A_453 = arith.constant 0 : i32
        %dma_start3A_454 = tpu.memref_slice %arg2[%div3A_434, %mul3A_438, %dma_start3A_453] : memref<200x32x128xi32, #tpu.memory_space<hbm>> -> memref<1x4x128xi32, #tpu.memory_space<hbm>>
        %dma_start3A_455 = tpu.memref_squeeze %dma_start3A_454 : memref<1x4x128xi32, #tpu.memory_space<hbm>> -> memref<4x128xi32, #tpu.memory_space<hbm>>
        tpu.enqueue_dma source(%dma_start3A_455 : memref<4x128xi32, #tpu.memory_space<hbm>>) target(%dma_start3A_452 : memref<4x128xi32, #tpu.memory_space<vmem>>) target_semaphore(%dma_start3A_448 : memref<!tpu.dma_semaphore, #tpu.memory_space<semaphore_mem>>)
      } else {
      }
      %scan3A_429 = arith.constant 0 : i32
      scf.yield %scan3A_429 : i32
    }
    %scan3A_8 = arith.constant 18 : i32
    %add3A_9 = arith.constant 47 : i32
    %add3A_10 = arith.addi %mul3A_2, %add3A_9 : i32
    %div3A = arith.constant 8 : i32
    %div3A_11 = arith.divsi %add3A_10, %div3A : i32
    %rem3A = arith.constant 8 : i32
    %rem3A_12 = arith.remsi %add3A_10, %rem3A : i32
    %mul3A_13 = arith.constant 32 : i32
    %mul3A_14 = arith.muli %rem3A_12, %mul3A_13 : i32
    %mul3A_15 = arith.constant 32 : i32
    %mul3A_16 = arith.muli %rem3A_12, %mul3A_15 : i32
    %mul3A_17 = arith.constant 32 : i32
    %mul3A_18 = arith.muli %rem3A_12, %mul3A_17 : i32
    %mul3A_19 = arith.constant 32 : i32
    %mul3A_20 = arith.muli %rem3A_12, %mul3A_19 : i32
    %dma_wait3A = arith.constant 0 : i32
    %dma_wait3A_21 = arith.constant 2 : i32
    %dma_wait3A_22 = arith.constant 0 : i32
    %dma_wait3A_23 = arith.constant 0 : i32
    %dma_wait3A_24 = tpu.memref_slice %arg12[%dma_wait3A_22, %dma_wait3A_23] : memref<128x129xf32, #tpu.memory_space<vmem>> -> memref<32x128xf32, #tpu.memory_space<vmem>>
    %dma_wait3A_25 = arith.constant 0 : i32
    %dma_wait3A_26 = tpu.memref_slice %arg5[%div3A_11, %dma_wait3A, %mul3A_14, %dma_wait3A_25] : memref<200x4x256x128xf32, #tpu.memory_space<hbm>> -> memref<1x1x32x128xf32, #tpu.memory_space<hbm>>
    %dma_wait3A_27 = tpu.memref_squeeze %dma_wait3A_26 : memref<1x1x32x128xf32, #tpu.memory_space<hbm>> -> memref<32x128xf32, #tpu.memory_space<hbm>>
    %dma_wait3A_28 = tpu.memref_slice %arg14[%dma_wait3A_21] : memref<3x!tpu.dma_semaphore, #tpu.memory_space<semaphore_mem>> -> memref<1x!tpu.dma_semaphore, #tpu.memory_space<semaphore_mem>>
    %dma_wait3A_29 = tpu.memref_squeeze %dma_wait3A_28 : memref<1x!tpu.dma_semaphore, #tpu.memory_space<semaphore_mem>> -> memref<!tpu.dma_semaphore, #tpu.memory_space<semaphore_mem>>
    %dma_wait3A_30 = arith.constant 0 : i32
    %dma_wait3A_31 = tpu.memref_slice %arg5[%div3A_11, %dma_wait3A, %mul3A_14, %dma_wait3A_30] : memref<200x4x256x128xf32, #tpu.memory_space<hbm>> -> memref<1x1x32x128xf32, #tpu.memory_space<hbm>>
    %dma_wait3A_32 = tpu.memref_squeeze %dma_wait3A_31 : memref<1x1x32x128xf32, #tpu.memory_space<hbm>> -> memref<32x128xf32, #tpu.memory_space<hbm>>
    %dma_wait3A_33 = arith.constant 0 : i32
    %dma_wait3A_34 = arith.constant 0 : i32
    %dma_wait3A_35 = tpu.memref_slice %arg12[%dma_wait3A_33, %dma_wait3A_34] : memref<128x129xf32, #tpu.memory_space<vmem>> -> memref<32x128xf32, #tpu.memory_space<vmem>>
    tpu.wait_dma2 semaphore(%dma_wait3A_29 : memref<!tpu.dma_semaphore, #tpu.memory_space<semaphore_mem>>) src(%dma_wait3A_35 : memref<32x128xf32, #tpu.memory_space<vmem>>) dst(%dma_wait3A_32 : memref<32x128xf32, #tpu.memory_space<hbm>>)
    %dma_wait3A_36 = arith.constant 1 : i32
    %dma_wait3A_37 = arith.constant 2 : i32
    %dma_wait3A_38 = arith.constant 32 : i32
    %dma_wait3A_39 = arith.constant 0 : i32
    %dma_wait3A_40 = tpu.memref_slice %arg12[%dma_wait3A_38, %dma_wait3A_39] : memref<128x129xf32, #tpu.memory_space<vmem>> -> memref<32x128xf32, #tpu.memory_space<vmem>>
    %dma_wait3A_41 = arith.constant 0 : i32
    %dma_wait3A_42 = tpu.memref_slice %arg5[%div3A_11, %dma_wait3A_36, %mul3A_16, %dma_wait3A_41] : memref<200x4x256x128xf32, #tpu.memory_space<hbm>> -> memref<1x1x32x128xf32, #tpu.memory_space<hbm>>
    %dma_wait3A_43 = tpu.memref_squeeze %dma_wait3A_42 : memref<1x1x32x128xf32, #tpu.memory_space<hbm>> -> memref<32x128xf32, #tpu.memory_space<hbm>>
    %dma_wait3A_44 = tpu.memref_slice %arg14[%dma_wait3A_37] : memref<3x!tpu.dma_semaphore, #tpu.memory_space<semaphore_mem>> -> memref<1x!tpu.dma_semaphore, #tpu.memory_space<semaphore_mem>>
    %dma_wait3A_45 = tpu.memref_squeeze %dma_wait3A_44 : memref<1x!tpu.dma_semaphore, #tpu.memory_space<semaphore_mem>> -> memref<!tpu.dma_semaphore, #tpu.memory_space<semaphore_mem>>
    %dma_wait3A_46 = arith.constant 0 : i32
    %dma_wait3A_47 = tpu.memref_slice %arg5[%div3A_11, %dma_wait3A_36, %mul3A_16, %dma_wait3A_46] : memref<200x4x256x128xf32, #tpu.memory_space<hbm>> -> memref<1x1x32x128xf32, #tpu.memory_space<hbm>>
    %dma_wait3A_48 = tpu.memref_squeeze %dma_wait3A_47 : memref<1x1x32x128xf32, #tpu.memory_space<hbm>> -> memref<32x128xf32, #tpu.memory_space<hbm>>
    %dma_wait3A_49 = arith.constant 32 : i32
    %dma_wait3A_50 = arith.constant 0 : i32
    %dma_wait3A_51 = tpu.memref_slice %arg12[%dma_wait3A_49, %dma_wait3A_50] : memref<128x129xf32, #tpu.memory_space<vmem>> -> memref<32x128xf32, #tpu.memory_space<vmem>>
    tpu.wait_dma2 semaphore(%dma_wait3A_45 : memref<!tpu.dma_semaphore, #tpu.memory_space<semaphore_mem>>) src(%dma_wait3A_51 : memref<32x128xf32, #tpu.memory_space<vmem>>) dst(%dma_wait3A_48 : memref<32x128xf32, #tpu.memory_space<hbm>>)
    %dma_wait3A_52 = arith.constant 2 : i32
    %dma_wait3A_53 = arith.constant 2 : i32
    %dma_wait3A_54 = arith.constant 64 : i32
    %dma_wait3A_55 = arith.constant 0 : i32
    %dma_wait3A_56 = tpu.memref_slice %arg12[%dma_wait3A_54, %dma_wait3A_55] : memref<128x129xf32, #tpu.memory_space<vmem>> -> memref<32x128xf32, #tpu.memory_space<vmem>>
    %dma_wait3A_57 = arith.constant 0 : i32
    %dma_wait3A_58 = tpu.memref_slice %arg5[%div3A_11, %dma_wait3A_52, %mul3A_18, %dma_wait3A_57] : memref<200x4x256x128xf32, #tpu.memory_space<hbm>> -> memref<1x1x32x128xf32, #tpu.memory_space<hbm>>
    %dma_wait3A_59 = tpu.memref_squeeze %dma_wait3A_58 : memref<1x1x32x128xf32, #tpu.memory_space<hbm>> -> memref<32x128xf32, #tpu.memory_space<hbm>>
    %dma_wait3A_60 = tpu.memref_slice %arg14[%dma_wait3A_53] : memref<3x!tpu.dma_semaphore, #tpu.memory_space<semaphore_mem>> -> memref<1x!tpu.dma_semaphore, #tpu.memory_space<semaphore_mem>>
    %dma_wait3A_61 = tpu.memref_squeeze %dma_wait3A_60 : memref<1x!tpu.dma_semaphore, #tpu.memory_space<semaphore_mem>> -> memref<!tpu.dma_semaphore, #tpu.memory_space<semaphore_mem>>
    %dma_wait3A_62 = arith.constant 0 : i32
    %dma_wait3A_63 = tpu.memref_slice %arg5[%div3A_11, %dma_wait3A_52, %mul3A_18, %dma_wait3A_62] : memref<200x4x256x128xf32, #tpu.memory_space<hbm>> -> memref<1x1x32x128xf32, #tpu.memory_space<hbm>>
    %dma_wait3A_64 = tpu.memref_squeeze %dma_wait3A_63 : memref<1x1x32x128xf32, #tpu.memory_space<hbm>> -> memref<32x128xf32, #tpu.memory_space<hbm>>
    %dma_wait3A_65 = arith.constant 64 : i32
    %dma_wait3A_66 = arith.constant 0 : i32
    %dma_wait3A_67 = tpu.memref_slice %arg12[%dma_wait3A_65, %dma_wait3A_66] : memref<128x129xf32, #tpu.memory_space<vmem>> -> memref<32x128xf32, #tpu.memory_space<vmem>>
    tpu.wait_dma2 semaphore(%dma_wait3A_61 : memref<!tpu.dma_semaphore, #tpu.memory_space<semaphore_mem>>) src(%dma_wait3A_67 : memref<32x128xf32, #tpu.memory_space<vmem>>) dst(%dma_wait3A_64 : memref<32x128xf32, #tpu.memory_space<hbm>>)
    %dma_wait3A_68 = arith.constant 3 : i32
    %dma_wait3A_69 = arith.constant 2 : i32
    %dma_wait3A_70 = arith.constant 96 : i32
    %dma_wait3A_71 = arith.constant 0 : i32
    %dma_wait3A_72 = tpu.memref_slice %arg12[%dma_wait3A_70, %dma_wait3A_71] : memref<128x129xf32, #tpu.memory_space<vmem>> -> memref<32x128xf32, #tpu.memory_space<vmem>>
    %dma_wait3A_73 = arith.constant 0 : i32
    %dma_wait3A_74 = tpu.memref_slice %arg5[%div3A_11, %dma_wait3A_68, %mul3A_20, %dma_wait3A_73] : memref<200x4x256x128xf32, #tpu.memory_space<hbm>> -> memref<1x1x32x128xf32, #tpu.memory_space<hbm>>
    %dma_wait3A_75 = tpu.memref_squeeze %dma_wait3A_74 : memref<1x1x32x128xf32, #tpu.memory_space<hbm>> -> memref<32x128xf32, #tpu.memory_space<hbm>>
    %dma_wait3A_76 = tpu.memref_slice %arg14[%dma_wait3A_69] : memref<3x!tpu.dma_semaphore, #tpu.memory_space<semaphore_mem>> -> memref<1x!tpu.dma_semaphore, #tpu.memory_space<semaphore_mem>>
    %dma_wait3A_77 = tpu.memref_squeeze %dma_wait3A_76 : memref<1x!tpu.dma_semaphore, #tpu.memory_space<semaphore_mem>> -> memref<!tpu.dma_semaphore, #tpu.memory_space<semaphore_mem>>
    %dma_wait3A_78 = arith.constant 0 : i32
    %dma_wait3A_79 = tpu.memref_slice %arg5[%div3A_11, %dma_wait3A_68, %mul3A_20, %dma_wait3A_78] : memref<200x4x256x128xf32, #tpu.memory_space<hbm>> -> memref<1x1x32x128xf32, #tpu.memory_space<hbm>>
    %dma_wait3A_80 = tpu.memref_squeeze %dma_wait3A_79 : memref<1x1x32x128xf32, #tpu.memory_space<hbm>> -> memref<32x128xf32, #tpu.memory_space<hbm>>
    %dma_wait3A_81 = arith.constant 96 : i32
    %dma_wait3A_82 = arith.constant 0 : i32
    %dma_wait3A_83 = tpu.memref_slice %arg12[%dma_wait3A_81, %dma_wait3A_82] : memref<128x129xf32, #tpu.memory_space<vmem>> -> memref<32x128xf32, #tpu.memory_space<vmem>>
    tpu.wait_dma2 semaphore(%dma_wait3A_77 : memref<!tpu.dma_semaphore, #tpu.memory_space<semaphore_mem>>) src(%dma_wait3A_83 : memref<32x128xf32, #tpu.memory_space<vmem>>) dst(%dma_wait3A_80 : memref<32x128xf32, #tpu.memory_space<hbm>>)
    %add3A_84 = arith.constant 48 : i32
    %add3A_85 = arith.addi %mul3A_2, %add3A_84 : i32
    %div3A_86 = arith.constant 8 : i32
    %div3A_87 = arith.divsi %add3A_85, %div3A_86 : i32
    %rem3A_88 = arith.constant 8 : i32
    %rem3A_89 = arith.remsi %add3A_85, %rem3A_88 : i32
    %mul3A_90 = arith.constant 32 : i32
    %mul3A_91 = arith.muli %rem3A_89, %mul3A_90 : i32
    %mul3A_92 = arith.constant 32 : i32
    %mul3A_93 = arith.muli %rem3A_89, %mul3A_92 : i32
    %mul3A_94 = arith.constant 32 : i32
    %mul3A_95 = arith.muli %rem3A_89, %mul3A_94 : i32
    %mul3A_96 = arith.constant 32 : i32
    %mul3A_97 = arith.muli %rem3A_89, %mul3A_96 : i32
    %dma_wait3A_98 = arith.constant 0 : i32
    %dma_wait3A_99 = arith.constant 0 : i32
    %dma_wait3A_100 = arith.constant 0 : i32
    %dma_wait3A_101 = arith.constant 0 : i32
    %dma_wait3A_102 = tpu.memref_slice %arg10[%dma_wait3A_100, %dma_wait3A_101] : memref<128x129xf32, #tpu.memory_space<vmem>> -> memref<32x128xf32, #tpu.memory_space<vmem>>
    %dma_wait3A_103 = arith.constant 0 : i32
    %dma_wait3A_104 = tpu.memref_slice %arg5[%div3A_87, %dma_wait3A_98, %mul3A_91, %dma_wait3A_103] : memref<200x4x256x128xf32, #tpu.memory_space<hbm>> -> memref<1x1x32x128xf32, #tpu.memory_space<hbm>>
    %dma_wait3A_105 = tpu.memref_squeeze %dma_wait3A_104 : memref<1x1x32x128xf32, #tpu.memory_space<hbm>> -> memref<32x128xf32, #tpu.memory_space<hbm>>
    %dma_wait3A_106 = tpu.memref_slice %arg14[%dma_wait3A_99] : memref<3x!tpu.dma_semaphore, #tpu.memory_space<semaphore_mem>> -> memref<1x!tpu.dma_semaphore, #tpu.memory_space<semaphore_mem>>
    %dma_wait3A_107 = tpu.memref_squeeze %dma_wait3A_106 : memref<1x!tpu.dma_semaphore, #tpu.memory_space<semaphore_mem>> -> memref<!tpu.dma_semaphore, #tpu.memory_space<semaphore_mem>>
    %dma_wait3A_108 = arith.constant 0 : i32
    %dma_wait3A_109 = tpu.memref_slice %arg5[%div3A_87, %dma_wait3A_98, %mul3A_91, %dma_wait3A_108] : memref<200x4x256x128xf32, #tpu.memory_space<hbm>> -> memref<1x1x32x128xf32, #tpu.memory_space<hbm>>
    %dma_wait3A_110 = tpu.memref_squeeze %dma_wait3A_109 : memref<1x1x32x128xf32, #tpu.memory_space<hbm>> -> memref<32x128xf32, #tpu.memory_space<hbm>>
    %dma_wait3A_111 = arith.constant 0 : i32
    %dma_wait3A_112 = arith.constant 0 : i32
    %dma_wait3A_113 = tpu.memref_slice %arg10[%dma_wait3A_111, %dma_wait3A_112] : memref<128x129xf32, #tpu.memory_space<vmem>> -> memref<32x128xf32, #tpu.memory_space<vmem>>
    tpu.wait_dma2 semaphore(%dma_wait3A_107 : memref<!tpu.dma_semaphore, #tpu.memory_space<semaphore_mem>>) src(%dma_wait3A_113 : memref<32x128xf32, #tpu.memory_space<vmem>>) dst(%dma_wait3A_110 : memref<32x128xf32, #tpu.memory_space<hbm>>)
    %dma_wait3A_114 = arith.constant 1 : i32
    %dma_wait3A_115 = arith.constant 0 : i32
    %dma_wait3A_116 = arith.constant 32 : i32
    %dma_wait3A_117 = arith.constant 0 : i32
    %dma_wait3A_118 = tpu.memref_slice %arg10[%dma_wait3A_116, %dma_wait3A_117] : memref<128x129xf32, #tpu.memory_space<vmem>> -> memref<32x128xf32, #tpu.memory_space<vmem>>
    %dma_wait3A_119 = arith.constant 0 : i32
    %dma_wait3A_120 = tpu.memref_slice %arg5[%div3A_87, %dma_wait3A_114, %mul3A_93, %dma_wait3A_119] : memref<200x4x256x128xf32, #tpu.memory_space<hbm>> -> memref<1x1x32x128xf32, #tpu.memory_space<hbm>>
    %dma_wait3A_121 = tpu.memref_squeeze %dma_wait3A_120 : memref<1x1x32x128xf32, #tpu.memory_space<hbm>> -> memref<32x128xf32, #tpu.memory_space<hbm>>
    %dma_wait3A_122 = tpu.memref_slice %arg14[%dma_wait3A_115] : memref<3x!tpu.dma_semaphore, #tpu.memory_space<semaphore_mem>> -> memref<1x!tpu.dma_semaphore, #tpu.memory_space<semaphore_mem>>
    %dma_wait3A_123 = tpu.memref_squeeze %dma_wait3A_122 : memref<1x!tpu.dma_semaphore, #tpu.memory_space<semaphore_mem>> -> memref<!tpu.dma_semaphore, #tpu.memory_space<semaphore_mem>>
    %dma_wait3A_124 = arith.constant 0 : i32
    %dma_wait3A_125 = tpu.memref_slice %arg5[%div3A_87, %dma_wait3A_114, %mul3A_93, %dma_wait3A_124] : memref<200x4x256x128xf32, #tpu.memory_space<hbm>> -> memref<1x1x32x128xf32, #tpu.memory_space<hbm>>
    %dma_wait3A_126 = tpu.memref_squeeze %dma_wait3A_125 : memref<1x1x32x128xf32, #tpu.memory_space<hbm>> -> memref<32x128xf32, #tpu.memory_space<hbm>>
    %dma_wait3A_127 = arith.constant 32 : i32
    %dma_wait3A_128 = arith.constant 0 : i32
    %dma_wait3A_129 = tpu.memref_slice %arg10[%dma_wait3A_127, %dma_wait3A_128] : memref<128x129xf32, #tpu.memory_space<vmem>> -> memref<32x128xf32, #tpu.memory_space<vmem>>
    tpu.wait_dma2 semaphore(%dma_wait3A_123 : memref<!tpu.dma_semaphore, #tpu.memory_space<semaphore_mem>>) src(%dma_wait3A_129 : memref<32x128xf32, #tpu.memory_space<vmem>>) dst(%dma_wait3A_126 : memref<32x128xf32, #tpu.memory_space<hbm>>)
    %dma_wait3A_130 = arith.constant 2 : i32
    %dma_wait3A_131 = arith.constant 0 : i32
    %dma_wait3A_132 = arith.constant 64 : i32
    %dma_wait3A_133 = arith.constant 0 : i32
    %dma_wait3A_134 = tpu.memref_slice %arg10[%dma_wait3A_132, %dma_wait3A_133] : memref<128x129xf32, #tpu.memory_space<vmem>> -> memref<32x128xf32, #tpu.memory_space<vmem>>
    %dma_wait3A_135 = arith.constant 0 : i32
    %dma_wait3A_136 = tpu.memref_slice %arg5[%div3A_87, %dma_wait3A_130, %mul3A_95, %dma_wait3A_135] : memref<200x4x256x128xf32, #tpu.memory_space<hbm>> -> memref<1x1x32x128xf32, #tpu.memory_space<hbm>>
    %dma_wait3A_137 = tpu.memref_squeeze %dma_wait3A_136 : memref<1x1x32x128xf32, #tpu.memory_space<hbm>> -> memref<32x128xf32, #tpu.memory_space<hbm>>
    %dma_wait3A_138 = tpu.memref_slice %arg14[%dma_wait3A_131] : memref<3x!tpu.dma_semaphore, #tpu.memory_space<semaphore_mem>> -> memref<1x!tpu.dma_semaphore, #tpu.memory_space<semaphore_mem>>
    %dma_wait3A_139 = tpu.memref_squeeze %dma_wait3A_138 : memref<1x!tpu.dma_semaphore, #tpu.memory_space<semaphore_mem>> -> memref<!tpu.dma_semaphore, #tpu.memory_space<semaphore_mem>>
    %dma_wait3A_140 = arith.constant 0 : i32
    %dma_wait3A_141 = tpu.memref_slice %arg5[%div3A_87, %dma_wait3A_130, %mul3A_95, %dma_wait3A_140] : memref<200x4x256x128xf32, #tpu.memory_space<hbm>> -> memref<1x1x32x128xf32, #tpu.memory_space<hbm>>
    %dma_wait3A_142 = tpu.memref_squeeze %dma_wait3A_141 : memref<1x1x32x128xf32, #tpu.memory_space<hbm>> -> memref<32x128xf32, #tpu.memory_space<hbm>>
    %dma_wait3A_143 = arith.constant 64 : i32
    %dma_wait3A_144 = arith.constant 0 : i32
    %dma_wait3A_145 = tpu.memref_slice %arg10[%dma_wait3A_143, %dma_wait3A_144] : memref<128x129xf32, #tpu.memory_space<vmem>> -> memref<32x128xf32, #tpu.memory_space<vmem>>
    tpu.wait_dma2 semaphore(%dma_wait3A_139 : memref<!tpu.dma_semaphore, #tpu.memory_space<semaphore_mem>>) src(%dma_wait3A_145 : memref<32x128xf32, #tpu.memory_space<vmem>>) dst(%dma_wait3A_142 : memref<32x128xf32, #tpu.memory_space<hbm>>)
    %dma_wait3A_146 = arith.constant 3 : i32
    %dma_wait3A_147 = arith.constant 0 : i32
    %dma_wait3A_148 = arith.constant 96 : i32
    %dma_wait3A_149 = arith.constant 0 : i32
    %dma_wait3A_150 = tpu.memref_slice %arg10[%dma_wait3A_148, %dma_wait3A_149] : memref<128x129xf32, #tpu.memory_space<vmem>> -> memref<32x128xf32, #tpu.memory_space<vmem>>
    %dma_wait3A_151 = arith.constant 0 : i32
    %dma_wait3A_152 = tpu.memref_slice %arg5[%div3A_87, %dma_wait3A_146, %mul3A_97, %dma_wait3A_151] : memref<200x4x256x128xf32, #tpu.memory_space<hbm>> -> memref<1x1x32x128xf32, #tpu.memory_space<hbm>>
    %dma_wait3A_153 = tpu.memref_squeeze %dma_wait3A_152 : memref<1x1x32x128xf32, #tpu.memory_space<hbm>> -> memref<32x128xf32, #tpu.memory_space<hbm>>
    %dma_wait3A_154 = tpu.memref_slice %arg14[%dma_wait3A_147] : memref<3x!tpu.dma_semaphore, #tpu.memory_space<semaphore_mem>> -> memref<1x!tpu.dma_semaphore, #tpu.memory_space<semaphore_mem>>
    %dma_wait3A_155 = tpu.memref_squeeze %dma_wait3A_154 : memref<1x!tpu.dma_semaphore, #tpu.memory_space<semaphore_mem>> -> memref<!tpu.dma_semaphore, #tpu.memory_space<semaphore_mem>>
    %dma_wait3A_156 = arith.constant 0 : i32
    %dma_wait3A_157 = tpu.memref_slice %arg5[%div3A_87, %dma_wait3A_146, %mul3A_97, %dma_wait3A_156] : memref<200x4x256x128xf32, #tpu.memory_space<hbm>> -> memref<1x1x32x128xf32, #tpu.memory_space<hbm>>
    %dma_wait3A_158 = tpu.memref_squeeze %dma_wait3A_157 : memref<1x1x32x128xf32, #tpu.memory_space<hbm>> -> memref<32x128xf32, #tpu.memory_space<hbm>>
    %dma_wait3A_159 = arith.constant 96 : i32
    %dma_wait3A_160 = arith.constant 0 : i32
    %dma_wait3A_161 = tpu.memref_slice %arg10[%dma_wait3A_159, %dma_wait3A_160] : memref<128x129xf32, #tpu.memory_space<vmem>> -> memref<32x128xf32, #tpu.memory_space<vmem>>
    tpu.wait_dma2 semaphore(%dma_wait3A_155 : memref<!tpu.dma_semaphore, #tpu.memory_space<semaphore_mem>>) src(%dma_wait3A_161 : memref<32x128xf32, #tpu.memory_space<vmem>>) dst(%dma_wait3A_158 : memref<32x128xf32, #tpu.memory_space<hbm>>)
    %add3A_162 = arith.constant 49 : i32
    %add3A_163 = arith.addi %mul3A_2, %add3A_162 : i32
    %div3A_164 = arith.constant 8 : i32
    %div3A_165 = arith.divsi %add3A_163, %div3A_164 : i32
    %rem3A_166 = arith.constant 8 : i32
    %rem3A_167 = arith.remsi %add3A_163, %rem3A_166 : i32
    %mul3A_168 = arith.constant 32 : i32
    %mul3A_169 = arith.muli %rem3A_167, %mul3A_168 : i32
    %mul3A_170 = arith.constant 32 : i32
    %mul3A_171 = arith.muli %rem3A_167, %mul3A_170 : i32
    %mul3A_172 = arith.constant 32 : i32
    %mul3A_173 = arith.muli %rem3A_167, %mul3A_172 : i32
    %mul3A_174 = arith.constant 32 : i32
    %mul3A_175 = arith.muli %rem3A_167, %mul3A_174 : i32
    %dma_wait3A_176 = arith.constant 0 : i32
    %dma_wait3A_177 = arith.constant 1 : i32
    %dma_wait3A_178 = arith.constant 0 : i32
    %dma_wait3A_179 = arith.constant 0 : i32
    %dma_wait3A_180 = tpu.memref_slice %arg11[%dma_wait3A_178, %dma_wait3A_179] : memref<128x129xf32, #tpu.memory_space<vmem>> -> memref<32x128xf32, #tpu.memory_space<vmem>>
    %dma_wait3A_181 = arith.constant 0 : i32
    %dma_wait3A_182 = tpu.memref_slice %arg5[%div3A_165, %dma_wait3A_176, %mul3A_169, %dma_wait3A_181] : memref<200x4x256x128xf32, #tpu.memory_space<hbm>> -> memref<1x1x32x128xf32, #tpu.memory_space<hbm>>
    %dma_wait3A_183 = tpu.memref_squeeze %dma_wait3A_182 : memref<1x1x32x128xf32, #tpu.memory_space<hbm>> -> memref<32x128xf32, #tpu.memory_space<hbm>>
    %dma_wait3A_184 = tpu.memref_slice %arg14[%dma_wait3A_177] : memref<3x!tpu.dma_semaphore, #tpu.memory_space<semaphore_mem>> -> memref<1x!tpu.dma_semaphore, #tpu.memory_space<semaphore_mem>>
    %dma_wait3A_185 = tpu.memref_squeeze %dma_wait3A_184 : memref<1x!tpu.dma_semaphore, #tpu.memory_space<semaphore_mem>> -> memref<!tpu.dma_semaphore, #tpu.memory_space<semaphore_mem>>
    %dma_wait3A_186 = arith.constant 0 : i32
    %dma_wait3A_187 = tpu.memref_slice %arg5[%div3A_165, %dma_wait3A_176, %mul3A_169, %dma_wait3A_186] : memref<200x4x256x128xf32, #tpu.memory_space<hbm>> -> memref<1x1x32x128xf32, #tpu.memory_space<hbm>>
    %dma_wait3A_188 = tpu.memref_squeeze %dma_wait3A_187 : memref<1x1x32x128xf32, #tpu.memory_space<hbm>> -> memref<32x128xf32, #tpu.memory_space<hbm>>
    %dma_wait3A_189 = arith.constant 0 : i32
    %dma_wait3A_190 = arith.constant 0 : i32
    %dma_wait3A_191 = tpu.memref_slice %arg11[%dma_wait3A_189, %dma_wait3A_190] : memref<128x129xf32, #tpu.memory_space<vmem>> -> memref<32x128xf32, #tpu.memory_space<vmem>>
    tpu.wait_dma2 semaphore(%dma_wait3A_185 : memref<!tpu.dma_semaphore, #tpu.memory_space<semaphore_mem>>) src(%dma_wait3A_191 : memref<32x128xf32, #tpu.memory_space<vmem>>) dst(%dma_wait3A_188 : memref<32x128xf32, #tpu.memory_space<hbm>>)
    %dma_wait3A_192 = arith.constant 1 : i32
    %dma_wait3A_193 = arith.constant 1 : i32
    %dma_wait3A_194 = arith.constant 32 : i32
    %dma_wait3A_195 = arith.constant 0 : i32
    %dma_wait3A_196 = tpu.memref_slice %arg11[%dma_wait3A_194, %dma_wait3A_195] : memref<128x129xf32, #tpu.memory_space<vmem>> -> memref<32x128xf32, #tpu.memory_space<vmem>>
    %dma_wait3A_197 = arith.constant 0 : i32
    %dma_wait3A_198 = tpu.memref_slice %arg5[%div3A_165, %dma_wait3A_192, %mul3A_171, %dma_wait3A_197] : memref<200x4x256x128xf32, #tpu.memory_space<hbm>> -> memref<1x1x32x128xf32, #tpu.memory_space<hbm>>
    %dma_wait3A_199 = tpu.memref_squeeze %dma_wait3A_198 : memref<1x1x32x128xf32, #tpu.memory_space<hbm>> -> memref<32x128xf32, #tpu.memory_space<hbm>>
    %dma_wait3A_200 = tpu.memref_slice %arg14[%dma_wait3A_193] : memref<3x!tpu.dma_semaphore, #tpu.memory_space<semaphore_mem>> -> memref<1x!tpu.dma_semaphore, #tpu.memory_space<semaphore_mem>>
    %dma_wait3A_201 = tpu.memref_squeeze %dma_wait3A_200 : memref<1x!tpu.dma_semaphore, #tpu.memory_space<semaphore_mem>> -> memref<!tpu.dma_semaphore, #tpu.memory_space<semaphore_mem>>
    %dma_wait3A_202 = arith.constant 0 : i32
    %dma_wait3A_203 = tpu.memref_slice %arg5[%div3A_165, %dma_wait3A_192, %mul3A_171, %dma_wait3A_202] : memref<200x4x256x128xf32, #tpu.memory_space<hbm>> -> memref<1x1x32x128xf32, #tpu.memory_space<hbm>>
    %dma_wait3A_204 = tpu.memref_squeeze %dma_wait3A_203 : memref<1x1x32x128xf32, #tpu.memory_space<hbm>> -> memref<32x128xf32, #tpu.memory_space<hbm>>
    %dma_wait3A_205 = arith.constant 32 : i32
    %dma_wait3A_206 = arith.constant 0 : i32
    %dma_wait3A_207 = tpu.memref_slice %arg11[%dma_wait3A_205, %dma_wait3A_206] : memref<128x129xf32, #tpu.memory_space<vmem>> -> memref<32x128xf32, #tpu.memory_space<vmem>>
    tpu.wait_dma2 semaphore(%dma_wait3A_201 : memref<!tpu.dma_semaphore, #tpu.memory_space<semaphore_mem>>) src(%dma_wait3A_207 : memref<32x128xf32, #tpu.memory_space<vmem>>) dst(%dma_wait3A_204 : memref<32x128xf32, #tpu.memory_space<hbm>>)
    %dma_wait3A_208 = arith.constant 2 : i32
    %dma_wait3A_209 = arith.constant 1 : i32
    %dma_wait3A_210 = arith.constant 64 : i32
    %dma_wait3A_211 = arith.constant 0 : i32
    %dma_wait3A_212 = tpu.memref_slice %arg11[%dma_wait3A_210, %dma_wait3A_211] : memref<128x129xf32, #tpu.memory_space<vmem>> -> memref<32x128xf32, #tpu.memory_space<vmem>>
    %dma_wait3A_213 = arith.constant 0 : i32
    %dma_wait3A_214 = tpu.memref_slice %arg5[%div3A_165, %dma_wait3A_208, %mul3A_173, %dma_wait3A_213] : memref<200x4x256x128xf32, #tpu.memory_space<hbm>> -> memref<1x1x32x128xf32, #tpu.memory_space<hbm>>
    %dma_wait3A_215 = tpu.memref_squeeze %dma_wait3A_214 : memref<1x1x32x128xf32, #tpu.memory_space<hbm>> -> memref<32x128xf32, #tpu.memory_space<hbm>>
    %dma_wait3A_216 = tpu.memref_slice %arg14[%dma_wait3A_209] : memref<3x!tpu.dma_semaphore, #tpu.memory_space<semaphore_mem>> -> memref<1x!tpu.dma_semaphore, #tpu.memory_space<semaphore_mem>>
    %dma_wait3A_217 = tpu.memref_squeeze %dma_wait3A_216 : memref<1x!tpu.dma_semaphore, #tpu.memory_space<semaphore_mem>> -> memref<!tpu.dma_semaphore, #tpu.memory_space<semaphore_mem>>
    %dma_wait3A_218 = arith.constant 0 : i32
    %dma_wait3A_219 = tpu.memref_slice %arg5[%div3A_165, %dma_wait3A_208, %mul3A_173, %dma_wait3A_218] : memref<200x4x256x128xf32, #tpu.memory_space<hbm>> -> memref<1x1x32x128xf32, #tpu.memory_space<hbm>>
    %dma_wait3A_220 = tpu.memref_squeeze %dma_wait3A_219 : memref<1x1x32x128xf32, #tpu.memory_space<hbm>> -> memref<32x128xf32, #tpu.memory_space<hbm>>
    %dma_wait3A_221 = arith.constant 64 : i32
    %dma_wait3A_222 = arith.constant 0 : i32
    %dma_wait3A_223 = tpu.memref_slice %arg11[%dma_wait3A_221, %dma_wait3A_222] : memref<128x129xf32, #tpu.memory_space<vmem>> -> memref<32x128xf32, #tpu.memory_space<vmem>>
    tpu.wait_dma2 semaphore(%dma_wait3A_217 : memref<!tpu.dma_semaphore, #tpu.memory_space<semaphore_mem>>) src(%dma_wait3A_223 : memref<32x128xf32, #tpu.memory_space<vmem>>) dst(%dma_wait3A_220 : memref<32x128xf32, #tpu.memory_space<hbm>>)
    %dma_wait3A_224 = arith.constant 3 : i32
    %dma_wait3A_225 = arith.constant 1 : i32
    %dma_wait3A_226 = arith.constant 96 : i32
    %dma_wait3A_227 = arith.constant 0 : i32
    %dma_wait3A_228 = tpu.memref_slice %arg11[%dma_wait3A_226, %dma_wait3A_227] : memref<128x129xf32, #tpu.memory_space<vmem>> -> memref<32x128xf32, #tpu.memory_space<vmem>>
    %dma_wait3A_229 = arith.constant 0 : i32
    %dma_wait3A_230 = tpu.memref_slice %arg5[%div3A_165, %dma_wait3A_224, %mul3A_175, %dma_wait3A_229] : memref<200x4x256x128xf32, #tpu.memory_space<hbm>> -> memref<1x1x32x128xf32, #tpu.memory_space<hbm>>
    %dma_wait3A_231 = tpu.memref_squeeze %dma_wait3A_230 : memref<1x1x32x128xf32, #tpu.memory_space<hbm>> -> memref<32x128xf32, #tpu.memory_space<hbm>>
    %dma_wait3A_232 = tpu.memref_slice %arg14[%dma_wait3A_225] : memref<3x!tpu.dma_semaphore, #tpu.memory_space<semaphore_mem>> -> memref<1x!tpu.dma_semaphore, #tpu.memory_space<semaphore_mem>>
    %dma_wait3A_233 = tpu.memref_squeeze %dma_wait3A_232 : memref<1x!tpu.dma_semaphore, #tpu.memory_space<semaphore_mem>> -> memref<!tpu.dma_semaphore, #tpu.memory_space<semaphore_mem>>
    %dma_wait3A_234 = arith.constant 0 : i32
    %dma_wait3A_235 = tpu.memref_slice %arg5[%div3A_165, %dma_wait3A_224, %mul3A_175, %dma_wait3A_234] : memref<200x4x256x128xf32, #tpu.memory_space<hbm>> -> memref<1x1x32x128xf32, #tpu.memory_space<hbm>>
    %dma_wait3A_236 = tpu.memref_squeeze %dma_wait3A_235 : memref<1x1x32x128xf32, #tpu.memory_space<hbm>> -> memref<32x128xf32, #tpu.memory_space<hbm>>
    %dma_wait3A_237 = arith.constant 96 : i32
    %dma_wait3A_238 = arith.constant 0 : i32
    %dma_wait3A_239 = tpu.memref_slice %arg11[%dma_wait3A_237, %dma_wait3A_238] : memref<128x129xf32, #tpu.memory_space<vmem>> -> memref<32x128xf32, #tpu.memory_space<vmem>>
    tpu.wait_dma2 semaphore(%dma_wait3A_233 : memref<!tpu.dma_semaphore, #tpu.memory_space<semaphore_mem>>) src(%dma_wait3A_239 : memref<32x128xf32, #tpu.memory_space<vmem>>) dst(%dma_wait3A_236 : memref<32x128xf32, #tpu.memory_space<hbm>>)
    return
  }
}

</mosaic_0001>

<sc_bundles>
// kernel: kernel.3.cloned.1.call-start
scs
__scs_entry_jumppad:
0x0: {  	(pc) =	sbr.rel $0x88, $3  }
0x1: {  	(tag) =	ssettag $0x0;
	lr =	simm.s32 $0x1  }
0x2: {  	[smem:$0x3F9E] =	sst lr;
	_ =	strace $0xD0000000  }
0x3: {  	_ = 	snop  }
0x4: {  	_ = 	snop  }
0x5: {  	_ = 	snop  }
0x6: {  	_ = 	snop  }
0x7: {  	_ = 	snop  }
__scs_overlays_trampoline_lowered:
0x8: {  	[smem:$0x3FAD] =	sst s0  }
0x9: {  	[smem:$0x3FAE] =	sst s1  }
0xa: {  	[smem:$0x3FAF] =	sst s2  }
0xb: {  	[smem:$0x3FB0] =	sst s3  }
0xc: {  	[smem:$0x3FB1] =	sst s4  }
0xd: {  	[smem:$0x3FB2] =	sst s5  }
0xe: {  	[smem:$0x3FB3] =	sst s6  }
0xf: {  	[smem:$0x3FB4] =	sst s7  }
0x10: {  	[smem:$0x3FB5] =	sst s8  }
0x11: {  	[smem:$0x3FB6] =	sst s9;
	s0 =	simm.s32 @!p0 $0x0  }
0x12: {  	s1 =	sld [smem:$0x3F9C];
	s0 =	simm.s32 @p0 $0x1  }
0x13: {  	[smem:$0x3FB7] =	sst s0;
	s0 =	simm.s32 @!p1 $0x0  }
0x14: {  	s2 =	sld [smem:$0x3F9B];
	s0 =	simm.s32 @p1 $0x1  }
0x15: {  	[smem:$0x3FB8] =	sst s0;
	s0 =	simm.s32 @!p2 $0x0  }
0x16: {  	s3 =	sld [smem:$0x3FDB];
	s0 =	simm.s32 @p2 $0x1  }
0x17: {  	s4 =	simm.s32 $0x1BF5;
	[smem:$0x3FBA] =	sst s0  }
0x18: {  	s0 =	sld [smem:$0x3F9D];
	_ =	swait.ge [sflag:s4], $0x0  }
0x19: {  	s7 =	sld [smem:$0x3F9E]  }
0x1a: {  	s8 =	sadd.s32 $0xFFFFE003, lr  }
0x1b: {  	s9 =	sadd.s32 $0xFFFFFEF7, lr;
	s5 =	simm.s32 $0xFFFFFFFF;
	p2 =	slt.u32 s8, $0xFFFFF086  }
0x1c: {  	p1 =	slt.u32 s9, $0xF7A;
	s5 =	simm.s32 @!p2 $0x0  }
0x1d: {  	s5 =	simm.s32 @p1 $0x1;
	p0 =	seq.s32 s7, s2  }
0x1e: {  	s7 =	smul.u32 @!p0 $0xF7A, s2;
	p2 =	seq.s32 @!p0 s5, $0x0  }
0x1f: {  	s9 =	smul.u32 $0xF7A, s1;
	s8 =	simm.s32 @!p0 $0x1BF5;
	p2 =	por !p2, p0  }
0x20: {  	[sflag:s8] =	ssyncset.s32 @!p0 $0xFFFFF086;
	s6 =	sadd.s32 @!p0 s3, s7;
	s7 =	simm.s32 @!p0 $0x108  }
0x21: {  	s3 =	sadd.s32 s3, s9;
	s6 =	sadd.s32 @!p0 $0x88, s6;
	s7 =	simm.s32 @p2 $0x1082  }
0x22: {  	[simem:s7], [sflag:s8] =	dma.local @!p0 [hbm:s6], $0xF7A  }
0x23: {  	s9 =	sor.u32 $0xD0000000, s2;
	s6 =	simm.s32 $0x108;
	_ =	swait.ge @!p0 [sflag:s8], $0x0  }
0x24: {  	s3 =	sadd.s32 $0x88, s3;
	s6 =	simm.s32 @!p1 $0x1082;
	[sflag:s4] =	ssyncset.s32 $0xFFFFF086  }
0x25: {  	[simem:s6], [sflag:s4] =	dma.local [hbm:s3], $0xF7A  }
0x26: {  	[smem:$0x3F9E] =	sst s1;
	(tag) =	ssettag s2;
	_ =	strace s9  }
0x27: {  	s1 =	sld [smem:$0x3FAE]  }
0x28: {  	s2 =	sld [smem:$0x3FAF]  }
0x29: {  	s4 =	sld [smem:$0x3FB1]  }
0x2a: {  	p0 =	seq.s32 s5, $0x0;
	s5 =	sld [smem:$0x3FB2]  }
0x2b: {  	s6 =	sld [smem:$0x3FB3]  }
0x2c: {  	s7 =	sld [smem:$0x3FB4]  }
0x2d: {  	s3 =	simm.s32 $0x108;
	s8 =	sld [smem:$0x3FB5]  }
0x2e: {  	s3 =	simm.s32 @!p0 $0x1082;
	s9 =	sld [smem:$0x3FB6]  }
0x2f: {  	lr =	sadd.s32 s0, s3;
	s0 =	sld [smem:$0x3FAD]  }
0x30: {  	s3 =	sld [smem:$0x3FB0]  }
0x31: {  	[smem:$0x3FB9] =	sst s10  }
0x32: {  	s10 =	sld [smem:$0x3FB7];
	_ =	sdelay $0x3  }
0x33: {  	p0 =	seq.s32 s10, $0x1;
	s10 =	sld [smem:$0x3FB9];
	_ =	sdelay $0x3  }
0x34: {  	[smem:$0x3FB9] =	sst s10  }
0x35: {  	s10 =	sld [smem:$0x3FB8];
	_ =	sdelay $0x3  }
0x36: {  	p1 =	seq.s32 s10, $0x1;
	s10 =	sld [smem:$0x3FB9];
	_ =	sdelay $0x3  }
0x37: {  	[smem:$0x3FB9] =	sst s10  }
0x38: {  	s10 =	sld [smem:$0x3FBA]  }
0x39: {  	_ = 	snop;
	(pc) =	sbr.ind lr, $3  }
0x3a: {  	_ = 	snop  }
0x3b: {  	_ = 	snop  }
0x3c: {  	p2 =	seq.s32 s10, $0x1;
	s10 =	sld [smem:$0x3FB9]  }
0x3d: {  	_ =	shalt  }
0x3e: {  	_ =	shalt  }
0x3f: {  	_ =	shalt  }
0x40: {  	_ =	shalt  }
0x41: {  	_ =	shalt  }
0x42: {  	_ =	shalt  }
0x43: {  	_ =	shalt  }
0x44: {  	_ =	shalt  }
0x45: {  	_ =	shalt  }
0x46: {  	_ =	shalt  }
0x47: {  	_ =	shalt  }
0x48: {  	_ =	shalt  }
0x49: {  	_ =	shalt  }
0x4a: {  	_ =	shalt  }
0x4b: {  	_ =	shalt  }
0x4c: {  	_ =	shalt  }
0x4d: {  	_ =	shalt  }
0x4e: {  	_ =	shalt  }
0x4f: {  	_ =	shalt  }
0x50: {  	_ =	shalt  }
0x51: {  	_ =	shalt  }
0x52: {  	_ =	shalt  }
0x53: {  	_ =	shalt  }
0x54: {  	_ =	shalt  }
0x55: {  	_ =	shalt  }
0x56: {  	_ =	shalt  }
0x57: {  	_ =	shalt  }
0x58: {  	_ =	shalt  }
0x59: {  	_ =	shalt  }
0x5a: {  	_ =	shalt  }
0x5b: {  	_ =	shalt  }
0x5c: {  	_ =	shalt  }
0x5d: {  	_ =	shalt  }
0x5e: {  	_ =	shalt  }
0x5f: {  	_ =	shalt  }
0x60: {  	_ =	shalt  }
0x61: {  	_ =	shalt  }
0x62: {  	_ =	shalt  }
0x63: {  	_ =	shalt  }
0x64: {  	_ =	shalt  }
0x65: {  	_ =	shalt  }
0x66: {  	_ =	shalt  }
0x67: {  	_ =	shalt  }
0x68: {  	_ =	shalt  }
0x69: {  	_ =	shalt  }
0x6a: {  	_ =	shalt  }
0x6b: {  	_ =	shalt  }
0x6c: {  	_ =	shalt  }
0x6d: {  	_ =	shalt  }
0x6e: {  	_ =	shalt  }
0x6f: {  	_ =	shalt  }
0x70: {  	_ =	shalt  }
0x71: {  	_ =	shalt  }
0x72: {  	_ =	shalt  }
0x73: {  	_ =	shalt  }
0x74: {  	_ =	shalt  }
0x75: {  	_ =	shalt  }
0x76: {  	_ =	shalt  }
0x77: {  	_ =	shalt  }
0x78: {  	_ =	shalt  }
0x79: {  	_ =	shalt  }
0x7a: {  	_ =	shalt  }
0x7b: {  	_ =	shalt  }
0x7c: {  	_ =	shalt  }
0x7d: {  	_ =	shalt  }
0x7e: {  	_ =	shalt  }
0x7f: {  	_ =	shalt  }
0x80: {  	_ =	shalt  }
0x81: {  	_ =	shalt  }
0x82: {  	_ =	shalt  }
0x83: {  	_ =	shalt  }
0x84: {  	_ =	shalt  }
0x85: {  	_ =	shalt  }
0x86: {  	_ =	shalt  }
0x87: {  	_ =	shalt  }
.Lfunc_end0:
.L_simem_size_0:
called_computation_lowered:
.L_overlay_start_0:
0x88: {  	s2 =	sld [smem:$0x3FD9]  }
0x89: {  	s3 =	sld [smem:$0x3FFE];
	_ =	sdelay $0x1  }
0x8a: {  	s1 =	srdreg.scid  }
0x8b: {  	s0 =	sand.u32 $0x1, s1  }
0x8c: {  	s17 =	sshll.u32 s0, $0xA;
	s2 =	sadd.s32 s3, s2  }
0x8d: {  	s2 =	sadd.s32 s2, s17  }
0x8e: {  	[smem:$0x3FC5] =	sst s2  }
0x8f: {  	_ = 	snop  }
0x90: {  	s2 =	sld [smem:$0x3FD0];
	(tm) =	ssettm $0x1  }
0x91: {  	s18 =	sld [smem:$0x3FFB];
	_ =	sdelay $0x3  }
0x92: {  	_ =	strace s18  }
0x93: {  	s3 =	sld [smem:$0x3FFC];
	_ =	sdelay $0x3  }
0x94: {  	_ =	strace s3  }
0x95: {  	s3 =	sld [smem:$0x3FFD];
	_ =	sdelay $0x3  }
0x96: {  	_ =	strace s3  }
0x97: {  	_ =	strace $0x8FFFFFFF  }
0x98: {  	s19 =	sld [smem:$0x3FDB];
	_ =	sdelay $0x1  }
0x99: {  	s4 =	simm.s32 $_scs_section_size  }
0x9a: {  	s5 =	simm.s32 $_size__tile_overlayer_lowered;
	s6 =	simm.s32 $_tile_overlayer_lowered  }
0x9b: {  	s22 =	simm.s32 $0x1BFF;
	s21 =	sshll.u32 s6, $0x1;
	s3 =	sadd.s32 s4, s19  }
0x9c: {  	s7 =	simm.s32 $0x0;
	s20 =	sshll.u32 s5, $0x1;
	s5 =	sadd.s32 s21, s3  }
0x9d: {  	[timem:s7], [sflag:s22] =	dma.local [hbm:s5], s20  }
0x9e: {  	_ =	swait.ge [sflag:s22], s20  }
0x9f: {  	s4 =	ssub.s32 $0x0, s20;
	[sflag:s22] =	ssyncset.done $0x0  }
0xa0: {  	[sflag:s22] =	ssyncadd.s32 s4;
	_ =	sdelay $0x1  }
0xa1: {  	s23 =	simm.s32 $0x1B8B  }
0xa2: {  	_ =	swait.ge [sflag:s23], $0x1  }
0xa3: {  	[sflag:s23] =	ssyncset.done $0x0  }
0xa4: {  	s25 =	simm.s32 $0x1B8E;
	s24 =	sld [smem:$0x3FFE];
	[sflag:s23] =	ssyncadd.s32 $0xFFFFFFFF  }
0xa5: {  	s26 =	simm.s32 $execute0_lowered;
	[smem:$0x3FD2] =	sst s25  }
0xa6: {  	s5 =	sshll.u32 s26, $0x1;
	_ =	strace $0x80000046;
	[dreg:$0x1] =	wrdreg $0xFFFFFFFF  }
0xa7: {  	s28 =	simm.s32 $_size_execute0_lowered;
	s3 =	sadd.s32 s3, s5;
	[dreg:$0x0] =	wrdreg $0x0  }
0xa8: {  	s5 =	sshll.u32 s28, $0x1;
	[dreg:$0x2] =	wrdreg s3  }
0xa9: {  	[dreg:$0x3] =	wrdreg s5  }
0xaa: {  	[dreg:$0x4] =	wrdreg $0xC0  }
0xab: {  	_ =	task [dreg:s7], $0x5FFFF  }
0xac: {  	[dreg:$0x1] =	wrdreg $0xFFFFFFFF  }
0xad: {  	[dreg:$0x0] =	wrdreg $0x60  }
0xae: {  	[dreg:$0x2] =	wrdreg s24  }
0xaf: {  	[dreg:$0x3] =	wrdreg s2  }
0xb0: {  	[dreg:$0x4] =	wrdreg $0x9  }
0xb1: {  	_ =	task.clear_ibuf [dreg:s7], $0x5FFFF;
	_ =	strace $0x90000046  }
0xb2: {  	s29 =	simm.s32 $0x9;
	_ =	strace $0x80000048  }
0xb3: {  	_ =	swait.ge [sflag:s29], $0x1  }
0xb4: {  	[sflag:s29] =	ssyncadd.s32 $0xFFFFFFFF  }
0xb5: {  	_ =	strace $0x90000048  }
0xb6: {  	_ =	sfence  }
0xb7: {  	s30 =	sld [smem:$0x0];
	_ =	sdelay $0x2  }
0xb8: {  	s31 =	sshll.u32 s1, $0xD;
	s1 =	sshrl.u32 s1, $0x2  }
0xb9: {  	s3 =	sand.u32 $0x4000, s31;
	s1 =	sadd.s32 s1, s30  }
0xba: {  	s0 =	sor.u32 s3, s0;
	s1 =	sshll.u32 s1, $0x11  }
0xbb: {  	s0 =	sor.u32 s1, s0  }
0xbc: {  	s0 =	sadd.s32 $0x8F2B, s0  }
0xbd: {  	[sflag:s0] =	ssyncadd.remote.s32 $0x1  }
0xbe: {  	_ =	sfence.sel $0xFFFF  }
0xbf: {  	[dreg:$0x0] =	wrdreg $0xFFFFFFFF;
	(pc) =	sbr.abs _section_cstart, $3  }
0xc0: {  	[dreg:$0x1] =	wrdreg $0xFFFFFFFF  }
0xc1: {  	_ =	task.clear_ibuf [dreg:s7], $0x2FFFF;
	_ =	strace $0x9FFFFFFF  }
0xc2: {  	(tm) =	ssettm $0x7FFFFFFF  }
0xc3: {  	_ =	shalt  }
tec
execute0_lowered:
.L_overlay_start_1:
0x0: {  	(tag) =	ssettag $0x1  }
0x1: {  	v0 =	vimm.s32 $0x14B8  }
0x2: {  	s0 =	rddreg [dreg:$0x0];
	s1 =	srdreg.scid;
	vm0 =	vcmask $0x300;
	v1 =	vimm.s32 $0x36B8;
	vm1 =	vcmask $0x704  }
0x3: {  	s3 =	stileid.u32;
	s2 =	rddreg [dreg:$0x1];
	vm15 =	vcmask $0xB08;
	s16 =	simm.s32 $0x2;
	v0 =	vsel vm0, $0x0, v0;
	v1 =	vsel vm0, $0x2200, v1  }
0x4: {  	vm4 =	vcmask $0xF0C;
	s17 =	simm.s32 $0x10A00;
	s18 =	simm.s32 $0x3;
	s19 =	simm.s32 $0x14E00;
	v0 =	vsel vm1, $0x88, v0;
	v1 =	vsel vm1, $0x2288, v1  }
0x5: {  	vm5 =	vcmask $0x1310;
	s22 =	simm.s32 $0x80;
	s15 =	simm.s32 $0x200;
	s28 =	simm.s32 $0x1;
	v0 =	vsel vm15, $0x110, v0;
	v1 =	vsel vm15, $0x2310, v1  }
0x6: {  	vm6 =	vcmask $0x1714;
	s29 =	simm.s32 $0xC600;
	s30 =	simm.s32 $0x8;
	s12 =	simm.s32 $0x0;
	v0 =	vsel vm4, $0x198, v0;
	v1 =	vsel vm4, $0x2398, v1  }
0x7: {  	vm7 =	vcmask $0x1B18;
	s1 =	sand.u32 $0x1, s1;
	s4 =	sshll.u32 s3, $0x1;
	s3 =	simm.s32 $0x0;
	v0 =	vsel vm5, $0x220, v0;
	v1 =	vsel vm5, $0x2420, v1  }
0x8: {  	vm8 =	vcmask $0x1F1C;
	s9 =	sadd.s32 $0x1000, s2;
	s10 =	sadd.s32 $0x2000, s2;
	s11 =	sadd.s32 $0x3000, s2;
	v0 =	vsel vm6, $0x2A8, v0;
	v1 =	vsel vm6, $0x24A8, v1  }
0x9: {  	vm9 =	vcmask $0x2320;
	s7 =	sor.u32 s1, s4;
	[smem:$0x7FF] =	sst s3;
	s4 =	sadd.s32 $0x600, s0;
	v0 =	vsel vm7, $0x330, v0;
	v1 =	vsel vm7, $0x2530, v1  }
0xa: {  	vm10 =	vcmask $0x2724;
	s1 =	ssub.s32 $0x2, s1;
	s5 =	smul.u32 $0x6400, s7;
	_ =	strace $0x80000047;
	v0 =	vsel vm8, $0x3B8, v0;
	v1 =	vsel vm8, $0x25B8, v1  }
0xb: {  	vm11 =	vcmask $0x2B28;
	s6 =	sshll.u32 s7, $0xA;
	s24 =	sshrl.u32 s1, $0x1;
	s7 =	smul.u32 $0x32, s7;
	v0 =	vsel vm9, $0x1100, v0;
	v1 =	vsel vm9, $0x3300, v1  }
0xc: {  	s6 =	sand.u32 $0xC00, s6;
	s8 =	sand.u32 $0xFF000, s5;
	s5 =	sadd.s32 $0x1313400, s0;
	v0 =	vsel vm10, $0x1188, v0;
	v1 =	vsel vm10, $0x3388, v1  }
.Ltmp0:
0xd: {  	vm12 =	vcmask $0x2F2C;
	s25 =	sor.u32 $0x1, s7;
	s26 =	sadd.s32 $0x2, s7;
	v0 =	vsel vm11, $0x1210, v0;
	v1 =	vsel vm11, $0x3410, v1;
	(pc) =	sbr.rel .LBB2_1-.Ltmp0, $4  }
0xe: {  	vm13 =	vcmask $0x3330;
	s31 =	sadd.s32 $0x3, s7;
	s8 =	sor.u32 s6, s8;
	[dreg:$0x3] =	wrdreg s25;
	v0 =	vsel vm12, $0x1298, v0;
	v1 =	vsel vm12, $0x3498, v1  }
0xf: {  	vm14 =	vcmask $0x3734;
	s6 =	sadd.s32 $0xF42A00, s0;
	s0 =	ssub.s32 s1, s24;
	[dreg:$0x4] =	wrdreg s26;
	v0 =	vsel vm13, $0x1320, v0;
	v1 =	vsel vm13, $0x3520, v1  }
0x10: {  	vm15 =	vcmask $0x3B38;
	[dreg:$0x5] =	wrdreg s31;
	s8 =	sshrl.u32 s8, $0x3;
	s0 =	smax.u32 s0, $0x1;
	v0 =	vsel vm14, $0x13A8, v0;
	v1 =	vsel vm14, $0x35A8, v1  }
0x11: {  	s26 =	simm.s32 $0x4600;
	s8 =	sadd.s32 s4, s8;
	[dreg:$0x6] =	wrdreg s0;
	v0 =	vsel vm15, $0x1430, v0;
	v1 =	vsel vm15, $0x3630, v1  }
.LBB2_44:
0x12: {  	s0 =	simm.s32 $0x6  }
0x13: {  	_ =	swait.ge [sflag:s0], $0x1000  }
0x14: {  	[sflag:s0] =	ssyncset.done $0x0  }
0x15: {  	[sflag:s0] =	ssyncadd.s32 $0xFFFFF000  }
0x16: {  	_ =	swait.ge [sflag:s0], $0x1000  }
0x17: {  	[sflag:s0] =	ssyncset.done $0x0  }
0x18: {  	[sflag:s0] =	ssyncadd.s32 $0xFFFFF000  }
0x19: {  	_ =	swait.ge [sflag:s0], $0x1000  }
0x1a: {  	[sflag:s0] =	ssyncset.done $0x0  }
0x1b: {  	[sflag:s0] =	ssyncadd.s32 $0xFFFFF000  }
0x1c: {  	_ =	swait.ge [sflag:s0], $0x1000  }
0x1d: {  	[sflag:s0] =	ssyncset.done $0x0  }
0x1e: {  	s25 =	simm.s32 $0x4;
	[sflag:s0] =	ssyncadd.s32 $0xFFFFF000  }
0x1f: {  	_ =	swait.ge [sflag:s25], $0x1000  }
0x20: {  	[sflag:s25] =	ssyncset.done $0x0  }
0x21: {  	[sflag:s25] =	ssyncadd.s32 $0xFFFFF000  }
0x22: {  	_ =	swait.ge [sflag:s25], $0x1000  }
0x23: {  	[sflag:s25] =	ssyncset.done $0x0  }
0x24: {  	[sflag:s25] =	ssyncadd.s32 $0xFFFFF000  }
0x25: {  	_ =	swait.ge [sflag:s25], $0x1000  }
0x26: {  	[sflag:s25] =	ssyncset.done $0x0  }
0x27: {  	[sflag:s25] =	ssyncadd.s32 $0xFFFFF000  }
0x28: {  	_ =	swait.ge [sflag:s25], $0x1000  }
0x29: {  	[sflag:s25] =	ssyncset.done $0x0  }
0x2a: {  	s1 =	simm.s32 $0x5;
	[sflag:s25] =	ssyncadd.s32 $0xFFFFF000  }
0x2b: {  	_ =	swait.ge [sflag:s1], $0x1000  }
0x2c: {  	[sflag:s1] =	ssyncset.done $0x0  }
0x2d: {  	[sflag:s1] =	ssyncadd.s32 $0xFFFFF000  }
0x2e: {  	_ =	swait.ge [sflag:s1], $0x1000  }
0x2f: {  	[sflag:s1] =	ssyncset.done $0x0  }
0x30: {  	[sflag:s1] =	ssyncadd.s32 $0xFFFFF000  }
0x31: {  	_ =	swait.ge [sflag:s1], $0x1000  }
0x32: {  	[sflag:s1] =	ssyncset.done $0x0  }
0x33: {  	[sflag:s1] =	ssyncadd.s32 $0xFFFFF000  }
0x34: {  	_ =	swait.ge [sflag:s1], $0x1000  }
0x35: {  	s12 =	rddreg [dreg:$0x7]  }
0x36: {  	s31 =	rddreg [dreg:$0x6];
	s12 =	sadd.s32 $0x1, s12  }
0x37: {  	p0 =	sne.s32 s12, s31  }
.Ltmp1:
0x38: {  	_ = 	snop;
	(pc) =	sbr.rel @!p0 .LBB2_45-.Ltmp1, $3  }
0x39: {  	_ =	sdelay $0x1  }
0x3a: {  	[sflag:s1] =	ssyncset.done $0x0  }
0x3b: {  	[sflag:s1] =	ssyncadd.s32 $0xFFFFF000  }
.LBB2_1:
.Ltmp2:
0x3c: {  	(pc) =	sbr.rel .LBB2_2-.Ltmp2, $2  }
0x3d: {  	_ =	sdelay $0x2  }
0x3e: {  	[dreg:$0x7] =	wrdreg s12;
	s13 =	simm.s32 $0x0  }
.LBB2_42:
0x3f: {  	s0 =	rddreg [dreg:$0x5]  }
0x40: {  	s0 =	sadd.s32 s20, s0  }
0x41: {  	s0 =	sshll.u32 s0, $0x6  }
0x42: {  	s0 =	sand.u32 $0xFFFFFC0, s0  }
0x43: {  	s0 =	sadd.s32 s4, s0  }
0x44: {  	[tilespmem:s3], [sflag:$0x7] =	stream.linear.gather [hbm4b:s0+s3], $0x200, $0x38;
	[tilespmem:$0x19200] =	vst v63  }
.LBB2_43:
0x45: {  	s13 =	sadd.s32 $0x1, s13  }
0x46: {  	p0 =	sne.s32 s13, $0x12  }
.Ltmp3:
0x47: {  	_ = 	snop;
	(pc) =	sbr.rel @!p0 .LBB2_44-.Ltmp3, $1  }
0x48: {  	_ =	sdelay $0x3  }
.LBB2_2:
0x49: {  	p0 =	seq.s32 s13, $0x11  }
0x4a: {  	p1 =	sne.s32 @!p0 s13, $0x0  }
0x4b: {  	p2 =	por !p1, p0  }
0x4c: {  	s0 =	simm.s32 @!p2 $0x4  }
0x4d: {  	_ =	swait.ge @!p2 [sflag:s0], $0x1000  }
0x4e: {  	[sflag:s0] =	ssyncset.done @!p2 $0x0  }
0x4f: {  	[sflag:s0] =	ssyncadd.s32 @!p2 $0xFFFFF000  }
0x50: {  	_ =	swait.ge @!p2 [sflag:s0], $0x1000  }
0x51: {  	[sflag:s0] =	ssyncset.done @!p2 $0x0  }
0x52: {  	[sflag:s0] =	ssyncadd.s32 @!p2 $0xFFFFF000  }
0x53: {  	_ =	swait.ge @!p2 [sflag:s0], $0x1000  }
0x54: {  	[sflag:s0] =	ssyncset.done @!p2 $0x0  }
0x55: {  	[sflag:s0] =	ssyncadd.s32 @!p2 $0xFFFFF000  }
0x56: {  	_ =	swait.ge @!p2 [sflag:s0], $0x1000  }
0x57: {  	p1 =	por p1, p0;
	[sflag:s0] =	ssyncset.done @!p2 $0x0  }
0x58: {  	[sflag:s0] =	ssyncadd.s32 @!p2 $0xFFFFF000;
	s0 =	simm.s32 @!p1 $0x0  }
0x59: {  	[tilespmem:s0], [sflag:$0x7] =	stream.linear.gather @!p1 [hbm4b:s8+s0], $0x200, $0x38;
	[tilespmem:$0x19200] =	vst v63  }
0x5a: {  	s0 =	simm.s32 @!p0 $0x7  }
0x5b: {  	_ =	swait.ge @!p0 [sflag:s0], $0x200  }
0x5c: {  	s1 =	simm.s32 @!p0 $0x0;
	[sflag:s0] =	ssyncset.done @!p0 $0x0  }
0x5d: {  	s14 =	simm.s32 @!p0 $0x600;
	[sflag:s0] =	ssyncadd.s32 @!p0 $0xFFFFFE00;
	s0 =	simm.s32 @!p0 $0x80  }
0x5e: {  	[tilespmem:s14], [sflag:$0x1] =	stream.indirect.gather @!p0 [hbm4b:s5+s0], $0x20, s1, s0, $0xb8;
	[tilespmem:$0x19200] =	vst v63  }
0x5f: {  	s1 =	simm.s32 @!p0 $0x1600  }
0x60: {  	[tilespmem:s1], [sflag:$0x1] =	stream.indirect.gather @!p0 [hbm4b:s5+s0], $0x20, s0, s0, $0xb8;
	[tilespmem:$0x19200] =	vst v63  }
0x61: {  	s14 =	simm.s32 @!p0 $0x2600;
	s1 =	simm.s32 @!p0 $0x100  }
0x62: {  	[tilespmem:s14], [sflag:$0x1] =	stream.indirect.gather @!p0 [hbm4b:s5+s0], $0x20, s1, s0, $0xb8;
	[tilespmem:$0x19200] =	vst v63  }
0x63: {  	s20 =	smul.u32 $0x3, s13;
	s1 =	simm.s32 @!p0 $0x180;
	s14 =	simm.s32 @!p0 $0x3600  }
0x64: {  	[tilespmem:s14], [sflag:$0x1] =	stream.indirect.gather @!p0 [hbm4b:s5+s0], $0x20, s1, s0, $0xb8;
	[tilespmem:$0x19200] =	vst v63  }
0x65: {  	s14 =	sadd.s32 @!p0 $0xFFFFFFFF, s20  }
0x66: {  	p1 =	sgt.u32 @!p0 s14, $0x31  }
0x67: {  	p1 =	por p1, p0  }
0x68: {  	s0 =	simm.s32 @!p1 $0x3  }
0x69: {  	_ =	swait.ge @!p1 [sflag:s0], $0x1000  }
0x6a: {  	s1 =	simm.s32 @!p1 $0x80;
	[sflag:s0] =	ssyncset.done @!p1 $0x0  }
0x6b: {  	s23 =	simm.s32 @!p1 $0x400;
	s24 =	simm.s32 @!p1 $0x8600;
	[sflag:s0] =	ssyncadd.s32 @!p1 $0xFFFFF000  }
0x6c: {  	[tilespmem:s24], [sflag:$0x3] =	stream.indirect.gather.add.f32 @!p1 [hbm:s6], $0x20, s23, s1, $0xb8;
	[tilespmem:$0x19200] =	vst v63  }
0x6d: {  	_ =	swait.ge @!p1 [sflag:s0], $0x1000  }
0x6e: {  	[sflag:s0] =	ssyncset.done @!p1 $0x0  }
0x6f: {  	s23 =	simm.s32 @!p1 $0x480;
	s24 =	simm.s32 @!p1 $0x9600;
	[sflag:s0] =	ssyncadd.s32 @!p1 $0xFFFFF000  }
0x70: {  	[tilespmem:s24], [sflag:$0x3] =	stream.indirect.gather.add.f32 @!p1 [hbm:s6], $0x20, s23, s1, $0xb8;
	[tilespmem:$0x19200] =	vst v63  }
0x71: {  	_ =	swait.ge @!p1 [sflag:s0], $0x1000  }
0x72: {  	[sflag:s0] =	ssyncset.done @!p1 $0x0  }
0x73: {  	s23 =	simm.s32 @!p1 $0x500;
	s24 =	simm.s32 @!p1 $0xA600;
	[sflag:s0] =	ssyncadd.s32 @!p1 $0xFFFFF000  }
0x74: {  	[tilespmem:s24], [sflag:$0x3] =	stream.indirect.gather.add.f32 @!p1 [hbm:s6], $0x20, s23, s1, $0xb8;
	[tilespmem:$0x19200] =	vst v63  }
0x75: {  	_ =	swait.ge @!p1 [sflag:s0], $0x1000  }
0x76: {  	s31 =	sadd.s32 @!p0 $0xFFFFFFFE, s20;
	[sflag:s0] =	ssyncset.done @!p1 $0x0  }
0x77: {  	s23 =	simm.s32 @!p1 $0xB600;
	[sflag:s0] =	ssyncadd.s32 @!p1 $0xFFFFF000;
	s0 =	simm.s32 @!p1 $0x580  }
0x78: {  	[tilespmem:s23], [sflag:$0x3] =	stream.indirect.gather.add.f32 @!p1 [hbm:s6], $0x20, s0, s1, $0xb8;
	[tilespmem:$0x19200] =	vst v63  }
0x79: {  	p1 =	sgt.u32 @!p0 s31, $0x31  }
0x7a: {  	p1 =	por p0, !p1  }
.Ltmp4:
0x7b: {  	_ = 	snop;
	(pc) =	sbr.rel @!p1 .LBB2_15-.Ltmp4, $2  }
0x7c: {  	_ =	sdelay $0x2  }
0x7d: {  	p2 =	slt.u32 @!p0 s14, $0x32  }
0x7e: {  	_ =	swait.ge [sflag:s16], $0x1000  }
0x7f: {  	[sflag:s16] =	ssyncset.done $0x0  }
0x80: {  	[sflag:s16] =	ssyncadd.s32 $0xFFFFF000  }
0x81: {  	_ =	swait.ge [sflag:s16], $0x1000  }
0x82: {  	s0 =	simm.s32 $0x0;
	[sflag:s16] =	ssyncset.done $0x0  }
0x83: {  	s0 =	sand.u32 $0x7FFFFFF8, s0;
	[sflag:s16] =	ssyncadd.s32 $0xFFFFF000  }
0x84: {  	v2 =	vmov s0;
	_ =	swait.ge [sflag:s16], $0x1000  }
0x85: {  	v2 =	vmul.u32 $0x88, v2;
	[sflag:s16] =	ssyncset.done $0x0  }
0x86: {  	s25 =	simm.s32 $0x0;
	[sflag:s16] =	ssyncadd.s32 $0xFFFFF000  }
0x87: {  	s0 =	sand.u32 $0xFFFFFF80, s25;
	v2 =	vbroadcast v2, $0x0;
	_ =	swait.ge [sflag:s16], $0x1000  }
0x88: {  	s0 =	ssub.s32 $0x0, s0;
	[sflag:s16] =	ssyncset.done $0x0  }
0x89: {  	s1 =	simm.s32 $0x4700;
	s23 =	sadd.s32 $0x8, s0;
	v3 =	vadd.s32 v0, v2;
	[sflag:s16] =	ssyncadd.s32 $0xFFFFF000  }
0x8a: {  	v4 =	vadd.s32 v1, v2;
	v7 =	vadd.s32 s23, v3;
	v5 =	vld [tilespmem:s1+$0x0]  }
0x8b: {  	v2 =	vadd.s32 s23, v4;
	v6 =	vld [tilespmem:s1+$0x10];
	_ =	sdelay $0x3  }
0x8c: {  	[tilespmem:v7+s17+$0x0] =	vst.idx.msk $0xffff, v5;
	v5 =	vadd.s32 s0, v3;
	v3 =	vld [tilespmem:s1+$0xFFFFFF00]  }
0x8d: {  	v4 =	vadd.s32 s0, v4;
	v11 =	vld [tilespmem:s1+$0xFFFFFF10];
	[tilespmem:v2+s17+$0x0] =	vst.idx.msk $0xffff, v6  }
0x8e: {  	v8 =	vor.u32 $0x1, v7;
	v6 =	vld [tilespmem:s1+$0x20]  }
0x8f: {  	v10 =	vor.u32 $0x1, v2;
	v9 =	vld [tilespmem:s1+$0x30];
	_ =	sdelay $0x1  }
0x90: {  	[tilespmem:v5+s17+$0x0] =	vst.idx.msk $0xffff, v3  }
0x91: {  	[tilespmem:v4+s17+$0x0] =	vst.idx.msk $0xffff, v11  }
0x92: {  	v3 =	vor.u32 $0x1, v5;
	[tilespmem:v8+s17+$0x0] =	vst.idx.msk $0xffff, v6;
	v11 =	vld [tilespmem:s1+$0xFFFFFF20]  }
0x93: {  	v12 =	vor.u32 $0x1, v4;
	v13 =	vld [tilespmem:s1+$0xFFFFFF30];
	[tilespmem:v10+s17+$0x0] =	vst.idx.msk $0xffff, v9  }
0x94: {  	v8 =	vor.u32 $0x2, v7;
	v6 =	vld [tilespmem:s1+$0x40]  }
0x95: {  	v10 =	vor.u32 $0x2, v2;
	v9 =	vld [tilespmem:s1+$0x50];
	_ =	sdelay $0x1  }
0x96: {  	[tilespmem:v3+s17+$0x0] =	vst.idx.msk $0xffff, v11  }
0x97: {  	[tilespmem:v12+s17+$0x0] =	vst.idx.msk $0xffff, v13  }
0x98: {  	s26 =	simm.s32 $0x1;
	[tilespmem:v8+s17+$0x0] =	vst.idx.msk $0xffff, v6  }
0x99: {  	s0 =	sand.u32 $0x7FFFFFF8, s26;
	v11 =	vor.u32 $0x2, v5;
	v12 =	vld [tilespmem:s1+$0xFFFFFF40];
	[tilespmem:v10+s17+$0x0] =	vst.idx.msk $0xffff, v9  }
0x9a: {  	v3 =	vmov s0;
	v8 =	vor.u32 $0x3, v7;
	v6 =	vld [tilespmem:s1+$0x60]  }
0x9b: {  	v3 =	vmul.u32 $0x88, v3;
	v10 =	vor.u32 $0x3, v2;
	v9 =	vld [tilespmem:s1+$0x70]  }
0x9c: {  	s12 =	simm.s32 $0x10  }
0x9d: {  	s0 =	sand.u32 $0xFFFFFF80, s12;
	v3 =	vbroadcast v3, $0x0  }
0x9e: {  	v13 =	vor.u32 $0x2, v4;
	s21 =	ssub.s32 $0x10, s0;
	v14 =	vld [tilespmem:s1+$0xFFFFFF50];
	[tilespmem:v11+s17+$0x0] =	vst.idx.msk $0xffff, v12  }
0x9f: {  	s0 =	simm.s32 $0x4900;
	s24 =	sadd.s32 $0x8, s21;
	v16 =	vadd.s32 v0, v3;
	[tilespmem:v8+s17+$0x0] =	vst.idx.msk $0xffff, v6  }
0xa0: {  	v11 =	vld [tilespmem:s0+$0x0];
	[tilespmem:v10+s17+$0x0] =	vst.idx.msk $0xffff, v9;
	v10 =	vadd.s32 s24, v16  }
0xa1: {  	v8 =	vor.u32 $0x4, v7;
	v6 =	vld [tilespmem:s1+$0x80]  }
0xa2: {  	v15 =	vor.u32 $0x4, v2;
	v3 =	vadd.s32 v1, v3;
	v9 =	vld [tilespmem:s1+$0x90]  }
0xa3: {  	v18 =	vadd.s32 s24, v3;
	v12 =	vld [tilespmem:s0+$0x10];
	[tilespmem:v13+s17+$0x0] =	vst.idx.msk $0xffff, v14  }
0xa4: {  	v14 =	vor.u32 $0x3, v5;
	v17 =	vld [tilespmem:s1+$0xFFFFFF60]  }
0xa5: {  	v19 =	vor.u32 $0x3, v4;
	v20 =	vld [tilespmem:s1+$0xFFFFFF70];
	[tilespmem:v10+s17+$0x0] =	vst.idx.msk $0xffff, v11  }
0xa6: {  	[tilespmem:v8+s17+$0x0] =	vst.idx.msk $0xffff, v6;
	v6 =	vadd.s32 s21, v16;
	v8 =	vld [tilespmem:s0+$0xFFFFFF00]  }
0xa7: {  	v13 =	vadd.s32 s21, v3;
	v3 =	vld [tilespmem:s0+$0xFFFFFF10];
	[tilespmem:v15+s17+$0x0] =	vst.idx.msk $0xffff, v9  }
0xa8: {  	[tilespmem:v18+s17+$0x0] =	vst.idx.msk $0xffff, v12;
	v15 =	vor.u32 $0x5, v7;
	v9 =	vld [tilespmem:s1+$0xA0]  }
0xa9: {  	[tilespmem:v14+s17+$0x0] =	vst.idx.msk $0xffff, v17;
	v12 =	vor.u32 $0x1, v10;
	v11 =	vld [tilespmem:s0+$0x20]  }
0xaa: {  	[tilespmem:v19+s17+$0x0] =	vst.idx.msk $0xffff, v20;
	v16 =	vor.u32 $0x1, v18;
	v14 =	vld [tilespmem:s0+$0x30]  }
0xab: {  	v19 =	vor.u32 $0x5, v2;
	v17 =	vld [tilespmem:s1+$0xB0];
	[tilespmem:v6+s17+$0x0] =	vst.idx.msk $0xffff, v8  }
0xac: {  	v20 =	vld [tilespmem:s1+$0xFFFFFF80];
	v8 =	vor.u32 $0x4, v5;
	[tilespmem:v13+s17+$0x0] =	vst.idx.msk $0xffff, v3  }
0xad: {  	[tilespmem:v15+s17+$0x0] =	vst.idx.msk $0xffff, v9;
	v9 =	vor.u32 $0x4, v4;
	v15 =	vld [tilespmem:s1+$0xFFFFFF90]  }
0xae: {  	v3 =	vor.u32 $0x1, v6;
	[tilespmem:v12+s17+$0x0] =	vst.idx.msk $0xffff, v11;
	v21 =	vld [tilespmem:s0+$0xFFFFFF20]  }
0xaf: {  	v11 =	vor.u32 $0x1, v13;
	v12 =	vld [tilespmem:s0+$0xFFFFFF30];
	[tilespmem:v16+s17+$0x0] =	vst.idx.msk $0xffff, v14  }
0xb0: {  	v16 =	vor.u32 $0x2, v10;
	[tilespmem:v19+s17+$0x0] =	vst.idx.msk $0xffff, v17;
	v14 =	vld [tilespmem:s0+$0x40]  }
0xb1: {  	v17 =	vor.u32 $0x2, v18;
	[tilespmem:v8+s17+$0x0] =	vst.idx.msk $0xffff, v20;
	v8 =	vld [tilespmem:s0+$0x50]  }
0xb2: {  	v19 =	vld [tilespmem:s1+$0xC0];
	v20 =	vor.u32 $0x6, v7;
	[tilespmem:v9+s17+$0x0] =	vst.idx.msk $0xffff, v15  }
0xb3: {  	[tilespmem:v3+s17+$0x0] =	vst.idx.msk $0xffff, v21  }
0xb4: {  	v9 =	vld [tilespmem:s1+$0xD0];
	v15 =	vor.u32 $0x6, v2;
	[tilespmem:v11+s17+$0x0] =	vst.idx.msk $0xffff, v12  }
0xb5: {  	v11 =	vor.u32 $0x2, v6;
	[tilespmem:v16+s17+$0x0] =	vst.idx.msk $0xffff, v14;
	v12 =	vld [tilespmem:s0+$0xFFFFFF40]  }
0xb6: {  	v14 =	vor.u32 $0x2, v13;
	v16 =	vld [tilespmem:s0+$0xFFFFFF50];
	[tilespmem:v17+s17+$0x0] =	vst.idx.msk $0xffff, v8  }
0xb7: {  	v3 =	vld [tilespmem:s1+$0xFFFFFFA0];
	[tilespmem:v20+s17+$0x0] =	vst.idx.msk $0xffff, v19;
	v19 =	vor.u32 $0x5, v5  }
0xb8: {  	v17 =	vor.u32 $0x3, v10;
	v8 =	vld [tilespmem:s0+$0x60]  }
0xb9: {  	[tilespmem:v15+s17+$0x0] =	vst.idx.msk $0xffff, v9;
	v9 =	vld [tilespmem:s0+$0x70];
	v15 =	vor.u32 $0x3, v18  }
0xba: {  	v21 =	vor.u32 $0x5, v4;
	v22 =	vld [tilespmem:s1+$0xFFFFFFB0];
	[tilespmem:v11+s17+$0x0] =	vst.idx.msk $0xffff, v12  }
0xbb: {  	s24 =	simm.s32 $0x2;
	v7 =	vor.u32 $0x7, v7;
	v20 =	vld [tilespmem:s1+$0xE0];
	[tilespmem:v14+s17+$0x0] =	vst.idx.msk $0xffff, v16  }
0xbc: {  	s23 =	sand.u32 $0x7FFFFFF8, s24;
	v2 =	vor.u32 $0x7, v2;
	v11 =	vld [tilespmem:s1+$0xF0];
	[tilespmem:v19+s17+$0x0] =	vst.idx.msk $0xffff, v3  }
0xbd: {  	v12 =	vmov s23;
	v14 =	vld [tilespmem:s0+$0xFFFFFF60];
	[tilespmem:v17+s17+$0x0] =	vst.idx.msk $0xffff, v8;
	v8 =	vor.u32 $0x3, v6  }
0xbe: {  	v12 =	vmul.u32 $0x88, v12;
	v19 =	vor.u32 $0x3, v13;
	v16 =	vld [tilespmem:s0+$0xFFFFFF70];
	[tilespmem:v15+s17+$0x0] =	vst.idx.msk $0xffff, v9  }
0xbf: {  	s25 =	simm.s32 $0x20;
	[tilespmem:v21+s17+$0x0] =	vst.idx.msk $0xffff, v22;
	v15 =	vor.u32 $0x4, v10;
	v9 =	vld [tilespmem:s0+$0x80]  }
0xc0: {  	s23 =	sand.u32 $0xFFFFFF80, s25;
	v17 =	vor.u32 $0x4, v18;
	v3 =	vbroadcast v12, $0x0;
	v12 =	vld [tilespmem:s0+$0x90];
	[tilespmem:v7+s17+$0x0] =	vst.idx.msk $0xffff, v20  }
0xc1: {  	s26 =	ssub.s32 $0x20, s23;
	v7 =	vld [tilespmem:s1+$0xFFFFFFC0];
	v20 =	vor.u32 $0x6, v5;
	[tilespmem:v2+s17+$0x0] =	vst.idx.msk $0xffff, v11  }
0xc2: {  	v32 =	vor.u32 $0x6, v4;
	s23 =	simm.s32 $0x4B00;
	s25 =	sadd.s32 $0x8, s26;
	v27 =	vld [tilespmem:s1+$0xFFFFFFD0];
	v11 =	vadd.s32 v0, v3;
	[tilespmem:v8+s17+$0x0] =	vst.idx.msk $0xffff, v14  }
0xc3: {  	v8 =	vadd.s32 v1, v3;
	v14 =	vld [tilespmem:s23+$0x0];
	v3 =	vadd.s32 s25, v11;
	[tilespmem:v19+s17+$0x0] =	vst.idx.msk $0xffff, v16  }
0xc4: {  	v21 =	vld [tilespmem:s23+$0x10];
	v2 =	vadd.s32 s25, v8;
	[tilespmem:v15+s17+$0x0] =	vst.idx.msk $0xffff, v9  }
0xc5: {  	v30 =	vadd.s32 s26, v11;
	v9 =	vld [tilespmem:s23+$0xFFFFFF00];
	[tilespmem:v17+s17+$0x0] =	vst.idx.msk $0xffff, v12  }
0xc6: {  	[tilespmem:v20+s17+$0x0] =	vst.idx.msk $0xffff, v7;
	v12 =	vor.u32 $0x5, v10;
	v11 =	vld [tilespmem:s0+$0xA0]  }
0xc7: {  	v15 =	vor.u32 $0x5, v18;
	[tilespmem:v32+s17+$0x0] =	vst.idx.msk $0xffff, v27;
	v7 =	vld [tilespmem:s0+$0xB0]  }
0xc8: {  	v31 =	vadd.s32 s26, v8;
	v8 =	vld [tilespmem:s23+$0xFFFFFF10];
	[tilespmem:v3+s17+$0x0] =	vst.idx.msk $0xffff, v14  }
0xc9: {  	v16 =	vld [tilespmem:s0+$0xFFFFFF80];
	v14 =	vor.u32 $0x4, v6;
	[tilespmem:v2+s17+$0x0] =	vst.idx.msk $0xffff, v21  }
0xca: {  	v17 =	vor.u32 $0x1, v3;
	[tilespmem:v30+s17+$0x0] =	vst.idx.msk $0xffff, v9;
	v9 =	vld [tilespmem:s23+$0x20]  }
0xcb: {  	v20 =	vor.u32 $0x1, v2;
	v19 =	vld [tilespmem:s23+$0x30];
	[tilespmem:v12+s17+$0x0] =	vst.idx.msk $0xffff, v11  }
0xcc: {  	v11 =	vor.u32 $0x4, v13;
	v12 =	vld [tilespmem:s0+$0xFFFFFF90];
	[tilespmem:v15+s17+$0x0] =	vst.idx.msk $0xffff, v7  }
0xcd: {  	[tilespmem:v31+s17+$0x0] =	vst.idx.msk $0xffff, v8;
	v15 =	vor.u32 $0x6, v10;
	v8 =	vld [tilespmem:s0+$0xC0]  }
0xce: {  	[tilespmem:v14+s17+$0x0] =	vst.idx.msk $0xffff, v16;
	v16 =	vor.u32 $0x6, v18;
	v14 =	vld [tilespmem:s0+$0xD0]  }
0xcf: {  	v21 =	vor.u32 $0x1, v30;
	v22 =	vld [tilespmem:s23+$0xFFFFFF20];
	[tilespmem:v17+s17+$0x0] =	vst.idx.msk $0xffff, v9  }
0xd0: {  	v26 =	vld [tilespmem:s23+$0xFFFFFF30];
	v17 =	vor.u32 $0x1, v31;
	[tilespmem:v20+s17+$0x0] =	vst.idx.msk $0xffff, v19  }
0xd1: {  	v37 =	vor.u32 $0x7, v10;
	v33 =	vor.u32 $0x2, v3;
	v29 =	vld [tilespmem:s23+$0x40];
	[tilespmem:v11+s17+$0x0] =	vst.idx.msk $0xffff, v12  }
0xd2: {  	v4 =	vor.u32 $0x7, v4;
	v24 =	vor.u32 $0x2, v30;
	v35 =	vor.u32 $0x2, v2;
	v34 =	vld [tilespmem:s23+$0x50];
	[tilespmem:v15+s17+$0x0] =	vst.idx.msk $0xffff, v8  }
0xd3: {  	v23 =	vor.u32 $0x2, v31;
	v27 =	vor.u32 $0x7, v18;
	v7 =	vor.u32 $0x7, v5;
	v25 =	vld [tilespmem:s0+$0xFFFFFFA0];
	[tilespmem:v16+s17+$0x0] =	vst.idx.msk $0xffff, v14  }
0xd4: {  	v5 =	vor.u32 $0x7, v13;
	v10 =	vor.u32 $0x7, v31;
	v9 =	vor.u32 $0x6, v6;
	[tilespmem:v21+s17+$0x0] =	vst.idx.msk $0xffff, v22;
	v36 =	vld [tilespmem:s0+$0xE0]  }
0xd5: {  	v20 =	vor.u32 $0x3, v30;
	v19 =	vor.u32 $0x3, v31;
	v12 =	vor.u32 $0x5, v13;
	[tilespmem:v17+s17+$0x0] =	vst.idx.msk $0xffff, v26;
	v26 =	vld [tilespmem:s0+$0xF0]  }
0xd6: {  	v22 =	vor.u32 $0x5, v30;
	v21 =	vor.u32 $0x5, v31;
	v8 =	vor.u32 $0x6, v13;
	v28 =	vld [tilespmem:s23+$0xFFFFFF40];
	[tilespmem:v33+s17+$0x0] =	vst.idx.msk $0xffff, v29  }
0xd7: {  	p1 =	por $0x0, $0x0;
	v15 =	vor.u32 $0x4, v31;
	v13 =	vor.u32 $0x6, v30;
	v16 =	vor.u32 $0x4, v30;
	v29 =	vld [tilespmem:s23+$0xFFFFFF50];
	[tilespmem:v35+s17+$0x0] =	vst.idx.msk $0xffff, v34  }
0xd8: {  	s31 =	simm.s32 @p0 $0x31;
	s14 =	simm.s32 @p0 $0x32;
	p1 =	por @!p0 p2, p2;
	v14 =	vor.u32 $0x6, v31;
	v17 =	vor.u32 $0x7, v30;
	v31 =	vor.u32 $0x3, v3;
	v30 =	vld [tilespmem:s23+$0x60]  }
0xd9: {  	s24 =	simm.s32 $0x4;
	s25 =	simm.s32 $0x4;
	s26 =	simm.s32 $0x20;
	v11 =	vor.u32 $0x5, v6;
	v6 =	vor.u32 $0x7, v6;
	v33 =	vor.u32 $0x3, v2;
	v32 =	vld [tilespmem:s23+$0x70];
	[tilespmem:v37+s17+$0x0] =	vst.idx.msk $0xffff, v36  }
.LBB2_4:
0xda: {  	s24 =	sadd.s32 $0x2, s24;
	v34 =	vld [tilespmem:s0+$0xFFFFFFB0];
	[tilespmem:v27+s17+$0x0] =	vst.idx.msk $0xffff, v26  }
0xdb: {  	s12 =	sshrl.u32 s24, $0x1;
	p2 =	slt.u32 s24, $0x3E;
	[tilespmem:v24+s17+$0x0] =	vst.idx.msk $0xffff, v28;
	v24 =	vld [tilespmem:s1+$0xFFFFFFE0]  }
0xdc: {  	s12 =	sand.u32 $0x7FFFFFF8, s12;
	[tilespmem:v23+s17+$0x0] =	vst.idx.msk $0xffff, v29;
	v18 =	vld [tilespmem:s1+$0xFFFFFFF0];
	s1 =	smov.u32 s0;
	s0 =	smov.u32 s23  }
0xdd: {  	v23 =	vmov s12;
	v26 =	vld [tilespmem:s23+$0xFFFFFF60];
	[tilespmem:v31+s17+$0x0] =	vst.idx.msk $0xffff, v30  }
0xde: {  	s25 =	sadd.s32 $0x2, s25;
	v23 =	vmul.u32 $0x88, v23;
	v27 =	vld [tilespmem:s23+$0xFFFFFF70];
	[tilespmem:v33+s17+$0x0] =	vst.idx.msk $0xffff, v32  }
0xdf: {  	v29 =	vor.u32 $0x4, v3;
	s12 =	sshll.u32 s25, $0x3;
	v28 =	vld [tilespmem:s23+$0x80];
	[tilespmem:v11+s17+$0x0] =	vst.idx.msk $0xffff, v25;
	v11 =	vmov v22  }
0xe0: {  	s26 =	sadd.s32 $0x10, s26;
	v30 =	vor.u32 $0x4, v2;
	s12 =	sand.u32 $0xFFFFFF80, s12;
	v22 =	vbroadcast v23, $0x0;
	v25 =	vld [tilespmem:s23+$0x90];
	[tilespmem:v12+s17+$0x0] =	vst.idx.msk $0xffff, v34;
	v12 =	vmov v21  }
0xe1: {  	s12 =	ssub.s32 s26, s12;
	v21 =	vld [tilespmem:s1+$0xFFFFFFC0];
	[tilespmem:v7+s17+$0x0] =	vst.idx.msk $0xffff, v24;
	v7 =	vmov v6;
	v6 =	vmov v17  }
0xe2: {  	s21 =	sadd.s32 $0x8, s12;
	s23 =	sadd.s32 $0x200, s23;
	v17 =	vadd.s32 v0, v22;
	[tilespmem:v20+s17+$0x0] =	vst.idx.msk $0xffff, v26;
	v26 =	vld [tilespmem:s1+$0xFFFFFFD0]  }
0xe3: {  	v20 =	vadd.s32 v1, v22;
	v31 =	vadd.s32 s12, v17;
	v32 =	vld [tilespmem:s23+$0x0];
	v33 =	vadd.s32 s21, v17;
	[tilespmem:v19+s17+$0x0] =	vst.idx.msk $0xffff, v27  }
0xe4: {  	v27 =	vadd.s32 s12, v20;
	v36 =	vadd.s32 s21, v20;
	v34 =	vor.u32 $0x1, v31;
	v35 =	vld [tilespmem:s23+$0x10];
	[tilespmem:v29+s17+$0x0] =	vst.idx.msk $0xffff, v28  }
0xe5: {  	v29 =	vor.u32 $0x1, v27;
	v24 =	vor.u32 $0x2, v31;
	v23 =	vor.u32 $0x2, v27;
	v28 =	vld [tilespmem:s23+$0xFFFFFF00];
	[tilespmem:v30+s17+$0x0] =	vst.idx.msk $0xffff, v25  }
0xe6: {  	v20 =	vor.u32 $0x3, v31;
	v19 =	vor.u32 $0x3, v27;
	v30 =	vor.u32 $0x5, v3;
	v25 =	vld [tilespmem:s0+$0xA0];
	[tilespmem:v9+s17+$0x0] =	vst.idx.msk $0xffff, v21;
	v9 =	vmovc v13  }
0xe7: {  	v40 =	vor.u32 $0x5, v2;
	v37 =	vor.u32 $0x4, v31;
	v38 =	vor.u32 $0x4, v27;
	v39 =	vld [tilespmem:s0+$0xB0];
	[tilespmem:v8+s17+$0x0] =	vst.idx.msk $0xffff, v26;
	v8 =	vmovc v14  }
0xe8: {  	v22 =	vor.u32 $0x5, v31;
	v21 =	vor.u32 $0x5, v27;
	v13 =	vor.u32 $0x6, v31;
	v26 =	vld [tilespmem:s23+$0xFFFFFF10];
	[tilespmem:v33+s17+$0x0] =	vst.idx.msk $0xffff, v32  }
0xe9: {  	v17 =	vor.u32 $0x7, v31;
	v14 =	vor.u32 $0x6, v27;
	v32 =	vor.u32 $0x7, v27;
	[tilespmem:v36+s17+$0x0] =	vst.idx.msk $0xffff, v35;
	v35 =	vld [tilespmem:s0+$0xFFFFFF80]  }
0xea: {  	[tilespmem:v31+s17+$0x0] =	vst.idx.msk $0xffff, v28;
	v28 =	vld [tilespmem:s23+$0x20];
	v31 =	vor.u32 $0x1, v33  }
0xeb: {  	v42 =	vor.u32 $0x1, v36;
	v41 =	vld [tilespmem:s23+$0x30];
	[tilespmem:v30+s17+$0x0] =	vst.idx.msk $0xffff, v25  }
0xec: {  	v25 =	vld [tilespmem:s0+$0xFFFFFF90];
	[tilespmem:v40+s17+$0x0] =	vst.idx.msk $0xffff, v39  }
0xed: {  	[tilespmem:v27+s17+$0x0] =	vst.idx.msk $0xffff, v26;
	v26 =	vld [tilespmem:s0+$0xC0];
	v27 =	vor.u32 $0x6, v3  }
0xee: {  	[tilespmem:v16+s17+$0x0] =	vst.idx.msk $0xffff, v35;
	v30 =	vld [tilespmem:s0+$0xD0];
	v35 =	vor.u32 $0x6, v2;
	v16 =	vmov v37  }
0xef: {  	v37 =	vld [tilespmem:s23+$0xFFFFFF20];
	[tilespmem:v31+s17+$0x0] =	vst.idx.msk $0xffff, v28  }
0xf0: {  	v28 =	vld [tilespmem:s23+$0xFFFFFF30];
	[tilespmem:v42+s17+$0x0] =	vst.idx.msk $0xffff, v41  }
0xf1: {  	v39 =	vor.u32 $0x2, v33;
	v31 =	vld [tilespmem:s23+$0x40];
	[tilespmem:v15+s17+$0x0] =	vst.idx.msk $0xffff, v25;
	v15 =	vmov v38  }
0xf2: {  	v40 =	vor.u32 $0x2, v36;
	v38 =	vld [tilespmem:s23+$0x50];
	[tilespmem:v27+s17+$0x0] =	vst.idx.msk $0xffff, v26  }
0xf3: {  	v25 =	vld [tilespmem:s0+$0xFFFFFFA0];
	[tilespmem:v35+s17+$0x0] =	vst.idx.msk $0xffff, v30  }
0xf4: {  	v35 =	vor.u32 $0x7, v3;
	v3 =	vmov v33;
	[tilespmem:v34+s17+$0x0] =	vst.idx.msk $0xffff, v37;
	v34 =	vld [tilespmem:s0+$0xE0]  }
.Ltmp5:
0xf5: {  	v27 =	vor.u32 $0x7, v2;
	v2 =	vmov v36;
	[tilespmem:v29+s17+$0x0] =	vst.idx.msk $0xffff, v28;
	v26 =	vld [tilespmem:s0+$0xF0];
	(pc) =	sbr.rel @p2 .LBB2_4-.Ltmp5, $4  }
0xf6: {  	v28 =	vld [tilespmem:s23+$0xFFFFFF40];
	[tilespmem:v39+s17+$0x0] =	vst.idx.msk $0xffff, v31  }
0xf7: {  	v29 =	vld [tilespmem:s23+$0xFFFFFF50];
	[tilespmem:v40+s17+$0x0] =	vst.idx.msk $0xffff, v38  }
0xf8: {  	v31 =	vor.u32 $0x3, v3;
	v30 =	vld [tilespmem:s23+$0x60];
	[tilespmem:v4+s17+$0x0] =	vst.idx.msk $0xffff, v18;
	v4 =	vmovc v5;
	v5 =	vmov v10;
	v10 =	vmov v32  }
0xf9: {  	v33 =	vor.u32 $0x3, v2;
	v32 =	vld [tilespmem:s23+$0x70];
	[tilespmem:v35+s17+$0x0] =	vst.idx.msk $0xffff, v34  }
0xfa: {  	_ =	sdelay $0x3  }
0xfb: {  	[tilespmem:v24+s17+$0x0] =	vst.idx.msk $0xffff, v28  }
0xfc: {  	[tilespmem:v23+s17+$0x0] =	vst.idx.msk $0xffff, v29  }
0xfd: {  	v18 =	vld [tilespmem:s23+$0xFFFFFF60]  }
0xfe: {  	[tilespmem:v31+s17+$0x0] =	vst.idx.msk $0xffff, v30;
	v23 =	vld [tilespmem:s23+$0xFFFFFF70]  }
0xff: {  	[tilespmem:v33+s17+$0x0] =	vst.idx.msk $0xffff, v32  }
0x100: {  	v42 =	vor.u32 $0x4, v3;
	v41 =	vld [tilespmem:s23+$0x80]  }
0x101: {  	v44 =	vor.u32 $0x4, v2;
	v43 =	vld [tilespmem:s23+$0x90]  }
0x102: {  	[tilespmem:v20+s17+$0x0] =	vst.idx.msk $0xffff, v18  }
0x103: {  	[tilespmem:v19+s17+$0x0] =	vst.idx.msk $0xffff, v23  }
0x104: {  	v18 =	vld [tilespmem:s23+$0xFFFFFF80]  }
0x105: {  	[tilespmem:v42+s17+$0x0] =	vst.idx.msk $0xffff, v41;
	v19 =	vld [tilespmem:s23+$0xFFFFFF90]  }
0x106: {  	v48 =	vld [tilespmem:s0+$0xFFFFFFB0];
	[tilespmem:v44+s17+$0x0] =	vst.idx.msk $0xffff, v43  }
0x107: {  	v46 =	vor.u32 $0x5, v3;
	v45 =	vld [tilespmem:s23+$0xA0]  }
0x108: {  	v47 =	vor.u32 $0x5, v2;
	[tilespmem:v11+s17+$0x0] =	vst.idx.msk $0xffff, v25;
	v24 =	vld [tilespmem:s23+$0xB0]  }
0x109: {  	[tilespmem:v16+s17+$0x0] =	vst.idx.msk $0xffff, v18  }
0x10a: {  	[tilespmem:v15+s17+$0x0] =	vst.idx.msk $0xffff, v19  }
0x10b: {  	[tilespmem:v12+s17+$0x0] =	vst.idx.msk $0xffff, v48;
	v15 =	vld [tilespmem:s23+$0xFFFFFFA0]  }
0x10c: {  	[tilespmem:v46+s17+$0x0] =	vst.idx.msk $0xffff, v45;
	v18 =	vld [tilespmem:s23+$0xFFFFFFB0]  }
0x10d: {  	v55 =	vld [tilespmem:s0+$0xFFFFFFC0];
	[tilespmem:v47+s17+$0x0] =	vst.idx.msk $0xffff, v24  }
0x10e: {  	v52 =	vor.u32 $0x6, v3;
	v51 =	vld [tilespmem:s23+$0xC0]  }
0x10f: {  	[tilespmem:v27+s17+$0x0] =	vst.idx.msk $0xffff, v26;
	v54 =	vor.u32 $0x6, v2;
	v53 =	vld [tilespmem:s23+$0xD0]  }
0x110: {  	v56 =	vld [tilespmem:s0+$0xFFFFFFD0];
	[tilespmem:v22+s17+$0x0] =	vst.idx.msk $0xffff, v15  }
0x111: {  	v49 =	vld [tilespmem:s1+$0xFFFFFFE0];
	[tilespmem:v21+s17+$0x0] =	vst.idx.msk $0xffff, v18  }
0x112: {  	[tilespmem:v9+s17+$0x0] =	vst.idx.msk $0xffff, v55;
	v57 =	vld [tilespmem:s23+$0xFFFFFFC0]  }
0x113: {  	[tilespmem:v52+s17+$0x0] =	vst.idx.msk $0xffff, v51;
	v58 =	vld [tilespmem:s23+$0xFFFFFFD0]  }
0x114: {  	v50 =	vld [tilespmem:s1+$0xFFFFFFF0];
	[tilespmem:v54+s17+$0x0] =	vst.idx.msk $0xffff, v53  }
0x115: {  	v3 =	vor.u32 $0x7, v3;
	[tilespmem:v8+s17+$0x0] =	vst.idx.msk $0xffff, v56;
	v59 =	vld [tilespmem:s23+$0xE0]  }
0x116: {  	[tilespmem:v7+s17+$0x0] =	vst.idx.msk $0xffff, v49;
	v61 =	vld [tilespmem:s0+$0xFFFFFFE0]  }
0x117: {  	v62 =	vld [tilespmem:s0+$0xFFFFFFF0];
	[tilespmem:v13+s17+$0x0] =	vst.idx.msk $0xffff, v57  }
0x118: {  	v2 =	vor.u32 $0x7, v2;
	v60 =	vld [tilespmem:s23+$0xF0];
	[tilespmem:v14+s17+$0x0] =	vst.idx.msk $0xffff, v58  }
0x119: {  	[tilespmem:v4+s17+$0x0] =	vst.idx.msk $0xffff, v50;
	v63 =	vld [tilespmem:s23+$0xFFFFFFE0]  }
0x11a: {  	s26 =	sadd.s32 s7, s31;
	[tilespmem:v3+s17+$0x0] =	vst.idx.msk $0xffff, v59;
	v3 =	vld [tilespmem:s23+$0xFFFFFFF0]  }
0x11b: {  	s31 =	sshll.u32 s26, $0xB;
	s0 =	sshll.u32 s26, $0x9;
	[tilespmem:v6+s17+$0x0] =	vst.idx.msk $0xffff, v61  }
0x11c: {  	s1 =	sand.u32 $0xFFFC000, s31;
	s0 =	sand.u32 $0xE00, s0;
	[tilespmem:v5+s17+$0x0] =	vst.idx.msk $0xffff, v62  }
0x11d: {  	s0 =	sor.u32 s0, s1;
	[tilespmem:v2+s17+$0x0] =	vst.idx.msk $0xffff, v60  }
0x11e: {  	s24 =	simm.s32 $0x10;
	s1 =	sadd.s32 s2, s0;
	[tilespmem:v17+s17+$0x0] =	vst.idx.msk $0xffff, v63  }
0x11f: {  	s25 =	simm.s32 $0x10A88;
	s26 =	sadd.s32 $0x0, s1;
	s23 =	simm.s32 $0x10A00;
	[tilespmem:v10+s17+$0x0] =	vst.idx.msk $0xffff, v3  }
.LBB2_6:
0x120: {  	[hbm4b:s26+s3] =	stream.linear.scatter [tilespmem:s23], [sflag:$0x5], $0x80, $0x38;
	[tilespmem:$0x19200] =	vst v63  }
0x121: {  	s12 =	smov.u32 s24;
	s23 =	smov.u32 s25;
	p2 =	sne.s32 s24, $0x1F0  }
.Ltmp6:
0x122: {  	s24 =	sadd.s32 $0x10, s24;
	(pc) =	sbr.rel @p2 .LBB2_6-.Ltmp6, $2  }
0x123: {  	_ =	sdelay $0x2  }
0x124: {  	s25 =	sadd.s32 $0x88, s25;
	s26 =	sadd.s32 s12, s1  }
0x125: {  	[hbm4b:s26+s3] =	stream.linear.scatter [tilespmem:s23], [sflag:$0x5], $0x80, $0x38;
	[tilespmem:$0x19200] =	vst v63  }
0x126: {  	s1 =	sadd.s32 s0, s9;
	s23 =	simm.s32 $0x11B00  }
0x127: {  	s24 =	simm.s32 $0x10;
	s25 =	simm.s32 $0x11B88;
	s26 =	sadd.s32 $0x0, s1  }
.LBB2_8:
0x128: {  	[hbm4b:s26+s3] =	stream.linear.scatter [tilespmem:s23], [sflag:$0x5], $0x80, $0x38;
	[tilespmem:$0x19200] =	vst v63  }
0x129: {  	s12 =	smov.u32 s24;
	s23 =	smov.u32 s25;
	p2 =	sne.s32 s24, $0x1F0  }
.Ltmp7:
0x12a: {  	s24 =	sadd.s32 $0x10, s24;
	(pc) =	sbr.rel @p2 .LBB2_8-.Ltmp7, $2  }
0x12b: {  	_ =	sdelay $0x2  }
0x12c: {  	s25 =	sadd.s32 $0x88, s25;
	s26 =	sadd.s32 s12, s1  }
0x12d: {  	[hbm4b:s26+s3] =	stream.linear.scatter [tilespmem:s23], [sflag:$0x5], $0x80, $0x38;
	[tilespmem:$0x19200] =	vst v63  }
0x12e: {  	s1 =	sadd.s32 s0, s10;
	s23 =	simm.s32 $0x12C00  }
0x12f: {  	s24 =	simm.s32 $0x10;
	s25 =	simm.s32 $0x12C88;
	s26 =	sadd.s32 $0x0, s1  }
.LBB2_10:
0x130: {  	[hbm4b:s26+s3] =	stream.linear.scatter [tilespmem:s23], [sflag:$0x5], $0x80, $0x38;
	[tilespmem:$0x19200] =	vst v63  }
0x131: {  	s12 =	smov.u32 s24;
	s23 =	smov.u32 s25;
	p2 =	sne.s32 s24, $0x1F0  }
.Ltmp8:
0x132: {  	s24 =	sadd.s32 $0x10, s24;
	(pc) =	sbr.rel @p2 .LBB2_10-.Ltmp8, $2  }
0x133: {  	_ =	sdelay $0x2  }
0x134: {  	s25 =	sadd.s32 $0x88, s25;
	s26 =	sadd.s32 s12, s1  }
0x135: {  	[hbm4b:s26+s3] =	stream.linear.scatter [tilespmem:s23], [sflag:$0x5], $0x80, $0x38;
	[tilespmem:$0x19200] =	vst v63  }
0x136: {  	s0 =	sadd.s32 s0, s11;
	s1 =	simm.s32 $0x13D00  }
0x137: {  	s23 =	simm.s32 $0x10;
	s24 =	simm.s32 $0x13D88;
	s25 =	sadd.s32 $0x0, s0  }
.LBB2_12:
0x138: {  	[hbm4b:s25+s3] =	stream.linear.scatter [tilespmem:s1], [sflag:$0x5], $0x80, $0x38;
	[tilespmem:$0x19200] =	vst v63  }
0x139: {  	s12 =	smov.u32 s23;
	s1 =	smov.u32 s24;
	p2 =	sne.s32 s23, $0x1F0  }
.Ltmp9:
0x13a: {  	s23 =	sadd.s32 $0x10, s23;
	(pc) =	sbr.rel @p2 .LBB2_12-.Ltmp9, $2  }
0x13b: {  	_ =	sdelay $0x2  }
0x13c: {  	s24 =	sadd.s32 $0x88, s24;
	s25 =	sadd.s32 s12, s0  }
.Ltmp10:
0x13d: {  	(pc) =	sbr.rel @!p0 .LBB2_14-.Ltmp10, $3  }
0x13e: {  	_ =	sdelay $0x1  }
0x13f: {  	[hbm4b:s25+s3] =	stream.linear.scatter [tilespmem:s1], [sflag:$0x5], $0x80, $0x38;
	[tilespmem:$0x19200] =	vst v63  }
0x140: {  	s26 =	simm.s32 $0x4600  }
.Ltmp11:
0x141: {  	(pc) =	sbr.rel @p1 .LBB2_18-.Ltmp11, $4  }
.Ltmp12:
0x142: {  	(pc) =	sbr.rel @!p1 .LBB2_44-.Ltmp12, $4  }
0x143: {  	_ = 	snop  }
0x144: {  	_ = 	snop  }
0x145: {  	p0 =	por $0x1, $0x1  }
0x146: {  	_ = 	snop  }
.LBB2_14:
0x147: {  	p2 =	por p1, p1  }
.LBB2_15:
0x148: {  	s0 =	rddreg [dreg:$0x3]  }
0x149: {  	s0 =	sadd.s32 s20, s0  }
0x14a: {  	s0 =	sshll.u32 s0, $0x6  }
0x14b: {  	s0 =	sand.u32 $0xFFFFFC0, s0  }
0x14c: {  	p0 =	seq.s32 s13, $0x0;
	s0 =	sadd.s32 s4, s0  }
0x14d: {  	[tilespmem:s15], [sflag:$0x8] =	stream.linear.gather [hbm4b:s0+s3], $0x200, $0x38;
	[tilespmem:$0x19200] =	vst v63  }
0x14e: {  	s0 =	simm.s32 @!p0 $0x5  }
0x14f: {  	_ =	swait.ge @!p0 [sflag:s0], $0x1000  }
0x150: {  	[sflag:s0] =	ssyncset.done @!p0 $0x0  }
0x151: {  	[sflag:s0] =	ssyncadd.s32 @!p0 $0xFFFFF000  }
0x152: {  	_ =	swait.ge @!p0 [sflag:s0], $0x1000  }
0x153: {  	[sflag:s0] =	ssyncset.done @!p0 $0x0  }
0x154: {  	[sflag:s0] =	ssyncadd.s32 @!p0 $0xFFFFF000  }
0x155: {  	_ =	swait.ge @!p0 [sflag:s0], $0x1000  }
0x156: {  	[sflag:s0] =	ssyncset.done @!p0 $0x0  }
0x157: {  	[sflag:s0] =	ssyncadd.s32 @!p0 $0xFFFFF000  }
0x158: {  	_ =	swait.ge @!p0 [sflag:s0], $0x1000  }
0x159: {  	[sflag:s0] =	ssyncset.done @!p0 $0x0  }
0x15a: {  	[sflag:s0] =	ssyncadd.s32 @!p0 $0xFFFFF000  }
0x15b: {  	_ =	swait.ge [sflag:s30], $0x200  }
0x15c: {  	[sflag:s30] =	ssyncset.done $0x0  }
0x15d: {  	[sflag:s30] =	ssyncadd.s32 $0xFFFFFE00  }
0x15e: {  	[tilespmem:s26], [sflag:$0x2] =	stream.indirect.gather [hbm4b:s5+s22], $0x20, s15, s22, $0xb8;
	[tilespmem:$0x19200] =	vst v63  }
0x15f: {  	s21 =	simm.s32 $0x280;
	s1 =	simm.s32 $0x5600  }
0x160: {  	[tilespmem:s1], [sflag:$0x2] =	stream.indirect.gather [hbm4b:s5+s22], $0x20, s21, s22, $0xb8;
	[tilespmem:$0x19200] =	vst v63  }
0x161: {  	s23 =	simm.s32 $0x300;
	s24 =	simm.s32 $0x6600  }
0x162: {  	[tilespmem:s24], [sflag:$0x2] =	stream.indirect.gather [hbm4b:s5+s22], $0x20, s23, s22, $0xb8;
	[tilespmem:$0x19200] =	vst v63  }
0x163: {  	s25 =	simm.s32 $0x380;
	s31 =	simm.s32 $0x7600  }
0x164: {  	[tilespmem:s31], [sflag:$0x2] =	stream.indirect.gather [hbm4b:s5+s22], $0x20, s25, s22, $0xb8;
	[tilespmem:$0x19200] =	vst v63  }
0x165: {  	_ =	swait.ge [sflag:s28], $0x1000  }
0x166: {  	[sflag:s28] =	ssyncset.done $0x0  }
0x167: {  	s12 =	simm.s32 $0x600;
	[sflag:s28] =	ssyncadd.s32 $0xFFFFF000  }
0x168: {  	[tilespmem:s12], [sflag:$0x1] =	stream.indirect.gather.add.f32 [hbm:s6], $0x20, s3, s22, $0xb8;
	[tilespmem:$0x19200] =	vst v63  }
0x169: {  	_ =	swait.ge [sflag:s28], $0x1000  }
0x16a: {  	[sflag:s28] =	ssyncset.done $0x0  }
0x16b: {  	s21 =	simm.s32 $0x1600;
	[sflag:s28] =	ssyncadd.s32 $0xFFFFF000  }
0x16c: {  	[tilespmem:s21], [sflag:$0x1] =	stream.indirect.gather.add.f32 [hbm:s6], $0x20, s22, s22, $0xb8;
	[tilespmem:$0x19200] =	vst v63  }
0x16d: {  	_ =	swait.ge [sflag:s28], $0x1000  }
0x16e: {  	[sflag:s28] =	ssyncset.done $0x0  }
0x16f: {  	s23 =	simm.s32 $0x100;
	s24 =	simm.s32 $0x2600;
	[sflag:s28] =	ssyncadd.s32 $0xFFFFF000  }
0x170: {  	[tilespmem:s24], [sflag:$0x1] =	stream.indirect.gather.add.f32 [hbm:s6], $0x20, s23, s22, $0xb8;
	[tilespmem:$0x19200] =	vst v63  }
.Ltmp13:
0x171: {  	_ = 	snop;
	(pc) =	sbr.rel @!p2 .LBB2_16-.Ltmp13, $4  }
0x172: {  	_ =	swait.ge [sflag:s28], $0x1000  }
0x173: {  	p0 =	por $0x0, $0x0;
	[sflag:s28] =	ssyncset.done $0x0  }
0x174: {  	s25 =	simm.s32 $0x180;
	s31 =	simm.s32 $0x3600;
	[sflag:s28] =	ssyncadd.s32 $0xFFFFF000  }
0x175: {  	[tilespmem:s31], [sflag:$0x1] =	stream.indirect.gather.add.f32 [hbm:s6], $0x20, s25, s22, $0xb8;
	[tilespmem:$0x19200] =	vst v63  }
.LBB2_18:
0x176: {  	_ =	swait.ge [sflag:s18], $0x1000  }
0x177: {  	[sflag:s18] =	ssyncset.done $0x0  }
0x178: {  	[sflag:s18] =	ssyncadd.s32 $0xFFFFF000  }
0x179: {  	_ =	swait.ge [sflag:s18], $0x1000  }
0x17a: {  	s0 =	simm.s32 $0x0;
	[sflag:s18] =	ssyncset.done $0x0  }
0x17b: {  	s0 =	sand.u32 $0x7FFFFFF8, s0;
	[sflag:s18] =	ssyncadd.s32 $0xFFFFF000  }
0x17c: {  	v2 =	vmov s0;
	_ =	swait.ge [sflag:s18], $0x1000  }
0x17d: {  	v2 =	vmul.u32 $0x88, v2;
	[sflag:s18] =	ssyncset.done $0x0  }
0x17e: {  	s21 =	simm.s32 $0x0;
	[sflag:s18] =	ssyncadd.s32 $0xFFFFF000  }
0x17f: {  	s0 =	sand.u32 $0xFFFFFF80, s21;
	v2 =	vbroadcast v2, $0x0;
	_ =	swait.ge [sflag:s18], $0x1000  }
0x180: {  	s0 =	ssub.s32 $0x0, s0;
	[sflag:s18] =	ssyncset.done $0x0  }
0x181: {  	s1 =	simm.s32 $0x8700;
	s12 =	sadd.s32 $0x8, s0;
	v3 =	vadd.s32 v0, v2;
	[sflag:s18] =	ssyncadd.s32 $0xFFFFF000  }
0x182: {  	v4 =	vadd.s32 v1, v2;
	v6 =	vadd.s32 s12, v3;
	v5 =	vld [tilespmem:s1+$0x0]  }
0x183: {  	v2 =	vadd.s32 s12, v4;
	v7 =	vld [tilespmem:s1+$0x10];
	_ =	sdelay $0x3  }
0x184: {  	[tilespmem:v6+s19+$0x0] =	vst.idx.msk $0xffff, v5;
	v5 =	vadd.s32 s0, v3;
	v3 =	vld [tilespmem:s1+$0xFFFFFF00]  }
0x185: {  	v4 =	vadd.s32 s0, v4;
	v11 =	vld [tilespmem:s1+$0xFFFFFF10];
	[tilespmem:v2+s19+$0x0] =	vst.idx.msk $0xffff, v7  }
0x186: {  	v8 =	vor.u32 $0x1, v6;
	v7 =	vld [tilespmem:s1+$0x20]  }
0x187: {  	v10 =	vor.u32 $0x1, v2;
	v9 =	vld [tilespmem:s1+$0x30];
	_ =	sdelay $0x1  }
0x188: {  	[tilespmem:v5+s19+$0x0] =	vst.idx.msk $0xffff, v3  }
0x189: {  	[tilespmem:v4+s19+$0x0] =	vst.idx.msk $0xffff, v11  }
0x18a: {  	v3 =	vor.u32 $0x1, v5;
	[tilespmem:v8+s19+$0x0] =	vst.idx.msk $0xffff, v7;
	v11 =	vld [tilespmem:s1+$0xFFFFFF20]  }
0x18b: {  	v12 =	vor.u32 $0x1, v4;
	v13 =	vld [tilespmem:s1+$0xFFFFFF30];
	[tilespmem:v10+s19+$0x0] =	vst.idx.msk $0xffff, v9  }
0x18c: {  	v8 =	vor.u32 $0x2, v6;
	v7 =	vld [tilespmem:s1+$0x40]  }
0x18d: {  	v10 =	vor.u32 $0x2, v2;
	v9 =	vld [tilespmem:s1+$0x50];
	_ =	sdelay $0x1  }
0x18e: {  	[tilespmem:v3+s19+$0x0] =	vst.idx.msk $0xffff, v11  }
0x18f: {  	[tilespmem:v12+s19+$0x0] =	vst.idx.msk $0xffff, v13  }
0x190: {  	s23 =	simm.s32 $0x1;
	[tilespmem:v8+s19+$0x0] =	vst.idx.msk $0xffff, v7  }
0x191: {  	s0 =	sand.u32 $0x7FFFFFF8, s23;
	v11 =	vor.u32 $0x2, v5;
	v12 =	vld [tilespmem:s1+$0xFFFFFF40];
	[tilespmem:v10+s19+$0x0] =	vst.idx.msk $0xffff, v9  }
0x192: {  	v3 =	vmov s0;
	v8 =	vor.u32 $0x3, v6;
	v7 =	vld [tilespmem:s1+$0x60]  }
0x193: {  	v3 =	vmul.u32 $0x88, v3;
	v10 =	vor.u32 $0x3, v2;
	v9 =	vld [tilespmem:s1+$0x70]  }
0x194: {  	s24 =	simm.s32 $0x10  }
0x195: {  	s0 =	sand.u32 $0xFFFFFF80, s24;
	v3 =	vbroadcast v3, $0x0  }
0x196: {  	v13 =	vor.u32 $0x2, v4;
	s25 =	ssub.s32 $0x10, s0;
	v14 =	vld [tilespmem:s1+$0xFFFFFF50];
	[tilespmem:v11+s19+$0x0] =	vst.idx.msk $0xffff, v12  }
0x197: {  	s0 =	simm.s32 $0x8900;
	s21 =	sadd.s32 $0x8, s25;
	v16 =	vadd.s32 v0, v3;
	[tilespmem:v8+s19+$0x0] =	vst.idx.msk $0xffff, v7  }
0x198: {  	v11 =	vld [tilespmem:s0+$0x0];
	v8 =	vadd.s32 s21, v16;
	[tilespmem:v10+s19+$0x0] =	vst.idx.msk $0xffff, v9  }
0x199: {  	v9 =	vor.u32 $0x4, v6;
	v7 =	vld [tilespmem:s1+$0x80]  }
0x19a: {  	v15 =	vor.u32 $0x4, v2;
	v3 =	vadd.s32 v1, v3;
	v10 =	vld [tilespmem:s1+$0x90]  }
0x19b: {  	v18 =	vadd.s32 s21, v3;
	v12 =	vld [tilespmem:s0+$0x10];
	[tilespmem:v13+s19+$0x0] =	vst.idx.msk $0xffff, v14  }
0x19c: {  	v17 =	vor.u32 $0x3, v5;
	v19 =	vld [tilespmem:s1+$0xFFFFFF60]  }
0x19d: {  	v20 =	vor.u32 $0x3, v4;
	v21 =	vld [tilespmem:s1+$0xFFFFFF70];
	[tilespmem:v8+s19+$0x0] =	vst.idx.msk $0xffff, v11  }
0x19e: {  	v13 =	vadd.s32 s25, v16;
	[tilespmem:v9+s19+$0x0] =	vst.idx.msk $0xffff, v7;
	v7 =	vld [tilespmem:s0+$0xFFFFFF00]  }
0x19f: {  	v14 =	vadd.s32 s25, v3;
	v3 =	vld [tilespmem:s0+$0xFFFFFF10];
	[tilespmem:v15+s19+$0x0] =	vst.idx.msk $0xffff, v10  }
0x1a0: {  	[tilespmem:v18+s19+$0x0] =	vst.idx.msk $0xffff, v12;
	v10 =	vor.u32 $0x5, v6;
	v9 =	vld [tilespmem:s1+$0xA0]  }
0x1a1: {  	[tilespmem:v17+s19+$0x0] =	vst.idx.msk $0xffff, v19;
	v12 =	vor.u32 $0x1, v8;
	v11 =	vld [tilespmem:s0+$0x20]  }
0x1a2: {  	v16 =	vor.u32 $0x1, v18;
	[tilespmem:v20+s19+$0x0] =	vst.idx.msk $0xffff, v21;
	v15 =	vld [tilespmem:s0+$0x30]  }
0x1a3: {  	v19 =	vor.u32 $0x5, v2;
	v17 =	vld [tilespmem:s1+$0xB0];
	[tilespmem:v13+s19+$0x0] =	vst.idx.msk $0xffff, v7  }
0x1a4: {  	v20 =	vld [tilespmem:s1+$0xFFFFFF80];
	v7 =	vor.u32 $0x4, v5;
	[tilespmem:v14+s19+$0x0] =	vst.idx.msk $0xffff, v3  }
0x1a5: {  	[tilespmem:v10+s19+$0x0] =	vst.idx.msk $0xffff, v9;
	v9 =	vor.u32 $0x4, v4;
	v10 =	vld [tilespmem:s1+$0xFFFFFF90]  }
0x1a6: {  	[tilespmem:v12+s19+$0x0] =	vst.idx.msk $0xffff, v11;
	v3 =	vor.u32 $0x1, v13;
	v21 =	vld [tilespmem:s0+$0xFFFFFF20]  }
0x1a7: {  	v11 =	vor.u32 $0x1, v14;
	[tilespmem:v16+s19+$0x0] =	vst.idx.msk $0xffff, v15;
	v12 =	vld [tilespmem:s0+$0xFFFFFF30]  }
0x1a8: {  	v16 =	vor.u32 $0x2, v8;
	v15 =	vld [tilespmem:s0+$0x40];
	[tilespmem:v19+s19+$0x0] =	vst.idx.msk $0xffff, v17  }
0x1a9: {  	v17 =	vor.u32 $0x2, v18;
	[tilespmem:v7+s19+$0x0] =	vst.idx.msk $0xffff, v20;
	v7 =	vld [tilespmem:s0+$0x50]  }
0x1aa: {  	v19 =	vld [tilespmem:s1+$0xC0];
	v20 =	vor.u32 $0x6, v6;
	[tilespmem:v9+s19+$0x0] =	vst.idx.msk $0xffff, v10  }
0x1ab: {  	[tilespmem:v3+s19+$0x0] =	vst.idx.msk $0xffff, v21  }
0x1ac: {  	v9 =	vld [tilespmem:s1+$0xD0];
	v10 =	vor.u32 $0x6, v2;
	[tilespmem:v11+s19+$0x0] =	vst.idx.msk $0xffff, v12  }
0x1ad: {  	[tilespmem:v16+s19+$0x0] =	vst.idx.msk $0xffff, v15;
	v11 =	vor.u32 $0x2, v13;
	v12 =	vld [tilespmem:s0+$0xFFFFFF40]  }
0x1ae: {  	v15 =	vor.u32 $0x2, v14;
	v16 =	vld [tilespmem:s0+$0xFFFFFF50];
	[tilespmem:v17+s19+$0x0] =	vst.idx.msk $0xffff, v7  }
0x1af: {  	v3 =	vld [tilespmem:s1+$0xFFFFFFA0];
	[tilespmem:v20+s19+$0x0] =	vst.idx.msk $0xffff, v19;
	v19 =	vor.u32 $0x5, v5  }
0x1b0: {  	v17 =	vor.u32 $0x3, v8;
	v7 =	vld [tilespmem:s0+$0x60]  }
0x1b1: {  	[tilespmem:v10+s19+$0x0] =	vst.idx.msk $0xffff, v9;
	v9 =	vld [tilespmem:s0+$0x70];
	v10 =	vor.u32 $0x3, v18  }
0x1b2: {  	v21 =	vor.u32 $0x5, v4;
	v22 =	vld [tilespmem:s1+$0xFFFFFFB0];
	[tilespmem:v11+s19+$0x0] =	vst.idx.msk $0xffff, v12  }
0x1b3: {  	s23 =	simm.s32 $0x2;
	v6 =	vor.u32 $0x7, v6;
	v20 =	vld [tilespmem:s1+$0xE0];
	[tilespmem:v15+s19+$0x0] =	vst.idx.msk $0xffff, v16  }
0x1b4: {  	s12 =	sand.u32 $0x7FFFFFF8, s23;
	v2 =	vor.u32 $0x7, v2;
	v11 =	vld [tilespmem:s1+$0xF0];
	[tilespmem:v19+s19+$0x0] =	vst.idx.msk $0xffff, v3  }
0x1b5: {  	v12 =	vmov s12;
	v15 =	vld [tilespmem:s0+$0xFFFFFF60];
	[tilespmem:v17+s19+$0x0] =	vst.idx.msk $0xffff, v7;
	v7 =	vor.u32 $0x3, v13  }
0x1b6: {  	v12 =	vmul.u32 $0x88, v12;
	v19 =	vor.u32 $0x3, v14;
	v16 =	vld [tilespmem:s0+$0xFFFFFF70];
	[tilespmem:v10+s19+$0x0] =	vst.idx.msk $0xffff, v9  }
0x1b7: {  	s24 =	simm.s32 $0x20;
	[tilespmem:v21+s19+$0x0] =	vst.idx.msk $0xffff, v22;
	v10 =	vor.u32 $0x4, v8;
	v9 =	vld [tilespmem:s0+$0x80]  }
0x1b8: {  	s12 =	sand.u32 $0xFFFFFF80, s24;
	v17 =	vor.u32 $0x4, v18;
	v3 =	vbroadcast v12, $0x0;
	v12 =	vld [tilespmem:s0+$0x90];
	[tilespmem:v6+s19+$0x0] =	vst.idx.msk $0xffff, v20  }
0x1b9: {  	s12 =	ssub.s32 $0x20, s12;
	v6 =	vld [tilespmem:s1+$0xFFFFFFC0];
	v20 =	vor.u32 $0x6, v5;
	[tilespmem:v2+s19+$0x0] =	vst.idx.msk $0xffff, v11  }
0x1ba: {  	s31 =	simm.s32 $0x8B00;
	v32 =	vor.u32 $0x6, v4;
	s25 =	sadd.s32 $0x8, s12;
	v27 =	vld [tilespmem:s1+$0xFFFFFFD0];
	v11 =	vadd.s32 v0, v3;
	[tilespmem:v7+s19+$0x0] =	vst.idx.msk $0xffff, v15  }
0x1bb: {  	v7 =	vadd.s32 v1, v3;
	v15 =	vld [tilespmem:s31+$0x0];
	v3 =	vadd.s32 s25, v11;
	[tilespmem:v19+s19+$0x0] =	vst.idx.msk $0xffff, v16  }
0x1bc: {  	v21 =	vld [tilespmem:s31+$0x10];
	v2 =	vadd.s32 s25, v7;
	[tilespmem:v10+s19+$0x0] =	vst.idx.msk $0xffff, v9  }
0x1bd: {  	v30 =	vadd.s32 s12, v11;
	v9 =	vld [tilespmem:s31+$0xFFFFFF00];
	[tilespmem:v17+s19+$0x0] =	vst.idx.msk $0xffff, v12  }
0x1be: {  	v11 =	vor.u32 $0x5, v8;
	[tilespmem:v20+s19+$0x0] =	vst.idx.msk $0xffff, v6;
	v10 =	vld [tilespmem:s0+$0xA0]  }
0x1bf: {  	v12 =	vor.u32 $0x5, v18;
	[tilespmem:v32+s19+$0x0] =	vst.idx.msk $0xffff, v27;
	v6 =	vld [tilespmem:s0+$0xB0]  }
0x1c0: {  	v31 =	vadd.s32 s12, v7;
	v7 =	vld [tilespmem:s31+$0xFFFFFF10];
	[tilespmem:v3+s19+$0x0] =	vst.idx.msk $0xffff, v15  }
0x1c1: {  	v16 =	vld [tilespmem:s0+$0xFFFFFF80];
	v15 =	vor.u32 $0x4, v13;
	[tilespmem:v2+s19+$0x0] =	vst.idx.msk $0xffff, v21  }
0x1c2: {  	v17 =	vor.u32 $0x1, v3;
	[tilespmem:v30+s19+$0x0] =	vst.idx.msk $0xffff, v9;
	v9 =	vld [tilespmem:s31+$0x20]  }
0x1c3: {  	v20 =	vor.u32 $0x1, v2;
	v19 =	vld [tilespmem:s31+$0x30];
	[tilespmem:v11+s19+$0x0] =	vst.idx.msk $0xffff, v10  }
0x1c4: {  	v10 =	vor.u32 $0x4, v14;
	v11 =	vld [tilespmem:s0+$0xFFFFFF90];
	[tilespmem:v12+s19+$0x0] =	vst.idx.msk $0xffff, v6  }
0x1c5: {  	v21 =	vor.u32 $0x6, v8;
	[tilespmem:v31+s19+$0x0] =	vst.idx.msk $0xffff, v7;
	v12 =	vld [tilespmem:s0+$0xC0]  }
0x1c6: {  	[tilespmem:v15+s19+$0x0] =	vst.idx.msk $0xffff, v16;
	v16 =	vor.u32 $0x6, v18;
	v15 =	vld [tilespmem:s0+$0xD0]  }
0x1c7: {  	v22 =	vor.u32 $0x1, v30;
	v23 =	vld [tilespmem:s31+$0xFFFFFF20];
	[tilespmem:v17+s19+$0x0] =	vst.idx.msk $0xffff, v9  }
0x1c8: {  	v37 =	vor.u32 $0x7, v8;
	v26 =	vld [tilespmem:s31+$0xFFFFFF30];
	v17 =	vor.u32 $0x1, v31;
	[tilespmem:v20+s19+$0x0] =	vst.idx.msk $0xffff, v19  }
0x1c9: {  	v24 =	vor.u32 $0x2, v30;
	v33 =	vor.u32 $0x2, v3;
	v35 =	vor.u32 $0x2, v2;
	v29 =	vld [tilespmem:s31+$0x40];
	[tilespmem:v10+s19+$0x0] =	vst.idx.msk $0xffff, v11  }
0x1ca: {  	v27 =	vor.u32 $0x7, v18;
	v8 =	vor.u32 $0x7, v31;
	v7 =	vor.u32 $0x7, v5;
	v34 =	vld [tilespmem:s31+$0x50];
	[tilespmem:v21+s19+$0x0] =	vst.idx.msk $0xffff, v12  }
0x1cb: {  	v5 =	vor.u32 $0x7, v13;
	v6 =	vor.u32 $0x7, v4;
	v4 =	vor.u32 $0x7, v14;
	v25 =	vld [tilespmem:s0+$0xFFFFFFA0];
	[tilespmem:v16+s19+$0x0] =	vst.idx.msk $0xffff, v15  }
0x1cc: {  	v9 =	vor.u32 $0x6, v14;
	v20 =	vor.u32 $0x3, v30;
	v19 =	vor.u32 $0x3, v31;
	[tilespmem:v22+s19+$0x0] =	vst.idx.msk $0xffff, v23;
	v36 =	vld [tilespmem:s0+$0xE0]  }
0x1cd: {  	v11 =	vor.u32 $0x5, v13;
	v10 =	vor.u32 $0x6, v13;
	v23 =	vor.u32 $0x2, v31;
	[tilespmem:v17+s19+$0x0] =	vst.idx.msk $0xffff, v26;
	v26 =	vld [tilespmem:s0+$0xF0]  }
0x1ce: {  	v22 =	vor.u32 $0x5, v30;
	v13 =	vor.u32 $0x6, v31;
	v12 =	vor.u32 $0x5, v14;
	v28 =	vld [tilespmem:s31+$0xFFFFFF40];
	[tilespmem:v33+s19+$0x0] =	vst.idx.msk $0xffff, v29  }
0x1cf: {  	v21 =	vor.u32 $0x5, v31;
	v14 =	vor.u32 $0x6, v30;
	v16 =	vor.u32 $0x4, v30;
	v29 =	vld [tilespmem:s31+$0xFFFFFF50];
	[tilespmem:v35+s19+$0x0] =	vst.idx.msk $0xffff, v34  }
0x1d0: {  	v15 =	vor.u32 $0x4, v31;
	v17 =	vor.u32 $0x7, v30;
	v31 =	vor.u32 $0x3, v3;
	v30 =	vld [tilespmem:s31+$0x60]  }
0x1d1: {  	s23 =	simm.s32 $0x4;
	s24 =	simm.s32 $0x4;
	s25 =	simm.s32 $0x20;
	v33 =	vor.u32 $0x3, v2;
	v32 =	vld [tilespmem:s31+$0x70];
	[tilespmem:v37+s19+$0x0] =	vst.idx.msk $0xffff, v36  }
.LBB2_19:
0x1d2: {  	s23 =	sadd.s32 $0x2, s23;
	v34 =	vld [tilespmem:s0+$0xFFFFFFB0];
	[tilespmem:v27+s19+$0x0] =	vst.idx.msk $0xffff, v26  }
0x1d3: {  	s12 =	sshrl.u32 s23, $0x1;
	p1 =	slt.u32 s23, $0x3E;
	[tilespmem:v24+s19+$0x0] =	vst.idx.msk $0xffff, v28;
	v24 =	vld [tilespmem:s1+$0xFFFFFFE0]  }
0x1d4: {  	s12 =	sand.u32 $0x7FFFFFF8, s12;
	[tilespmem:v23+s19+$0x0] =	vst.idx.msk $0xffff, v29;
	v18 =	vld [tilespmem:s1+$0xFFFFFFF0];
	s1 =	smov.u32 s0;
	s0 =	smov.u32 s31  }
0x1d5: {  	v23 =	vmov s12;
	v26 =	vld [tilespmem:s31+$0xFFFFFF60];
	[tilespmem:v31+s19+$0x0] =	vst.idx.msk $0xffff, v30  }
0x1d6: {  	s24 =	sadd.s32 $0x2, s24;
	v23 =	vmul.u32 $0x88, v23;
	v27 =	vld [tilespmem:s31+$0xFFFFFF70];
	[tilespmem:v33+s19+$0x0] =	vst.idx.msk $0xffff, v32  }
0x1d7: {  	v29 =	vor.u32 $0x4, v3;
	s12 =	sshll.u32 s24, $0x3;
	v28 =	vld [tilespmem:s31+$0x80];
	[tilespmem:v11+s19+$0x0] =	vst.idx.msk $0xffff, v25;
	v11 =	vmov v22  }
0x1d8: {  	s25 =	sadd.s32 $0x10, s25;
	v30 =	vor.u32 $0x4, v2;
	s12 =	sand.u32 $0xFFFFFF80, s12;
	v22 =	vbroadcast v23, $0x0;
	v25 =	vld [tilespmem:s31+$0x90];
	[tilespmem:v12+s19+$0x0] =	vst.idx.msk $0xffff, v34;
	v12 =	vmov v21  }
0x1d9: {  	s12 =	ssub.s32 s25, s12;
	v21 =	vld [tilespmem:s1+$0xFFFFFFC0];
	[tilespmem:v7+s19+$0x0] =	vst.idx.msk $0xffff, v24;
	v7 =	vmov v5;
	v5 =	vmov v17  }
0x1da: {  	s21 =	sadd.s32 $0x8, s12;
	s31 =	sadd.s32 $0x200, s31;
	v17 =	vadd.s32 v0, v22;
	[tilespmem:v20+s19+$0x0] =	vst.idx.msk $0xffff, v26;
	v26 =	vld [tilespmem:s1+$0xFFFFFFD0]  }
0x1db: {  	v20 =	vadd.s32 v1, v22;
	v31 =	vadd.s32 s12, v17;
	v32 =	vld [tilespmem:s31+$0x0];
	v33 =	vadd.s32 s21, v17;
	[tilespmem:v19+s19+$0x0] =	vst.idx.msk $0xffff, v27  }
0x1dc: {  	v27 =	vadd.s32 s12, v20;
	v36 =	vadd.s32 s21, v20;
	v34 =	vor.u32 $0x1, v31;
	v35 =	vld [tilespmem:s31+$0x10];
	[tilespmem:v29+s19+$0x0] =	vst.idx.msk $0xffff, v28  }
0x1dd: {  	v29 =	vor.u32 $0x1, v27;
	v24 =	vor.u32 $0x2, v31;
	v23 =	vor.u32 $0x2, v27;
	v28 =	vld [tilespmem:s31+$0xFFFFFF00];
	[tilespmem:v30+s19+$0x0] =	vst.idx.msk $0xffff, v25  }
0x1de: {  	v20 =	vor.u32 $0x3, v31;
	v19 =	vor.u32 $0x3, v27;
	v30 =	vor.u32 $0x5, v3;
	v25 =	vld [tilespmem:s0+$0xA0];
	[tilespmem:v10+s19+$0x0] =	vst.idx.msk $0xffff, v21;
	v10 =	vmovc v14  }
0x1df: {  	v40 =	vor.u32 $0x5, v2;
	v37 =	vor.u32 $0x4, v31;
	v38 =	vor.u32 $0x4, v27;
	v39 =	vld [tilespmem:s0+$0xB0];
	[tilespmem:v9+s19+$0x0] =	vst.idx.msk $0xffff, v26;
	v9 =	vmovc v13  }
0x1e0: {  	v22 =	vor.u32 $0x5, v31;
	v21 =	vor.u32 $0x5, v27;
	v14 =	vor.u32 $0x6, v31;
	v26 =	vld [tilespmem:s31+$0xFFFFFF10];
	[tilespmem:v33+s19+$0x0] =	vst.idx.msk $0xffff, v32  }
0x1e1: {  	v17 =	vor.u32 $0x7, v31;
	v13 =	vor.u32 $0x6, v27;
	v32 =	vor.u32 $0x7, v27;
	[tilespmem:v36+s19+$0x0] =	vst.idx.msk $0xffff, v35;
	v35 =	vld [tilespmem:s0+$0xFFFFFF80]  }
0x1e2: {  	[tilespmem:v31+s19+$0x0] =	vst.idx.msk $0xffff, v28;
	v28 =	vld [tilespmem:s31+$0x20];
	v31 =	vor.u32 $0x1, v33  }
0x1e3: {  	v42 =	vor.u32 $0x1, v36;
	v41 =	vld [tilespmem:s31+$0x30];
	[tilespmem:v30+s19+$0x0] =	vst.idx.msk $0xffff, v25  }
0x1e4: {  	v25 =	vld [tilespmem:s0+$0xFFFFFF90];
	[tilespmem:v40+s19+$0x0] =	vst.idx.msk $0xffff, v39  }
0x1e5: {  	[tilespmem:v27+s19+$0x0] =	vst.idx.msk $0xffff, v26;
	v26 =	vld [tilespmem:s0+$0xC0];
	v27 =	vor.u32 $0x6, v3  }
0x1e6: {  	[tilespmem:v16+s19+$0x0] =	vst.idx.msk $0xffff, v35;
	v30 =	vld [tilespmem:s0+$0xD0];
	v35 =	vor.u32 $0x6, v2;
	v16 =	vmov v37  }
0x1e7: {  	v37 =	vld [tilespmem:s31+$0xFFFFFF20];
	[tilespmem:v31+s19+$0x0] =	vst.idx.msk $0xffff, v28  }
0x1e8: {  	v28 =	vld [tilespmem:s31+$0xFFFFFF30];
	[tilespmem:v42+s19+$0x0] =	vst.idx.msk $0xffff, v41  }
0x1e9: {  	v39 =	vor.u32 $0x2, v33;
	v31 =	vld [tilespmem:s31+$0x40];
	[tilespmem:v15+s19+$0x0] =	vst.idx.msk $0xffff, v25;
	v15 =	vmov v38  }
0x1ea: {  	v40 =	vor.u32 $0x2, v36;
	v38 =	vld [tilespmem:s31+$0x50];
	[tilespmem:v27+s19+$0x0] =	vst.idx.msk $0xffff, v26  }
0x1eb: {  	v25 =	vld [tilespmem:s0+$0xFFFFFFA0];
	[tilespmem:v35+s19+$0x0] =	vst.idx.msk $0xffff, v30  }
0x1ec: {  	v35 =	vor.u32 $0x7, v3;
	v3 =	vmov v33;
	[tilespmem:v34+s19+$0x0] =	vst.idx.msk $0xffff, v37;
	v34 =	vld [tilespmem:s0+$0xE0]  }
.Ltmp14:
0x1ed: {  	v27 =	vor.u32 $0x7, v2;
	v2 =	vmov v36;
	[tilespmem:v29+s19+$0x0] =	vst.idx.msk $0xffff, v28;
	v26 =	vld [tilespmem:s0+$0xF0];
	(pc) =	sbr.rel @p1 .LBB2_19-.Ltmp14, $4  }
0x1ee: {  	v28 =	vld [tilespmem:s31+$0xFFFFFF40];
	[tilespmem:v39+s19+$0x0] =	vst.idx.msk $0xffff, v31  }
0x1ef: {  	v29 =	vld [tilespmem:s31+$0xFFFFFF50];
	[tilespmem:v40+s19+$0x0] =	vst.idx.msk $0xffff, v38  }
0x1f0: {  	v31 =	vor.u32 $0x3, v3;
	v30 =	vld [tilespmem:s31+$0x60];
	[tilespmem:v6+s19+$0x0] =	vst.idx.msk $0xffff, v18;
	v6 =	vmovc v4;
	v4 =	vmov v8;
	v8 =	vmov v32  }
0x1f1: {  	v33 =	vor.u32 $0x3, v2;
	v32 =	vld [tilespmem:s31+$0x70];
	[tilespmem:v35+s19+$0x0] =	vst.idx.msk $0xffff, v34  }
0x1f2: {  	_ =	sdelay $0x3  }
0x1f3: {  	[tilespmem:v24+s19+$0x0] =	vst.idx.msk $0xffff, v28  }
0x1f4: {  	[tilespmem:v23+s19+$0x0] =	vst.idx.msk $0xffff, v29  }
0x1f5: {  	v18 =	vld [tilespmem:s31+$0xFFFFFF60]  }
0x1f6: {  	[tilespmem:v31+s19+$0x0] =	vst.idx.msk $0xffff, v30;
	v23 =	vld [tilespmem:s31+$0xFFFFFF70]  }
0x1f7: {  	[tilespmem:v33+s19+$0x0] =	vst.idx.msk $0xffff, v32  }
0x1f8: {  	v42 =	vor.u32 $0x4, v3;
	v41 =	vld [tilespmem:s31+$0x80]  }
0x1f9: {  	v44 =	vor.u32 $0x4, v2;
	v43 =	vld [tilespmem:s31+$0x90]  }
0x1fa: {  	[tilespmem:v20+s19+$0x0] =	vst.idx.msk $0xffff, v18  }
0x1fb: {  	[tilespmem:v19+s19+$0x0] =	vst.idx.msk $0xffff, v23  }
0x1fc: {  	v18 =	vld [tilespmem:s31+$0xFFFFFF80]  }
0x1fd: {  	[tilespmem:v42+s19+$0x0] =	vst.idx.msk $0xffff, v41;
	v19 =	vld [tilespmem:s31+$0xFFFFFF90]  }
0x1fe: {  	v48 =	vld [tilespmem:s0+$0xFFFFFFB0];
	[tilespmem:v44+s19+$0x0] =	vst.idx.msk $0xffff, v43  }
0x1ff: {  	v46 =	vor.u32 $0x5, v3;
	v45 =	vld [tilespmem:s31+$0xA0]  }
0x200: {  	v47 =	vor.u32 $0x5, v2;
	[tilespmem:v11+s19+$0x0] =	vst.idx.msk $0xffff, v25;
	v24 =	vld [tilespmem:s31+$0xB0]  }
0x201: {  	[tilespmem:v16+s19+$0x0] =	vst.idx.msk $0xffff, v18  }
0x202: {  	[tilespmem:v15+s19+$0x0] =	vst.idx.msk $0xffff, v19  }
0x203: {  	[tilespmem:v12+s19+$0x0] =	vst.idx.msk $0xffff, v48;
	v15 =	vld [tilespmem:s31+$0xFFFFFFA0]  }
0x204: {  	[tilespmem:v46+s19+$0x0] =	vst.idx.msk $0xffff, v45;
	v18 =	vld [tilespmem:s31+$0xFFFFFFB0]  }
0x205: {  	v55 =	vld [tilespmem:s0+$0xFFFFFFC0];
	[tilespmem:v47+s19+$0x0] =	vst.idx.msk $0xffff, v24  }
0x206: {  	v52 =	vor.u32 $0x6, v3;
	v51 =	vld [tilespmem:s31+$0xC0]  }
0x207: {  	[tilespmem:v27+s19+$0x0] =	vst.idx.msk $0xffff, v26;
	v54 =	vor.u32 $0x6, v2;
	v53 =	vld [tilespmem:s31+$0xD0]  }
0x208: {  	v56 =	vld [tilespmem:s0+$0xFFFFFFD0];
	[tilespmem:v22+s19+$0x0] =	vst.idx.msk $0xffff, v15  }
0x209: {  	v49 =	vld [tilespmem:s1+$0xFFFFFFE0];
	[tilespmem:v21+s19+$0x0] =	vst.idx.msk $0xffff, v18  }
0x20a: {  	[tilespmem:v10+s19+$0x0] =	vst.idx.msk $0xffff, v55;
	v57 =	vld [tilespmem:s31+$0xFFFFFFC0]  }
0x20b: {  	[tilespmem:v52+s19+$0x0] =	vst.idx.msk $0xffff, v51;
	v58 =	vld [tilespmem:s31+$0xFFFFFFD0]  }
0x20c: {  	v50 =	vld [tilespmem:s1+$0xFFFFFFF0];
	[tilespmem:v54+s19+$0x0] =	vst.idx.msk $0xffff, v53  }
0x20d: {  	v3 =	vor.u32 $0x7, v3;
	s24 =	sadd.s32 s7, s14;
	[tilespmem:v9+s19+$0x0] =	vst.idx.msk $0xffff, v56;
	v59 =	vld [tilespmem:s31+$0xE0]  }
0x20e: {  	s12 =	sshra.s32 s24, $0x1F;
	[tilespmem:v7+s19+$0x0] =	vst.idx.msk $0xffff, v49;
	v61 =	vld [tilespmem:s0+$0xFFFFFFE0]  }
0x20f: {  	s12 =	sshrl.u32 s12, $0x1D;
	v62 =	vld [tilespmem:s0+$0xFFFFFFF0];
	[tilespmem:v14+s19+$0x0] =	vst.idx.msk $0xffff, v57  }
0x210: {  	v2 =	vor.u32 $0x7, v2;
	s25 =	sadd.s32 s12, s24;
	v60 =	vld [tilespmem:s31+$0xF0];
	[tilespmem:v13+s19+$0x0] =	vst.idx.msk $0xffff, v58  }
0x211: {  	[tilespmem:v6+s19+$0x0] =	vst.idx.msk $0xffff, v50;
	s0 =	sshra.s32 s25, $0x3;
	v63 =	vld [tilespmem:s31+$0xFFFFFFE0]  }
0x212: {  	s1 =	sshll.u32 s24, $0xC;
	[tilespmem:v3+s19+$0x0] =	vst.idx.msk $0xffff, v59;
	v3 =	vld [tilespmem:s31+$0xFFFFFFF0];
	s31 =	sshll.u32 s0, $0xF  }
0x213: {  	[tilespmem:v5+s19+$0x0] =	vst.idx.msk $0xffff, v61;
	s0 =	sshll.u32 s0, $0x11;
	s1 =	ssub.s32 s1, s31  }
0x214: {  	[tilespmem:v4+s19+$0x0] =	vst.idx.msk $0xffff, v62;
	s0 =	sadd.s32 s1, s0  }
0x215: {  	[tilespmem:v2+s19+$0x0] =	vst.idx.msk $0xffff, v60;
	s1 =	sshrl.u32 s0, $0x3  }
0x216: {  	s14 =	simm.s32 $0x14E00;
	s1 =	sadd.s32 s2, s1;
	[tilespmem:v17+s19+$0x0] =	vst.idx.msk $0xffff, v63  }
0x217: {  	s23 =	simm.s32 $0x10;
	s24 =	simm.s32 $0x14E88;
	s25 =	sadd.s32 $0x0, s1;
	[tilespmem:v8+s19+$0x0] =	vst.idx.msk $0xffff, v3  }
.LBB2_21:
0x218: {  	[hbm4b:s25+s3] =	stream.linear.scatter [tilespmem:s14], [sflag:$0x6], $0x80, $0x38;
	[tilespmem:$0x19200] =	vst v63  }
0x219: {  	s12 =	smov.u32 s23;
	s14 =	smov.u32 s24;
	p1 =	sne.s32 s23, $0x1F0  }
.Ltmp15:
0x21a: {  	s23 =	sadd.s32 $0x10, s23;
	(pc) =	sbr.rel @p1 .LBB2_21-.Ltmp15, $2  }
0x21b: {  	_ =	sdelay $0x2  }
0x21c: {  	s24 =	sadd.s32 $0x88, s24;
	s25 =	sadd.s32 s12, s1  }
0x21d: {  	[hbm4b:s25+s3] =	stream.linear.scatter [tilespmem:s14], [sflag:$0x6], $0x80, $0x38;
	[tilespmem:$0x19200] =	vst v63  }
0x21e: {  	s1 =	sadd.s32 $0x8000, s0  }
0x21f: {  	s1 =	sshrl.u32 s1, $0x3  }
0x220: {  	s14 =	simm.s32 $0x15F00;
	s1 =	sadd.s32 s2, s1  }
0x221: {  	s23 =	simm.s32 $0x10;
	s24 =	simm.s32 $0x15F88;
	s25 =	sadd.s32 $0x0, s1  }
.LBB2_23:
0x222: {  	[hbm4b:s25+s3] =	stream.linear.scatter [tilespmem:s14], [sflag:$0x6], $0x80, $0x38;
	[tilespmem:$0x19200] =	vst v63  }
0x223: {  	s12 =	smov.u32 s23;
	s14 =	smov.u32 s24;
	p1 =	sne.s32 s23, $0x1F0  }
.Ltmp16:
0x224: {  	s23 =	sadd.s32 $0x10, s23;
	(pc) =	sbr.rel @p1 .LBB2_23-.Ltmp16, $2  }
0x225: {  	_ =	sdelay $0x2  }
0x226: {  	s24 =	sadd.s32 $0x88, s24;
	s25 =	sadd.s32 s12, s1  }
0x227: {  	[hbm4b:s25+s3] =	stream.linear.scatter [tilespmem:s14], [sflag:$0x6], $0x80, $0x38;
	[tilespmem:$0x19200] =	vst v63  }
0x228: {  	s1 =	sadd.s32 $0x10000, s0  }
0x229: {  	s1 =	sshrl.u32 s1, $0x3  }
0x22a: {  	s14 =	simm.s32 $0x17000;
	s1 =	sadd.s32 s2, s1  }
0x22b: {  	s23 =	simm.s32 $0x10;
	s24 =	simm.s32 $0x17088;
	s25 =	sadd.s32 $0x0, s1  }
.LBB2_25:
0x22c: {  	[hbm4b:s25+s3] =	stream.linear.scatter [tilespmem:s14], [sflag:$0x6], $0x80, $0x38;
	[tilespmem:$0x19200] =	vst v63  }
0x22d: {  	s12 =	smov.u32 s23;
	s14 =	smov.u32 s24;
	p1 =	sne.s32 s23, $0x1F0  }
.Ltmp17:
0x22e: {  	s23 =	sadd.s32 $0x10, s23;
	(pc) =	sbr.rel @p1 .LBB2_25-.Ltmp17, $2  }
0x22f: {  	_ =	sdelay $0x2  }
0x230: {  	s24 =	sadd.s32 $0x88, s24;
	s25 =	sadd.s32 s12, s1  }
0x231: {  	[hbm4b:s25+s3] =	stream.linear.scatter [tilespmem:s14], [sflag:$0x6], $0x80, $0x38;
	[tilespmem:$0x19200] =	vst v63  }
0x232: {  	s0 =	sadd.s32 $0x18000, s0  }
0x233: {  	s0 =	sshrl.u32 s0, $0x3  }
0x234: {  	s1 =	simm.s32 $0x18100;
	s0 =	sadd.s32 s2, s0  }
0x235: {  	s14 =	simm.s32 $0x10;
	s23 =	simm.s32 $0x18188;
	s24 =	sadd.s32 $0x0, s0  }
.LBB2_27:
0x236: {  	[hbm4b:s24+s3] =	stream.linear.scatter [tilespmem:s1], [sflag:$0x6], $0x80, $0x38;
	[tilespmem:$0x19200] =	vst v63  }
0x237: {  	s12 =	smov.u32 s14;
	s1 =	smov.u32 s23;
	p1 =	sne.s32 s14, $0x1F0  }
.Ltmp18:
0x238: {  	s14 =	sadd.s32 $0x10, s14;
	(pc) =	sbr.rel @p1 .LBB2_27-.Ltmp18, $2  }
0x239: {  	_ =	sdelay $0x2  }
0x23a: {  	s23 =	sadd.s32 $0x88, s23;
	s24 =	sadd.s32 s12, s0  }
0x23b: {  	p1 =	slt.u32 s13, $0x10  }
.Ltmp19:
0x23c: {  	_ = 	snop;
	(pc) =	sbr.rel @p1 .LBB2_29-.Ltmp19, $2  }
0x23d: {  	_ =	sdelay $0x2  }
0x23e: {  	[hbm4b:s24+s3] =	stream.linear.scatter [tilespmem:s1], [sflag:$0x6], $0x80, $0x38;
	[tilespmem:$0x19200] =	vst v63  }
.Ltmp20:
0x23f: {  	(pc) =	sbr.rel @p0 .LBB2_43-.Ltmp20, $4  }
.Ltmp21:
0x240: {  	(pc) =	sbr.rel @!p0 .LBB2_31-.Ltmp21, $4  }
0x241: {  	_ = 	snop  }
0x242: {  	_ = 	snop  }
0x243: {  	p1 =	por $0x0, $0x0  }
0x244: {  	_ = 	snop  }
.LBB2_16:
0x245: {  	p2 =	sgt.u32 s13, $0xF  }
.Ltmp22:
0x246: {  	_ = 	snop;
	(pc) =	sbr.rel @p2 .LBB2_31-.Ltmp22, $2  }
0x247: {  	_ =	sdelay $0x2  }
0x248: {  	p0 =	por $0x0, $0x0;
	p1 =	por $0x0, $0x0  }
.LBB2_29:
0x249: {  	s0 =	rddreg [dreg:$0x4]  }
0x24a: {  	s0 =	sadd.s32 s20, s0  }
0x24b: {  	s0 =	sshll.u32 s0, $0x6  }
0x24c: {  	s0 =	sand.u32 $0xFFFFFC0, s0  }
0x24d: {  	s1 =	simm.s32 $0x400;
	p1 =	seq.s32 s13, $0x0;
	s0 =	sadd.s32 s4, s0  }
0x24e: {  	[tilespmem:s1], [sflag:$0x9] =	stream.linear.gather [hbm4b:s0+s3], $0x200, $0x38;
	[tilespmem:$0x19200] =	vst v63  }
0x24f: {  	s0 =	simm.s32 @!p1 $0x6  }
0x250: {  	_ =	swait.ge @!p1 [sflag:s0], $0x1000  }
0x251: {  	[sflag:s0] =	ssyncset.done @!p1 $0x0  }
0x252: {  	[sflag:s0] =	ssyncadd.s32 @!p1 $0xFFFFF000  }
0x253: {  	_ =	swait.ge @!p1 [sflag:s0], $0x1000  }
0x254: {  	[sflag:s0] =	ssyncset.done @!p1 $0x0  }
0x255: {  	[sflag:s0] =	ssyncadd.s32 @!p1 $0xFFFFF000  }
0x256: {  	_ =	swait.ge @!p1 [sflag:s0], $0x1000  }
0x257: {  	[sflag:s0] =	ssyncset.done @!p1 $0x0  }
0x258: {  	[sflag:s0] =	ssyncadd.s32 @!p1 $0xFFFFF000  }
0x259: {  	_ =	swait.ge @!p1 [sflag:s0], $0x1000  }
0x25a: {  	[sflag:s0] =	ssyncset.done @!p1 $0x0  }
0x25b: {  	s31 =	simm.s32 $0x9;
	[sflag:s0] =	ssyncadd.s32 @!p1 $0xFFFFF000  }
0x25c: {  	_ =	swait.ge [sflag:s31], $0x200  }
0x25d: {  	[sflag:s31] =	ssyncset.done $0x0  }
0x25e: {  	s12 =	simm.s32 $0x8600;
	[sflag:s31] =	ssyncadd.s32 $0xFFFFFE00  }
0x25f: {  	[tilespmem:s12], [sflag:$0x3] =	stream.indirect.gather [hbm4b:s5+s22], $0x20, s1, s22, $0xb8;
	[tilespmem:$0x19200] =	vst v63  }
0x260: {  	s14 =	simm.s32 $0x480;
	s21 =	simm.s32 $0x9600  }
0x261: {  	[tilespmem:s21], [sflag:$0x3] =	stream.indirect.gather [hbm4b:s5+s22], $0x20, s14, s22, $0xb8;
	[tilespmem:$0x19200] =	vst v63  }
.Ltmp23:
0x262: {  	_ = 	snop;
	(pc) =	sbr.rel @p0 .LBB2_42-.Ltmp23, $4  }
0x263: {  	s23 =	simm.s32 $0x500;
	s24 =	simm.s32 $0xA600  }
0x264: {  	[tilespmem:s24], [sflag:$0x3] =	stream.indirect.gather [hbm4b:s5+s22], $0x20, s23, s22, $0xb8;
	[tilespmem:$0x19200] =	vst v63  }
0x265: {  	s25 =	simm.s32 $0x580;
	p1 =	por $0x1, $0x1;
	s31 =	simm.s32 $0xB600  }
0x266: {  	[tilespmem:s31], [sflag:$0x3] =	stream.indirect.gather [hbm4b:s5+s22], $0x20, s25, s22, $0xb8;
	[tilespmem:$0x19200] =	vst v63  }
.LBB2_31:
0x267: {  	_ =	swait.ge [sflag:s16], $0x1000  }
0x268: {  	[sflag:s16] =	ssyncset.done $0x0  }
0x269: {  	[sflag:s16] =	ssyncadd.s32 $0xFFFFF000  }
0x26a: {  	[tilespmem:s26], [sflag:$0x2] =	stream.indirect.gather.add.f32 [hbm:s6], $0x20, s15, s22, $0xb8;
	[tilespmem:$0x19200] =	vst v63  }
0x26b: {  	_ =	swait.ge [sflag:s16], $0x1000  }
0x26c: {  	[sflag:s16] =	ssyncset.done $0x0  }
0x26d: {  	s0 =	simm.s32 $0x280;
	s1 =	simm.s32 $0x5600;
	[sflag:s16] =	ssyncadd.s32 $0xFFFFF000  }
0x26e: {  	[tilespmem:s1], [sflag:$0x2] =	stream.indirect.gather.add.f32 [hbm:s6], $0x20, s0, s22, $0xb8;
	[tilespmem:$0x19200] =	vst v63  }
0x26f: {  	_ =	swait.ge [sflag:s16], $0x1000  }
0x270: {  	[sflag:s16] =	ssyncset.done $0x0  }
0x271: {  	s23 =	simm.s32 $0x300;
	s24 =	simm.s32 $0x6600;
	[sflag:s16] =	ssyncadd.s32 $0xFFFFF000  }
0x272: {  	[tilespmem:s24], [sflag:$0x2] =	stream.indirect.gather.add.f32 [hbm:s6], $0x20, s23, s22, $0xb8;
	[tilespmem:$0x19200] =	vst v63  }
0x273: {  	_ =	swait.ge [sflag:s16], $0x1000  }
0x274: {  	[sflag:s16] =	ssyncset.done $0x0  }
0x275: {  	s25 =	simm.s32 $0x380;
	s31 =	simm.s32 $0x7600;
	[sflag:s16] =	ssyncadd.s32 $0xFFFFF000  }
0x276: {  	[tilespmem:s31], [sflag:$0x2] =	stream.indirect.gather.add.f32 [hbm:s6], $0x20, s25, s22, $0xb8;
	[tilespmem:$0x19200] =	vst v63  }
0x277: {  	_ =	swait.ge [sflag:s28], $0x1000  }
0x278: {  	[sflag:s28] =	ssyncset.done $0x0  }
0x279: {  	[sflag:s28] =	ssyncadd.s32 $0xFFFFF000  }
0x27a: {  	_ =	swait.ge [sflag:s28], $0x1000  }
0x27b: {  	s12 =	simm.s32 $0x0;
	[sflag:s28] =	ssyncset.done $0x0  }
0x27c: {  	s0 =	sand.u32 $0x7FFFFFF8, s12;
	[sflag:s28] =	ssyncadd.s32 $0xFFFFF000  }
0x27d: {  	v2 =	vmov s0;
	_ =	swait.ge [sflag:s28], $0x1000  }
0x27e: {  	v2 =	vmul.u32 $0x88, v2;
	[sflag:s28] =	ssyncset.done $0x0  }
0x27f: {  	s14 =	simm.s32 $0x0;
	[sflag:s28] =	ssyncadd.s32 $0xFFFFF000  }
0x280: {  	s0 =	sand.u32 $0xFFFFFF80, s14;
	v2 =	vbroadcast v2, $0x0;
	_ =	swait.ge [sflag:s28], $0x1000  }
0x281: {  	s0 =	ssub.s32 $0x0, s0;
	[sflag:s28] =	ssyncset.done $0x0  }
0x282: {  	s1 =	simm.s32 $0x700;
	s12 =	sadd.s32 $0x8, s0;
	v3 =	vadd.s32 v0, v2;
	[sflag:s28] =	ssyncadd.s32 $0xFFFFF000  }
0x283: {  	v4 =	vadd.s32 v1, v2;
	v7 =	vadd.s32 s12, v3;
	v5 =	vld [tilespmem:s1+$0x0]  }
0x284: {  	v2 =	vadd.s32 s12, v4;
	v6 =	vld [tilespmem:s1+$0x10];
	_ =	sdelay $0x3  }
0x285: {  	[tilespmem:v7+s29+$0x0] =	vst.idx.msk $0xffff, v5;
	v5 =	vadd.s32 s0, v3;
	v3 =	vld [tilespmem:s1+$0xFFFFFF00]  }
0x286: {  	v4 =	vadd.s32 s0, v4;
	v11 =	vld [tilespmem:s1+$0xFFFFFF10];
	[tilespmem:v2+s29+$0x0] =	vst.idx.msk $0xffff, v6  }
0x287: {  	v8 =	vor.u32 $0x1, v7;
	v6 =	vld [tilespmem:s1+$0x20]  }
0x288: {  	v10 =	vor.u32 $0x1, v2;
	v9 =	vld [tilespmem:s1+$0x30];
	_ =	sdelay $0x1  }
0x289: {  	[tilespmem:v5+s29+$0x0] =	vst.idx.msk $0xffff, v3  }
0x28a: {  	[tilespmem:v4+s29+$0x0] =	vst.idx.msk $0xffff, v11  }
0x28b: {  	v3 =	vor.u32 $0x1, v5;
	[tilespmem:v8+s29+$0x0] =	vst.idx.msk $0xffff, v6;
	v11 =	vld [tilespmem:s1+$0xFFFFFF20]  }
0x28c: {  	v12 =	vor.u32 $0x1, v4;
	v13 =	vld [tilespmem:s1+$0xFFFFFF30];
	[tilespmem:v10+s29+$0x0] =	vst.idx.msk $0xffff, v9  }
0x28d: {  	v8 =	vor.u32 $0x2, v7;
	v6 =	vld [tilespmem:s1+$0x40]  }
0x28e: {  	v10 =	vor.u32 $0x2, v2;
	v9 =	vld [tilespmem:s1+$0x50];
	_ =	sdelay $0x1  }
0x28f: {  	[tilespmem:v3+s29+$0x0] =	vst.idx.msk $0xffff, v11  }
0x290: {  	[tilespmem:v12+s29+$0x0] =	vst.idx.msk $0xffff, v13  }
0x291: {  	s21 =	simm.s32 $0x1;
	[tilespmem:v8+s29+$0x0] =	vst.idx.msk $0xffff, v6  }
0x292: {  	s0 =	sand.u32 $0x7FFFFFF8, s21;
	v11 =	vor.u32 $0x2, v5;
	v12 =	vld [tilespmem:s1+$0xFFFFFF40];
	[tilespmem:v10+s29+$0x0] =	vst.idx.msk $0xffff, v9  }
0x293: {  	v3 =	vmov s0;
	v8 =	vor.u32 $0x3, v7;
	v6 =	vld [tilespmem:s1+$0x60]  }
0x294: {  	v3 =	vmul.u32 $0x88, v3;
	v10 =	vor.u32 $0x3, v2;
	v9 =	vld [tilespmem:s1+$0x70]  }
0x295: {  	s23 =	simm.s32 $0x10  }
0x296: {  	s0 =	sand.u32 $0xFFFFFF80, s23;
	v3 =	vbroadcast v3, $0x0  }
0x297: {  	v13 =	vor.u32 $0x2, v4;
	s24 =	ssub.s32 $0x10, s0;
	v14 =	vld [tilespmem:s1+$0xFFFFFF50];
	[tilespmem:v11+s29+$0x0] =	vst.idx.msk $0xffff, v12  }
0x298: {  	s0 =	simm.s32 $0x900;
	s14 =	sadd.s32 $0x8, s24;
	v16 =	vadd.s32 v0, v3;
	[tilespmem:v8+s29+$0x0] =	vst.idx.msk $0xffff, v6  }
0x299: {  	v11 =	vld [tilespmem:s0+$0x0];
	[tilespmem:v10+s29+$0x0] =	vst.idx.msk $0xffff, v9;
	v10 =	vadd.s32 s14, v16  }
0x29a: {  	v8 =	vor.u32 $0x4, v7;
	v6 =	vld [tilespmem:s1+$0x80]  }
0x29b: {  	v15 =	vor.u32 $0x4, v2;
	v3 =	vadd.s32 v1, v3;
	v9 =	vld [tilespmem:s1+$0x90]  }
0x29c: {  	v18 =	vadd.s32 s14, v3;
	v12 =	vld [tilespmem:s0+$0x10];
	[tilespmem:v13+s29+$0x0] =	vst.idx.msk $0xffff, v14  }
0x29d: {  	v14 =	vor.u32 $0x3, v5;
	v17 =	vld [tilespmem:s1+$0xFFFFFF60]  }
0x29e: {  	v19 =	vor.u32 $0x3, v4;
	v20 =	vld [tilespmem:s1+$0xFFFFFF70];
	[tilespmem:v10+s29+$0x0] =	vst.idx.msk $0xffff, v11  }
0x29f: {  	[tilespmem:v8+s29+$0x0] =	vst.idx.msk $0xffff, v6;
	v6 =	vadd.s32 s24, v16;
	v8 =	vld [tilespmem:s0+$0xFFFFFF00]  }
0x2a0: {  	v13 =	vadd.s32 s24, v3;
	v3 =	vld [tilespmem:s0+$0xFFFFFF10];
	[tilespmem:v15+s29+$0x0] =	vst.idx.msk $0xffff, v9  }
0x2a1: {  	[tilespmem:v18+s29+$0x0] =	vst.idx.msk $0xffff, v12;
	v15 =	vor.u32 $0x5, v7;
	v9 =	vld [tilespmem:s1+$0xA0]  }
0x2a2: {  	[tilespmem:v14+s29+$0x0] =	vst.idx.msk $0xffff, v17;
	v12 =	vor.u32 $0x1, v10;
	v11 =	vld [tilespmem:s0+$0x20]  }
0x2a3: {  	[tilespmem:v19+s29+$0x0] =	vst.idx.msk $0xffff, v20;
	v16 =	vor.u32 $0x1, v18;
	v14 =	vld [tilespmem:s0+$0x30]  }
0x2a4: {  	v19 =	vor.u32 $0x5, v2;
	v17 =	vld [tilespmem:s1+$0xB0];
	[tilespmem:v6+s29+$0x0] =	vst.idx.msk $0xffff, v8  }
0x2a5: {  	v20 =	vld [tilespmem:s1+$0xFFFFFF80];
	v8 =	vor.u32 $0x4, v5;
	[tilespmem:v13+s29+$0x0] =	vst.idx.msk $0xffff, v3  }
0x2a6: {  	[tilespmem:v15+s29+$0x0] =	vst.idx.msk $0xffff, v9;
	v9 =	vor.u32 $0x4, v4;
	v15 =	vld [tilespmem:s1+$0xFFFFFF90]  }
0x2a7: {  	v3 =	vor.u32 $0x1, v6;
	[tilespmem:v12+s29+$0x0] =	vst.idx.msk $0xffff, v11;
	v21 =	vld [tilespmem:s0+$0xFFFFFF20]  }
0x2a8: {  	v11 =	vor.u32 $0x1, v13;
	v12 =	vld [tilespmem:s0+$0xFFFFFF30];
	[tilespmem:v16+s29+$0x0] =	vst.idx.msk $0xffff, v14  }
0x2a9: {  	v16 =	vor.u32 $0x2, v10;
	[tilespmem:v19+s29+$0x0] =	vst.idx.msk $0xffff, v17;
	v14 =	vld [tilespmem:s0+$0x40]  }
0x2aa: {  	v17 =	vor.u32 $0x2, v18;
	[tilespmem:v8+s29+$0x0] =	vst.idx.msk $0xffff, v20;
	v8 =	vld [tilespmem:s0+$0x50]  }
0x2ab: {  	v19 =	vld [tilespmem:s1+$0xC0];
	v20 =	vor.u32 $0x6, v7;
	[tilespmem:v9+s29+$0x0] =	vst.idx.msk $0xffff, v15  }
0x2ac: {  	[tilespmem:v3+s29+$0x0] =	vst.idx.msk $0xffff, v21  }
0x2ad: {  	v9 =	vld [tilespmem:s1+$0xD0];
	v15 =	vor.u32 $0x6, v2;
	[tilespmem:v11+s29+$0x0] =	vst.idx.msk $0xffff, v12  }
0x2ae: {  	v11 =	vor.u32 $0x2, v6;
	[tilespmem:v16+s29+$0x0] =	vst.idx.msk $0xffff, v14;
	v12 =	vld [tilespmem:s0+$0xFFFFFF40]  }
0x2af: {  	v14 =	vor.u32 $0x2, v13;
	v16 =	vld [tilespmem:s0+$0xFFFFFF50];
	[tilespmem:v17+s29+$0x0] =	vst.idx.msk $0xffff, v8  }
0x2b0: {  	v3 =	vld [tilespmem:s1+$0xFFFFFFA0];
	[tilespmem:v20+s29+$0x0] =	vst.idx.msk $0xffff, v19;
	v19 =	vor.u32 $0x5, v5  }
0x2b1: {  	v17 =	vor.u32 $0x3, v10;
	v8 =	vld [tilespmem:s0+$0x60]  }
0x2b2: {  	[tilespmem:v15+s29+$0x0] =	vst.idx.msk $0xffff, v9;
	v9 =	vld [tilespmem:s0+$0x70];
	v15 =	vor.u32 $0x3, v18  }
0x2b3: {  	v21 =	vor.u32 $0x5, v4;
	v22 =	vld [tilespmem:s1+$0xFFFFFFB0];
	[tilespmem:v11+s29+$0x0] =	vst.idx.msk $0xffff, v12  }
0x2b4: {  	s25 =	simm.s32 $0x2;
	v7 =	vor.u32 $0x7, v7;
	v20 =	vld [tilespmem:s1+$0xE0];
	[tilespmem:v14+s29+$0x0] =	vst.idx.msk $0xffff, v16  }
0x2b5: {  	s12 =	sand.u32 $0x7FFFFFF8, s25;
	v2 =	vor.u32 $0x7, v2;
	v11 =	vld [tilespmem:s1+$0xF0];
	[tilespmem:v19+s29+$0x0] =	vst.idx.msk $0xffff, v3  }
0x2b6: {  	v12 =	vmov s12;
	v14 =	vld [tilespmem:s0+$0xFFFFFF60];
	[tilespmem:v17+s29+$0x0] =	vst.idx.msk $0xffff, v8;
	v8 =	vor.u32 $0x3, v6  }
0x2b7: {  	v12 =	vmul.u32 $0x88, v12;
	v19 =	vor.u32 $0x3, v13;
	v16 =	vld [tilespmem:s0+$0xFFFFFF70];
	[tilespmem:v15+s29+$0x0] =	vst.idx.msk $0xffff, v9  }
0x2b8: {  	s31 =	simm.s32 $0x20;
	[tilespmem:v21+s29+$0x0] =	vst.idx.msk $0xffff, v22;
	v15 =	vor.u32 $0x4, v10;
	v9 =	vld [tilespmem:s0+$0x80]  }
0x2b9: {  	s12 =	sand.u32 $0xFFFFFF80, s31;
	v17 =	vor.u32 $0x4, v18;
	v3 =	vbroadcast v12, $0x0;
	v12 =	vld [tilespmem:s0+$0x90];
	[tilespmem:v7+s29+$0x0] =	vst.idx.msk $0xffff, v20  }
0x2ba: {  	s12 =	ssub.s32 $0x20, s12;
	v7 =	vld [tilespmem:s1+$0xFFFFFFC0];
	v20 =	vor.u32 $0x6, v5;
	[tilespmem:v2+s29+$0x0] =	vst.idx.msk $0xffff, v11  }
0x2bb: {  	v32 =	vor.u32 $0x6, v4;
	s14 =	simm.s32 $0xB00;
	s21 =	sadd.s32 $0x8, s12;
	v27 =	vld [tilespmem:s1+$0xFFFFFFD0];
	v11 =	vadd.s32 v0, v3;
	[tilespmem:v8+s29+$0x0] =	vst.idx.msk $0xffff, v14  }
0x2bc: {  	v8 =	vadd.s32 v1, v3;
	v14 =	vld [tilespmem:s14+$0x0];
	v3 =	vadd.s32 s21, v11;
	[tilespmem:v19+s29+$0x0] =	vst.idx.msk $0xffff, v16  }
0x2bd: {  	v21 =	vld [tilespmem:s14+$0x10];
	v2 =	vadd.s32 s21, v8;
	[tilespmem:v15+s29+$0x0] =	vst.idx.msk $0xffff, v9  }
0x2be: {  	v30 =	vadd.s32 s12, v11;
	v9 =	vld [tilespmem:s14+$0xFFFFFF00];
	[tilespmem:v17+s29+$0x0] =	vst.idx.msk $0xffff, v12  }
0x2bf: {  	[tilespmem:v20+s29+$0x0] =	vst.idx.msk $0xffff, v7;
	v12 =	vor.u32 $0x5, v10;
	v11 =	vld [tilespmem:s0+$0xA0]  }
0x2c0: {  	v15 =	vor.u32 $0x5, v18;
	[tilespmem:v32+s29+$0x0] =	vst.idx.msk $0xffff, v27;
	v7 =	vld [tilespmem:s0+$0xB0]  }
0x2c1: {  	v31 =	vadd.s32 s12, v8;
	v8 =	vld [tilespmem:s14+$0xFFFFFF10];
	[tilespmem:v3+s29+$0x0] =	vst.idx.msk $0xffff, v14  }
0x2c2: {  	v16 =	vld [tilespmem:s0+$0xFFFFFF80];
	v14 =	vor.u32 $0x4, v6;
	[tilespmem:v2+s29+$0x0] =	vst.idx.msk $0xffff, v21  }
0x2c3: {  	v17 =	vor.u32 $0x1, v3;
	[tilespmem:v30+s29+$0x0] =	vst.idx.msk $0xffff, v9;
	v9 =	vld [tilespmem:s14+$0x20]  }
0x2c4: {  	v20 =	vor.u32 $0x1, v2;
	v19 =	vld [tilespmem:s14+$0x30];
	[tilespmem:v12+s29+$0x0] =	vst.idx.msk $0xffff, v11  }
0x2c5: {  	v11 =	vor.u32 $0x4, v13;
	v12 =	vld [tilespmem:s0+$0xFFFFFF90];
	[tilespmem:v15+s29+$0x0] =	vst.idx.msk $0xffff, v7  }
0x2c6: {  	[tilespmem:v31+s29+$0x0] =	vst.idx.msk $0xffff, v8;
	v15 =	vor.u32 $0x6, v10;
	v8 =	vld [tilespmem:s0+$0xC0]  }
0x2c7: {  	[tilespmem:v14+s29+$0x0] =	vst.idx.msk $0xffff, v16;
	v16 =	vor.u32 $0x6, v18;
	v14 =	vld [tilespmem:s0+$0xD0]  }
0x2c8: {  	v21 =	vor.u32 $0x1, v30;
	v22 =	vld [tilespmem:s14+$0xFFFFFF20];
	[tilespmem:v17+s29+$0x0] =	vst.idx.msk $0xffff, v9  }
0x2c9: {  	v26 =	vld [tilespmem:s14+$0xFFFFFF30];
	v17 =	vor.u32 $0x1, v31;
	[tilespmem:v20+s29+$0x0] =	vst.idx.msk $0xffff, v19  }
0x2ca: {  	v37 =	vor.u32 $0x7, v10;
	v33 =	vor.u32 $0x2, v3;
	v29 =	vld [tilespmem:s14+$0x40];
	[tilespmem:v11+s29+$0x0] =	vst.idx.msk $0xffff, v12  }
0x2cb: {  	v4 =	vor.u32 $0x7, v4;
	v24 =	vor.u32 $0x2, v30;
	v35 =	vor.u32 $0x2, v2;
	v34 =	vld [tilespmem:s14+$0x50];
	[tilespmem:v15+s29+$0x0] =	vst.idx.msk $0xffff, v8  }
0x2cc: {  	v23 =	vor.u32 $0x2, v31;
	v27 =	vor.u32 $0x7, v18;
	v7 =	vor.u32 $0x7, v5;
	v25 =	vld [tilespmem:s0+$0xFFFFFFA0];
	[tilespmem:v16+s29+$0x0] =	vst.idx.msk $0xffff, v14  }
0x2cd: {  	v5 =	vor.u32 $0x7, v13;
	v10 =	vor.u32 $0x7, v31;
	v9 =	vor.u32 $0x6, v6;
	[tilespmem:v21+s29+$0x0] =	vst.idx.msk $0xffff, v22;
	v36 =	vld [tilespmem:s0+$0xE0]  }
0x2ce: {  	v20 =	vor.u32 $0x3, v30;
	v19 =	vor.u32 $0x3, v31;
	v12 =	vor.u32 $0x5, v13;
	[tilespmem:v17+s29+$0x0] =	vst.idx.msk $0xffff, v26;
	v26 =	vld [tilespmem:s0+$0xF0]  }
0x2cf: {  	v22 =	vor.u32 $0x5, v30;
	v21 =	vor.u32 $0x5, v31;
	v8 =	vor.u32 $0x6, v13;
	v28 =	vld [tilespmem:s14+$0xFFFFFF40];
	[tilespmem:v33+s29+$0x0] =	vst.idx.msk $0xffff, v29  }
0x2d0: {  	v15 =	vor.u32 $0x4, v31;
	v13 =	vor.u32 $0x6, v31;
	v31 =	vor.u32 $0x3, v3;
	v29 =	vld [tilespmem:s14+$0xFFFFFF50];
	[tilespmem:v35+s29+$0x0] =	vst.idx.msk $0xffff, v34  }
0x2d1: {  	v16 =	vor.u32 $0x4, v30;
	v14 =	vor.u32 $0x6, v30;
	v17 =	vor.u32 $0x7, v30;
	v30 =	vld [tilespmem:s14+$0x60]  }
0x2d2: {  	s25 =	simm.s32 $0x20;
	s23 =	simm.s32 $0x4;
	s24 =	simm.s32 $0x4;
	v11 =	vor.u32 $0x5, v6;
	v6 =	vor.u32 $0x7, v6;
	v33 =	vor.u32 $0x3, v2;
	v32 =	vld [tilespmem:s14+$0x70];
	[tilespmem:v37+s29+$0x0] =	vst.idx.msk $0xffff, v36  }
.LBB2_32:
0x2d3: {  	s23 =	sadd.s32 $0x2, s23;
	v34 =	vld [tilespmem:s0+$0xFFFFFFB0];
	[tilespmem:v27+s29+$0x0] =	vst.idx.msk $0xffff, v26  }
0x2d4: {  	s12 =	sshrl.u32 s23, $0x1;
	p0 =	slt.u32 s23, $0x3E;
	[tilespmem:v24+s29+$0x0] =	vst.idx.msk $0xffff, v28;
	v24 =	vld [tilespmem:s1+$0xFFFFFFE0]  }
0x2d5: {  	s12 =	sand.u32 $0x7FFFFFF8, s12;
	[tilespmem:v23+s29+$0x0] =	vst.idx.msk $0xffff, v29;
	v18 =	vld [tilespmem:s1+$0xFFFFFFF0];
	s1 =	smov.u32 s0;
	s0 =	smov.u32 s14  }
0x2d6: {  	v23 =	vmov s12;
	v26 =	vld [tilespmem:s14+$0xFFFFFF60];
	[tilespmem:v31+s29+$0x0] =	vst.idx.msk $0xffff, v30  }
0x2d7: {  	s24 =	sadd.s32 $0x2, s24;
	v23 =	vmul.u32 $0x88, v23;
	v27 =	vld [tilespmem:s14+$0xFFFFFF70];
	[tilespmem:v33+s29+$0x0] =	vst.idx.msk $0xffff, v32  }
0x2d8: {  	v29 =	vor.u32 $0x4, v3;
	s12 =	sshll.u32 s24, $0x3;
	v28 =	vld [tilespmem:s14+$0x80];
	[tilespmem:v11+s29+$0x0] =	vst.idx.msk $0xffff, v25;
	v11 =	vmov v22  }
0x2d9: {  	s25 =	sadd.s32 $0x10, s25;
	v30 =	vor.u32 $0x4, v2;
	s12 =	sand.u32 $0xFFFFFF80, s12;
	v22 =	vbroadcast v23, $0x0;
	v25 =	vld [tilespmem:s14+$0x90];
	[tilespmem:v12+s29+$0x0] =	vst.idx.msk $0xffff, v34;
	v12 =	vmov v21  }
0x2da: {  	s12 =	ssub.s32 s25, s12;
	v21 =	vld [tilespmem:s1+$0xFFFFFFC0];
	[tilespmem:v7+s29+$0x0] =	vst.idx.msk $0xffff, v24;
	v7 =	vmov v6;
	v6 =	vmov v17  }
0x2db: {  	s21 =	sadd.s32 $0x8, s12;
	s14 =	sadd.s32 $0x200, s14;
	v17 =	vadd.s32 v0, v22;
	[tilespmem:v20+s29+$0x0] =	vst.idx.msk $0xffff, v26;
	v26 =	vld [tilespmem:s1+$0xFFFFFFD0]  }
0x2dc: {  	v20 =	vadd.s32 v1, v22;
	v31 =	vadd.s32 s12, v17;
	v32 =	vld [tilespmem:s14+$0x0];
	v33 =	vadd.s32 s21, v17;
	[tilespmem:v19+s29+$0x0] =	vst.idx.msk $0xffff, v27  }
0x2dd: {  	v27 =	vadd.s32 s12, v20;
	v36 =	vadd.s32 s21, v20;
	v34 =	vor.u32 $0x1, v31;
	v35 =	vld [tilespmem:s14+$0x10];
	[tilespmem:v29+s29+$0x0] =	vst.idx.msk $0xffff, v28  }
0x2de: {  	v29 =	vor.u32 $0x1, v27;
	v24 =	vor.u32 $0x2, v31;
	v23 =	vor.u32 $0x2, v27;
	v28 =	vld [tilespmem:s14+$0xFFFFFF00];
	[tilespmem:v30+s29+$0x0] =	vst.idx.msk $0xffff, v25  }
0x2df: {  	v20 =	vor.u32 $0x3, v31;
	v19 =	vor.u32 $0x3, v27;
	v30 =	vor.u32 $0x5, v3;
	v25 =	vld [tilespmem:s0+$0xA0];
	[tilespmem:v9+s29+$0x0] =	vst.idx.msk $0xffff, v21;
	v9 =	vmovc v14  }
0x2e0: {  	v40 =	vor.u32 $0x5, v2;
	v37 =	vor.u32 $0x4, v31;
	v38 =	vor.u32 $0x4, v27;
	v39 =	vld [tilespmem:s0+$0xB0];
	[tilespmem:v8+s29+$0x0] =	vst.idx.msk $0xffff, v26;
	v8 =	vmovc v13  }
0x2e1: {  	v22 =	vor.u32 $0x5, v31;
	v21 =	vor.u32 $0x5, v27;
	v14 =	vor.u32 $0x6, v31;
	v26 =	vld [tilespmem:s14+$0xFFFFFF10];
	[tilespmem:v33+s29+$0x0] =	vst.idx.msk $0xffff, v32  }
0x2e2: {  	v17 =	vor.u32 $0x7, v31;
	v13 =	vor.u32 $0x6, v27;
	v32 =	vor.u32 $0x7, v27;
	[tilespmem:v36+s29+$0x0] =	vst.idx.msk $0xffff, v35;
	v35 =	vld [tilespmem:s0+$0xFFFFFF80]  }
0x2e3: {  	[tilespmem:v31+s29+$0x0] =	vst.idx.msk $0xffff, v28;
	v28 =	vld [tilespmem:s14+$0x20];
	v31 =	vor.u32 $0x1, v33  }
0x2e4: {  	v42 =	vor.u32 $0x1, v36;
	v41 =	vld [tilespmem:s14+$0x30];
	[tilespmem:v30+s29+$0x0] =	vst.idx.msk $0xffff, v25  }
0x2e5: {  	v25 =	vld [tilespmem:s0+$0xFFFFFF90];
	[tilespmem:v40+s29+$0x0] =	vst.idx.msk $0xffff, v39  }
0x2e6: {  	[tilespmem:v27+s29+$0x0] =	vst.idx.msk $0xffff, v26;
	v26 =	vld [tilespmem:s0+$0xC0];
	v27 =	vor.u32 $0x6, v3  }
0x2e7: {  	[tilespmem:v16+s29+$0x0] =	vst.idx.msk $0xffff, v35;
	v30 =	vld [tilespmem:s0+$0xD0];
	v35 =	vor.u32 $0x6, v2;
	v16 =	vmov v37  }
0x2e8: {  	v37 =	vld [tilespmem:s14+$0xFFFFFF20];
	[tilespmem:v31+s29+$0x0] =	vst.idx.msk $0xffff, v28  }
0x2e9: {  	v28 =	vld [tilespmem:s14+$0xFFFFFF30];
	[tilespmem:v42+s29+$0x0] =	vst.idx.msk $0xffff, v41  }
0x2ea: {  	v39 =	vor.u32 $0x2, v33;
	v31 =	vld [tilespmem:s14+$0x40];
	[tilespmem:v15+s29+$0x0] =	vst.idx.msk $0xffff, v25;
	v15 =	vmov v38  }
0x2eb: {  	v40 =	vor.u32 $0x2, v36;
	v38 =	vld [tilespmem:s14+$0x50];
	[tilespmem:v27+s29+$0x0] =	vst.idx.msk $0xffff, v26  }
0x2ec: {  	v25 =	vld [tilespmem:s0+$0xFFFFFFA0];
	[tilespmem:v35+s29+$0x0] =	vst.idx.msk $0xffff, v30  }
0x2ed: {  	v35 =	vor.u32 $0x7, v3;
	v3 =	vmov v33;
	[tilespmem:v34+s29+$0x0] =	vst.idx.msk $0xffff, v37;
	v34 =	vld [tilespmem:s0+$0xE0]  }
.Ltmp24:
0x2ee: {  	v27 =	vor.u32 $0x7, v2;
	v2 =	vmov v36;
	[tilespmem:v29+s29+$0x0] =	vst.idx.msk $0xffff, v28;
	v26 =	vld [tilespmem:s0+$0xF0];
	(pc) =	sbr.rel @p0 .LBB2_32-.Ltmp24, $4  }
0x2ef: {  	v28 =	vld [tilespmem:s14+$0xFFFFFF40];
	[tilespmem:v39+s29+$0x0] =	vst.idx.msk $0xffff, v31  }
0x2f0: {  	v29 =	vld [tilespmem:s14+$0xFFFFFF50];
	[tilespmem:v40+s29+$0x0] =	vst.idx.msk $0xffff, v38  }
0x2f1: {  	v31 =	vor.u32 $0x3, v3;
	v30 =	vld [tilespmem:s14+$0x60];
	[tilespmem:v4+s29+$0x0] =	vst.idx.msk $0xffff, v18;
	v4 =	vmovc v5;
	v5 =	vmov v10;
	v10 =	vmov v32  }
0x2f2: {  	v33 =	vor.u32 $0x3, v2;
	v32 =	vld [tilespmem:s14+$0x70];
	[tilespmem:v35+s29+$0x0] =	vst.idx.msk $0xffff, v34  }
0x2f3: {  	_ =	sdelay $0x3  }
0x2f4: {  	[tilespmem:v24+s29+$0x0] =	vst.idx.msk $0xffff, v28  }
0x2f5: {  	[tilespmem:v23+s29+$0x0] =	vst.idx.msk $0xffff, v29  }
0x2f6: {  	v18 =	vld [tilespmem:s14+$0xFFFFFF60]  }
0x2f7: {  	[tilespmem:v31+s29+$0x0] =	vst.idx.msk $0xffff, v30;
	v23 =	vld [tilespmem:s14+$0xFFFFFF70]  }
0x2f8: {  	[tilespmem:v33+s29+$0x0] =	vst.idx.msk $0xffff, v32  }
0x2f9: {  	v42 =	vor.u32 $0x4, v3;
	v41 =	vld [tilespmem:s14+$0x80]  }
0x2fa: {  	v44 =	vor.u32 $0x4, v2;
	v43 =	vld [tilespmem:s14+$0x90]  }
0x2fb: {  	[tilespmem:v20+s29+$0x0] =	vst.idx.msk $0xffff, v18  }
0x2fc: {  	[tilespmem:v19+s29+$0x0] =	vst.idx.msk $0xffff, v23  }
0x2fd: {  	v18 =	vld [tilespmem:s14+$0xFFFFFF80]  }
0x2fe: {  	[tilespmem:v42+s29+$0x0] =	vst.idx.msk $0xffff, v41;
	v19 =	vld [tilespmem:s14+$0xFFFFFF90]  }
0x2ff: {  	v48 =	vld [tilespmem:s0+$0xFFFFFFB0];
	[tilespmem:v44+s29+$0x0] =	vst.idx.msk $0xffff, v43  }
0x300: {  	v46 =	vor.u32 $0x5, v3;
	v45 =	vld [tilespmem:s14+$0xA0]  }
0x301: {  	v47 =	vor.u32 $0x5, v2;
	[tilespmem:v11+s29+$0x0] =	vst.idx.msk $0xffff, v25;
	v24 =	vld [tilespmem:s14+$0xB0]  }
0x302: {  	[tilespmem:v16+s29+$0x0] =	vst.idx.msk $0xffff, v18  }
0x303: {  	[tilespmem:v15+s29+$0x0] =	vst.idx.msk $0xffff, v19  }
0x304: {  	[tilespmem:v12+s29+$0x0] =	vst.idx.msk $0xffff, v48;
	v15 =	vld [tilespmem:s14+$0xFFFFFFA0]  }
0x305: {  	[tilespmem:v46+s29+$0x0] =	vst.idx.msk $0xffff, v45;
	v18 =	vld [tilespmem:s14+$0xFFFFFFB0]  }
0x306: {  	v55 =	vld [tilespmem:s0+$0xFFFFFFC0];
	[tilespmem:v47+s29+$0x0] =	vst.idx.msk $0xffff, v24  }
0x307: {  	v52 =	vor.u32 $0x6, v3;
	v51 =	vld [tilespmem:s14+$0xC0]  }
0x308: {  	[tilespmem:v27+s29+$0x0] =	vst.idx.msk $0xffff, v26;
	v54 =	vor.u32 $0x6, v2;
	v53 =	vld [tilespmem:s14+$0xD0]  }
0x309: {  	v56 =	vld [tilespmem:s0+$0xFFFFFFD0];
	[tilespmem:v22+s29+$0x0] =	vst.idx.msk $0xffff, v15  }
0x30a: {  	v49 =	vld [tilespmem:s1+$0xFFFFFFE0];
	[tilespmem:v21+s29+$0x0] =	vst.idx.msk $0xffff, v18  }
0x30b: {  	[tilespmem:v9+s29+$0x0] =	vst.idx.msk $0xffff, v55;
	v57 =	vld [tilespmem:s14+$0xFFFFFFC0]  }
0x30c: {  	[tilespmem:v52+s29+$0x0] =	vst.idx.msk $0xffff, v51;
	v58 =	vld [tilespmem:s14+$0xFFFFFFD0]  }
0x30d: {  	v50 =	vld [tilespmem:s1+$0xFFFFFFF0];
	[tilespmem:v54+s29+$0x0] =	vst.idx.msk $0xffff, v53  }
0x30e: {  	v3 =	vor.u32 $0x7, v3;
	[tilespmem:v8+s29+$0x0] =	vst.idx.msk $0xffff, v56;
	v59 =	vld [tilespmem:s14+$0xE0]  }
0x30f: {  	[tilespmem:v7+s29+$0x0] =	vst.idx.msk $0xffff, v49;
	v61 =	vld [tilespmem:s0+$0xFFFFFFE0]  }
0x310: {  	v62 =	vld [tilespmem:s0+$0xFFFFFFF0];
	[tilespmem:v14+s29+$0x0] =	vst.idx.msk $0xffff, v57  }
0x311: {  	v2 =	vor.u32 $0x7, v2;
	v60 =	vld [tilespmem:s14+$0xF0];
	[tilespmem:v13+s29+$0x0] =	vst.idx.msk $0xffff, v58  }
0x312: {  	[tilespmem:v4+s29+$0x0] =	vst.idx.msk $0xffff, v50;
	v63 =	vld [tilespmem:s14+$0xFFFFFFE0]  }
0x313: {  	s25 =	sadd.s32 s7, s20;
	[tilespmem:v3+s29+$0x0] =	vst.idx.msk $0xffff, v59;
	v3 =	vld [tilespmem:s14+$0xFFFFFFF0]  }
0x314: {  	s31 =	sshll.u32 s25, $0xB;
	s0 =	sshll.u32 s25, $0x9;
	[tilespmem:v6+s29+$0x0] =	vst.idx.msk $0xffff, v61  }
0x315: {  	s1 =	sand.u32 $0xFFFC000, s31;
	s0 =	sand.u32 $0xE00, s0;
	[tilespmem:v5+s29+$0x0] =	vst.idx.msk $0xffff, v62  }
0x316: {  	s0 =	sor.u32 s0, s1;
	[tilespmem:v2+s29+$0x0] =	vst.idx.msk $0xffff, v60  }
0x317: {  	s23 =	simm.s32 $0x10;
	s1 =	sadd.s32 s2, s0;
	[tilespmem:v17+s29+$0x0] =	vst.idx.msk $0xffff, v63  }
0x318: {  	s24 =	simm.s32 $0xC688;
	s25 =	sadd.s32 $0x0, s1;
	s14 =	simm.s32 $0xC600;
	[tilespmem:v10+s29+$0x0] =	vst.idx.msk $0xffff, v3  }
.LBB2_34:
0x319: {  	[hbm4b:s25+s3] =	stream.linear.scatter [tilespmem:s14], [sflag:$0x4], $0x80, $0x38;
	[tilespmem:$0x19200] =	vst v63  }
0x31a: {  	s12 =	smov.u32 s23;
	s14 =	smov.u32 s24;
	p0 =	sne.s32 s23, $0x1F0  }
.Ltmp25:
0x31b: {  	s23 =	sadd.s32 $0x10, s23;
	(pc) =	sbr.rel @p0 .LBB2_34-.Ltmp25, $2  }
0x31c: {  	_ =	sdelay $0x2  }
0x31d: {  	s24 =	sadd.s32 $0x88, s24;
	s25 =	sadd.s32 s12, s1  }
0x31e: {  	[hbm4b:s25+s3] =	stream.linear.scatter [tilespmem:s14], [sflag:$0x4], $0x80, $0x38;
	[tilespmem:$0x19200] =	vst v63  }
0x31f: {  	s1 =	sadd.s32 s0, s9;
	s14 =	simm.s32 $0xD700  }
0x320: {  	s23 =	simm.s32 $0x10;
	s24 =	simm.s32 $0xD788;
	s25 =	sadd.s32 $0x0, s1  }
.LBB2_36:
0x321: {  	[hbm4b:s25+s3] =	stream.linear.scatter [tilespmem:s14], [sflag:$0x4], $0x80, $0x38;
	[tilespmem:$0x19200] =	vst v63  }
0x322: {  	s12 =	smov.u32 s23;
	s14 =	smov.u32 s24;
	p0 =	sne.s32 s23, $0x1F0  }
.Ltmp26:
0x323: {  	s23 =	sadd.s32 $0x10, s23;
	(pc) =	sbr.rel @p0 .LBB2_36-.Ltmp26, $2  }
0x324: {  	_ =	sdelay $0x2  }
0x325: {  	s24 =	sadd.s32 $0x88, s24;
	s25 =	sadd.s32 s12, s1  }
0x326: {  	[hbm4b:s25+s3] =	stream.linear.scatter [tilespmem:s14], [sflag:$0x4], $0x80, $0x38;
	[tilespmem:$0x19200] =	vst v63  }
0x327: {  	s1 =	sadd.s32 s0, s10;
	s14 =	simm.s32 $0xE800  }
0x328: {  	s23 =	simm.s32 $0x10;
	s24 =	simm.s32 $0xE888;
	s25 =	sadd.s32 $0x0, s1  }
.LBB2_38:
0x329: {  	[hbm4b:s25+s3] =	stream.linear.scatter [tilespmem:s14], [sflag:$0x4], $0x80, $0x38;
	[tilespmem:$0x19200] =	vst v63  }
0x32a: {  	s12 =	smov.u32 s23;
	s14 =	smov.u32 s24;
	p0 =	sne.s32 s23, $0x1F0  }
.Ltmp27:
0x32b: {  	s23 =	sadd.s32 $0x10, s23;
	(pc) =	sbr.rel @p0 .LBB2_38-.Ltmp27, $2  }
0x32c: {  	_ =	sdelay $0x2  }
0x32d: {  	s24 =	sadd.s32 $0x88, s24;
	s25 =	sadd.s32 s12, s1  }
0x32e: {  	[hbm4b:s25+s3] =	stream.linear.scatter [tilespmem:s14], [sflag:$0x4], $0x80, $0x38;
	[tilespmem:$0x19200] =	vst v63  }
0x32f: {  	s0 =	sadd.s32 s0, s11;
	s1 =	simm.s32 $0xF900  }
0x330: {  	s14 =	simm.s32 $0x10;
	s23 =	simm.s32 $0xF988;
	s24 =	sadd.s32 $0x0, s0  }
.LBB2_40:
0x331: {  	[hbm4b:s24+s3] =	stream.linear.scatter [tilespmem:s1], [sflag:$0x4], $0x80, $0x38;
	[tilespmem:$0x19200] =	vst v63  }
0x332: {  	s12 =	smov.u32 s14;
	s1 =	smov.u32 s23;
	p0 =	sne.s32 s14, $0x1F0  }
.Ltmp28:
0x333: {  	s14 =	sadd.s32 $0x10, s14;
	(pc) =	sbr.rel @p0 .LBB2_40-.Ltmp28, $2  }
0x334: {  	_ =	sdelay $0x2  }
0x335: {  	s23 =	sadd.s32 $0x88, s23;
	s24 =	sadd.s32 s12, s0  }
.Ltmp29:
0x336: {  	(pc) =	sbr.rel @!p1 .LBB2_43-.Ltmp29, $4  }
.Ltmp30:
0x337: {  	(pc) =	sbr.rel @p1 .LBB2_42-.Ltmp30, $4  }
0x338: {  	_ = 	snop  }
0x339: {  	_ = 	snop  }
0x33a: {  	[hbm4b:s24+s3] =	stream.linear.scatter [tilespmem:s1], [sflag:$0x4], $0x80, $0x38;
	[tilespmem:$0x19200] =	vst v63  }
0x33b: {  	_ = 	snop  }
.LBB2_45:
0x33c: {  	_ =	sfence.sel $0x180000  }
0x33d: {  	[bflag:$0x0] =	sbarrier.arrive $0xFFFF  }
0x33e: {  	_ =	strace $0x90000047  }
0x33f: {  	s0 =	stileid.u32;
	[bflag:$0x2] =	sbarrier.arrive $0xFFFF  }
0x340: {  	p0 =	sne.s32 s0, $0x0;
	s0 =	rddreg [dreg:$0x2]  }
0x341: {  	s0 =	sadd.s32 @!p0 $0x100000, s0  }
0x342: {  	[sflag:s0] =	ssyncadd.tile.s32 @!p0 $0x1;
	_ =	shalt  }
.Lfunc_end2:
_tile_overlayer_lowered:
.L_overlay_start_2:
0x343: {  	(tag) =	ssettag $0x2  }
0x344: {  	s0 =	rddreg [dreg:$0x0];
	s2 =	stileid.u32  }
0x345: {  	s1 =	rddreg [dreg:$0x1];
	p0 =	sne.s32 s2, $0x0  }
0x346: {  	s3 =	rddreg [dreg:$0x2];
	[bflag:$0x3] =	sbarrier.arrive $0xFFFF;
	s2 =	simm.s32 @!p0 $0x1C0A  }
0x347: {  	[timem:s3], [sflag:s2] =	dma.local @!p0 [hbm:s0], s1  }
0x348: {  	s0 =	simm.s32 @!p0 $0xA  }
0x349: {  	_ =	swait.ge @!p0 [sflag:s0], s1  }
0x34a: {  	s1 =	ssub.s32 @!p0 $0x0, s1;
	[sflag:s0] =	ssyncset.done @!p0 $0x0  }
0x34b: {  	[sflag:s0] =	ssyncadd.s32 @!p0 s1  }
0x34c: {  	[bflag:$0x3] =	sbarrier.arrive $0xFFFF  }
0x34d: {  	_ =	shalt  }

</sc_bundles>
